<compile_context>
chip_gen: v7x
topology: tpu7x:2x2x1
jax: 0.10.2.dev20260603
libtpu: 0.0.44.dev20260713+nightly
codegen_flags: <defaults>
</compile_context>

<pallas_src>
import functools
import math

import jax
import jax.numpy as jnp
from jax import lax
from jax.experimental import pallas as pl
from jax.experimental.pallas import tpu as pltpu
from jax.experimental.pallas import tpu_sc as plsc

N = 10000
HN = N // 2
E = 320000
F_IN = 128
H = 64
NG = 64
BN_EPS = 1e-5
_BN_SCALE = 1.0 / math.sqrt(1.0 + BN_EPS)

NC = 2
NS = 16
NW = NC * NS
EPW = E // NW
K = 80
NCHUNK = EPW // K
G = 4
NGROUP = NCHUNK // G
TAILC = NCHUNK - NGROUP * G
RPT = 624
TAIL_BASE = NS * RPT
TAIL = N - TAIL_BASE
DEG_W = 16

_sc_mesh = plsc.VectorSubcoreMesh(core_axis_name="c", subcore_axis_name="s")
_sc_params = pltpu.CompilerParams(use_tc_tiling_on_sc=False)



@functools.partial(
    pl.kernel,
    out_type=(jax.ShapeDtypeStruct((N, H), jnp.float32),
              jax.ShapeDtypeStruct((N, H), jnp.float32)),
    mesh=_sc_mesh,
    scratch_types=[
        pltpu.VMEM((NCHUNK, K), jnp.int32),
        pltpu.VMEM((K, DEG_W), jnp.float32),
        pltpu.VMEM_SHARED((N, DEG_W), jnp.float32),
        pltpu.SemaphoreType.DMA,
        pltpu.SemaphoreType.DMA,
    ],
    compiler_params=_sc_params,
)
def _sc_degree(dst_hbm, zeros_hbm, out0_hbm, out1_hbm, dst_v, ones_v, acc,
               ssem, csem):
    cid = lax.axis_index("c")
    sid = lax.axis_index("s")
    wid = cid * NS + sid

    def _fill(i, carry):
        ones_v[i] = jnp.ones((DEG_W,), jnp.float32)
        return carry

    lax.fori_loop(0, K, _fill, 0)
    pltpu.async_copy(dst_hbm.at[wid], dst_v, csem)
    pltpu.async_copy(zeros_hbm.at[pl.ds(sid * RPT, RPT)],
                     acc.at[pl.ds(sid * RPT, RPT)], csem)
    pltpu.make_async_copy(dst_hbm.at[wid], dst_v, csem).wait()
    pltpu.make_async_copy(zeros_hbm.at[pl.ds(sid * RPT, RPT)],
                          acc.at[pl.ds(sid * RPT, RPT)], csem).wait()

    @pl.when(sid == NS - 1)
    def _zero_tail():
        pltpu.sync_copy(zeros_hbm.at[pl.ds(TAIL_BASE, TAIL)],
                        acc.at[pl.ds(TAIL_BASE, TAIL)])

    plsc.subcore_barrier()

    depth = 16

    def _body(j, carry):
        pltpu.async_copy(ones_v, acc.at[dst_v.at[j]], ssem, add=True)

        @pl.when(j >= depth)
        def _drain_one():
            pltpu.make_async_copy(ones_v, acc.at[dst_v.at[0]], ssem).wait()

        return carry

    lax.fori_loop(0, NCHUNK, _body, 0)

    def _drain(j, carry):
        pltpu.make_async_copy(ones_v, acc.at[dst_v.at[0]], ssem).wait()
        return carry

    lax.fori_loop(0, depth, _drain, 0)
    plsc.subcore_barrier()

    @pl.when(cid == 0)
    def _write0():
        pltpu.sync_copy(acc.at[pl.ds(sid * RPT, RPT)],
                        out0_hbm.at[pl.ds(sid * RPT, RPT), pl.ds(0, DEG_W)])

        @pl.when(sid == NS - 1)
        def _tail0():
            pltpu.sync_copy(acc.at[pl.ds(TAIL_BASE, TAIL)],
                            out0_hbm.at[pl.ds(TAIL_BASE, TAIL),
                                        pl.ds(0, DEG_W)])

    @pl.when(cid == 1)
    def _write1():
        pltpu.sync_copy(acc.at[pl.ds(sid * RPT, RPT)],
                        out1_hbm.at[pl.ds(sid * RPT, RPT), pl.ds(0, DEG_W)])

        @pl.when(sid == NS - 1)
        def _tail1():
            pltpu.sync_copy(acc.at[pl.ds(TAIL_BASE, TAIL)],
                            out1_hbm.at[pl.ds(TAIL_BASE, TAIL),
                                        pl.ds(0, DEG_W)])


@functools.partial(
    pl.kernel,
    out_type=(jax.ShapeDtypeStruct((N, H), jnp.float32),
              jax.ShapeDtypeStruct((N, H), jnp.float32)),
    mesh=_sc_mesh,
    scratch_types=[
        pltpu.VMEM((NCHUNK, K), jnp.int32),
        pltpu.VMEM((NCHUNK, K), jnp.int32),
        pltpu.VMEM((3, G, K, H), jnp.float32),
        pltpu.VMEM_SHARED((N, H), jnp.float32),
        pltpu.SemaphoreType.DMA,
        pltpu.SemaphoreType.DMA,
        pltpu.SemaphoreType.DMA,
        pltpu.SemaphoreType.DMA,
        pltpu.SemaphoreType.DMA,
    ],
    compiler_params=_sc_params,
)
def _sc_aggregate(hs_hbm, src_hbm, dst_hbm, zeros_hbm, out0_hbm, out1_hbm,
                  src_v, dst_v, rows_v, acc, gsem, ssem0, ssem1, ssem2,
                  csem):
    cid = lax.axis_index("c")
    sid = lax.axis_index("s")
    wid = cid * NS + sid

    pltpu.async_copy(src_hbm.at[wid], src_v, csem)
    pltpu.async_copy(dst_hbm.at[wid], dst_v, csem)
    pltpu.async_copy(zeros_hbm.at[pl.ds(sid * RPT, RPT)],
                     acc.at[pl.ds(sid * RPT, RPT)], csem)
    pltpu.make_async_copy(src_hbm.at[wid], src_v, csem).wait()
    pltpu.make_async_copy(dst_hbm.at[wid], dst_v, csem).wait()
    pltpu.make_async_copy(zeros_hbm.at[pl.ds(sid * RPT, RPT)],
                          acc.at[pl.ds(sid * RPT, RPT)], csem).wait()

    @pl.when(sid == NS - 1)
    def _zero_tail():
        pltpu.sync_copy(zeros_hbm.at[pl.ds(TAIL_BASE, TAIL)],
                        acc.at[pl.ds(TAIL_BASE, TAIL)])

    plsc.subcore_barrier()

    ssems = (ssem0, ssem1, ssem2)

    for b in range(G):
        pltpu.async_copy(hs_hbm.at[src_v.at[b]], rows_v.at[0, b], gsem)

    def _group(g, carry):
        bank = lax.rem(g, 3)
        nxt = lax.rem(g + 1, 3)

        for b in range(G):
            pltpu.make_async_copy(hs_hbm.at[src_v.at[g * G + b]],
                                  rows_v.at[bank, b], gsem).wait()

        for s in range(3):
            @pl.when((g >= 2) & (nxt == s))
            def _drain_old(s=s):
                for b in range(G):
                    pltpu.make_async_copy(rows_v.at[s, b],
                                          acc.at[dst_v.at[0]],
                                          ssems[s]).wait()

        @pl.when(g + 1 < NGROUP)
        def _prefetch():
            for b in range(G):
                pltpu.async_copy(hs_hbm.at[src_v.at[(g + 1) * G + b]],
                                 rows_v.at[nxt, b], gsem)

        for s in range(3):
            @pl.when(bank == s)
            def _scatter(s=s):
                for b in range(G):
                    pltpu.async_copy(rows_v.at[s, b],
                                     acc.at[dst_v.at[g * G + b]],
                                     ssems[s], add=True)

        return carry

    lax.fori_loop(0, NGROUP, _group, 0)
    for s in ((NGROUP - 2) % 3, (NGROUP - 1) % 3):
        for b in range(G):
            pltpu.make_async_copy(rows_v.at[s, b],
                                  acc.at[dst_v.at[0]], ssems[s]).wait()
    for t in range(TAILC):
        pltpu.sync_copy(hs_hbm.at[src_v.at[NGROUP * G + t]], rows_v.at[0, 0])
        pltpu.sync_copy(rows_v.at[0, 0],
                        acc.at[dst_v.at[NGROUP * G + t]], add=True)
    plsc.subcore_barrier()

    @pl.when(cid == 0)
    def _write0():
        pltpu.sync_copy(acc.at[pl.ds(sid * RPT, RPT)],
                        out0_hbm.at[pl.ds(sid * RPT, RPT)])

        @pl.when(sid == NS - 1)
        def _tail0():
            pltpu.sync_copy(acc.at[pl.ds(TAIL_BASE, TAIL)],
                            out0_hbm.at[pl.ds(TAIL_BASE, TAIL)])

    @pl.when(cid == 1)
    def _write1():
        pltpu.sync_copy(acc.at[pl.ds(sid * RPT, RPT)],
                        out1_hbm.at[pl.ds(sid * RPT, RPT)])

        @pl.when(sid == NS - 1)
        def _tail1():
            pltpu.sync_copy(acc.at[pl.ds(TAIL_BASE, TAIL)],
                            out1_hbm.at[pl.ds(TAIL_BASE, TAIL)])



def _remap_body(e_ref, s_ref, d_ref):
    vs = e_ref[0:E // 128, :]
    vd = e_ref[E // 128:2 * E // 128, :]
    s_ref[...] = jnp.where(vs < HN, 2 * vs, 2 * (vs - HN) + 1)
    d_ref[...] = jnp.where(vd < HN, 2 * vd, 2 * (vd - HN) + 1)


def _mm1_body(x_ref, w_ref, o_ref):
    top = jnp.dot(x_ref[0:HN, :], w_ref[...],
                  preferred_element_type=jnp.float32)
    bot = jnp.dot(x_ref[HN:N, :], w_ref[...],
                  preferred_element_type=jnp.float32)
    o_ref[...] = jnp.concatenate([top, bot], axis=1)


def _scale_body(h_ref, d0_ref, d1_ref, rep_ref, hs_ref, dinv_ref):
    lane = lax.broadcasted_iota(jnp.int32, (HN, 2 * H), 1)
    d16 = jnp.where(lane % H < DEG_W, d0_ref[...] + d1_ref[...], 0.0)
    deg = jnp.dot(d16, rep_ref[...], preferred_element_type=jnp.float32)
    dinv = lax.rsqrt(deg + 1.0)
    dinv_ref[...] = dinv
    hs_ref[...] = h_ref[...] * dinv


def _mid_body(a0_ref, a1_ref, hs_ref, dinv_ref, b_ref, g_ref, be_ref,
              w_ref, o_ref):
    dinv = dinv_ref[...]
    t = (a0_ref[...] + a1_ref[...] + hs_ref[...]) * dinv + b_ref[...]
    t = t * (g_ref[...] * _BN_SCALE) + be_ref[...]
    t = jnp.maximum(t, 0.0)
    h = jnp.dot(t, w_ref[...], preferred_element_type=jnp.float32)
    o_ref[...] = h * dinv


def _final_body(a0_ref, a1_ref, hs_ref, dinv_ref, b_ref, g_ref, be_ref,
                bev_ref, bod_ref, lw1_ref, lb1_ref, lw2_ref, lb2_ref, o_ref):
    t = (a0_ref[...] + a1_ref[...] + hs_ref[...]) * dinv_ref[...] + b_ref[...]
    t = t * (g_ref[...] * _BN_SCALE) + be_ref[...]
    t = jnp.maximum(t, 0.0)
    gids = lax.broadcasted_iota(jnp.int32, (NG, HN), 0)
    mask_e = (bev_ref[...] == gids).astype(jnp.float32)
    mask_o = (bod_ref[...] == gids).astype(jnp.float32)
    pe = jnp.dot(mask_e, t, preferred_element_type=jnp.float32)
    po = jnp.dot(mask_o, t, preferred_element_type=jnp.float32)
    pooled = pe[:, 0:H] + po[:, H:2 * H]
    z = jnp.dot(pooled, lw1_ref[...], preferred_element_type=jnp.float32)
    z = jnp.maximum(z + lb1_ref[...], 0.0)
    o_ref[...] = (jnp.dot(z, lw2_ref[...], preferred_element_type=jnp.float32)
                  + lb2_ref[...])


def _tc(body, out_shape, *args):
    return pl.pallas_call(body, out_shape=out_shape)(*args)



def _pairc(v):
    return jnp.concatenate([v, v]).reshape(1, 2 * H)


def _blockdiag(w):
    z = jnp.zeros((H, H), jnp.float32)
    return jnp.concatenate([
        jnp.concatenate([w, z], axis=1),
        jnp.concatenate([z, w], axis=1)], axis=0)


def kernel(x, edge_index, batch, W1, b1, W2, b2, W3, b3,
           g1, be1, g2, be2, g3, be3, lw1, lb1, lw2, lb2):
    f32 = jnp.float32
    sds = jax.ShapeDtypeStruct

    eidx = edge_index.reshape(2 * E // 128, 128)
    src, dst = _tc(_remap_body, (sds((E // 128, 128), jnp.int32),
                                 sds((E // 128, 128), jnp.int32)), eidx)
    src = src.reshape(NW, NCHUNK, K)
    dst = dst.reshape(NW, NCHUNK, K)

    zeros_h = jnp.zeros((N, H), f32)
    zeros_d = jnp.zeros((N, DEG_W), f32)
    bev = batch[:HN].reshape(1, HN)
    bod = batch[HN:].reshape(1, HN)
    b1p, b2p, b3p = _pairc(b1), _pairc(b2), _pairc(b3)
    g1p, g2p, g3p = _pairc(g1), _pairc(g2), _pairc(g3)
    be1p, be2p, be3p = _pairc(be1), _pairc(be2), _pairc(be3)
    W2d, W3d = _blockdiag(W2), _blockdiag(W3)
    lb1r = lb1.reshape(1, H // 2)
    lb2r = lb2.reshape(1, 2)

    li = jnp.arange(2 * H)
    rep = ((li[:, None] // H == li[None, :] // H)
           & (li[:, None] % H < DEG_W)).astype(f32) / DEG_W

    h1 = _tc(_mm1_body, sds((HN, 2 * H), f32), x, W1)
    dg0, dg1 = _sc_degree(dst, zeros_d)
    hs1, dinv = _tc(_scale_body, (sds((HN, 2 * H), f32),
                                  sds((HN, 2 * H), f32)),
                    h1, dg0.reshape(HN, 2 * H), dg1.reshape(HN, 2 * H), rep)

    a10, a11 = _sc_aggregate(hs1.reshape(N, H), src, dst, zeros_h)
    hs2 = _tc(_mid_body, sds((HN, 2 * H), f32),
              a10.reshape(HN, 2 * H), a11.reshape(HN, 2 * H),
              hs1, dinv, b1p, g1p, be1p, W2d)

    a20, a21 = _sc_aggregate(hs2.reshape(N, H), src, dst, zeros_h)
    hs3 = _tc(_mid_body, sds((HN, 2 * H), f32),
              a20.reshape(HN, 2 * H), a21.reshape(HN, 2 * H),
              hs2, dinv, b2p, g2p, be2p, W3d)

    a30, a31 = _sc_aggregate(hs3.reshape(N, H), src, dst, zeros_h)
    out = _tc(_final_body, sds((NG, 2), f32),
              a30.reshape(HN, 2 * H), a31.reshape(HN, 2 * H),
              hs3, dinv, b3p, g3p, be3p, bev, bod,
              lw1, lb1r, lw2, lb2r)
    return out

# --- scband reference (transcript-rebuilt; emitter-appended) ---
"""Pipeline reference for scband-brain-gnn-46308337385708 (READ-ONLY COPY).

The authoritative reference and input builder live on the scoring server;
editing this copy changes nothing except your own understanding.
"""

import jax, jax.numpy as jnp
import numpy as np

N = 10000
E = 320000
F_IN = 128
H = 64
NG = 64
BN_EPS = 1e-5


def setup_inputs(seed: int = 0) -> dict:
    key = jax.random.key(seed)
    ks = jax.random.split(key, 24)
    x = jax.random.normal(ks[0], (N, F_IN), dtype=jnp.float32)
    edge_index = jax.random.randint(ks[1], (2, E), 0, N, dtype=jnp.int32)
    batch = jnp.sort(jax.random.randint(ks[2], (N,), 0, NG, dtype=jnp.int32))
    def lin_init(k, fan_in, fan_out):
        bound = 1.0 / np.sqrt(fan_in)
        kw, kb = jax.random.split(k)
        W = jax.random.uniform(kw, (fan_in, fan_out), minval=-bound, maxval=bound, dtype=jnp.float32)
        b = jax.random.uniform(kb, (fan_out,), minval=-bound, maxval=bound, dtype=jnp.float32)
        return W, b
    W1, b1 = lin_init(ks[3], F_IN, H)
    W2, b2 = lin_init(ks[4], H, H)
    W3, b3 = lin_init(ks[5], H, H)
    g1 = jnp.ones((H,), jnp.float32); be1 = jnp.zeros((H,), jnp.float32)
    g2 = jnp.ones((H,), jnp.float32); be2 = jnp.zeros((H,), jnp.float32)
    g3 = jnp.ones((H,), jnp.float32); be3 = jnp.zeros((H,), jnp.float32)
    lw1, lb1 = lin_init(ks[6], H, H // 2)
    lw2, lb2 = lin_init(ks[7], H // 2, 2)
    return {"x": x, "edge_index": edge_index, "batch": batch,
            "W1": W1, "b1": b1, "W2": W2, "b2": b2, "W3": W3, "b3": b3,
            "g1": g1, "be1": be1, "g2": g2, "be2": be2, "g3": g3, "be3": be3,
            "lw1": lw1, "lb1": lb1, "lw2": lw2, "lb2": lb2}


def _gcn_conv(x, edge_index, W, b):
    # PyG GCNConv: add self-loops, symmetric normalization D^-1/2 (A+I) D^-1/2 X W + b
    h = x @ W
    self_idx = jnp.arange(N, dtype=edge_index.dtype)
    src = jnp.concatenate([edge_index[0], self_idx])
    dst = jnp.concatenate([edge_index[1], self_idx])
    deg = jnp.zeros((N,), jnp.float32).at[dst].add(1.0)
    dinv = jnp.where(deg > 0, jax.lax.rsqrt(jnp.maximum(deg, 1e-12)), 0.0)
    norm = dinv[src] * dinv[dst]
    msg = h[src] * norm[:, None]
    out = jnp.zeros((N, h.shape[1]), jnp.float32).at[dst].add(msg)
    return out + b


def _bn_eval(x, gamma, beta):
    # eval-mode BatchNorm1d with running_mean=0, running_var=1
    return x * (gamma / jnp.sqrt(1.0 + BN_EPS)) + beta


def reference(x, edge_index, batch, W1, b1, W2, b2, W3, b3, g1, be1, g2, be2, g3, be3, lw1, lb1, lw2, lb2):
    h = _gcn_conv(x, edge_index, W1, b1)
    h = jax.nn.relu(_bn_eval(h, g1, be1))
    h = _gcn_conv(h, edge_index, W2, b2)
    h = jax.nn.relu(_bn_eval(h, g2, be2))
    h = _gcn_conv(h, edge_index, W3, b3)
    h = jax.nn.relu(_bn_eval(h, g3, be3))
    pooled = jax.ops.segment_sum(h, batch, num_segments=NG)
    z = jax.nn.relu(pooled @ lw1 + lb1)
    out = z @ lw2 + lb2
    return out

if __name__ == "__main__":
    import jax
    _d = setup_inputs()
    print(jax.jit(kernel)(*tuple(_d.values())))

</pallas_src>

<mosaic_0001>
#map = affine_map<(d0, d1) -> (0, 0)>
#map1 = affine_map<(d0, d1) -> (0, 0, 0)>
module attributes {stable_mosaic.version = 14 : i64} {
  func.func @_sc_aggregate(%arg0: i32, %arg1: i32, %arg2: memref<10000x64xf32, #tpu.memory_space<hbm>>, %arg3: memref<32x125x80xi32, #tpu.memory_space<hbm>>, %arg4: memref<32x125x80xi32, #tpu.memory_space<hbm>>, %arg5: memref<10000x64xf32, #tpu.memory_space<hbm>>, %arg6: memref<10000x64xf32, #tpu.memory_space<hbm>>, %arg7: memref<10000x64xf32, #tpu.memory_space<hbm>>, %arg8: memref<125x80xi32, #tpu.memory_space<vmem>>, %arg9: memref<125x80xi32, #tpu.memory_space<vmem>>, %arg10: memref<3x4x80x64xf32, #tpu.memory_space<vmem>>, %arg11: memref<10000x64xf32, #tpu.memory_space<vmem_shared>>, %arg12: memref<!tpu.dma_semaphore, #tpu.memory_space<semaphore_mem>>, %arg13: memref<!tpu.dma_semaphore, #tpu.memory_space<semaphore_mem>>, %arg14: memref<!tpu.dma_semaphore, #tpu.memory_space<semaphore_mem>>, %arg15: memref<!tpu.dma_semaphore, #tpu.memory_space<semaphore_mem>>, %arg16: memref<!tpu.dma_semaphore, #tpu.memory_space<semaphore_mem>>) attributes {dimension_semantics = [#tpu.dimension_semantics<core_parallel>, #tpu.dimension_semantics<subcore_parallel>], iteration_bounds = array<i64: 2, 16>, scalar_prefetch = 0 : i64, scratch_operands = 9 : i64, tpu.core_type = #tpu.core_type<sc_vector_subcore>, window_params = [{transform_indices = #map}, {transform_indices = #map1}, {transform_indices = #map1}, {transform_indices = #map}, {transform_indices = #map}, {transform_indices = #map}]} {
    %mul3A = arith.constant 16 : i32
    %mul3A_0 = arith.muli %arg0, %mul3A : i32
    %add3A = arith.addi %mul3A_0, %arg1 : i32
    %dma_start3A = arith.constant 0 : i32
    %dma_start3A_1 = arith.constant 0 : i32
    %dma_start3A_2 = tpu.memref_slice %arg3[%add3A, %dma_start3A, %dma_start3A_1] : memref<32x125x80xi32, #tpu.memory_space<hbm>> -> memref<1x125x80xi32, #tpu.memory_space<hbm>>
    %dma_start3A_3 = tpu.memref_squeeze %dma_start3A_2 : memref<1x125x80xi32, #tpu.memory_space<hbm>> -> memref<125x80xi32, #tpu.memory_space<hbm>>
    %dma_start3A_4 = arith.constant 0 : i32
    %dma_start3A_5 = arith.constant 0 : i32
    %dma_start3A_6 = tpu.memref_slice %arg3[%add3A, %dma_start3A_4, %dma_start3A_5] : memref<32x125x80xi32, #tpu.memory_space<hbm>> -> memref<1x125x80xi32, #tpu.memory_space<hbm>>
    %dma_start3A_7 = tpu.memref_squeeze %dma_start3A_6 : memref<1x125x80xi32, #tpu.memory_space<hbm>> -> memref<125x80xi32, #tpu.memory_space<hbm>>
    tpu.enqueue_dma source(%dma_start3A_7 : memref<125x80xi32, #tpu.memory_space<hbm>>) target(%arg8 : memref<125x80xi32, #tpu.memory_space<vmem>>) target_semaphore(%arg16 : memref<!tpu.dma_semaphore, #tpu.memory_space<semaphore_mem>>)
    %dma_start3A_8 = arith.constant 0 : i32
    %dma_start3A_9 = arith.constant 0 : i32
    %dma_start3A_10 = tpu.memref_slice %arg4[%add3A, %dma_start3A_8, %dma_start3A_9] : memref<32x125x80xi32, #tpu.memory_space<hbm>> -> memref<1x125x80xi32, #tpu.memory_space<hbm>>
    %dma_start3A_11 = tpu.memref_squeeze %dma_start3A_10 : memref<1x125x80xi32, #tpu.memory_space<hbm>> -> memref<125x80xi32, #tpu.memory_space<hbm>>
    %dma_start3A_12 = arith.constant 0 : i32
    %dma_start3A_13 = arith.constant 0 : i32
    %dma_start3A_14 = tpu.memref_slice %arg4[%add3A, %dma_start3A_12, %dma_start3A_13] : memref<32x125x80xi32, #tpu.memory_space<hbm>> -> memref<1x125x80xi32, #tpu.memory_space<hbm>>
    %dma_start3A_15 = tpu.memref_squeeze %dma_start3A_14 : memref<1x125x80xi32, #tpu.memory_space<hbm>> -> memref<125x80xi32, #tpu.memory_space<hbm>>
    tpu.enqueue_dma source(%dma_start3A_15 : memref<125x80xi32, #tpu.memory_space<hbm>>) target(%arg9 : memref<125x80xi32, #tpu.memory_space<vmem>>) target_semaphore(%arg16 : memref<!tpu.dma_semaphore, #tpu.memory_space<semaphore_mem>>)
    %mul3A_16 = arith.constant 624 : i32
    %mul3A_17 = arith.muli %arg1, %mul3A_16 : i32
    %mul3A_18 = arith.constant 624 : i32
    %mul3A_19 = arith.muli %arg1, %mul3A_18 : i32
    %dma_start3A_20 = arith.constant 0 : i32
    %dma_start3A_21 = tpu.memref_slice %arg11[%mul3A_19, %dma_start3A_20] : memref<10000x64xf32, #tpu.memory_space<vmem_shared>> -> memref<624x64xf32, #tpu.memory_space<vmem_shared>>
    %dma_start3A_22 = arith.constant 0 : i32
    %dma_start3A_23 = tpu.memref_slice %arg5[%mul3A_17, %dma_start3A_22] : memref<10000x64xf32, #tpu.memory_space<hbm>> -> memref<624x64xf32, #tpu.memory_space<hbm>>
    tpu.enqueue_dma source(%dma_start3A_23 : memref<624x64xf32, #tpu.memory_space<hbm>>) target(%dma_start3A_21 : memref<624x64xf32, #tpu.memory_space<vmem_shared>>) target_semaphore(%arg16 : memref<!tpu.dma_semaphore, #tpu.memory_space<semaphore_mem>>)
    %dma_wait3A = arith.constant 0 : i32
    %dma_wait3A_24 = arith.constant 0 : i32
    %dma_wait3A_25 = tpu.memref_slice %arg3[%add3A, %dma_wait3A, %dma_wait3A_24] : memref<32x125x80xi32, #tpu.memory_space<hbm>> -> memref<1x125x80xi32, #tpu.memory_space<hbm>>
    %dma_wait3A_26 = tpu.memref_squeeze %dma_wait3A_25 : memref<1x125x80xi32, #tpu.memory_space<hbm>> -> memref<125x80xi32, #tpu.memory_space<hbm>>
    %dma_wait3A_27 = arith.constant 0 : i32
    %dma_wait3A_28 = arith.constant 0 : i32
    %dma_wait3A_29 = tpu.memref_slice %arg3[%add3A, %dma_wait3A_27, %dma_wait3A_28] : memref<32x125x80xi32, #tpu.memory_space<hbm>> -> memref<1x125x80xi32, #tpu.memory_space<hbm>>
    %dma_wait3A_30 = tpu.memref_squeeze %dma_wait3A_29 : memref<1x125x80xi32, #tpu.memory_space<hbm>> -> memref<125x80xi32, #tpu.memory_space<hbm>>
    tpu.wait_dma2 semaphore(%arg16 : memref<!tpu.dma_semaphore, #tpu.memory_space<semaphore_mem>>) src(%dma_wait3A_30 : memref<125x80xi32, #tpu.memory_space<hbm>>) dst(%arg8 : memref<125x80xi32, #tpu.memory_space<vmem>>)
    %dma_wait3A_31 = arith.constant 0 : i32
    %dma_wait3A_32 = arith.constant 0 : i32
    %dma_wait3A_33 = tpu.memref_slice %arg4[%add3A, %dma_wait3A_31, %dma_wait3A_32] : memref<32x125x80xi32, #tpu.memory_space<hbm>> -> memref<1x125x80xi32, #tpu.memory_space<hbm>>
    %dma_wait3A_34 = tpu.memref_squeeze %dma_wait3A_33 : memref<1x125x80xi32, #tpu.memory_space<hbm>> -> memref<125x80xi32, #tpu.memory_space<hbm>>
    %dma_wait3A_35 = arith.constant 0 : i32
    %dma_wait3A_36 = arith.constant 0 : i32
    %dma_wait3A_37 = tpu.memref_slice %arg4[%add3A, %dma_wait3A_35, %dma_wait3A_36] : memref<32x125x80xi32, #tpu.memory_space<hbm>> -> memref<1x125x80xi32, #tpu.memory_space<hbm>>
    %dma_wait3A_38 = tpu.memref_squeeze %dma_wait3A_37 : memref<1x125x80xi32, #tpu.memory_space<hbm>> -> memref<125x80xi32, #tpu.memory_space<hbm>>
    tpu.wait_dma2 semaphore(%arg16 : memref<!tpu.dma_semaphore, #tpu.memory_space<semaphore_mem>>) src(%dma_wait3A_38 : memref<125x80xi32, #tpu.memory_space<hbm>>) dst(%arg9 : memref<125x80xi32, #tpu.memory_space<vmem>>)
    %mul3A_39 = arith.constant 624 : i32
    %mul3A_40 = arith.muli %arg1, %mul3A_39 : i32
    %mul3A_41 = arith.constant 624 : i32
    %mul3A_42 = arith.muli %arg1, %mul3A_41 : i32
    %dma_wait3A_43 = arith.constant 0 : i32
    %dma_wait3A_44 = tpu.memref_slice %arg11[%mul3A_42, %dma_wait3A_43] : memref<10000x64xf32, #tpu.memory_space<vmem_shared>> -> memref<624x64xf32, #tpu.memory_space<vmem_shared>>
    %dma_wait3A_45 = arith.constant 0 : i32
    %dma_wait3A_46 = tpu.memref_slice %arg5[%mul3A_40, %dma_wait3A_45] : memref<10000x64xf32, #tpu.memory_space<hbm>> -> memref<624x64xf32, #tpu.memory_space<hbm>>
    tpu.wait_dma2 semaphore(%arg16 : memref<!tpu.dma_semaphore, #tpu.memory_space<semaphore_mem>>) src(%dma_wait3A_46 : memref<624x64xf32, #tpu.memory_space<hbm>>) dst(%dma_wait3A_44 : memref<624x64xf32, #tpu.memory_space<vmem_shared>>)
    %eq3A = arith.constant 15 : i32
    %eq3A_47 = arith.cmpi eq, %arg1, %eq3A : i32
    %convert_element_type3A = arith.extui %eq3A_47 : i1 to i32
    %cond3A = arith.constant 0 : i32
    %cond3A_48 = arith.cmpi ne, %convert_element_type3A, %cond3A : i32
    scf.if %cond3A_48 {
      "tpu.region"() ({
        %run_scoped3A_226 = tpu.sem_alloc : memref<!tpu.dma_semaphore, #tpu.memory_space<semaphore_mem>>
        %dma_start3A_227 = arith.constant 9984 : i32
        %dma_start3A_228 = arith.constant 0 : i32
        %dma_start3A_229 = tpu.memref_slice %arg11[%dma_start3A_227, %dma_start3A_228] : memref<10000x64xf32, #tpu.memory_space<vmem_shared>> -> memref<16x64xf32, #tpu.memory_space<vmem_shared>>
        %dma_start3A_230 = arith.constant 9984 : i32
        %dma_start3A_231 = arith.constant 0 : i32
        %dma_start3A_232 = tpu.memref_slice %arg5[%dma_start3A_230, %dma_start3A_231] : memref<10000x64xf32, #tpu.memory_space<hbm>> -> memref<16x64xf32, #tpu.memory_space<hbm>>
        tpu.enqueue_dma source(%dma_start3A_232 : memref<16x64xf32, #tpu.memory_space<hbm>>) target(%dma_start3A_229 : memref<16x64xf32, #tpu.memory_space<vmem_shared>>) target_semaphore(%run_scoped3A_226 : memref<!tpu.dma_semaphore, #tpu.memory_space<semaphore_mem>>)
        %dma_wait3A_233 = arith.constant 9984 : i32
        %dma_wait3A_234 = arith.constant 0 : i32
        %dma_wait3A_235 = tpu.memref_slice %arg11[%dma_wait3A_233, %dma_wait3A_234] : memref<10000x64xf32, #tpu.memory_space<vmem_shared>> -> memref<16x64xf32, #tpu.memory_space<vmem_shared>>
        %dma_wait3A_236 = arith.constant 9984 : i32
        %dma_wait3A_237 = arith.constant 0 : i32
        %dma_wait3A_238 = tpu.memref_slice %arg5[%dma_wait3A_236, %dma_wait3A_237] : memref<10000x64xf32, #tpu.memory_space<hbm>> -> memref<16x64xf32, #tpu.memory_space<hbm>>
        tpu.wait_dma2 semaphore(%run_scoped3A_226 : memref<!tpu.dma_semaphore, #tpu.memory_space<semaphore_mem>>) src(%dma_wait3A_238 : memref<16x64xf32, #tpu.memory_space<hbm>>) dst(%dma_wait3A_235 : memref<16x64xf32, #tpu.memory_space<vmem_shared>>)
        tpu.yield
      }) : () -> ()
    } else {
    }
    %barrier3A = arith.constant 0 : index
    tpu.barrier barrier_id(%barrier3A)
    %dma_start3A_49 = arith.constant 0 : i32
    %dma_start3A_50 = arith.constant 0 : i32
    %dma_start3A_51 = arith.constant 0 : i32
    %dma_start3A_52 = arith.constant 0 : i32
    %dma_start3A_53 = arith.constant 0 : i32
    %dma_start3A_54 = tpu.memref_slice %arg10[%dma_start3A_50, %dma_start3A_51, %dma_start3A_52, %dma_start3A_53] : memref<3x4x80x64xf32, #tpu.memory_space<vmem>> -> memref<1x1x80x64xf32, #tpu.memory_space<vmem>>
    %dma_start3A_55 = tpu.memref_squeeze %dma_start3A_54 : memref<1x1x80x64xf32, #tpu.memory_space<vmem>> -> memref<80x64xf32, #tpu.memory_space<vmem>>
    %dma_start3A_56 = arith.constant 0 : i32
    %dma_start3A_57 = tpu.memref_slice %arg8[%dma_start3A_49, %dma_start3A_56] : memref<125x80xi32, #tpu.memory_space<vmem>> -> memref<1x80xi32, #tpu.memory_space<vmem>>
    %dma_start3A_58 = tpu.memref_squeeze %dma_start3A_57 : memref<1x80xi32, #tpu.memory_space<vmem>> -> memref<80xi32, #tpu.memory_space<vmem>>
    %dma_start3A_59 = arith.constant 0 : i32
    %dma_start3A_60 = arith.constant 0 : i32
    %dma_start3A_61 = tpu.memref_slice %arg2[%dma_start3A_59, %dma_start3A_60] : memref<10000x64xf32, #tpu.memory_space<hbm>> -> memref<10000x64xf32, #tpu.memory_space<hbm>>
    tpu.enqueue_indirect_dma source(%dma_start3A_61 : memref<10000x64xf32, #tpu.memory_space<hbm>>) target(%dma_start3A_55 : memref<80x64xf32, #tpu.memory_space<vmem>>) offsets(%dma_start3A_58 : memref<80xi32, #tpu.memory_space<vmem>>) semaphore(%arg12 : memref<!tpu.dma_semaphore, #tpu.memory_space<semaphore_mem>>)
    %dma_start3A_62 = arith.constant 1 : i32
    %dma_start3A_63 = arith.constant 0 : i32
    %dma_start3A_64 = arith.constant 1 : i32
    %dma_start3A_65 = arith.constant 0 : i32
    %dma_start3A_66 = arith.constant 0 : i32
    %dma_start3A_67 = tpu.memref_slice %arg10[%dma_start3A_63, %dma_start3A_64, %dma_start3A_65, %dma_start3A_66] : memref<3x4x80x64xf32, #tpu.memory_space<vmem>> -> memref<1x1x80x64xf32, #tpu.memory_space<vmem>>
    %dma_start3A_68 = tpu.memref_squeeze %dma_start3A_67 : memref<1x1x80x64xf32, #tpu.memory_space<vmem>> -> memref<80x64xf32, #tpu.memory_space<vmem>>
    %dma_start3A_69 = arith.constant 0 : i32
    %dma_start3A_70 = tpu.memref_slice %arg8[%dma_start3A_62, %dma_start3A_69] : memref<125x80xi32, #tpu.memory_space<vmem>> -> memref<1x80xi32, #tpu.memory_space<vmem>>
    %dma_start3A_71 = tpu.memref_squeeze %dma_start3A_70 : memref<1x80xi32, #tpu.memory_space<vmem>> -> memref<80xi32, #tpu.memory_space<vmem>>
    %dma_start3A_72 = arith.constant 0 : i32
    %dma_start3A_73 = arith.constant 0 : i32
    %dma_start3A_74 = tpu.memref_slice %arg2[%dma_start3A_72, %dma_start3A_73] : memref<10000x64xf32, #tpu.memory_space<hbm>> -> memref<10000x64xf32, #tpu.memory_space<hbm>>
    tpu.enqueue_indirect_dma source(%dma_start3A_74 : memref<10000x64xf32, #tpu.memory_space<hbm>>) target(%dma_start3A_68 : memref<80x64xf32, #tpu.memory_space<vmem>>) offsets(%dma_start3A_71 : memref<80xi32, #tpu.memory_space<vmem>>) semaphore(%arg12 : memref<!tpu.dma_semaphore, #tpu.memory_space<semaphore_mem>>)
    %dma_start3A_75 = arith.constant 2 : i32
    %dma_start3A_76 = arith.constant 0 : i32
    %dma_start3A_77 = arith.constant 2 : i32
    %dma_start3A_78 = arith.constant 0 : i32
    %dma_start3A_79 = arith.constant 0 : i32
    %dma_start3A_80 = tpu.memref_slice %arg10[%dma_start3A_76, %dma_start3A_77, %dma_start3A_78, %dma_start3A_79] : memref<3x4x80x64xf32, #tpu.memory_space<vmem>> -> memref<1x1x80x64xf32, #tpu.memory_space<vmem>>
    %dma_start3A_81 = tpu.memref_squeeze %dma_start3A_80 : memref<1x1x80x64xf32, #tpu.memory_space<vmem>> -> memref<80x64xf32, #tpu.memory_space<vmem>>
    %dma_start3A_82 = arith.constant 0 : i32
    %dma_start3A_83 = tpu.memref_slice %arg8[%dma_start3A_75, %dma_start3A_82] : memref<125x80xi32, #tpu.memory_space<vmem>> -> memref<1x80xi32, #tpu.memory_space<vmem>>
    %dma_start3A_84 = tpu.memref_squeeze %dma_start3A_83 : memref<1x80xi32, #tpu.memory_space<vmem>> -> memref<80xi32, #tpu.memory_space<vmem>>
    %dma_start3A_85 = arith.constant 0 : i32
    %dma_start3A_86 = arith.constant 0 : i32
    %dma_start3A_87 = tpu.memref_slice %arg2[%dma_start3A_85, %dma_start3A_86] : memref<10000x64xf32, #tpu.memory_space<hbm>> -> memref<10000x64xf32, #tpu.memory_space<hbm>>
    tpu.enqueue_indirect_dma source(%dma_start3A_87 : memref<10000x64xf32, #tpu.memory_space<hbm>>) target(%dma_start3A_81 : memref<80x64xf32, #tpu.memory_space<vmem>>) offsets(%dma_start3A_84 : memref<80xi32, #tpu.memory_space<vmem>>) semaphore(%arg12 : memref<!tpu.dma_semaphore, #tpu.memory_space<semaphore_mem>>)
    %dma_start3A_88 = arith.constant 3 : i32
    %dma_start3A_89 = arith.constant 0 : i32
    %dma_start3A_90 = arith.constant 3 : i32
    %dma_start3A_91 = arith.constant 0 : i32
    %dma_start3A_92 = arith.constant 0 : i32
    %dma_start3A_93 = tpu.memref_slice %arg10[%dma_start3A_89, %dma_start3A_90, %dma_start3A_91, %dma_start3A_92] : memref<3x4x80x64xf32, #tpu.memory_space<vmem>> -> memref<1x1x80x64xf32, #tpu.memory_space<vmem>>
    %dma_start3A_94 = tpu.memref_squeeze %dma_start3A_93 : memref<1x1x80x64xf32, #tpu.memory_space<vmem>> -> memref<80x64xf32, #tpu.memory_space<vmem>>
    %dma_start3A_95 = arith.constant 0 : i32
    %dma_start3A_96 = tpu.memref_slice %arg8[%dma_start3A_88, %dma_start3A_95] : memref<125x80xi32, #tpu.memory_space<vmem>> -> memref<1x80xi32, #tpu.memory_space<vmem>>
    %dma_start3A_97 = tpu.memref_squeeze %dma_start3A_96 : memref<1x80xi32, #tpu.memory_space<vmem>> -> memref<80xi32, #tpu.memory_space<vmem>>
    %dma_start3A_98 = arith.constant 0 : i32
    %dma_start3A_99 = arith.constant 0 : i32
    %dma_start3A_100 = tpu.memref_slice %arg2[%dma_start3A_98, %dma_start3A_99] : memref<10000x64xf32, #tpu.memory_space<hbm>> -> memref<10000x64xf32, #tpu.memory_space<hbm>>
    tpu.enqueue_indirect_dma source(%dma_start3A_100 : memref<10000x64xf32, #tpu.memory_space<hbm>>) target(%dma_start3A_94 : memref<80x64xf32, #tpu.memory_space<vmem>>) offsets(%dma_start3A_97 : memref<80xi32, #tpu.memory_space<vmem>>) semaphore(%arg12 : memref<!tpu.dma_semaphore, #tpu.memory_space<semaphore_mem>>)
    %scan3A = arith.constant 0 : i32
    %scan3A_101 = arith.constant 0 : i32
    %scan3A_102 = arith.constant 31 : i32
    %scan3A_103 = arith.addi %scan3A_101, %scan3A_102 : i32
    %scan3A_104 = arith.constant 1 : i32
    scf.for %scan3A_226 = %scan3A_101 to %scan3A_103 step %scan3A_104  : i32 {
      %rem3A = arith.constant 3 : i32
      %rem3A_227 = arith.remsi %scan3A_226, %rem3A : i32
      %add3A_228 = arith.constant 1 : i32
      %add3A_229 = arith.addi %scan3A_226, %add3A_228 : i32
      %rem3A_230 = arith.constant 3 : i32
      %rem3A_231 = arith.remsi %add3A_229, %rem3A_230 : i32
      %mul3A_232 = arith.constant 4 : i32
      %mul3A_233 = arith.muli %scan3A_226, %mul3A_232 : i32
      %add3A_234 = arith.constant 0 : i32
      %add3A_235 = arith.addi %mul3A_233, %add3A_234 : i32
      %dma_wait3A_236 = arith.constant 0 : i32
      %dma_wait3A_237 = arith.constant 0 : i32
      %dma_wait3A_238 = arith.constant 0 : i32
      %dma_wait3A_239 = tpu.memref_slice %arg10[%rem3A_227, %dma_wait3A_236, %dma_wait3A_237, %dma_wait3A_238] : memref<3x4x80x64xf32, #tpu.memory_space<vmem>> -> memref<1x1x80x64xf32, #tpu.memory_space<vmem>>
      %dma_wait3A_240 = tpu.memref_squeeze %dma_wait3A_239 : memref<1x1x80x64xf32, #tpu.memory_space<vmem>> -> memref<80x64xf32, #tpu.memory_space<vmem>>
      %dma_wait3A_241 = arith.constant 0 : i32
      %dma_wait3A_242 = tpu.memref_slice %arg8[%add3A_235, %dma_wait3A_241] : memref<125x80xi32, #tpu.memory_space<vmem>> -> memref<1x80xi32, #tpu.memory_space<vmem>>
      %dma_wait3A_243 = tpu.memref_squeeze %dma_wait3A_242 : memref<1x80xi32, #tpu.memory_space<vmem>> -> memref<80xi32, #tpu.memory_space<vmem>>
      %dma_wait3A_244 = arith.constant 0 : i32
      %dma_wait3A_245 = arith.constant 0 : i32
      %dma_wait3A_246 = tpu.memref_slice %arg2[%dma_wait3A_244, %dma_wait3A_245] : memref<10000x64xf32, #tpu.memory_space<hbm>> -> memref<10000x64xf32, #tpu.memory_space<hbm>>
      tpu.wait_indirect_dma semaphore(%arg12 : memref<!tpu.dma_semaphore, #tpu.memory_space<semaphore_mem>>) src(%dma_wait3A_246 : memref<10000x64xf32, #tpu.memory_space<hbm>>) dst(%dma_wait3A_240 : memref<80x64xf32, #tpu.memory_space<vmem>>)
      %mul3A_247 = arith.constant 4 : i32
      %mul3A_248 = arith.muli %scan3A_226, %mul3A_247 : i32
      %add3A_249 = arith.constant 1 : i32
      %add3A_250 = arith.addi %mul3A_248, %add3A_249 : i32
      %dma_wait3A_251 = arith.constant 1 : i32
      %dma_wait3A_252 = arith.constant 0 : i32
      %dma_wait3A_253 = arith.constant 0 : i32
      %dma_wait3A_254 = tpu.memref_slice %arg10[%rem3A_227, %dma_wait3A_251, %dma_wait3A_252, %dma_wait3A_253] : memref<3x4x80x64xf32, #tpu.memory_space<vmem>> -> memref<1x1x80x64xf32, #tpu.memory_space<vmem>>
      %dma_wait3A_255 = tpu.memref_squeeze %dma_wait3A_254 : memref<1x1x80x64xf32, #tpu.memory_space<vmem>> -> memref<80x64xf32, #tpu.memory_space<vmem>>
      %dma_wait3A_256 = arith.constant 0 : i32
      %dma_wait3A_257 = tpu.memref_slice %arg8[%add3A_250, %dma_wait3A_256] : memref<125x80xi32, #tpu.memory_space<vmem>> -> memref<1x80xi32, #tpu.memory_space<vmem>>
      %dma_wait3A_258 = tpu.memref_squeeze %dma_wait3A_257 : memref<1x80xi32, #tpu.memory_space<vmem>> -> memref<80xi32, #tpu.memory_space<vmem>>
      %dma_wait3A_259 = arith.constant 0 : i32
      %dma_wait3A_260 = arith.constant 0 : i32
      %dma_wait3A_261 = tpu.memref_slice %arg2[%dma_wait3A_259, %dma_wait3A_260] : memref<10000x64xf32, #tpu.memory_space<hbm>> -> memref<10000x64xf32, #tpu.memory_space<hbm>>
      tpu.wait_indirect_dma semaphore(%arg12 : memref<!tpu.dma_semaphore, #tpu.memory_space<semaphore_mem>>) src(%dma_wait3A_261 : memref<10000x64xf32, #tpu.memory_space<hbm>>) dst(%dma_wait3A_255 : memref<80x64xf32, #tpu.memory_space<vmem>>)
      %mul3A_262 = arith.constant 4 : i32
      %mul3A_263 = arith.muli %scan3A_226, %mul3A_262 : i32
      %add3A_264 = arith.constant 2 : i32
      %add3A_265 = arith.addi %mul3A_263, %add3A_264 : i32
      %dma_wait3A_266 = arith.constant 2 : i32
      %dma_wait3A_267 = arith.constant 0 : i32
      %dma_wait3A_268 = arith.constant 0 : i32
      %dma_wait3A_269 = tpu.memref_slice %arg10[%rem3A_227, %dma_wait3A_266, %dma_wait3A_267, %dma_wait3A_268] : memref<3x4x80x64xf32, #tpu.memory_space<vmem>> -> memref<1x1x80x64xf32, #tpu.memory_space<vmem>>
      %dma_wait3A_270 = tpu.memref_squeeze %dma_wait3A_269 : memref<1x1x80x64xf32, #tpu.memory_space<vmem>> -> memref<80x64xf32, #tpu.memory_space<vmem>>
      %dma_wait3A_271 = arith.constant 0 : i32
      %dma_wait3A_272 = tpu.memref_slice %arg8[%add3A_265, %dma_wait3A_271] : memref<125x80xi32, #tpu.memory_space<vmem>> -> memref<1x80xi32, #tpu.memory_space<vmem>>
      %dma_wait3A_273 = tpu.memref_squeeze %dma_wait3A_272 : memref<1x80xi32, #tpu.memory_space<vmem>> -> memref<80xi32, #tpu.memory_space<vmem>>
      %dma_wait3A_274 = arith.constant 0 : i32
      %dma_wait3A_275 = arith.constant 0 : i32
      %dma_wait3A_276 = tpu.memref_slice %arg2[%dma_wait3A_274, %dma_wait3A_275] : memref<10000x64xf32, #tpu.memory_space<hbm>> -> memref<10000x64xf32, #tpu.memory_space<hbm>>
      tpu.wait_indirect_dma semaphore(%arg12 : memref<!tpu.dma_semaphore, #tpu.memory_space<semaphore_mem>>) src(%dma_wait3A_276 : memref<10000x64xf32, #tpu.memory_space<hbm>>) dst(%dma_wait3A_270 : memref<80x64xf32, #tpu.memory_space<vmem>>)
      %mul3A_277 = arith.constant 4 : i32
      %mul3A_278 = arith.muli %scan3A_226, %mul3A_277 : i32
      %add3A_279 = arith.constant 3 : i32
      %add3A_280 = arith.addi %mul3A_278, %add3A_279 : i32
      %dma_wait3A_281 = arith.constant 3 : i32
      %dma_wait3A_282 = arith.constant 0 : i32
      %dma_wait3A_283 = arith.constant 0 : i32
      %dma_wait3A_284 = tpu.memref_slice %arg10[%rem3A_227, %dma_wait3A_281, %dma_wait3A_282, %dma_wait3A_283] : memref<3x4x80x64xf32, #tpu.memory_space<vmem>> -> memref<1x1x80x64xf32, #tpu.memory_space<vmem>>
      %dma_wait3A_285 = tpu.memref_squeeze %dma_wait3A_284 : memref<1x1x80x64xf32, #tpu.memory_space<vmem>> -> memref<80x64xf32, #tpu.memory_space<vmem>>
      %dma_wait3A_286 = arith.constant 0 : i32
      %dma_wait3A_287 = tpu.memref_slice %arg8[%add3A_280, %dma_wait3A_286] : memref<125x80xi32, #tpu.memory_space<vmem>> -> memref<1x80xi32, #tpu.memory_space<vmem>>
      %dma_wait3A_288 = tpu.memref_squeeze %dma_wait3A_287 : memref<1x80xi32, #tpu.memory_space<vmem>> -> memref<80xi32, #tpu.memory_space<vmem>>
      %dma_wait3A_289 = arith.constant 0 : i32
      %dma_wait3A_290 = arith.constant 0 : i32
      %dma_wait3A_291 = tpu.memref_slice %arg2[%dma_wait3A_289, %dma_wait3A_290] : memref<10000x64xf32, #tpu.memory_space<hbm>> -> memref<10000x64xf32, #tpu.memory_space<hbm>>
      tpu.wait_indirect_dma semaphore(%arg12 : memref<!tpu.dma_semaphore, #tpu.memory_space<semaphore_mem>>) src(%dma_wait3A_291 : memref<10000x64xf32, #tpu.memory_space<hbm>>) dst(%dma_wait3A_285 : memref<80x64xf32, #tpu.memory_space<vmem>>)
      %ge3A = arith.constant 2 : i32
      %ge3A_292 = arith.cmpi sge, %scan3A_226, %ge3A : i32
      %eq3A_293 = arith.constant 0 : i32
      %eq3A_294 = arith.cmpi eq, %rem3A_231, %eq3A_293 : i32
      %and3A = arith.andi %ge3A_292, %eq3A_294 : i1
      %convert_element_type3A_295 = arith.extui %and3A : i1 to i32
      %cond3A_296 = arith.constant 0 : i32
      %cond3A_297 = arith.cmpi ne, %convert_element_type3A_295, %cond3A_296 : i32
      scf.if %cond3A_297 {
        %dma_wait3A_335 = arith.constant 0 : i32
        %dma_wait3A_336 = arith.constant 0 : i32
        %dma_wait3A_337 = arith.constant 0 : i32
        %dma_wait3A_338 = arith.constant 0 : i32
        %dma_wait3A_339 = arith.constant 0 : i32
        %dma_wait3A_340 = tpu.memref_slice %arg10[%dma_wait3A_335, %dma_wait3A_336, %dma_wait3A_338, %dma_wait3A_339] : memref<3x4x80x64xf32, #tpu.memory_space<vmem>> -> memref<1x1x80x64xf32, #tpu.memory_space<vmem>>
        %dma_wait3A_341 = tpu.memref_squeeze %dma_wait3A_340 : memref<1x1x80x64xf32, #tpu.memory_space<vmem>> -> memref<80x64xf32, #tpu.memory_space<vmem>>
        %dma_wait3A_342 = arith.constant 0 : i32
        %dma_wait3A_343 = tpu.memref_slice %arg9[%dma_wait3A_337, %dma_wait3A_342] : memref<125x80xi32, #tpu.memory_space<vmem>> -> memref<1x80xi32, #tpu.memory_space<vmem>>
        %dma_wait3A_344 = tpu.memref_squeeze %dma_wait3A_343 : memref<1x80xi32, #tpu.memory_space<vmem>> -> memref<80xi32, #tpu.memory_space<vmem>>
        %dma_wait3A_345 = arith.constant 0 : i32
        %dma_wait3A_346 = arith.constant 0 : i32
        %dma_wait3A_347 = tpu.memref_slice %arg11[%dma_wait3A_345, %dma_wait3A_346] : memref<10000x64xf32, #tpu.memory_space<vmem_shared>> -> memref<10000x64xf32, #tpu.memory_space<vmem_shared>>
        tpu.wait_indirect_dma semaphore(%arg13 : memref<!tpu.dma_semaphore, #tpu.memory_space<semaphore_mem>>) src(%dma_wait3A_341 : memref<80x64xf32, #tpu.memory_space<vmem>>) dst(%dma_wait3A_347 : memref<10000x64xf32, #tpu.memory_space<vmem_shared>>)
        %dma_wait3A_348 = arith.constant 0 : i32
        %dma_wait3A_349 = arith.constant 1 : i32
        %dma_wait3A_350 = arith.constant 0 : i32
        %dma_wait3A_351 = arith.constant 0 : i32
        %dma_wait3A_352 = arith.constant 0 : i32
        %dma_wait3A_353 = tpu.memref_slice %arg10[%dma_wait3A_348, %dma_wait3A_349, %dma_wait3A_351, %dma_wait3A_352] : memref<3x4x80x64xf32, #tpu.memory_space<vmem>> -> memref<1x1x80x64xf32, #tpu.memory_space<vmem>>
        %dma_wait3A_354 = tpu.memref_squeeze %dma_wait3A_353 : memref<1x1x80x64xf32, #tpu.memory_space<vmem>> -> memref<80x64xf32, #tpu.memory_space<vmem>>
        %dma_wait3A_355 = arith.constant 0 : i32
        %dma_wait3A_356 = tpu.memref_slice %arg9[%dma_wait3A_350, %dma_wait3A_355] : memref<125x80xi32, #tpu.memory_space<vmem>> -> memref<1x80xi32, #tpu.memory_space<vmem>>
        %dma_wait3A_357 = tpu.memref_squeeze %dma_wait3A_356 : memref<1x80xi32, #tpu.memory_space<vmem>> -> memref<80xi32, #tpu.memory_space<vmem>>
        %dma_wait3A_358 = arith.constant 0 : i32
        %dma_wait3A_359 = arith.constant 0 : i32
        %dma_wait3A_360 = tpu.memref_slice %arg11[%dma_wait3A_358, %dma_wait3A_359] : memref<10000x64xf32, #tpu.memory_space<vmem_shared>> -> memref<10000x64xf32, #tpu.memory_space<vmem_shared>>
        tpu.wait_indirect_dma semaphore(%arg13 : memref<!tpu.dma_semaphore, #tpu.memory_space<semaphore_mem>>) src(%dma_wait3A_354 : memref<80x64xf32, #tpu.memory_space<vmem>>) dst(%dma_wait3A_360 : memref<10000x64xf32, #tpu.memory_space<vmem_shared>>)
        %dma_wait3A_361 = arith.constant 0 : i32
        %dma_wait3A_362 = arith.constant 2 : i32
        %dma_wait3A_363 = arith.constant 0 : i32
        %dma_wait3A_364 = arith.constant 0 : i32
        %dma_wait3A_365 = arith.constant 0 : i32
        %dma_wait3A_366 = tpu.memref_slice %arg10[%dma_wait3A_361, %dma_wait3A_362, %dma_wait3A_364, %dma_wait3A_365] : memref<3x4x80x64xf32, #tpu.memory_space<vmem>> -> memref<1x1x80x64xf32, #tpu.memory_space<vmem>>
        %dma_wait3A_367 = tpu.memref_squeeze %dma_wait3A_366 : memref<1x1x80x64xf32, #tpu.memory_space<vmem>> -> memref<80x64xf32, #tpu.memory_space<vmem>>
        %dma_wait3A_368 = arith.constant 0 : i32
        %dma_wait3A_369 = tpu.memref_slice %arg9[%dma_wait3A_363, %dma_wait3A_368] : memref<125x80xi32, #tpu.memory_space<vmem>> -> memref<1x80xi32, #tpu.memory_space<vmem>>
        %dma_wait3A_370 = tpu.memref_squeeze %dma_wait3A_369 : memref<1x80xi32, #tpu.memory_space<vmem>> -> memref<80xi32, #tpu.memory_space<vmem>>
        %dma_wait3A_371 = arith.constant 0 : i32
        %dma_wait3A_372 = arith.constant 0 : i32
        %dma_wait3A_373 = tpu.memref_slice %arg11[%dma_wait3A_371, %dma_wait3A_372] : memref<10000x64xf32, #tpu.memory_space<vmem_shared>> -> memref<10000x64xf32, #tpu.memory_space<vmem_shared>>
        tpu.wait_indirect_dma semaphore(%arg13 : memref<!tpu.dma_semaphore, #tpu.memory_space<semaphore_mem>>) src(%dma_wait3A_367 : memref<80x64xf32, #tpu.memory_space<vmem>>) dst(%dma_wait3A_373 : memref<10000x64xf32, #tpu.memory_space<vmem_shared>>)
        %dma_wait3A_374 = arith.constant 0 : i32
        %dma_wait3A_375 = arith.constant 3 : i32
        %dma_wait3A_376 = arith.constant 0 : i32
        %dma_wait3A_377 = arith.constant 0 : i32
        %dma_wait3A_378 = arith.constant 0 : i32
        %dma_wait3A_379 = tpu.memref_slice %arg10[%dma_wait3A_374, %dma_wait3A_375, %dma_wait3A_377, %dma_wait3A_378] : memref<3x4x80x64xf32, #tpu.memory_space<vmem>> -> memref<1x1x80x64xf32, #tpu.memory_space<vmem>>
        %dma_wait3A_380 = tpu.memref_squeeze %dma_wait3A_379 : memref<1x1x80x64xf32, #tpu.memory_space<vmem>> -> memref<80x64xf32, #tpu.memory_space<vmem>>
        %dma_wait3A_381 = arith.constant 0 : i32
        %dma_wait3A_382 = tpu.memref_slice %arg9[%dma_wait3A_376, %dma_wait3A_381] : memref<125x80xi32, #tpu.memory_space<vmem>> -> memref<1x80xi32, #tpu.memory_space<vmem>>
        %dma_wait3A_383 = tpu.memref_squeeze %dma_wait3A_382 : memref<1x80xi32, #tpu.memory_space<vmem>> -> memref<80xi32, #tpu.memory_space<vmem>>
        %dma_wait3A_384 = arith.constant 0 : i32
        %dma_wait3A_385 = arith.constant 0 : i32
        %dma_wait3A_386 = tpu.memref_slice %arg11[%dma_wait3A_384, %dma_wait3A_385] : memref<10000x64xf32, #tpu.memory_space<vmem_shared>> -> memref<10000x64xf32, #tpu.memory_space<vmem_shared>>
        tpu.wait_indirect_dma semaphore(%arg13 : memref<!tpu.dma_semaphore, #tpu.memory_space<semaphore_mem>>) src(%dma_wait3A_380 : memref<80x64xf32, #tpu.memory_space<vmem>>) dst(%dma_wait3A_386 : memref<10000x64xf32, #tpu.memory_space<vmem_shared>>)
      } else {
      }
      %ge3A_298 = arith.constant 2 : i32
      %ge3A_299 = arith.cmpi sge, %scan3A_226, %ge3A_298 : i32
      %eq3A_300 = arith.constant 1 : i32
      %eq3A_301 = arith.cmpi eq, %rem3A_231, %eq3A_300 : i32
      %and3A_302 = arith.andi %ge3A_299, %eq3A_301 : i1
      %convert_element_type3A_303 = arith.extui %and3A_302 : i1 to i32
      %cond3A_304 = arith.constant 0 : i32
      %cond3A_305 = arith.cmpi ne, %convert_element_type3A_303, %cond3A_304 : i32
      scf.if %cond3A_305 {
        %dma_wait3A_335 = arith.constant 1 : i32
        %dma_wait3A_336 = arith.constant 0 : i32
        %dma_wait3A_337 = arith.constant 0 : i32
        %dma_wait3A_338 = arith.constant 0 : i32
        %dma_wait3A_339 = arith.constant 0 : i32
        %dma_wait3A_340 = tpu.memref_slice %arg10[%dma_wait3A_335, %dma_wait3A_336, %dma_wait3A_338, %dma_wait3A_339] : memref<3x4x80x64xf32, #tpu.memory_space<vmem>> -> memref<1x1x80x64xf32, #tpu.memory_space<vmem>>
        %dma_wait3A_341 = tpu.memref_squeeze %dma_wait3A_340 : memref<1x1x80x64xf32, #tpu.memory_space<vmem>> -> memref<80x64xf32, #tpu.memory_space<vmem>>
        %dma_wait3A_342 = arith.constant 0 : i32
        %dma_wait3A_343 = tpu.memref_slice %arg9[%dma_wait3A_337, %dma_wait3A_342] : memref<125x80xi32, #tpu.memory_space<vmem>> -> memref<1x80xi32, #tpu.memory_space<vmem>>
        %dma_wait3A_344 = tpu.memref_squeeze %dma_wait3A_343 : memref<1x80xi32, #tpu.memory_space<vmem>> -> memref<80xi32, #tpu.memory_space<vmem>>
        %dma_wait3A_345 = arith.constant 0 : i32
        %dma_wait3A_346 = arith.constant 0 : i32
        %dma_wait3A_347 = tpu.memref_slice %arg11[%dma_wait3A_345, %dma_wait3A_346] : memref<10000x64xf32, #tpu.memory_space<vmem_shared>> -> memref<10000x64xf32, #tpu.memory_space<vmem_shared>>
        tpu.wait_indirect_dma semaphore(%arg14 : memref<!tpu.dma_semaphore, #tpu.memory_space<semaphore_mem>>) src(%dma_wait3A_341 : memref<80x64xf32, #tpu.memory_space<vmem>>) dst(%dma_wait3A_347 : memref<10000x64xf32, #tpu.memory_space<vmem_shared>>)
        %dma_wait3A_348 = arith.constant 1 : i32
        %dma_wait3A_349 = arith.constant 1 : i32
        %dma_wait3A_350 = arith.constant 0 : i32
        %dma_wait3A_351 = arith.constant 0 : i32
        %dma_wait3A_352 = arith.constant 0 : i32
        %dma_wait3A_353 = tpu.memref_slice %arg10[%dma_wait3A_348, %dma_wait3A_349, %dma_wait3A_351, %dma_wait3A_352] : memref<3x4x80x64xf32, #tpu.memory_space<vmem>> -> memref<1x1x80x64xf32, #tpu.memory_space<vmem>>
        %dma_wait3A_354 = tpu.memref_squeeze %dma_wait3A_353 : memref<1x1x80x64xf32, #tpu.memory_space<vmem>> -> memref<80x64xf32, #tpu.memory_space<vmem>>
        %dma_wait3A_355 = arith.constant 0 : i32
        %dma_wait3A_356 = tpu.memref_slice %arg9[%dma_wait3A_350, %dma_wait3A_355] : memref<125x80xi32, #tpu.memory_space<vmem>> -> memref<1x80xi32, #tpu.memory_space<vmem>>
        %dma_wait3A_357 = tpu.memref_squeeze %dma_wait3A_356 : memref<1x80xi32, #tpu.memory_space<vmem>> -> memref<80xi32, #tpu.memory_space<vmem>>
        %dma_wait3A_358 = arith.constant 0 : i32
        %dma_wait3A_359 = arith.constant 0 : i32
        %dma_wait3A_360 = tpu.memref_slice %arg11[%dma_wait3A_358, %dma_wait3A_359] : memref<10000x64xf32, #tpu.memory_space<vmem_shared>> -> memref<10000x64xf32, #tpu.memory_space<vmem_shared>>
        tpu.wait_indirect_dma semaphore(%arg14 : memref<!tpu.dma_semaphore, #tpu.memory_space<semaphore_mem>>) src(%dma_wait3A_354 : memref<80x64xf32, #tpu.memory_space<vmem>>) dst(%dma_wait3A_360 : memref<10000x64xf32, #tpu.memory_space<vmem_shared>>)
        %dma_wait3A_361 = arith.constant 1 : i32
        %dma_wait3A_362 = arith.constant 2 : i32
        %dma_wait3A_363 = arith.constant 0 : i32
        %dma_wait3A_364 = arith.constant 0 : i32
        %dma_wait3A_365 = arith.constant 0 : i32
        %dma_wait3A_366 = tpu.memref_slice %arg10[%dma_wait3A_361, %dma_wait3A_362, %dma_wait3A_364, %dma_wait3A_365] : memref<3x4x80x64xf32, #tpu.memory_space<vmem>> -> memref<1x1x80x64xf32, #tpu.memory_space<vmem>>
        %dma_wait3A_367 = tpu.memref_squeeze %dma_wait3A_366 : memref<1x1x80x64xf32, #tpu.memory_space<vmem>> -> memref<80x64xf32, #tpu.memory_space<vmem>>
        %dma_wait3A_368 = arith.constant 0 : i32
        %dma_wait3A_369 = tpu.memref_slice %arg9[%dma_wait3A_363, %dma_wait3A_368] : memref<125x80xi32, #tpu.memory_space<vmem>> -> memref<1x80xi32, #tpu.memory_space<vmem>>
        %dma_wait3A_370 = tpu.memref_squeeze %dma_wait3A_369 : memref<1x80xi32, #tpu.memory_space<vmem>> -> memref<80xi32, #tpu.memory_space<vmem>>
        %dma_wait3A_371 = arith.constant 0 : i32
        %dma_wait3A_372 = arith.constant 0 : i32
        %dma_wait3A_373 = tpu.memref_slice %arg11[%dma_wait3A_371, %dma_wait3A_372] : memref<10000x64xf32, #tpu.memory_space<vmem_shared>> -> memref<10000x64xf32, #tpu.memory_space<vmem_shared>>
        tpu.wait_indirect_dma semaphore(%arg14 : memref<!tpu.dma_semaphore, #tpu.memory_space<semaphore_mem>>) src(%dma_wait3A_367 : memref<80x64xf32, #tpu.memory_space<vmem>>) dst(%dma_wait3A_373 : memref<10000x64xf32, #tpu.memory_space<vmem_shared>>)
        %dma_wait3A_374 = arith.constant 1 : i32
        %dma_wait3A_375 = arith.constant 3 : i32
        %dma_wait3A_376 = arith.constant 0 : i32
        %dma_wait3A_377 = arith.constant 0 : i32
        %dma_wait3A_378 = arith.constant 0 : i32
        %dma_wait3A_379 = tpu.memref_slice %arg10[%dma_wait3A_374, %dma_wait3A_375, %dma_wait3A_377, %dma_wait3A_378] : memref<3x4x80x64xf32, #tpu.memory_space<vmem>> -> memref<1x1x80x64xf32, #tpu.memory_space<vmem>>
        %dma_wait3A_380 = tpu.memref_squeeze %dma_wait3A_379 : memref<1x1x80x64xf32, #tpu.memory_space<vmem>> -> memref<80x64xf32, #tpu.memory_space<vmem>>
        %dma_wait3A_381 = arith.constant 0 : i32
        %dma_wait3A_382 = tpu.memref_slice %arg9[%dma_wait3A_376, %dma_wait3A_381] : memref<125x80xi32, #tpu.memory_space<vmem>> -> memref<1x80xi32, #tpu.memory_space<vmem>>
        %dma_wait3A_383 = tpu.memref_squeeze %dma_wait3A_382 : memref<1x80xi32, #tpu.memory_space<vmem>> -> memref<80xi32, #tpu.memory_space<vmem>>
        %dma_wait3A_384 = arith.constant 0 : i32
        %dma_wait3A_385 = arith.constant 0 : i32
        %dma_wait3A_386 = tpu.memref_slice %arg11[%dma_wait3A_384, %dma_wait3A_385] : memref<10000x64xf32, #tpu.memory_space<vmem_shared>> -> memref<10000x64xf32, #tpu.memory_space<vmem_shared>>
        tpu.wait_indirect_dma semaphore(%arg14 : memref<!tpu.dma_semaphore, #tpu.memory_space<semaphore_mem>>) src(%dma_wait3A_380 : memref<80x64xf32, #tpu.memory_space<vmem>>) dst(%dma_wait3A_386 : memref<10000x64xf32, #tpu.memory_space<vmem_shared>>)
      } else {
      }
      %ge3A_306 = arith.constant 2 : i32
      %ge3A_307 = arith.cmpi sge, %scan3A_226, %ge3A_306 : i32
      %eq3A_308 = arith.constant 2 : i32
      %eq3A_309 = arith.cmpi eq, %rem3A_231, %eq3A_308 : i32
      %and3A_310 = arith.andi %ge3A_307, %eq3A_309 : i1
      %convert_element_type3A_311 = arith.extui %and3A_310 : i1 to i32
      %cond3A_312 = arith.constant 0 : i32
      %cond3A_313 = arith.cmpi ne, %convert_element_type3A_311, %cond3A_312 : i32
      scf.if %cond3A_313 {
        %dma_wait3A_335 = arith.constant 2 : i32
        %dma_wait3A_336 = arith.constant 0 : i32
        %dma_wait3A_337 = arith.constant 0 : i32
        %dma_wait3A_338 = arith.constant 0 : i32
        %dma_wait3A_339 = arith.constant 0 : i32
        %dma_wait3A_340 = tpu.memref_slice %arg10[%dma_wait3A_335, %dma_wait3A_336, %dma_wait3A_338, %dma_wait3A_339] : memref<3x4x80x64xf32, #tpu.memory_space<vmem>> -> memref<1x1x80x64xf32, #tpu.memory_space<vmem>>
        %dma_wait3A_341 = tpu.memref_squeeze %dma_wait3A_340 : memref<1x1x80x64xf32, #tpu.memory_space<vmem>> -> memref<80x64xf32, #tpu.memory_space<vmem>>
        %dma_wait3A_342 = arith.constant 0 : i32
        %dma_wait3A_343 = tpu.memref_slice %arg9[%dma_wait3A_337, %dma_wait3A_342] : memref<125x80xi32, #tpu.memory_space<vmem>> -> memref<1x80xi32, #tpu.memory_space<vmem>>
        %dma_wait3A_344 = tpu.memref_squeeze %dma_wait3A_343 : memref<1x80xi32, #tpu.memory_space<vmem>> -> memref<80xi32, #tpu.memory_space<vmem>>
        %dma_wait3A_345 = arith.constant 0 : i32
        %dma_wait3A_346 = arith.constant 0 : i32
        %dma_wait3A_347 = tpu.memref_slice %arg11[%dma_wait3A_345, %dma_wait3A_346] : memref<10000x64xf32, #tpu.memory_space<vmem_shared>> -> memref<10000x64xf32, #tpu.memory_space<vmem_shared>>
        tpu.wait_indirect_dma semaphore(%arg15 : memref<!tpu.dma_semaphore, #tpu.memory_space<semaphore_mem>>) src(%dma_wait3A_341 : memref<80x64xf32, #tpu.memory_space<vmem>>) dst(%dma_wait3A_347 : memref<10000x64xf32, #tpu.memory_space<vmem_shared>>)
        %dma_wait3A_348 = arith.constant 2 : i32
        %dma_wait3A_349 = arith.constant 1 : i32
        %dma_wait3A_350 = arith.constant 0 : i32
        %dma_wait3A_351 = arith.constant 0 : i32
        %dma_wait3A_352 = arith.constant 0 : i32
        %dma_wait3A_353 = tpu.memref_slice %arg10[%dma_wait3A_348, %dma_wait3A_349, %dma_wait3A_351, %dma_wait3A_352] : memref<3x4x80x64xf32, #tpu.memory_space<vmem>> -> memref<1x1x80x64xf32, #tpu.memory_space<vmem>>
        %dma_wait3A_354 = tpu.memref_squeeze %dma_wait3A_353 : memref<1x1x80x64xf32, #tpu.memory_space<vmem>> -> memref<80x64xf32, #tpu.memory_space<vmem>>
        %dma_wait3A_355 = arith.constant 0 : i32
        %dma_wait3A_356 = tpu.memref_slice %arg9[%dma_wait3A_350, %dma_wait3A_355] : memref<125x80xi32, #tpu.memory_space<vmem>> -> memref<1x80xi32, #tpu.memory_space<vmem>>
        %dma_wait3A_357 = tpu.memref_squeeze %dma_wait3A_356 : memref<1x80xi32, #tpu.memory_space<vmem>> -> memref<80xi32, #tpu.memory_space<vmem>>
        %dma_wait3A_358 = arith.constant 0 : i32
        %dma_wait3A_359 = arith.constant 0 : i32
        %dma_wait3A_360 = tpu.memref_slice %arg11[%dma_wait3A_358, %dma_wait3A_359] : memref<10000x64xf32, #tpu.memory_space<vmem_shared>> -> memref<10000x64xf32, #tpu.memory_space<vmem_shared>>
        tpu.wait_indirect_dma semaphore(%arg15 : memref<!tpu.dma_semaphore, #tpu.memory_space<semaphore_mem>>) src(%dma_wait3A_354 : memref<80x64xf32, #tpu.memory_space<vmem>>) dst(%dma_wait3A_360 : memref<10000x64xf32, #tpu.memory_space<vmem_shared>>)
        %dma_wait3A_361 = arith.constant 2 : i32
        %dma_wait3A_362 = arith.constant 2 : i32
        %dma_wait3A_363 = arith.constant 0 : i32
        %dma_wait3A_364 = arith.constant 0 : i32
        %dma_wait3A_365 = arith.constant 0 : i32
        %dma_wait3A_366 = tpu.memref_slice %arg10[%dma_wait3A_361, %dma_wait3A_362, %dma_wait3A_364, %dma_wait3A_365] : memref<3x4x80x64xf32, #tpu.memory_space<vmem>> -> memref<1x1x80x64xf32, #tpu.memory_space<vmem>>
        %dma_wait3A_367 = tpu.memref_squeeze %dma_wait3A_366 : memref<1x1x80x64xf32, #tpu.memory_space<vmem>> -> memref<80x64xf32, #tpu.memory_space<vmem>>
        %dma_wait3A_368 = arith.constant 0 : i32
        %dma_wait3A_369 = tpu.memref_slice %arg9[%dma_wait3A_363, %dma_wait3A_368] : memref<125x80xi32, #tpu.memory_space<vmem>> -> memref<1x80xi32, #tpu.memory_space<vmem>>
        %dma_wait3A_370 = tpu.memref_squeeze %dma_wait3A_369 : memref<1x80xi32, #tpu.memory_space<vmem>> -> memref<80xi32, #tpu.memory_space<vmem>>
        %dma_wait3A_371 = arith.constant 0 : i32
        %dma_wait3A_372 = arith.constant 0 : i32
        %dma_wait3A_373 = tpu.memref_slice %arg11[%dma_wait3A_371, %dma_wait3A_372] : memref<10000x64xf32, #tpu.memory_space<vmem_shared>> -> memref<10000x64xf32, #tpu.memory_space<vmem_shared>>
        tpu.wait_indirect_dma semaphore(%arg15 : memref<!tpu.dma_semaphore, #tpu.memory_space<semaphore_mem>>) src(%dma_wait3A_367 : memref<80x64xf32, #tpu.memory_space<vmem>>) dst(%dma_wait3A_373 : memref<10000x64xf32, #tpu.memory_space<vmem_shared>>)
        %dma_wait3A_374 = arith.constant 2 : i32
        %dma_wait3A_375 = arith.constant 3 : i32
        %dma_wait3A_376 = arith.constant 0 : i32
        %dma_wait3A_377 = arith.constant 0 : i32
        %dma_wait3A_378 = arith.constant 0 : i32
        %dma_wait3A_379 = tpu.memref_slice %arg10[%dma_wait3A_374, %dma_wait3A_375, %dma_wait3A_377, %dma_wait3A_378] : memref<3x4x80x64xf32, #tpu.memory_space<vmem>> -> memref<1x1x80x64xf32, #tpu.memory_space<vmem>>
        %dma_wait3A_380 = tpu.memref_squeeze %dma_wait3A_379 : memref<1x1x80x64xf32, #tpu.memory_space<vmem>> -> memref<80x64xf32, #tpu.memory_space<vmem>>
        %dma_wait3A_381 = arith.constant 0 : i32
        %dma_wait3A_382 = tpu.memref_slice %arg9[%dma_wait3A_376, %dma_wait3A_381] : memref<125x80xi32, #tpu.memory_space<vmem>> -> memref<1x80xi32, #tpu.memory_space<vmem>>
        %dma_wait3A_383 = tpu.memref_squeeze %dma_wait3A_382 : memref<1x80xi32, #tpu.memory_space<vmem>> -> memref<80xi32, #tpu.memory_space<vmem>>
        %dma_wait3A_384 = arith.constant 0 : i32
        %dma_wait3A_385 = arith.constant 0 : i32
        %dma_wait3A_386 = tpu.memref_slice %arg11[%dma_wait3A_384, %dma_wait3A_385] : memref<10000x64xf32, #tpu.memory_space<vmem_shared>> -> memref<10000x64xf32, #tpu.memory_space<vmem_shared>>
        tpu.wait_indirect_dma semaphore(%arg15 : memref<!tpu.dma_semaphore, #tpu.memory_space<semaphore_mem>>) src(%dma_wait3A_380 : memref<80x64xf32, #tpu.memory_space<vmem>>) dst(%dma_wait3A_386 : memref<10000x64xf32, #tpu.memory_space<vmem_shared>>)
      } else {
      }
      %add3A_314 = arith.constant 1 : i32
      %add3A_315 = arith.addi %scan3A_226, %add3A_314 : i32
      %lt3A = arith.constant 31 : i32
      %lt3A_316 = arith.cmpi slt, %add3A_315, %lt3A : i32
      %convert_element_type3A_317 = arith.extui %lt3A_316 : i1 to i32
      %cond3A_318 = arith.constant 0 : i32
      %cond3A_319 = arith.cmpi ne, %convert_element_type3A_317, %cond3A_318 : i32
      scf.if %cond3A_319 {
        %add3A_335 = arith.constant 1 : i32
        %add3A_336 = arith.addi %scan3A_226, %add3A_335 : i32
        %mul3A_337 = arith.constant 4 : i32
        %mul3A_338 = arith.muli %add3A_336, %mul3A_337 : i32
        %add3A_339 = arith.constant 0 : i32
        %add3A_340 = arith.addi %mul3A_338, %add3A_339 : i32
        %dma_start3A_341 = arith.constant 0 : i32
        %dma_start3A_342 = arith.constant 0 : i32
        %dma_start3A_343 = arith.constant 0 : i32
        %dma_start3A_344 = tpu.memref_slice %arg10[%rem3A_231, %dma_start3A_341, %dma_start3A_342, %dma_start3A_343] : memref<3x4x80x64xf32, #tpu.memory_space<vmem>> -> memref<1x1x80x64xf32, #tpu.memory_space<vmem>>
        %dma_start3A_345 = tpu.memref_squeeze %dma_start3A_344 : memref<1x1x80x64xf32, #tpu.memory_space<vmem>> -> memref<80x64xf32, #tpu.memory_space<vmem>>
        %dma_start3A_346 = arith.constant 0 : i32
        %dma_start3A_347 = tpu.memref_slice %arg8[%add3A_340, %dma_start3A_346] : memref<125x80xi32, #tpu.memory_space<vmem>> -> memref<1x80xi32, #tpu.memory_space<vmem>>
        %dma_start3A_348 = tpu.memref_squeeze %dma_start3A_347 : memref<1x80xi32, #tpu.memory_space<vmem>> -> memref<80xi32, #tpu.memory_space<vmem>>
        %dma_start3A_349 = arith.constant 0 : i32
        %dma_start3A_350 = arith.constant 0 : i32
        %dma_start3A_351 = tpu.memref_slice %arg2[%dma_start3A_349, %dma_start3A_350] : memref<10000x64xf32, #tpu.memory_space<hbm>> -> memref<10000x64xf32, #tpu.memory_space<hbm>>
        tpu.enqueue_indirect_dma source(%dma_start3A_351 : memref<10000x64xf32, #tpu.memory_space<hbm>>) target(%dma_start3A_345 : memref<80x64xf32, #tpu.memory_space<vmem>>) offsets(%dma_start3A_348 : memref<80xi32, #tpu.memory_space<vmem>>) semaphore(%arg12 : memref<!tpu.dma_semaphore, #tpu.memory_space<semaphore_mem>>)
        %add3A_352 = arith.constant 1 : i32
        %add3A_353 = arith.addi %scan3A_226, %add3A_352 : i32
        %mul3A_354 = arith.constant 4 : i32
        %mul3A_355 = arith.muli %add3A_353, %mul3A_354 : i32
        %add3A_356 = arith.constant 1 : i32
        %add3A_357 = arith.addi %mul3A_355, %add3A_356 : i32
        %dma_start3A_358 = arith.constant 1 : i32
        %dma_start3A_359 = arith.constant 0 : i32
        %dma_start3A_360 = arith.constant 0 : i32
        %dma_start3A_361 = tpu.memref_slice %arg10[%rem3A_231, %dma_start3A_358, %dma_start3A_359, %dma_start3A_360] : memref<3x4x80x64xf32, #tpu.memory_space<vmem>> -> memref<1x1x80x64xf32, #tpu.memory_space<vmem>>
        %dma_start3A_362 = tpu.memref_squeeze %dma_start3A_361 : memref<1x1x80x64xf32, #tpu.memory_space<vmem>> -> memref<80x64xf32, #tpu.memory_space<vmem>>
        %dma_start3A_363 = arith.constant 0 : i32
        %dma_start3A_364 = tpu.memref_slice %arg8[%add3A_357, %dma_start3A_363] : memref<125x80xi32, #tpu.memory_space<vmem>> -> memref<1x80xi32, #tpu.memory_space<vmem>>
        %dma_start3A_365 = tpu.memref_squeeze %dma_start3A_364 : memref<1x80xi32, #tpu.memory_space<vmem>> -> memref<80xi32, #tpu.memory_space<vmem>>
        %dma_start3A_366 = arith.constant 0 : i32
        %dma_start3A_367 = arith.constant 0 : i32
        %dma_start3A_368 = tpu.memref_slice %arg2[%dma_start3A_366, %dma_start3A_367] : memref<10000x64xf32, #tpu.memory_space<hbm>> -> memref<10000x64xf32, #tpu.memory_space<hbm>>
        tpu.enqueue_indirect_dma source(%dma_start3A_368 : memref<10000x64xf32, #tpu.memory_space<hbm>>) target(%dma_start3A_362 : memref<80x64xf32, #tpu.memory_space<vmem>>) offsets(%dma_start3A_365 : memref<80xi32, #tpu.memory_space<vmem>>) semaphore(%arg12 : memref<!tpu.dma_semaphore, #tpu.memory_space<semaphore_mem>>)
        %add3A_369 = arith.constant 1 : i32
        %add3A_370 = arith.addi %scan3A_226, %add3A_369 : i32
        %mul3A_371 = arith.constant 4 : i32
        %mul3A_372 = arith.muli %add3A_370, %mul3A_371 : i32
        %add3A_373 = arith.constant 2 : i32
        %add3A_374 = arith.addi %mul3A_372, %add3A_373 : i32
        %dma_start3A_375 = arith.constant 2 : i32
        %dma_start3A_376 = arith.constant 0 : i32
        %dma_start3A_377 = arith.constant 0 : i32
        %dma_start3A_378 = tpu.memref_slice %arg10[%rem3A_231, %dma_start3A_375, %dma_start3A_376, %dma_start3A_377] : memref<3x4x80x64xf32, #tpu.memory_space<vmem>> -> memref<1x1x80x64xf32, #tpu.memory_space<vmem>>
        %dma_start3A_379 = tpu.memref_squeeze %dma_start3A_378 : memref<1x1x80x64xf32, #tpu.memory_space<vmem>> -> memref<80x64xf32, #tpu.memory_space<vmem>>
        %dma_start3A_380 = arith.constant 0 : i32
        %dma_start3A_381 = tpu.memref_slice %arg8[%add3A_374, %dma_start3A_380] : memref<125x80xi32, #tpu.memory_space<vmem>> -> memref<1x80xi32, #tpu.memory_space<vmem>>
        %dma_start3A_382 = tpu.memref_squeeze %dma_start3A_381 : memref<1x80xi32, #tpu.memory_space<vmem>> -> memref<80xi32, #tpu.memory_space<vmem>>
        %dma_start3A_383 = arith.constant 0 : i32
        %dma_start3A_384 = arith.constant 0 : i32
        %dma_start3A_385 = tpu.memref_slice %arg2[%dma_start3A_383, %dma_start3A_384] : memref<10000x64xf32, #tpu.memory_space<hbm>> -> memref<10000x64xf32, #tpu.memory_space<hbm>>
        tpu.enqueue_indirect_dma source(%dma_start3A_385 : memref<10000x64xf32, #tpu.memory_space<hbm>>) target(%dma_start3A_379 : memref<80x64xf32, #tpu.memory_space<vmem>>) offsets(%dma_start3A_382 : memref<80xi32, #tpu.memory_space<vmem>>) semaphore(%arg12 : memref<!tpu.dma_semaphore, #tpu.memory_space<semaphore_mem>>)
        %add3A_386 = arith.constant 1 : i32
        %add3A_387 = arith.addi %scan3A_226, %add3A_386 : i32
        %mul3A_388 = arith.constant 4 : i32
        %mul3A_389 = arith.muli %add3A_387, %mul3A_388 : i32
        %add3A_390 = arith.constant 3 : i32
        %add3A_391 = arith.addi %mul3A_389, %add3A_390 : i32
        %dma_start3A_392 = arith.constant 3 : i32
        %dma_start3A_393 = arith.constant 0 : i32
        %dma_start3A_394 = arith.constant 0 : i32
        %dma_start3A_395 = tpu.memref_slice %arg10[%rem3A_231, %dma_start3A_392, %dma_start3A_393, %dma_start3A_394] : memref<3x4x80x64xf32, #tpu.memory_space<vmem>> -> memref<1x1x80x64xf32, #tpu.memory_space<vmem>>
        %dma_start3A_396 = tpu.memref_squeeze %dma_start3A_395 : memref<1x1x80x64xf32, #tpu.memory_space<vmem>> -> memref<80x64xf32, #tpu.memory_space<vmem>>
        %dma_start3A_397 = arith.constant 0 : i32
        %dma_start3A_398 = tpu.memref_slice %arg8[%add3A_391, %dma_start3A_397] : memref<125x80xi32, #tpu.memory_space<vmem>> -> memref<1x80xi32, #tpu.memory_space<vmem>>
        %dma_start3A_399 = tpu.memref_squeeze %dma_start3A_398 : memref<1x80xi32, #tpu.memory_space<vmem>> -> memref<80xi32, #tpu.memory_space<vmem>>
        %dma_start3A_400 = arith.constant 0 : i32
        %dma_start3A_401 = arith.constant 0 : i32
        %dma_start3A_402 = tpu.memref_slice %arg2[%dma_start3A_400, %dma_start3A_401] : memref<10000x64xf32, #tpu.memory_space<hbm>> -> memref<10000x64xf32, #tpu.memory_space<hbm>>
        tpu.enqueue_indirect_dma source(%dma_start3A_402 : memref<10000x64xf32, #tpu.memory_space<hbm>>) target(%dma_start3A_396 : memref<80x64xf32, #tpu.memory_space<vmem>>) offsets(%dma_start3A_399 : memref<80xi32, #tpu.memory_space<vmem>>) semaphore(%arg12 : memref<!tpu.dma_semaphore, #tpu.memory_space<semaphore_mem>>)
      } else {
      }
      %eq3A_320 = arith.constant 0 : i32
      %eq3A_321 = arith.cmpi eq, %rem3A_227, %eq3A_320 : i32
      %convert_element_type3A_322 = arith.extui %eq3A_321 : i1 to i32
      %cond3A_323 = arith.constant 0 : i32
      %cond3A_324 = arith.cmpi ne, %convert_element_type3A_322, %cond3A_323 : i32
      scf.if %cond3A_324 {
        %mul3A_335 = arith.constant 4 : i32
        %mul3A_336 = arith.muli %scan3A_226, %mul3A_335 : i32
        %add3A_337 = arith.constant 0 : i32
        %add3A_338 = arith.addi %mul3A_336, %add3A_337 : i32
        %dma_start3A_339 = arith.constant 0 : i32
        %dma_start3A_340 = arith.constant 0 : i32
        %dma_start3A_341 = arith.constant 0 : i32
        %dma_start3A_342 = arith.constant 0 : i32
        %dma_start3A_343 = tpu.memref_slice %arg10[%dma_start3A_339, %dma_start3A_340, %dma_start3A_341, %dma_start3A_342] : memref<3x4x80x64xf32, #tpu.memory_space<vmem>> -> memref<1x1x80x64xf32, #tpu.memory_space<vmem>>
        %dma_start3A_344 = tpu.memref_squeeze %dma_start3A_343 : memref<1x1x80x64xf32, #tpu.memory_space<vmem>> -> memref<80x64xf32, #tpu.memory_space<vmem>>
        %dma_start3A_345 = arith.constant 0 : i32
        %dma_start3A_346 = tpu.memref_slice %arg9[%add3A_338, %dma_start3A_345] : memref<125x80xi32, #tpu.memory_space<vmem>> -> memref<1x80xi32, #tpu.memory_space<vmem>>
        %dma_start3A_347 = tpu.memref_squeeze %dma_start3A_346 : memref<1x80xi32, #tpu.memory_space<vmem>> -> memref<80xi32, #tpu.memory_space<vmem>>
        %dma_start3A_348 = arith.constant 0 : i32
        %dma_start3A_349 = arith.constant 0 : i32
        %dma_start3A_350 = tpu.memref_slice %arg11[%dma_start3A_348, %dma_start3A_349] : memref<10000x64xf32, #tpu.memory_space<vmem_shared>> -> memref<10000x64xf32, #tpu.memory_space<vmem_shared>>
        tpu.enqueue_indirect_dma source(%dma_start3A_344 : memref<80x64xf32, #tpu.memory_space<vmem>>) target(%dma_start3A_350 : memref<10000x64xf32, #tpu.memory_space<vmem_shared>>) offsets(%dma_start3A_347 : memref<80xi32, #tpu.memory_space<vmem>>) semaphore(%arg13 : memref<!tpu.dma_semaphore, #tpu.memory_space<semaphore_mem>>) {add = true}
        %mul3A_351 = arith.constant 4 : i32
        %mul3A_352 = arith.muli %scan3A_226, %mul3A_351 : i32
        %add3A_353 = arith.constant 1 : i32
        %add3A_354 = arith.addi %mul3A_352, %add3A_353 : i32
        %dma_start3A_355 = arith.constant 0 : i32
        %dma_start3A_356 = arith.constant 1 : i32
        %dma_start3A_357 = arith.constant 0 : i32
        %dma_start3A_358 = arith.constant 0 : i32
        %dma_start3A_359 = tpu.memref_slice %arg10[%dma_start3A_355, %dma_start3A_356, %dma_start3A_357, %dma_start3A_358] : memref<3x4x80x64xf32, #tpu.memory_space<vmem>> -> memref<1x1x80x64xf32, #tpu.memory_space<vmem>>
        %dma_start3A_360 = tpu.memref_squeeze %dma_start3A_359 : memref<1x1x80x64xf32, #tpu.memory_space<vmem>> -> memref<80x64xf32, #tpu.memory_space<vmem>>
        %dma_start3A_361 = arith.constant 0 : i32
        %dma_start3A_362 = tpu.memref_slice %arg9[%add3A_354, %dma_start3A_361] : memref<125x80xi32, #tpu.memory_space<vmem>> -> memref<1x80xi32, #tpu.memory_space<vmem>>
        %dma_start3A_363 = tpu.memref_squeeze %dma_start3A_362 : memref<1x80xi32, #tpu.memory_space<vmem>> -> memref<80xi32, #tpu.memory_space<vmem>>
        %dma_start3A_364 = arith.constant 0 : i32
        %dma_start3A_365 = arith.constant 0 : i32
        %dma_start3A_366 = tpu.memref_slice %arg11[%dma_start3A_364, %dma_start3A_365] : memref<10000x64xf32, #tpu.memory_space<vmem_shared>> -> memref<10000x64xf32, #tpu.memory_space<vmem_shared>>
        tpu.enqueue_indirect_dma source(%dma_start3A_360 : memref<80x64xf32, #tpu.memory_space<vmem>>) target(%dma_start3A_366 : memref<10000x64xf32, #tpu.memory_space<vmem_shared>>) offsets(%dma_start3A_363 : memref<80xi32, #tpu.memory_space<vmem>>) semaphore(%arg13 : memref<!tpu.dma_semaphore, #tpu.memory_space<semaphore_mem>>) {add = true}
        %mul3A_367 = arith.constant 4 : i32
        %mul3A_368 = arith.muli %scan3A_226, %mul3A_367 : i32
        %add3A_369 = arith.constant 2 : i32
        %add3A_370 = arith.addi %mul3A_368, %add3A_369 : i32
        %dma_start3A_371 = arith.constant 0 : i32
        %dma_start3A_372 = arith.constant 2 : i32
        %dma_start3A_373 = arith.constant 0 : i32
        %dma_start3A_374 = arith.constant 0 : i32
        %dma_start3A_375 = tpu.memref_slice %arg10[%dma_start3A_371, %dma_start3A_372, %dma_start3A_373, %dma_start3A_374] : memref<3x4x80x64xf32, #tpu.memory_space<vmem>> -> memref<1x1x80x64xf32, #tpu.memory_space<vmem>>
        %dma_start3A_376 = tpu.memref_squeeze %dma_start3A_375 : memref<1x1x80x64xf32, #tpu.memory_space<vmem>> -> memref<80x64xf32, #tpu.memory_space<vmem>>
        %dma_start3A_377 = arith.constant 0 : i32
        %dma_start3A_378 = tpu.memref_slice %arg9[%add3A_370, %dma_start3A_377] : memref<125x80xi32, #tpu.memory_space<vmem>> -> memref<1x80xi32, #tpu.memory_space<vmem>>
        %dma_start3A_379 = tpu.memref_squeeze %dma_start3A_378 : memref<1x80xi32, #tpu.memory_space<vmem>> -> memref<80xi32, #tpu.memory_space<vmem>>
        %dma_start3A_380 = arith.constant 0 : i32
        %dma_start3A_381 = arith.constant 0 : i32
        %dma_start3A_382 = tpu.memref_slice %arg11[%dma_start3A_380, %dma_start3A_381] : memref<10000x64xf32, #tpu.memory_space<vmem_shared>> -> memref<10000x64xf32, #tpu.memory_space<vmem_shared>>
        tpu.enqueue_indirect_dma source(%dma_start3A_376 : memref<80x64xf32, #tpu.memory_space<vmem>>) target(%dma_start3A_382 : memref<10000x64xf32, #tpu.memory_space<vmem_shared>>) offsets(%dma_start3A_379 : memref<80xi32, #tpu.memory_space<vmem>>) semaphore(%arg13 : memref<!tpu.dma_semaphore, #tpu.memory_space<semaphore_mem>>) {add = true}
        %mul3A_383 = arith.constant 4 : i32
        %mul3A_384 = arith.muli %scan3A_226, %mul3A_383 : i32
        %add3A_385 = arith.constant 3 : i32
        %add3A_386 = arith.addi %mul3A_384, %add3A_385 : i32
        %dma_start3A_387 = arith.constant 0 : i32
        %dma_start3A_388 = arith.constant 3 : i32
        %dma_start3A_389 = arith.constant 0 : i32
        %dma_start3A_390 = arith.constant 0 : i32
        %dma_start3A_391 = tpu.memref_slice %arg10[%dma_start3A_387, %dma_start3A_388, %dma_start3A_389, %dma_start3A_390] : memref<3x4x80x64xf32, #tpu.memory_space<vmem>> -> memref<1x1x80x64xf32, #tpu.memory_space<vmem>>
        %dma_start3A_392 = tpu.memref_squeeze %dma_start3A_391 : memref<1x1x80x64xf32, #tpu.memory_space<vmem>> -> memref<80x64xf32, #tpu.memory_space<vmem>>
        %dma_start3A_393 = arith.constant 0 : i32
        %dma_start3A_394 = tpu.memref_slice %arg9[%add3A_386, %dma_start3A_393] : memref<125x80xi32, #tpu.memory_space<vmem>> -> memref<1x80xi32, #tpu.memory_space<vmem>>
        %dma_start3A_395 = tpu.memref_squeeze %dma_start3A_394 : memref<1x80xi32, #tpu.memory_space<vmem>> -> memref<80xi32, #tpu.memory_space<vmem>>
        %dma_start3A_396 = arith.constant 0 : i32
        %dma_start3A_397 = arith.constant 0 : i32
        %dma_start3A_398 = tpu.memref_slice %arg11[%dma_start3A_396, %dma_start3A_397] : memref<10000x64xf32, #tpu.memory_space<vmem_shared>> -> memref<10000x64xf32, #tpu.memory_space<vmem_shared>>
        tpu.enqueue_indirect_dma source(%dma_start3A_392 : memref<80x64xf32, #tpu.memory_space<vmem>>) target(%dma_start3A_398 : memref<10000x64xf32, #tpu.memory_space<vmem_shared>>) offsets(%dma_start3A_395 : memref<80xi32, #tpu.memory_space<vmem>>) semaphore(%arg13 : memref<!tpu.dma_semaphore, #tpu.memory_space<semaphore_mem>>) {add = true}
      } else {
      }
      %eq3A_325 = arith.constant 1 : i32
      %eq3A_326 = arith.cmpi eq, %rem3A_227, %eq3A_325 : i32
      %convert_element_type3A_327 = arith.extui %eq3A_326 : i1 to i32
      %cond3A_328 = arith.constant 0 : i32
      %cond3A_329 = arith.cmpi ne, %convert_element_type3A_327, %cond3A_328 : i32
      scf.if %cond3A_329 {
        %mul3A_335 = arith.constant 4 : i32
        %mul3A_336 = arith.muli %scan3A_226, %mul3A_335 : i32
        %add3A_337 = arith.constant 0 : i32
        %add3A_338 = arith.addi %mul3A_336, %add3A_337 : i32
        %dma_start3A_339 = arith.constant 1 : i32
        %dma_start3A_340 = arith.constant 0 : i32
        %dma_start3A_341 = arith.constant 0 : i32
        %dma_start3A_342 = arith.constant 0 : i32
        %dma_start3A_343 = tpu.memref_slice %arg10[%dma_start3A_339, %dma_start3A_340, %dma_start3A_341, %dma_start3A_342] : memref<3x4x80x64xf32, #tpu.memory_space<vmem>> -> memref<1x1x80x64xf32, #tpu.memory_space<vmem>>
        %dma_start3A_344 = tpu.memref_squeeze %dma_start3A_343 : memref<1x1x80x64xf32, #tpu.memory_space<vmem>> -> memref<80x64xf32, #tpu.memory_space<vmem>>
        %dma_start3A_345 = arith.constant 0 : i32
        %dma_start3A_346 = tpu.memref_slice %arg9[%add3A_338, %dma_start3A_345] : memref<125x80xi32, #tpu.memory_space<vmem>> -> memref<1x80xi32, #tpu.memory_space<vmem>>
        %dma_start3A_347 = tpu.memref_squeeze %dma_start3A_346 : memref<1x80xi32, #tpu.memory_space<vmem>> -> memref<80xi32, #tpu.memory_space<vmem>>
        %dma_start3A_348 = arith.constant 0 : i32
        %dma_start3A_349 = arith.constant 0 : i32
        %dma_start3A_350 = tpu.memref_slice %arg11[%dma_start3A_348, %dma_start3A_349] : memref<10000x64xf32, #tpu.memory_space<vmem_shared>> -> memref<10000x64xf32, #tpu.memory_space<vmem_shared>>
        tpu.enqueue_indirect_dma source(%dma_start3A_344 : memref<80x64xf32, #tpu.memory_space<vmem>>) target(%dma_start3A_350 : memref<10000x64xf32, #tpu.memory_space<vmem_shared>>) offsets(%dma_start3A_347 : memref<80xi32, #tpu.memory_space<vmem>>) semaphore(%arg14 : memref<!tpu.dma_semaphore, #tpu.memory_space<semaphore_mem>>) {add = true}
        %mul3A_351 = arith.constant 4 : i32
        %mul3A_352 = arith.muli %scan3A_226, %mul3A_351 : i32
        %add3A_353 = arith.constant 1 : i32
        %add3A_354 = arith.addi %mul3A_352, %add3A_353 : i32
        %dma_start3A_355 = arith.constant 1 : i32
        %dma_start3A_356 = arith.constant 1 : i32
        %dma_start3A_357 = arith.constant 0 : i32
        %dma_start3A_358 = arith.constant 0 : i32
        %dma_start3A_359 = tpu.memref_slice %arg10[%dma_start3A_355, %dma_start3A_356, %dma_start3A_357, %dma_start3A_358] : memref<3x4x80x64xf32, #tpu.memory_space<vmem>> -> memref<1x1x80x64xf32, #tpu.memory_space<vmem>>
        %dma_start3A_360 = tpu.memref_squeeze %dma_start3A_359 : memref<1x1x80x64xf32, #tpu.memory_space<vmem>> -> memref<80x64xf32, #tpu.memory_space<vmem>>
        %dma_start3A_361 = arith.constant 0 : i32
        %dma_start3A_362 = tpu.memref_slice %arg9[%add3A_354, %dma_start3A_361] : memref<125x80xi32, #tpu.memory_space<vmem>> -> memref<1x80xi32, #tpu.memory_space<vmem>>
        %dma_start3A_363 = tpu.memref_squeeze %dma_start3A_362 : memref<1x80xi32, #tpu.memory_space<vmem>> -> memref<80xi32, #tpu.memory_space<vmem>>
        %dma_start3A_364 = arith.constant 0 : i32
        %dma_start3A_365 = arith.constant 0 : i32
        %dma_start3A_366 = tpu.memref_slice %arg11[%dma_start3A_364, %dma_start3A_365] : memref<10000x64xf32, #tpu.memory_space<vmem_shared>> -> memref<10000x64xf32, #tpu.memory_space<vmem_shared>>
        tpu.enqueue_indirect_dma source(%dma_start3A_360 : memref<80x64xf32, #tpu.memory_space<vmem>>) target(%dma_start3A_366 : memref<10000x64xf32, #tpu.memory_space<vmem_shared>>) offsets(%dma_start3A_363 : memref<80xi32, #tpu.memory_space<vmem>>) semaphore(%arg14 : memref<!tpu.dma_semaphore, #tpu.memory_space<semaphore_mem>>) {add = true}
        %mul3A_367 = arith.constant 4 : i32
        %mul3A_368 = arith.muli %scan3A_226, %mul3A_367 : i32
        %add3A_369 = arith.constant 2 : i32
        %add3A_370 = arith.addi %mul3A_368, %add3A_369 : i32
        %dma_start3A_371 = arith.constant 1 : i32
        %dma_start3A_372 = arith.constant 2 : i32
        %dma_start3A_373 = arith.constant 0 : i32
        %dma_start3A_374 = arith.constant 0 : i32
        %dma_start3A_375 = tpu.memref_slice %arg10[%dma_start3A_371, %dma_start3A_372, %dma_start3A_373, %dma_start3A_374] : memref<3x4x80x64xf32, #tpu.memory_space<vmem>> -> memref<1x1x80x64xf32, #tpu.memory_space<vmem>>
        %dma_start3A_376 = tpu.memref_squeeze %dma_start3A_375 : memref<1x1x80x64xf32, #tpu.memory_space<vmem>> -> memref<80x64xf32, #tpu.memory_space<vmem>>
        %dma_start3A_377 = arith.constant 0 : i32
        %dma_start3A_378 = tpu.memref_slice %arg9[%add3A_370, %dma_start3A_377] : memref<125x80xi32, #tpu.memory_space<vmem>> -> memref<1x80xi32, #tpu.memory_space<vmem>>
        %dma_start3A_379 = tpu.memref_squeeze %dma_start3A_378 : memref<1x80xi32, #tpu.memory_space<vmem>> -> memref<80xi32, #tpu.memory_space<vmem>>
        %dma_start3A_380 = arith.constant 0 : i32
        %dma_start3A_381 = arith.constant 0 : i32
        %dma_start3A_382 = tpu.memref_slice %arg11[%dma_start3A_380, %dma_start3A_381] : memref<10000x64xf32, #tpu.memory_space<vmem_shared>> -> memref<10000x64xf32, #tpu.memory_space<vmem_shared>>
        tpu.enqueue_indirect_dma source(%dma_start3A_376 : memref<80x64xf32, #tpu.memory_space<vmem>>) target(%dma_start3A_382 : memref<10000x64xf32, #tpu.memory_space<vmem_shared>>) offsets(%dma_start3A_379 : memref<80xi32, #tpu.memory_space<vmem>>) semaphore(%arg14 : memref<!tpu.dma_semaphore, #tpu.memory_space<semaphore_mem>>) {add = true}
        %mul3A_383 = arith.constant 4 : i32
        %mul3A_384 = arith.muli %scan3A_226, %mul3A_383 : i32
        %add3A_385 = arith.constant 3 : i32
        %add3A_386 = arith.addi %mul3A_384, %add3A_385 : i32
        %dma_start3A_387 = arith.constant 1 : i32
        %dma_start3A_388 = arith.constant 3 : i32
        %dma_start3A_389 = arith.constant 0 : i32
        %dma_start3A_390 = arith.constant 0 : i32
        %dma_start3A_391 = tpu.memref_slice %arg10[%dma_start3A_387, %dma_start3A_388, %dma_start3A_389, %dma_start3A_390] : memref<3x4x80x64xf32, #tpu.memory_space<vmem>> -> memref<1x1x80x64xf32, #tpu.memory_space<vmem>>
        %dma_start3A_392 = tpu.memref_squeeze %dma_start3A_391 : memref<1x1x80x64xf32, #tpu.memory_space<vmem>> -> memref<80x64xf32, #tpu.memory_space<vmem>>
        %dma_start3A_393 = arith.constant 0 : i32
        %dma_start3A_394 = tpu.memref_slice %arg9[%add3A_386, %dma_start3A_393] : memref<125x80xi32, #tpu.memory_space<vmem>> -> memref<1x80xi32, #tpu.memory_space<vmem>>
        %dma_start3A_395 = tpu.memref_squeeze %dma_start3A_394 : memref<1x80xi32, #tpu.memory_space<vmem>> -> memref<80xi32, #tpu.memory_space<vmem>>
        %dma_start3A_396 = arith.constant 0 : i32
        %dma_start3A_397 = arith.constant 0 : i32
        %dma_start3A_398 = tpu.memref_slice %arg11[%dma_start3A_396, %dma_start3A_397] : memref<10000x64xf32, #tpu.memory_space<vmem_shared>> -> memref<10000x64xf32, #tpu.memory_space<vmem_shared>>
        tpu.enqueue_indirect_dma source(%dma_start3A_392 : memref<80x64xf32, #tpu.memory_space<vmem>>) target(%dma_start3A_398 : memref<10000x64xf32, #tpu.memory_space<vmem_shared>>) offsets(%dma_start3A_395 : memref<80xi32, #tpu.memory_space<vmem>>) semaphore(%arg14 : memref<!tpu.dma_semaphore, #tpu.memory_space<semaphore_mem>>) {add = true}
      } else {
      }
      %eq3A_330 = arith.constant 2 : i32
      %eq3A_331 = arith.cmpi eq, %rem3A_227, %eq3A_330 : i32
      %convert_element_type3A_332 = arith.extui %eq3A_331 : i1 to i32
      %cond3A_333 = arith.constant 0 : i32
      %cond3A_334 = arith.cmpi ne, %convert_element_type3A_332, %cond3A_333 : i32
      scf.if %cond3A_334 {
        %mul3A_335 = arith.constant 4 : i32
        %mul3A_336 = arith.muli %scan3A_226, %mul3A_335 : i32
        %add3A_337 = arith.constant 0 : i32
        %add3A_338 = arith.addi %mul3A_336, %add3A_337 : i32
        %dma_start3A_339 = arith.constant 2 : i32
        %dma_start3A_340 = arith.constant 0 : i32
        %dma_start3A_341 = arith.constant 0 : i32
        %dma_start3A_342 = arith.constant 0 : i32
        %dma_start3A_343 = tpu.memref_slice %arg10[%dma_start3A_339, %dma_start3A_340, %dma_start3A_341, %dma_start3A_342] : memref<3x4x80x64xf32, #tpu.memory_space<vmem>> -> memref<1x1x80x64xf32, #tpu.memory_space<vmem>>
        %dma_start3A_344 = tpu.memref_squeeze %dma_start3A_343 : memref<1x1x80x64xf32, #tpu.memory_space<vmem>> -> memref<80x64xf32, #tpu.memory_space<vmem>>
        %dma_start3A_345 = arith.constant 0 : i32
        %dma_start3A_346 = tpu.memref_slice %arg9[%add3A_338, %dma_start3A_345] : memref<125x80xi32, #tpu.memory_space<vmem>> -> memref<1x80xi32, #tpu.memory_space<vmem>>
        %dma_start3A_347 = tpu.memref_squeeze %dma_start3A_346 : memref<1x80xi32, #tpu.memory_space<vmem>> -> memref<80xi32, #tpu.memory_space<vmem>>
        %dma_start3A_348 = arith.constant 0 : i32
        %dma_start3A_349 = arith.constant 0 : i32
        %dma_start3A_350 = tpu.memref_slice %arg11[%dma_start3A_348, %dma_start3A_349] : memref<10000x64xf32, #tpu.memory_space<vmem_shared>> -> memref<10000x64xf32, #tpu.memory_space<vmem_shared>>
        tpu.enqueue_indirect_dma source(%dma_start3A_344 : memref<80x64xf32, #tpu.memory_space<vmem>>) target(%dma_start3A_350 : memref<10000x64xf32, #tpu.memory_space<vmem_shared>>) offsets(%dma_start3A_347 : memref<80xi32, #tpu.memory_space<vmem>>) semaphore(%arg15 : memref<!tpu.dma_semaphore, #tpu.memory_space<semaphore_mem>>) {add = true}
        %mul3A_351 = arith.constant 4 : i32
        %mul3A_352 = arith.muli %scan3A_226, %mul3A_351 : i32
        %add3A_353 = arith.constant 1 : i32
        %add3A_354 = arith.addi %mul3A_352, %add3A_353 : i32
        %dma_start3A_355 = arith.constant 2 : i32
        %dma_start3A_356 = arith.constant 1 : i32
        %dma_start3A_357 = arith.constant 0 : i32
        %dma_start3A_358 = arith.constant 0 : i32
        %dma_start3A_359 = tpu.memref_slice %arg10[%dma_start3A_355, %dma_start3A_356, %dma_start3A_357, %dma_start3A_358] : memref<3x4x80x64xf32, #tpu.memory_space<vmem>> -> memref<1x1x80x64xf32, #tpu.memory_space<vmem>>
        %dma_start3A_360 = tpu.memref_squeeze %dma_start3A_359 : memref<1x1x80x64xf32, #tpu.memory_space<vmem>> -> memref<80x64xf32, #tpu.memory_space<vmem>>
        %dma_start3A_361 = arith.constant 0 : i32
        %dma_start3A_362 = tpu.memref_slice %arg9[%add3A_354, %dma_start3A_361] : memref<125x80xi32, #tpu.memory_space<vmem>> -> memref<1x80xi32, #tpu.memory_space<vmem>>
        %dma_start3A_363 = tpu.memref_squeeze %dma_start3A_362 : memref<1x80xi32, #tpu.memory_space<vmem>> -> memref<80xi32, #tpu.memory_space<vmem>>
        %dma_start3A_364 = arith.constant 0 : i32
        %dma_start3A_365 = arith.constant 0 : i32
        %dma_start3A_366 = tpu.memref_slice %arg11[%dma_start3A_364, %dma_start3A_365] : memref<10000x64xf32, #tpu.memory_space<vmem_shared>> -> memref<10000x64xf32, #tpu.memory_space<vmem_shared>>
        tpu.enqueue_indirect_dma source(%dma_start3A_360 : memref<80x64xf32, #tpu.memory_space<vmem>>) target(%dma_start3A_366 : memref<10000x64xf32, #tpu.memory_space<vmem_shared>>) offsets(%dma_start3A_363 : memref<80xi32, #tpu.memory_space<vmem>>) semaphore(%arg15 : memref<!tpu.dma_semaphore, #tpu.memory_space<semaphore_mem>>) {add = true}
        %mul3A_367 = arith.constant 4 : i32
        %mul3A_368 = arith.muli %scan3A_226, %mul3A_367 : i32
        %add3A_369 = arith.constant 2 : i32
        %add3A_370 = arith.addi %mul3A_368, %add3A_369 : i32
        %dma_start3A_371 = arith.constant 2 : i32
        %dma_start3A_372 = arith.constant 2 : i32
        %dma_start3A_373 = arith.constant 0 : i32
        %dma_start3A_374 = arith.constant 0 : i32
        %dma_start3A_375 = tpu.memref_slice %arg10[%dma_start3A_371, %dma_start3A_372, %dma_start3A_373, %dma_start3A_374] : memref<3x4x80x64xf32, #tpu.memory_space<vmem>> -> memref<1x1x80x64xf32, #tpu.memory_space<vmem>>
        %dma_start3A_376 = tpu.memref_squeeze %dma_start3A_375 : memref<1x1x80x64xf32, #tpu.memory_space<vmem>> -> memref<80x64xf32, #tpu.memory_space<vmem>>
        %dma_start3A_377 = arith.constant 0 : i32
        %dma_start3A_378 = tpu.memref_slice %arg9[%add3A_370, %dma_start3A_377] : memref<125x80xi32, #tpu.memory_space<vmem>> -> memref<1x80xi32, #tpu.memory_space<vmem>>
        %dma_start3A_379 = tpu.memref_squeeze %dma_start3A_378 : memref<1x80xi32, #tpu.memory_space<vmem>> -> memref<80xi32, #tpu.memory_space<vmem>>
        %dma_start3A_380 = arith.constant 0 : i32
        %dma_start3A_381 = arith.constant 0 : i32
        %dma_start3A_382 = tpu.memref_slice %arg11[%dma_start3A_380, %dma_start3A_381] : memref<10000x64xf32, #tpu.memory_space<vmem_shared>> -> memref<10000x64xf32, #tpu.memory_space<vmem_shared>>
        tpu.enqueue_indirect_dma source(%dma_start3A_376 : memref<80x64xf32, #tpu.memory_space<vmem>>) target(%dma_start3A_382 : memref<10000x64xf32, #tpu.memory_space<vmem_shared>>) offsets(%dma_start3A_379 : memref<80xi32, #tpu.memory_space<vmem>>) semaphore(%arg15 : memref<!tpu.dma_semaphore, #tpu.memory_space<semaphore_mem>>) {add = true}
        %mul3A_383 = arith.constant 4 : i32
        %mul3A_384 = arith.muli %scan3A_226, %mul3A_383 : i32
        %add3A_385 = arith.constant 3 : i32
        %add3A_386 = arith.addi %mul3A_384, %add3A_385 : i32
        %dma_start3A_387 = arith.constant 2 : i32
        %dma_start3A_388 = arith.constant 3 : i32
        %dma_start3A_389 = arith.constant 0 : i32
        %dma_start3A_390 = arith.constant 0 : i32
        %dma_start3A_391 = tpu.memref_slice %arg10[%dma_start3A_387, %dma_start3A_388, %dma_start3A_389, %dma_start3A_390] : memref<3x4x80x64xf32, #tpu.memory_space<vmem>> -> memref<1x1x80x64xf32, #tpu.memory_space<vmem>>
        %dma_start3A_392 = tpu.memref_squeeze %dma_start3A_391 : memref<1x1x80x64xf32, #tpu.memory_space<vmem>> -> memref<80x64xf32, #tpu.memory_space<vmem>>
        %dma_start3A_393 = arith.constant 0 : i32
        %dma_start3A_394 = tpu.memref_slice %arg9[%add3A_386, %dma_start3A_393] : memref<125x80xi32, #tpu.memory_space<vmem>> -> memref<1x80xi32, #tpu.memory_space<vmem>>
        %dma_start3A_395 = tpu.memref_squeeze %dma_start3A_394 : memref<1x80xi32, #tpu.memory_space<vmem>> -> memref<80xi32, #tpu.memory_space<vmem>>
        %dma_start3A_396 = arith.constant 0 : i32
        %dma_start3A_397 = arith.constant 0 : i32
        %dma_start3A_398 = tpu.memref_slice %arg11[%dma_start3A_396, %dma_start3A_397] : memref<10000x64xf32, #tpu.memory_space<vmem_shared>> -> memref<10000x64xf32, #tpu.memory_space<vmem_shared>>
        tpu.enqueue_indirect_dma source(%dma_start3A_392 : memref<80x64xf32, #tpu.memory_space<vmem>>) target(%dma_start3A_398 : memref<10000x64xf32, #tpu.memory_space<vmem_shared>>) offsets(%dma_start3A_395 : memref<80xi32, #tpu.memory_space<vmem>>) semaphore(%arg15 : memref<!tpu.dma_semaphore, #tpu.memory_space<semaphore_mem>>) {add = true}
      } else {
      }
    }
    %scan3A_105 = arith.constant 31 : i32
    %dma_wait3A_106 = arith.constant 2 : i32
    %dma_wait3A_107 = arith.constant 0 : i32
    %dma_wait3A_108 = arith.constant 0 : i32
    %dma_wait3A_109 = arith.constant 0 : i32
    %dma_wait3A_110 = arith.constant 0 : i32
    %dma_wait3A_111 = tpu.memref_slice %arg10[%dma_wait3A_106, %dma_wait3A_107, %dma_wait3A_109, %dma_wait3A_110] : memref<3x4x80x64xf32, #tpu.memory_space<vmem>> -> memref<1x1x80x64xf32, #tpu.memory_space<vmem>>
    %dma_wait3A_112 = tpu.memref_squeeze %dma_wait3A_111 : memref<1x1x80x64xf32, #tpu.memory_space<vmem>> -> memref<80x64xf32, #tpu.memory_space<vmem>>
    %dma_wait3A_113 = arith.constant 0 : i32
    %dma_wait3A_114 = tpu.memref_slice %arg9[%dma_wait3A_108, %dma_wait3A_113] : memref<125x80xi32, #tpu.memory_space<vmem>> -> memref<1x80xi32, #tpu.memory_space<vmem>>
    %dma_wait3A_115 = tpu.memref_squeeze %dma_wait3A_114 : memref<1x80xi32, #tpu.memory_space<vmem>> -> memref<80xi32, #tpu.memory_space<vmem>>
    %dma_wait3A_116 = arith.constant 0 : i32
    %dma_wait3A_117 = arith.constant 0 : i32
    %dma_wait3A_118 = tpu.memref_slice %arg11[%dma_wait3A_116, %dma_wait3A_117] : memref<10000x64xf32, #tpu.memory_space<vmem_shared>> -> memref<10000x64xf32, #tpu.memory_space<vmem_shared>>
    tpu.wait_indirect_dma semaphore(%arg15 : memref<!tpu.dma_semaphore, #tpu.memory_space<semaphore_mem>>) src(%dma_wait3A_112 : memref<80x64xf32, #tpu.memory_space<vmem>>) dst(%dma_wait3A_118 : memref<10000x64xf32, #tpu.memory_space<vmem_shared>>)
    %dma_wait3A_119 = arith.constant 2 : i32
    %dma_wait3A_120 = arith.constant 1 : i32
    %dma_wait3A_121 = arith.constant 0 : i32
    %dma_wait3A_122 = arith.constant 0 : i32
    %dma_wait3A_123 = arith.constant 0 : i32
    %dma_wait3A_124 = tpu.memref_slice %arg10[%dma_wait3A_119, %dma_wait3A_120, %dma_wait3A_122, %dma_wait3A_123] : memref<3x4x80x64xf32, #tpu.memory_space<vmem>> -> memref<1x1x80x64xf32, #tpu.memory_space<vmem>>
    %dma_wait3A_125 = tpu.memref_squeeze %dma_wait3A_124 : memref<1x1x80x64xf32, #tpu.memory_space<vmem>> -> memref<80x64xf32, #tpu.memory_space<vmem>>
    %dma_wait3A_126 = arith.constant 0 : i32
    %dma_wait3A_127 = tpu.memref_slice %arg9[%dma_wait3A_121, %dma_wait3A_126] : memref<125x80xi32, #tpu.memory_space<vmem>> -> memref<1x80xi32, #tpu.memory_space<vmem>>
    %dma_wait3A_128 = tpu.memref_squeeze %dma_wait3A_127 : memref<1x80xi32, #tpu.memory_space<vmem>> -> memref<80xi32, #tpu.memory_space<vmem>>
    %dma_wait3A_129 = arith.constant 0 : i32
    %dma_wait3A_130 = arith.constant 0 : i32
    %dma_wait3A_131 = tpu.memref_slice %arg11[%dma_wait3A_129, %dma_wait3A_130] : memref<10000x64xf32, #tpu.memory_space<vmem_shared>> -> memref<10000x64xf32, #tpu.memory_space<vmem_shared>>
    tpu.wait_indirect_dma semaphore(%arg15 : memref<!tpu.dma_semaphore, #tpu.memory_space<semaphore_mem>>) src(%dma_wait3A_125 : memref<80x64xf32, #tpu.memory_space<vmem>>) dst(%dma_wait3A_131 : memref<10000x64xf32, #tpu.memory_space<vmem_shared>>)
    %dma_wait3A_132 = arith.constant 2 : i32
    %dma_wait3A_133 = arith.constant 2 : i32
    %dma_wait3A_134 = arith.constant 0 : i32
    %dma_wait3A_135 = arith.constant 0 : i32
    %dma_wait3A_136 = arith.constant 0 : i32
    %dma_wait3A_137 = tpu.memref_slice %arg10[%dma_wait3A_132, %dma_wait3A_133, %dma_wait3A_135, %dma_wait3A_136] : memref<3x4x80x64xf32, #tpu.memory_space<vmem>> -> memref<1x1x80x64xf32, #tpu.memory_space<vmem>>
    %dma_wait3A_138 = tpu.memref_squeeze %dma_wait3A_137 : memref<1x1x80x64xf32, #tpu.memory_space<vmem>> -> memref<80x64xf32, #tpu.memory_space<vmem>>
    %dma_wait3A_139 = arith.constant 0 : i32
    %dma_wait3A_140 = tpu.memref_slice %arg9[%dma_wait3A_134, %dma_wait3A_139] : memref<125x80xi32, #tpu.memory_space<vmem>> -> memref<1x80xi32, #tpu.memory_space<vmem>>
    %dma_wait3A_141 = tpu.memref_squeeze %dma_wait3A_140 : memref<1x80xi32, #tpu.memory_space<vmem>> -> memref<80xi32, #tpu.memory_space<vmem>>
    %dma_wait3A_142 = arith.constant 0 : i32
    %dma_wait3A_143 = arith.constant 0 : i32
    %dma_wait3A_144 = tpu.memref_slice %arg11[%dma_wait3A_142, %dma_wait3A_143] : memref<10000x64xf32, #tpu.memory_space<vmem_shared>> -> memref<10000x64xf32, #tpu.memory_space<vmem_shared>>
    tpu.wait_indirect_dma semaphore(%arg15 : memref<!tpu.dma_semaphore, #tpu.memory_space<semaphore_mem>>) src(%dma_wait3A_138 : memref<80x64xf32, #tpu.memory_space<vmem>>) dst(%dma_wait3A_144 : memref<10000x64xf32, #tpu.memory_space<vmem_shared>>)
    %dma_wait3A_145 = arith.constant 2 : i32
    %dma_wait3A_146 = arith.constant 3 : i32
    %dma_wait3A_147 = arith.constant 0 : i32
    %dma_wait3A_148 = arith.constant 0 : i32
    %dma_wait3A_149 = arith.constant 0 : i32
    %dma_wait3A_150 = tpu.memref_slice %arg10[%dma_wait3A_145, %dma_wait3A_146, %dma_wait3A_148, %dma_wait3A_149] : memref<3x4x80x64xf32, #tpu.memory_space<vmem>> -> memref<1x1x80x64xf32, #tpu.memory_space<vmem>>
    %dma_wait3A_151 = tpu.memref_squeeze %dma_wait3A_150 : memref<1x1x80x64xf32, #tpu.memory_space<vmem>> -> memref<80x64xf32, #tpu.memory_space<vmem>>
    %dma_wait3A_152 = arith.constant 0 : i32
    %dma_wait3A_153 = tpu.memref_slice %arg9[%dma_wait3A_147, %dma_wait3A_152] : memref<125x80xi32, #tpu.memory_space<vmem>> -> memref<1x80xi32, #tpu.memory_space<vmem>>
    %dma_wait3A_154 = tpu.memref_squeeze %dma_wait3A_153 : memref<1x80xi32, #tpu.memory_space<vmem>> -> memref<80xi32, #tpu.memory_space<vmem>>
    %dma_wait3A_155 = arith.constant 0 : i32
    %dma_wait3A_156 = arith.constant 0 : i32
    %dma_wait3A_157 = tpu.memref_slice %arg11[%dma_wait3A_155, %dma_wait3A_156] : memref<10000x64xf32, #tpu.memory_space<vmem_shared>> -> memref<10000x64xf32, #tpu.memory_space<vmem_shared>>
    tpu.wait_indirect_dma semaphore(%arg15 : memref<!tpu.dma_semaphore, #tpu.memory_space<semaphore_mem>>) src(%dma_wait3A_151 : memref<80x64xf32, #tpu.memory_space<vmem>>) dst(%dma_wait3A_157 : memref<10000x64xf32, #tpu.memory_space<vmem_shared>>)
    %dma_wait3A_158 = arith.constant 0 : i32
    %dma_wait3A_159 = arith.constant 0 : i32
    %dma_wait3A_160 = arith.constant 0 : i32
    %dma_wait3A_161 = arith.constant 0 : i32
    %dma_wait3A_162 = arith.constant 0 : i32
    %dma_wait3A_163 = tpu.memref_slice %arg10[%dma_wait3A_158, %dma_wait3A_159, %dma_wait3A_161, %dma_wait3A_162] : memref<3x4x80x64xf32, #tpu.memory_space<vmem>> -> memref<1x1x80x64xf32, #tpu.memory_space<vmem>>
    %dma_wait3A_164 = tpu.memref_squeeze %dma_wait3A_163 : memref<1x1x80x64xf32, #tpu.memory_space<vmem>> -> memref<80x64xf32, #tpu.memory_space<vmem>>
    %dma_wait3A_165 = arith.constant 0 : i32
    %dma_wait3A_166 = tpu.memref_slice %arg9[%dma_wait3A_160, %dma_wait3A_165] : memref<125x80xi32, #tpu.memory_space<vmem>> -> memref<1x80xi32, #tpu.memory_space<vmem>>
    %dma_wait3A_167 = tpu.memref_squeeze %dma_wait3A_166 : memref<1x80xi32, #tpu.memory_space<vmem>> -> memref<80xi32, #tpu.memory_space<vmem>>
    %dma_wait3A_168 = arith.constant 0 : i32
    %dma_wait3A_169 = arith.constant 0 : i32
    %dma_wait3A_170 = tpu.memref_slice %arg11[%dma_wait3A_168, %dma_wait3A_169] : memref<10000x64xf32, #tpu.memory_space<vmem_shared>> -> memref<10000x64xf32, #tpu.memory_space<vmem_shared>>
    tpu.wait_indirect_dma semaphore(%arg13 : memref<!tpu.dma_semaphore, #tpu.memory_space<semaphore_mem>>) src(%dma_wait3A_164 : memref<80x64xf32, #tpu.memory_space<vmem>>) dst(%dma_wait3A_170 : memref<10000x64xf32, #tpu.memory_space<vmem_shared>>)
    %dma_wait3A_171 = arith.constant 0 : i32
    %dma_wait3A_172 = arith.constant 1 : i32
    %dma_wait3A_173 = arith.constant 0 : i32
    %dma_wait3A_174 = arith.constant 0 : i32
    %dma_wait3A_175 = arith.constant 0 : i32
    %dma_wait3A_176 = tpu.memref_slice %arg10[%dma_wait3A_171, %dma_wait3A_172, %dma_wait3A_174, %dma_wait3A_175] : memref<3x4x80x64xf32, #tpu.memory_space<vmem>> -> memref<1x1x80x64xf32, #tpu.memory_space<vmem>>
    %dma_wait3A_177 = tpu.memref_squeeze %dma_wait3A_176 : memref<1x1x80x64xf32, #tpu.memory_space<vmem>> -> memref<80x64xf32, #tpu.memory_space<vmem>>
    %dma_wait3A_178 = arith.constant 0 : i32
    %dma_wait3A_179 = tpu.memref_slice %arg9[%dma_wait3A_173, %dma_wait3A_178] : memref<125x80xi32, #tpu.memory_space<vmem>> -> memref<1x80xi32, #tpu.memory_space<vmem>>
    %dma_wait3A_180 = tpu.memref_squeeze %dma_wait3A_179 : memref<1x80xi32, #tpu.memory_space<vmem>> -> memref<80xi32, #tpu.memory_space<vmem>>
    %dma_wait3A_181 = arith.constant 0 : i32
    %dma_wait3A_182 = arith.constant 0 : i32
    %dma_wait3A_183 = tpu.memref_slice %arg11[%dma_wait3A_181, %dma_wait3A_182] : memref<10000x64xf32, #tpu.memory_space<vmem_shared>> -> memref<10000x64xf32, #tpu.memory_space<vmem_shared>>
    tpu.wait_indirect_dma semaphore(%arg13 : memref<!tpu.dma_semaphore, #tpu.memory_space<semaphore_mem>>) src(%dma_wait3A_177 : memref<80x64xf32, #tpu.memory_space<vmem>>) dst(%dma_wait3A_183 : memref<10000x64xf32, #tpu.memory_space<vmem_shared>>)
    %dma_wait3A_184 = arith.constant 0 : i32
    %dma_wait3A_185 = arith.constant 2 : i32
    %dma_wait3A_186 = arith.constant 0 : i32
    %dma_wait3A_187 = arith.constant 0 : i32
    %dma_wait3A_188 = arith.constant 0 : i32
    %dma_wait3A_189 = tpu.memref_slice %arg10[%dma_wait3A_184, %dma_wait3A_185, %dma_wait3A_187, %dma_wait3A_188] : memref<3x4x80x64xf32, #tpu.memory_space<vmem>> -> memref<1x1x80x64xf32, #tpu.memory_space<vmem>>
    %dma_wait3A_190 = tpu.memref_squeeze %dma_wait3A_189 : memref<1x1x80x64xf32, #tpu.memory_space<vmem>> -> memref<80x64xf32, #tpu.memory_space<vmem>>
    %dma_wait3A_191 = arith.constant 0 : i32
    %dma_wait3A_192 = tpu.memref_slice %arg9[%dma_wait3A_186, %dma_wait3A_191] : memref<125x80xi32, #tpu.memory_space<vmem>> -> memref<1x80xi32, #tpu.memory_space<vmem>>
    %dma_wait3A_193 = tpu.memref_squeeze %dma_wait3A_192 : memref<1x80xi32, #tpu.memory_space<vmem>> -> memref<80xi32, #tpu.memory_space<vmem>>
    %dma_wait3A_194 = arith.constant 0 : i32
    %dma_wait3A_195 = arith.constant 0 : i32
    %dma_wait3A_196 = tpu.memref_slice %arg11[%dma_wait3A_194, %dma_wait3A_195] : memref<10000x64xf32, #tpu.memory_space<vmem_shared>> -> memref<10000x64xf32, #tpu.memory_space<vmem_shared>>
    tpu.wait_indirect_dma semaphore(%arg13 : memref<!tpu.dma_semaphore, #tpu.memory_space<semaphore_mem>>) src(%dma_wait3A_190 : memref<80x64xf32, #tpu.memory_space<vmem>>) dst(%dma_wait3A_196 : memref<10000x64xf32, #tpu.memory_space<vmem_shared>>)
    %dma_wait3A_197 = arith.constant 0 : i32
    %dma_wait3A_198 = arith.constant 3 : i32
    %dma_wait3A_199 = arith.constant 0 : i32
    %dma_wait3A_200 = arith.constant 0 : i32
    %dma_wait3A_201 = arith.constant 0 : i32
    %dma_wait3A_202 = tpu.memref_slice %arg10[%dma_wait3A_197, %dma_wait3A_198, %dma_wait3A_200, %dma_wait3A_201] : memref<3x4x80x64xf32, #tpu.memory_space<vmem>> -> memref<1x1x80x64xf32, #tpu.memory_space<vmem>>
    %dma_wait3A_203 = tpu.memref_squeeze %dma_wait3A_202 : memref<1x1x80x64xf32, #tpu.memory_space<vmem>> -> memref<80x64xf32, #tpu.memory_space<vmem>>
    %dma_wait3A_204 = arith.constant 0 : i32
    %dma_wait3A_205 = tpu.memref_slice %arg9[%dma_wait3A_199, %dma_wait3A_204] : memref<125x80xi32, #tpu.memory_space<vmem>> -> memref<1x80xi32, #tpu.memory_space<vmem>>
    %dma_wait3A_206 = tpu.memref_squeeze %dma_wait3A_205 : memref<1x80xi32, #tpu.memory_space<vmem>> -> memref<80xi32, #tpu.memory_space<vmem>>
    %dma_wait3A_207 = arith.constant 0 : i32
    %dma_wait3A_208 = arith.constant 0 : i32
    %dma_wait3A_209 = tpu.memref_slice %arg11[%dma_wait3A_207, %dma_wait3A_208] : memref<10000x64xf32, #tpu.memory_space<vmem_shared>> -> memref<10000x64xf32, #tpu.memory_space<vmem_shared>>
    tpu.wait_indirect_dma semaphore(%arg13 : memref<!tpu.dma_semaphore, #tpu.memory_space<semaphore_mem>>) src(%dma_wait3A_203 : memref<80x64xf32, #tpu.memory_space<vmem>>) dst(%dma_wait3A_209 : memref<10000x64xf32, #tpu.memory_space<vmem_shared>>)
    %run_scoped3A = arith.constant 124 : i32
    %run_scoped3A_210 = arith.constant 0 : i32
    %run_scoped3A_211 = arith.constant 0 : i32
    "tpu.region"() ({
      %run_scoped3A_226 = tpu.sem_alloc : memref<!tpu.dma_semaphore, #tpu.memory_space<semaphore_mem>>
      %dma_start3A_227 = arith.constant 0 : i32
      %dma_start3A_228 = arith.constant 0 : i32
      %dma_start3A_229 = tpu.memref_slice %arg10[%run_scoped3A_210, %run_scoped3A_211, %dma_start3A_227, %dma_start3A_228] : memref<3x4x80x64xf32, #tpu.memory_space<vmem>> -> memref<1x1x80x64xf32, #tpu.memory_space<vmem>>
      %dma_start3A_230 = tpu.memref_squeeze %dma_start3A_229 : memref<1x1x80x64xf32, #tpu.memory_space<vmem>> -> memref<80x64xf32, #tpu.memory_space<vmem>>
      %dma_start3A_231 = arith.constant 0 : i32
      %dma_start3A_232 = tpu.memref_slice %arg8[%run_scoped3A, %dma_start3A_231] : memref<125x80xi32, #tpu.memory_space<vmem>> -> memref<1x80xi32, #tpu.memory_space<vmem>>
      %dma_start3A_233 = tpu.memref_squeeze %dma_start3A_232 : memref<1x80xi32, #tpu.memory_space<vmem>> -> memref<80xi32, #tpu.memory_space<vmem>>
      %dma_start3A_234 = arith.constant 0 : i32
      %dma_start3A_235 = arith.constant 0 : i32
      %dma_start3A_236 = tpu.memref_slice %arg2[%dma_start3A_234, %dma_start3A_235] : memref<10000x64xf32, #tpu.memory_space<hbm>> -> memref<10000x64xf32, #tpu.memory_space<hbm>>
      tpu.enqueue_indirect_dma source(%dma_start3A_236 : memref<10000x64xf32, #tpu.memory_space<hbm>>) target(%dma_start3A_230 : memref<80x64xf32, #tpu.memory_space<vmem>>) offsets(%dma_start3A_233 : memref<80xi32, #tpu.memory_space<vmem>>) semaphore(%run_scoped3A_226 : memref<!tpu.dma_semaphore, #tpu.memory_space<semaphore_mem>>)
      %dma_wait3A_237 = arith.constant 0 : i32
      %dma_wait3A_238 = arith.constant 0 : i32
      %dma_wait3A_239 = tpu.memref_slice %arg10[%run_scoped3A_210, %run_scoped3A_211, %dma_wait3A_237, %dma_wait3A_238] : memref<3x4x80x64xf32, #tpu.memory_space<vmem>> -> memref<1x1x80x64xf32, #tpu.memory_space<vmem>>
      %dma_wait3A_240 = tpu.memref_squeeze %dma_wait3A_239 : memref<1x1x80x64xf32, #tpu.memory_space<vmem>> -> memref<80x64xf32, #tpu.memory_space<vmem>>
      %dma_wait3A_241 = arith.constant 0 : i32
      %dma_wait3A_242 = tpu.memref_slice %arg8[%run_scoped3A, %dma_wait3A_241] : memref<125x80xi32, #tpu.memory_space<vmem>> -> memref<1x80xi32, #tpu.memory_space<vmem>>
      %dma_wait3A_243 = tpu.memref_squeeze %dma_wait3A_242 : memref<1x80xi32, #tpu.memory_space<vmem>> -> memref<80xi32, #tpu.memory_space<vmem>>
      %dma_wait3A_244 = arith.constant 0 : i32
      %dma_wait3A_245 = arith.constant 0 : i32
      %dma_wait3A_246 = tpu.memref_slice %arg2[%dma_wait3A_244, %dma_wait3A_245] : memref<10000x64xf32, #tpu.memory_space<hbm>> -> memref<10000x64xf32, #tpu.memory_space<hbm>>
      tpu.wait_indirect_dma semaphore(%run_scoped3A_226 : memref<!tpu.dma_semaphore, #tpu.memory_space<semaphore_mem>>) src(%dma_wait3A_246 : memref<10000x64xf32, #tpu.memory_space<hbm>>) dst(%dma_wait3A_240 : memref<80x64xf32, #tpu.memory_space<vmem>>)
      tpu.yield
    }) : () -> ()
    %run_scoped3A_212 = arith.constant 0 : i32
    %run_scoped3A_213 = arith.constant 0 : i32
    %run_scoped3A_214 = arith.constant 124 : i32
    "tpu.region"() ({
      %run_scoped3A_226 = tpu.sem_alloc : memref<!tpu.dma_semaphore, #tpu.memory_space<semaphore_mem>>
      %dma_start3A_227 = arith.constant 0 : i32
      %dma_start3A_228 = arith.constant 0 : i32
      %dma_start3A_229 = tpu.memref_slice %arg10[%run_scoped3A_212, %run_scoped3A_213, %dma_start3A_227, %dma_start3A_228] : memref<3x4x80x64xf32, #tpu.memory_space<vmem>> -> memref<1x1x80x64xf32, #tpu.memory_space<vmem>>
      %dma_start3A_230 = tpu.memref_squeeze %dma_start3A_229 : memref<1x1x80x64xf32, #tpu.memory_space<vmem>> -> memref<80x64xf32, #tpu.memory_space<vmem>>
      %dma_start3A_231 = arith.constant 0 : i32
      %dma_start3A_232 = tpu.memref_slice %arg9[%run_scoped3A_214, %dma_start3A_231] : memref<125x80xi32, #tpu.memory_space<vmem>> -> memref<1x80xi32, #tpu.memory_space<vmem>>
      %dma_start3A_233 = tpu.memref_squeeze %dma_start3A_232 : memref<1x80xi32, #tpu.memory_space<vmem>> -> memref<80xi32, #tpu.memory_space<vmem>>
      %dma_start3A_234 = arith.constant 0 : i32
      %dma_start3A_235 = arith.constant 0 : i32
      %dma_start3A_236 = tpu.memref_slice %arg11[%dma_start3A_234, %dma_start3A_235] : memref<10000x64xf32, #tpu.memory_space<vmem_shared>> -> memref<10000x64xf32, #tpu.memory_space<vmem_shared>>
      tpu.enqueue_indirect_dma source(%dma_start3A_230 : memref<80x64xf32, #tpu.memory_space<vmem>>) target(%dma_start3A_236 : memref<10000x64xf32, #tpu.memory_space<vmem_shared>>) offsets(%dma_start3A_233 : memref<80xi32, #tpu.memory_space<vmem>>) semaphore(%run_scoped3A_226 : memref<!tpu.dma_semaphore, #tpu.memory_space<semaphore_mem>>) {add = true}
      %dma_wait3A_237 = arith.constant 0 : i32
      %dma_wait3A_238 = arith.constant 0 : i32
      %dma_wait3A_239 = tpu.memref_slice %arg10[%run_scoped3A_212, %run_scoped3A_213, %dma_wait3A_237, %dma_wait3A_238] : memref<3x4x80x64xf32, #tpu.memory_space<vmem>> -> memref<1x1x80x64xf32, #tpu.memory_space<vmem>>
      %dma_wait3A_240 = tpu.memref_squeeze %dma_wait3A_239 : memref<1x1x80x64xf32, #tpu.memory_space<vmem>> -> memref<80x64xf32, #tpu.memory_space<vmem>>
      %dma_wait3A_241 = arith.constant 0 : i32
      %dma_wait3A_242 = tpu.memref_slice %arg9[%run_scoped3A_214, %dma_wait3A_241] : memref<125x80xi32, #tpu.memory_space<vmem>> -> memref<1x80xi32, #tpu.memory_space<vmem>>
      %dma_wait3A_243 = tpu.memref_squeeze %dma_wait3A_242 : memref<1x80xi32, #tpu.memory_space<vmem>> -> memref<80xi32, #tpu.memory_space<vmem>>
      %dma_wait3A_244 = arith.constant 0 : i32
      %dma_wait3A_245 = arith.constant 0 : i32
      %dma_wait3A_246 = tpu.memref_slice %arg11[%dma_wait3A_244, %dma_wait3A_245] : memref<10000x64xf32, #tpu.memory_space<vmem_shared>> -> memref<10000x64xf32, #tpu.memory_space<vmem_shared>>
      tpu.wait_indirect_dma semaphore(%run_scoped3A_226 : memref<!tpu.dma_semaphore, #tpu.memory_space<semaphore_mem>>) src(%dma_wait3A_240 : memref<80x64xf32, #tpu.memory_space<vmem>>) dst(%dma_wait3A_246 : memref<10000x64xf32, #tpu.memory_space<vmem_shared>>)
      tpu.yield
    }) : () -> ()
    %barrier3A_215 = arith.constant 0 : index
    tpu.barrier barrier_id(%barrier3A_215)
    %eq3A_216 = arith.constant 0 : i32
    %eq3A_217 = arith.cmpi eq, %arg0, %eq3A_216 : i32
    %convert_element_type3A_218 = arith.extui %eq3A_217 : i1 to i32
    %cond3A_219 = arith.constant 0 : i32
    %cond3A_220 = arith.cmpi ne, %convert_element_type3A_218, %cond3A_219 : i32
    scf.if %cond3A_220 {
      %mul3A_226 = arith.constant 624 : i32
      %mul3A_227 = arith.muli %arg1, %mul3A_226 : i32
      %mul3A_228 = arith.constant 624 : i32
      %mul3A_229 = arith.muli %arg1, %mul3A_228 : i32
      "tpu.region"() ({
        %run_scoped3A_235 = tpu.sem_alloc : memref<!tpu.dma_semaphore, #tpu.memory_space<semaphore_mem>>
        %dma_start3A_236 = arith.constant 0 : i32
        %dma_start3A_237 = tpu.memref_slice %arg6[%mul3A_229, %dma_start3A_236] : memref<10000x64xf32, #tpu.memory_space<hbm>> -> memref<624x64xf32, #tpu.memory_space<hbm>>
        %dma_start3A_238 = arith.constant 0 : i32
        %dma_start3A_239 = tpu.memref_slice %arg11[%mul3A_227, %dma_start3A_238] : memref<10000x64xf32, #tpu.memory_space<vmem_shared>> -> memref<624x64xf32, #tpu.memory_space<vmem_shared>>
        tpu.enqueue_dma source(%dma_start3A_239 : memref<624x64xf32, #tpu.memory_space<vmem_shared>>) target(%dma_start3A_237 : memref<624x64xf32, #tpu.memory_space<hbm>>) target_semaphore(%run_scoped3A_235 : memref<!tpu.dma_semaphore, #tpu.memory_space<semaphore_mem>>)
        %dma_wait3A_240 = arith.constant 0 : i32
        %dma_wait3A_241 = tpu.memref_slice %arg6[%mul3A_229, %dma_wait3A_240] : memref<10000x64xf32, #tpu.memory_space<hbm>> -> memref<624x64xf32, #tpu.memory_space<hbm>>
        %dma_wait3A_242 = arith.constant 0 : i32
        %dma_wait3A_243 = tpu.memref_slice %arg11[%mul3A_227, %dma_wait3A_242] : memref<10000x64xf32, #tpu.memory_space<vmem_shared>> -> memref<624x64xf32, #tpu.memory_space<vmem_shared>>
        tpu.wait_dma2 semaphore(%run_scoped3A_235 : memref<!tpu.dma_semaphore, #tpu.memory_space<semaphore_mem>>) src(%dma_wait3A_243 : memref<624x64xf32, #tpu.memory_space<vmem_shared>>) dst(%dma_wait3A_241 : memref<624x64xf32, #tpu.memory_space<hbm>>)
        tpu.yield
      }) : () -> ()
      %eq3A_230 = arith.constant 15 : i32
      %eq3A_231 = arith.cmpi eq, %arg1, %eq3A_230 : i32
      %convert_element_type3A_232 = arith.extui %eq3A_231 : i1 to i32
      %cond3A_233 = arith.constant 0 : i32
      %cond3A_234 = arith.cmpi ne, %convert_element_type3A_232, %cond3A_233 : i32
      scf.if %cond3A_234 {
        "tpu.region"() ({
          %run_scoped3A_235 = tpu.sem_alloc : memref<!tpu.dma_semaphore, #tpu.memory_space<semaphore_mem>>
          %dma_start3A_236 = arith.constant 9984 : i32
          %dma_start3A_237 = arith.constant 0 : i32
          %dma_start3A_238 = tpu.memref_slice %arg6[%dma_start3A_236, %dma_start3A_237] : memref<10000x64xf32, #tpu.memory_space<hbm>> -> memref<16x64xf32, #tpu.memory_space<hbm>>
          %dma_start3A_239 = arith.constant 9984 : i32
          %dma_start3A_240 = arith.constant 0 : i32
          %dma_start3A_241 = tpu.memref_slice %arg11[%dma_start3A_239, %dma_start3A_240] : memref<10000x64xf32, #tpu.memory_space<vmem_shared>> -> memref<16x64xf32, #tpu.memory_space<vmem_shared>>
          tpu.enqueue_dma source(%dma_start3A_241 : memref<16x64xf32, #tpu.memory_space<vmem_shared>>) target(%dma_start3A_238 : memref<16x64xf32, #tpu.memory_space<hbm>>) target_semaphore(%run_scoped3A_235 : memref<!tpu.dma_semaphore, #tpu.memory_space<semaphore_mem>>)
          %dma_wait3A_242 = arith.constant 9984 : i32
          %dma_wait3A_243 = arith.constant 0 : i32
          %dma_wait3A_244 = tpu.memref_slice %arg6[%dma_wait3A_242, %dma_wait3A_243] : memref<10000x64xf32, #tpu.memory_space<hbm>> -> memref<16x64xf32, #tpu.memory_space<hbm>>
          %dma_wait3A_245 = arith.constant 9984 : i32
          %dma_wait3A_246 = arith.constant 0 : i32
          %dma_wait3A_247 = tpu.memref_slice %arg11[%dma_wait3A_245, %dma_wait3A_246] : memref<10000x64xf32, #tpu.memory_space<vmem_shared>> -> memref<16x64xf32, #tpu.memory_space<vmem_shared>>
          tpu.wait_dma2 semaphore(%run_scoped3A_235 : memref<!tpu.dma_semaphore, #tpu.memory_space<semaphore_mem>>) src(%dma_wait3A_247 : memref<16x64xf32, #tpu.memory_space<vmem_shared>>) dst(%dma_wait3A_244 : memref<16x64xf32, #tpu.memory_space<hbm>>)
          tpu.yield
        }) : () -> ()
      } else {
      }
    } else {
    }
    %eq3A_221 = arith.constant 1 : i32
    %eq3A_222 = arith.cmpi eq, %arg0, %eq3A_221 : i32
    %convert_element_type3A_223 = arith.extui %eq3A_222 : i1 to i32
    %cond3A_224 = arith.constant 0 : i32
    %cond3A_225 = arith.cmpi ne, %convert_element_type3A_223, %cond3A_224 : i32
    scf.if %cond3A_225 {
      %mul3A_226 = arith.constant 624 : i32
      %mul3A_227 = arith.muli %arg1, %mul3A_226 : i32
      %mul3A_228 = arith.constant 624 : i32
      %mul3A_229 = arith.muli %arg1, %mul3A_228 : i32
      "tpu.region"() ({
        %run_scoped3A_235 = tpu.sem_alloc : memref<!tpu.dma_semaphore, #tpu.memory_space<semaphore_mem>>
        %dma_start3A_236 = arith.constant 0 : i32
        %dma_start3A_237 = tpu.memref_slice %arg7[%mul3A_229, %dma_start3A_236] : memref<10000x64xf32, #tpu.memory_space<hbm>> -> memref<624x64xf32, #tpu.memory_space<hbm>>
        %dma_start3A_238 = arith.constant 0 : i32
        %dma_start3A_239 = tpu.memref_slice %arg11[%mul3A_227, %dma_start3A_238] : memref<10000x64xf32, #tpu.memory_space<vmem_shared>> -> memref<624x64xf32, #tpu.memory_space<vmem_shared>>
        tpu.enqueue_dma source(%dma_start3A_239 : memref<624x64xf32, #tpu.memory_space<vmem_shared>>) target(%dma_start3A_237 : memref<624x64xf32, #tpu.memory_space<hbm>>) target_semaphore(%run_scoped3A_235 : memref<!tpu.dma_semaphore, #tpu.memory_space<semaphore_mem>>)
        %dma_wait3A_240 = arith.constant 0 : i32
        %dma_wait3A_241 = tpu.memref_slice %arg7[%mul3A_229, %dma_wait3A_240] : memref<10000x64xf32, #tpu.memory_space<hbm>> -> memref<624x64xf32, #tpu.memory_space<hbm>>
        %dma_wait3A_242 = arith.constant 0 : i32
        %dma_wait3A_243 = tpu.memref_slice %arg11[%mul3A_227, %dma_wait3A_242] : memref<10000x64xf32, #tpu.memory_space<vmem_shared>> -> memref<624x64xf32, #tpu.memory_space<vmem_shared>>
        tpu.wait_dma2 semaphore(%run_scoped3A_235 : memref<!tpu.dma_semaphore, #tpu.memory_space<semaphore_mem>>) src(%dma_wait3A_243 : memref<624x64xf32, #tpu.memory_space<vmem_shared>>) dst(%dma_wait3A_241 : memref<624x64xf32, #tpu.memory_space<hbm>>)
        tpu.yield
      }) : () -> ()
      %eq3A_230 = arith.constant 15 : i32
      %eq3A_231 = arith.cmpi eq, %arg1, %eq3A_230 : i32
      %convert_element_type3A_232 = arith.extui %eq3A_231 : i1 to i32
      %cond3A_233 = arith.constant 0 : i32
      %cond3A_234 = arith.cmpi ne, %convert_element_type3A_232, %cond3A_233 : i32
      scf.if %cond3A_234 {
        "tpu.region"() ({
          %run_scoped3A_235 = tpu.sem_alloc : memref<!tpu.dma_semaphore, #tpu.memory_space<semaphore_mem>>
          %dma_start3A_236 = arith.constant 9984 : i32
          %dma_start3A_237 = arith.constant 0 : i32
          %dma_start3A_238 = tpu.memref_slice %arg7[%dma_start3A_236, %dma_start3A_237] : memref<10000x64xf32, #tpu.memory_space<hbm>> -> memref<16x64xf32, #tpu.memory_space<hbm>>
          %dma_start3A_239 = arith.constant 9984 : i32
          %dma_start3A_240 = arith.constant 0 : i32
          %dma_start3A_241 = tpu.memref_slice %arg11[%dma_start3A_239, %dma_start3A_240] : memref<10000x64xf32, #tpu.memory_space<vmem_shared>> -> memref<16x64xf32, #tpu.memory_space<vmem_shared>>
          tpu.enqueue_dma source(%dma_start3A_241 : memref<16x64xf32, #tpu.memory_space<vmem_shared>>) target(%dma_start3A_238 : memref<16x64xf32, #tpu.memory_space<hbm>>) target_semaphore(%run_scoped3A_235 : memref<!tpu.dma_semaphore, #tpu.memory_space<semaphore_mem>>)
          %dma_wait3A_242 = arith.constant 9984 : i32
          %dma_wait3A_243 = arith.constant 0 : i32
          %dma_wait3A_244 = tpu.memref_slice %arg7[%dma_wait3A_242, %dma_wait3A_243] : memref<10000x64xf32, #tpu.memory_space<hbm>> -> memref<16x64xf32, #tpu.memory_space<hbm>>
          %dma_wait3A_245 = arith.constant 9984 : i32
          %dma_wait3A_246 = arith.constant 0 : i32
          %dma_wait3A_247 = tpu.memref_slice %arg11[%dma_wait3A_245, %dma_wait3A_246] : memref<10000x64xf32, #tpu.memory_space<vmem_shared>> -> memref<16x64xf32, #tpu.memory_space<vmem_shared>>
          tpu.wait_dma2 semaphore(%run_scoped3A_235 : memref<!tpu.dma_semaphore, #tpu.memory_space<semaphore_mem>>) src(%dma_wait3A_247 : memref<16x64xf32, #tpu.memory_space<vmem_shared>>) dst(%dma_wait3A_244 : memref<16x64xf32, #tpu.memory_space<hbm>>)
          tpu.yield
        }) : () -> ()
      } else {
      }
    } else {
    }
    return
  }
}

#map = affine_map<(d0, d1) -> (0, 0, 0)>
#map1 = affine_map<(d0, d1) -> (0, 0)>
module attributes {stable_mosaic.version = 14 : i64} {
  func.func @_sc_degree(%arg0: i32, %arg1: i32, %arg2: memref<32x125x80xi32, #tpu.memory_space<hbm>>, %arg3: memref<10000x16xf32, #tpu.memory_space<hbm>>, %arg4: memref<10000x64xf32, #tpu.memory_space<hbm>>, %arg5: memref<10000x64xf32, #tpu.memory_space<hbm>>, %arg6: memref<125x80xi32, #tpu.memory_space<vmem>>, %arg7: memref<80x16xf32, #tpu.memory_space<vmem>>, %arg8: memref<10000x16xf32, #tpu.memory_space<vmem_shared>>, %arg9: memref<!tpu.dma_semaphore, #tpu.memory_space<semaphore_mem>>, %arg10: memref<!tpu.dma_semaphore, #tpu.memory_space<semaphore_mem>>) attributes {dimension_semantics = [#tpu.dimension_semantics<core_parallel>, #tpu.dimension_semantics<subcore_parallel>], iteration_bounds = array<i64: 2, 16>, scalar_prefetch = 0 : i64, scratch_operands = 5 : i64, tpu.core_type = #tpu.core_type<sc_vector_subcore>, window_params = [{transform_indices = #map}, {transform_indices = #map1}, {transform_indices = #map1}, {transform_indices = #map1}]} {
    %mul3A = arith.constant 16 : i32
    %mul3A_0 = arith.muli %arg0, %mul3A : i32
    %add3A = arith.addi %mul3A_0, %arg1 : i32
    %scan3A = arith.constant 0 : i32
    %scan3A_1 = arith.constant 0 : i32
    %scan3A_2 = arith.constant 80 : i32
    %scan3A_3 = arith.addi %scan3A_1, %scan3A_2 : i32
    %scan3A_4 = arith.constant 1 : i32
    scf.for %scan3A_61 = %scan3A_1 to %scan3A_3 step %scan3A_4  : i32 {
      %broadcast_in_dim3A = arith.constant 1.000000e+00 : f32
      %broadcast_in_dim3A_62 = vector.broadcast %broadcast_in_dim3A : f32 to vector<16xf32>
      %swap3A = arith.index_cast %scan3A_61 : i32 to index
      %swap3A_63 = arith.constant 0 : index
      %swap3A_64 = tpu.vector_load %arg7[%swap3A, %swap3A_63] {strides = array<i32>} : memref<80x16xf32, #tpu.memory_space<vmem>>, vector<1x16xf32>,
      %swap3A_65 = vector.shape_cast %swap3A_64 : vector<1x16xf32> to vector<16xf32>
      %swap3A_66 = vector.shape_cast %broadcast_in_dim3A_62 : vector<16xf32> to vector<1x16xf32>
      tpu.vector_store %arg7[%swap3A, %swap3A_63], %swap3A_66 {strides = array<i32>} : memref<80x16xf32, #tpu.memory_space<vmem>>, vector<1x16xf32>,
    }
    %scan3A_5 = arith.constant 80 : i32
    %dma_start3A = arith.constant 0 : i32
    %dma_start3A_6 = arith.constant 0 : i32
    %dma_start3A_7 = tpu.memref_slice %arg2[%add3A, %dma_start3A, %dma_start3A_6] : memref<32x125x80xi32, #tpu.memory_space<hbm>> -> memref<1x125x80xi32, #tpu.memory_space<hbm>>
    %dma_start3A_8 = tpu.memref_squeeze %dma_start3A_7 : memref<1x125x80xi32, #tpu.memory_space<hbm>> -> memref<125x80xi32, #tpu.memory_space<hbm>>
    %dma_start3A_9 = arith.constant 0 : i32
    %dma_start3A_10 = arith.constant 0 : i32
    %dma_start3A_11 = tpu.memref_slice %arg2[%add3A, %dma_start3A_9, %dma_start3A_10] : memref<32x125x80xi32, #tpu.memory_space<hbm>> -> memref<1x125x80xi32, #tpu.memory_space<hbm>>
    %dma_start3A_12 = tpu.memref_squeeze %dma_start3A_11 : memref<1x125x80xi32, #tpu.memory_space<hbm>> -> memref<125x80xi32, #tpu.memory_space<hbm>>
    tpu.enqueue_dma source(%dma_start3A_12 : memref<125x80xi32, #tpu.memory_space<hbm>>) target(%arg6 : memref<125x80xi32, #tpu.memory_space<vmem>>) target_semaphore(%arg10 : memref<!tpu.dma_semaphore, #tpu.memory_space<semaphore_mem>>)
    %mul3A_13 = arith.constant 624 : i32
    %mul3A_14 = arith.muli %arg1, %mul3A_13 : i32
    %mul3A_15 = arith.constant 624 : i32
    %mul3A_16 = arith.muli %arg1, %mul3A_15 : i32
    %dma_start3A_17 = arith.constant 0 : i32
    %dma_start3A_18 = tpu.memref_slice %arg8[%mul3A_16, %dma_start3A_17] : memref<10000x16xf32, #tpu.memory_space<vmem_shared>> -> memref<624x16xf32, #tpu.memory_space<vmem_shared>>
    %dma_start3A_19 = arith.constant 0 : i32
    %dma_start3A_20 = tpu.memref_slice %arg3[%mul3A_14, %dma_start3A_19] : memref<10000x16xf32, #tpu.memory_space<hbm>> -> memref<624x16xf32, #tpu.memory_space<hbm>>
    tpu.enqueue_dma source(%dma_start3A_20 : memref<624x16xf32, #tpu.memory_space<hbm>>) target(%dma_start3A_18 : memref<624x16xf32, #tpu.memory_space<vmem_shared>>) target_semaphore(%arg10 : memref<!tpu.dma_semaphore, #tpu.memory_space<semaphore_mem>>)
    %dma_wait3A = arith.constant 0 : i32
    %dma_wait3A_21 = arith.constant 0 : i32
    %dma_wait3A_22 = tpu.memref_slice %arg2[%add3A, %dma_wait3A, %dma_wait3A_21] : memref<32x125x80xi32, #tpu.memory_space<hbm>> -> memref<1x125x80xi32, #tpu.memory_space<hbm>>
    %dma_wait3A_23 = tpu.memref_squeeze %dma_wait3A_22 : memref<1x125x80xi32, #tpu.memory_space<hbm>> -> memref<125x80xi32, #tpu.memory_space<hbm>>
    %dma_wait3A_24 = arith.constant 0 : i32
    %dma_wait3A_25 = arith.constant 0 : i32
    %dma_wait3A_26 = tpu.memref_slice %arg2[%add3A, %dma_wait3A_24, %dma_wait3A_25] : memref<32x125x80xi32, #tpu.memory_space<hbm>> -> memref<1x125x80xi32, #tpu.memory_space<hbm>>
    %dma_wait3A_27 = tpu.memref_squeeze %dma_wait3A_26 : memref<1x125x80xi32, #tpu.memory_space<hbm>> -> memref<125x80xi32, #tpu.memory_space<hbm>>
    tpu.wait_dma2 semaphore(%arg10 : memref<!tpu.dma_semaphore, #tpu.memory_space<semaphore_mem>>) src(%dma_wait3A_27 : memref<125x80xi32, #tpu.memory_space<hbm>>) dst(%arg6 : memref<125x80xi32, #tpu.memory_space<vmem>>)
    %mul3A_28 = arith.constant 624 : i32
    %mul3A_29 = arith.muli %arg1, %mul3A_28 : i32
    %mul3A_30 = arith.constant 624 : i32
    %mul3A_31 = arith.muli %arg1, %mul3A_30 : i32
    %dma_wait3A_32 = arith.constant 0 : i32
    %dma_wait3A_33 = tpu.memref_slice %arg8[%mul3A_31, %dma_wait3A_32] : memref<10000x16xf32, #tpu.memory_space<vmem_shared>> -> memref<624x16xf32, #tpu.memory_space<vmem_shared>>
    %dma_wait3A_34 = arith.constant 0 : i32
    %dma_wait3A_35 = tpu.memref_slice %arg3[%mul3A_29, %dma_wait3A_34] : memref<10000x16xf32, #tpu.memory_space<hbm>> -> memref<624x16xf32, #tpu.memory_space<hbm>>
    tpu.wait_dma2 semaphore(%arg10 : memref<!tpu.dma_semaphore, #tpu.memory_space<semaphore_mem>>) src(%dma_wait3A_35 : memref<624x16xf32, #tpu.memory_space<hbm>>) dst(%dma_wait3A_33 : memref<624x16xf32, #tpu.memory_space<vmem_shared>>)
    %eq3A = arith.constant 15 : i32
    %eq3A_36 = arith.cmpi eq, %arg1, %eq3A : i32
    %convert_element_type3A = arith.extui %eq3A_36 : i1 to i32
    %cond3A = arith.constant 0 : i32
    %cond3A_37 = arith.cmpi ne, %convert_element_type3A, %cond3A : i32
    scf.if %cond3A_37 {
      "tpu.region"() ({
        %run_scoped3A = tpu.sem_alloc : memref<!tpu.dma_semaphore, #tpu.memory_space<semaphore_mem>>
        %dma_start3A_61 = arith.constant 9984 : i32
        %dma_start3A_62 = arith.constant 0 : i32
        %dma_start3A_63 = tpu.memref_slice %arg8[%dma_start3A_61, %dma_start3A_62] : memref<10000x16xf32, #tpu.memory_space<vmem_shared>> -> memref<16x16xf32, #tpu.memory_space<vmem_shared>>
        %dma_start3A_64 = arith.constant 9984 : i32
        %dma_start3A_65 = arith.constant 0 : i32
        %dma_start3A_66 = tpu.memref_slice %arg3[%dma_start3A_64, %dma_start3A_65] : memref<10000x16xf32, #tpu.memory_space<hbm>> -> memref<16x16xf32, #tpu.memory_space<hbm>>
        tpu.enqueue_dma source(%dma_start3A_66 : memref<16x16xf32, #tpu.memory_space<hbm>>) target(%dma_start3A_63 : memref<16x16xf32, #tpu.memory_space<vmem_shared>>) target_semaphore(%run_scoped3A : memref<!tpu.dma_semaphore, #tpu.memory_space<semaphore_mem>>)
        %dma_wait3A_67 = arith.constant 9984 : i32
        %dma_wait3A_68 = arith.constant 0 : i32
        %dma_wait3A_69 = tpu.memref_slice %arg8[%dma_wait3A_67, %dma_wait3A_68] : memref<10000x16xf32, #tpu.memory_space<vmem_shared>> -> memref<16x16xf32, #tpu.memory_space<vmem_shared>>
        %dma_wait3A_70 = arith.constant 9984 : i32
        %dma_wait3A_71 = arith.constant 0 : i32
        %dma_wait3A_72 = tpu.memref_slice %arg3[%dma_wait3A_70, %dma_wait3A_71] : memref<10000x16xf32, #tpu.memory_space<hbm>> -> memref<16x16xf32, #tpu.memory_space<hbm>>
        tpu.wait_dma2 semaphore(%run_scoped3A : memref<!tpu.dma_semaphore, #tpu.memory_space<semaphore_mem>>) src(%dma_wait3A_72 : memref<16x16xf32, #tpu.memory_space<hbm>>) dst(%dma_wait3A_69 : memref<16x16xf32, #tpu.memory_space<vmem_shared>>)
        tpu.yield
      }) : () -> ()
    } else {
    }
    %barrier3A = arith.constant 0 : index
    tpu.barrier barrier_id(%barrier3A)
    %scan3A_38 = arith.constant 0 : i32
    %scan3A_39 = arith.constant 0 : i32
    %scan3A_40 = arith.constant 125 : i32
    %scan3A_41 = arith.addi %scan3A_39, %scan3A_40 : i32
    %scan3A_42 = arith.constant 1 : i32
    scf.for %scan3A_61 = %scan3A_39 to %scan3A_41 step %scan3A_42  : i32 {
      %dma_start3A_62 = arith.constant 0 : i32
      %dma_start3A_63 = tpu.memref_slice %arg6[%scan3A_61, %dma_start3A_62] : memref<125x80xi32, #tpu.memory_space<vmem>> -> memref<1x80xi32, #tpu.memory_space<vmem>>
      %dma_start3A_64 = tpu.memref_squeeze %dma_start3A_63 : memref<1x80xi32, #tpu.memory_space<vmem>> -> memref<80xi32, #tpu.memory_space<vmem>>
      %dma_start3A_65 = arith.constant 0 : i32
      %dma_start3A_66 = arith.constant 0 : i32
      %dma_start3A_67 = tpu.memref_slice %arg8[%dma_start3A_65, %dma_start3A_66] : memref<10000x16xf32, #tpu.memory_space<vmem_shared>> -> memref<10000x16xf32, #tpu.memory_space<vmem_shared>>
      tpu.enqueue_indirect_dma source(%arg7 : memref<80x16xf32, #tpu.memory_space<vmem>>) target(%dma_start3A_67 : memref<10000x16xf32, #tpu.memory_space<vmem_shared>>) offsets(%dma_start3A_64 : memref<80xi32, #tpu.memory_space<vmem>>) semaphore(%arg9 : memref<!tpu.dma_semaphore, #tpu.memory_space<semaphore_mem>>) {add = true}
      %ge3A = arith.constant 16 : i32
      %ge3A_68 = arith.cmpi sge, %scan3A_61, %ge3A : i32
      %convert_element_type3A_69 = arith.extui %ge3A_68 : i1 to i32
      %cond3A_70 = arith.constant 0 : i32
      %cond3A_71 = arith.cmpi ne, %convert_element_type3A_69, %cond3A_70 : i32
      scf.if %cond3A_71 {
        %dma_wait3A_72 = arith.constant 0 : i32
        %dma_wait3A_73 = arith.constant 0 : i32
        %dma_wait3A_74 = tpu.memref_slice %arg6[%dma_wait3A_72, %dma_wait3A_73] : memref<125x80xi32, #tpu.memory_space<vmem>> -> memref<1x80xi32, #tpu.memory_space<vmem>>
        %dma_wait3A_75 = tpu.memref_squeeze %dma_wait3A_74 : memref<1x80xi32, #tpu.memory_space<vmem>> -> memref<80xi32, #tpu.memory_space<vmem>>
        %dma_wait3A_76 = arith.constant 0 : i32
        %dma_wait3A_77 = arith.constant 0 : i32
        %dma_wait3A_78 = tpu.memref_slice %arg8[%dma_wait3A_76, %dma_wait3A_77] : memref<10000x16xf32, #tpu.memory_space<vmem_shared>> -> memref<10000x16xf32, #tpu.memory_space<vmem_shared>>
        tpu.wait_indirect_dma semaphore(%arg9 : memref<!tpu.dma_semaphore, #tpu.memory_space<semaphore_mem>>) src(%arg7 : memref<80x16xf32, #tpu.memory_space<vmem>>) dst(%dma_wait3A_78 : memref<10000x16xf32, #tpu.memory_space<vmem_shared>>)
      } else {
      }
    }
    %scan3A_43 = arith.constant 125 : i32
    %scan3A_44 = arith.constant 0 : i32
    %scan3A_45 = arith.constant 0 : i32
    %scan3A_46 = arith.constant 16 : i32
    %scan3A_47 = arith.addi %scan3A_45, %scan3A_46 : i32
    %scan3A_48 = arith.constant 1 : i32
    scf.for %scan3A_61 = %scan3A_45 to %scan3A_47 step %scan3A_48  : i32 {
      %dma_wait3A_62 = arith.constant 0 : i32
      %dma_wait3A_63 = arith.constant 0 : i32
      %dma_wait3A_64 = tpu.memref_slice %arg6[%dma_wait3A_62, %dma_wait3A_63] : memref<125x80xi32, #tpu.memory_space<vmem>> -> memref<1x80xi32, #tpu.memory_space<vmem>>
      %dma_wait3A_65 = tpu.memref_squeeze %dma_wait3A_64 : memref<1x80xi32, #tpu.memory_space<vmem>> -> memref<80xi32, #tpu.memory_space<vmem>>
      %dma_wait3A_66 = arith.constant 0 : i32
      %dma_wait3A_67 = arith.constant 0 : i32
      %dma_wait3A_68 = tpu.memref_slice %arg8[%dma_wait3A_66, %dma_wait3A_67] : memref<10000x16xf32, #tpu.memory_space<vmem_shared>> -> memref<10000x16xf32, #tpu.memory_space<vmem_shared>>
      tpu.wait_indirect_dma semaphore(%arg9 : memref<!tpu.dma_semaphore, #tpu.memory_space<semaphore_mem>>) src(%arg7 : memref<80x16xf32, #tpu.memory_space<vmem>>) dst(%dma_wait3A_68 : memref<10000x16xf32, #tpu.memory_space<vmem_shared>>)
    }
    %scan3A_49 = arith.constant 16 : i32
    %barrier3A_50 = arith.constant 0 : index
    tpu.barrier barrier_id(%barrier3A_50)
    %eq3A_51 = arith.constant 0 : i32
    %eq3A_52 = arith.cmpi eq, %arg0, %eq3A_51 : i32
    %convert_element_type3A_53 = arith.extui %eq3A_52 : i1 to i32
    %cond3A_54 = arith.constant 0 : i32
    %cond3A_55 = arith.cmpi ne, %convert_element_type3A_53, %cond3A_54 : i32
    scf.if %cond3A_55 {
      %mul3A_61 = arith.constant 624 : i32
      %mul3A_62 = arith.muli %arg1, %mul3A_61 : i32
      %mul3A_63 = arith.constant 624 : i32
      %mul3A_64 = arith.muli %arg1, %mul3A_63 : i32
      "tpu.region"() ({
        %run_scoped3A = tpu.sem_alloc : memref<!tpu.dma_semaphore, #tpu.memory_space<semaphore_mem>>
        %dma_start3A_70 = arith.constant 0 : i32
        %dma_start3A_71 = tpu.memref_slice %arg4[%mul3A_64, %dma_start3A_70] : memref<10000x64xf32, #tpu.memory_space<hbm>> -> memref<624x16xf32, #tpu.memory_space<hbm>>
        %dma_start3A_72 = arith.constant 0 : i32
        %dma_start3A_73 = tpu.memref_slice %arg8[%mul3A_62, %dma_start3A_72] : memref<10000x16xf32, #tpu.memory_space<vmem_shared>> -> memref<624x16xf32, #tpu.memory_space<vmem_shared>>
        tpu.enqueue_dma source(%dma_start3A_73 : memref<624x16xf32, #tpu.memory_space<vmem_shared>>) target(%dma_start3A_71 : memref<624x16xf32, #tpu.memory_space<hbm>>) target_semaphore(%run_scoped3A : memref<!tpu.dma_semaphore, #tpu.memory_space<semaphore_mem>>)
        %dma_wait3A_74 = arith.constant 0 : i32
        %dma_wait3A_75 = tpu.memref_slice %arg4[%mul3A_64, %dma_wait3A_74] : memref<10000x64xf32, #tpu.memory_space<hbm>> -> memref<624x16xf32, #tpu.memory_space<hbm>>
        %dma_wait3A_76 = arith.constant 0 : i32
        %dma_wait3A_77 = tpu.memref_slice %arg8[%mul3A_62, %dma_wait3A_76] : memref<10000x16xf32, #tpu.memory_space<vmem_shared>> -> memref<624x16xf32, #tpu.memory_space<vmem_shared>>
        tpu.wait_dma2 semaphore(%run_scoped3A : memref<!tpu.dma_semaphore, #tpu.memory_space<semaphore_mem>>) src(%dma_wait3A_77 : memref<624x16xf32, #tpu.memory_space<vmem_shared>>) dst(%dma_wait3A_75 : memref<624x16xf32, #tpu.memory_space<hbm>>)
        tpu.yield
      }) : () -> ()
      %eq3A_65 = arith.constant 15 : i32
      %eq3A_66 = arith.cmpi eq, %arg1, %eq3A_65 : i32
      %convert_element_type3A_67 = arith.extui %eq3A_66 : i1 to i32
      %cond3A_68 = arith.constant 0 : i32
      %cond3A_69 = arith.cmpi ne, %convert_element_type3A_67, %cond3A_68 : i32
      scf.if %cond3A_69 {
        "tpu.region"() ({
          %run_scoped3A = tpu.sem_alloc : memref<!tpu.dma_semaphore, #tpu.memory_space<semaphore_mem>>
          %dma_start3A_70 = arith.constant 9984 : i32
          %dma_start3A_71 = arith.constant 0 : i32
          %dma_start3A_72 = tpu.memref_slice %arg4[%dma_start3A_70, %dma_start3A_71] : memref<10000x64xf32, #tpu.memory_space<hbm>> -> memref<16x16xf32, #tpu.memory_space<hbm>>
          %dma_start3A_73 = arith.constant 9984 : i32
          %dma_start3A_74 = arith.constant 0 : i32
          %dma_start3A_75 = tpu.memref_slice %arg8[%dma_start3A_73, %dma_start3A_74] : memref<10000x16xf32, #tpu.memory_space<vmem_shared>> -> memref<16x16xf32, #tpu.memory_space<vmem_shared>>
          tpu.enqueue_dma source(%dma_start3A_75 : memref<16x16xf32, #tpu.memory_space<vmem_shared>>) target(%dma_start3A_72 : memref<16x16xf32, #tpu.memory_space<hbm>>) target_semaphore(%run_scoped3A : memref<!tpu.dma_semaphore, #tpu.memory_space<semaphore_mem>>)
          %dma_wait3A_76 = arith.constant 9984 : i32
          %dma_wait3A_77 = arith.constant 0 : i32
          %dma_wait3A_78 = tpu.memref_slice %arg4[%dma_wait3A_76, %dma_wait3A_77] : memref<10000x64xf32, #tpu.memory_space<hbm>> -> memref<16x16xf32, #tpu.memory_space<hbm>>
          %dma_wait3A_79 = arith.constant 9984 : i32
          %dma_wait3A_80 = arith.constant 0 : i32
          %dma_wait3A_81 = tpu.memref_slice %arg8[%dma_wait3A_79, %dma_wait3A_80] : memref<10000x16xf32, #tpu.memory_space<vmem_shared>> -> memref<16x16xf32, #tpu.memory_space<vmem_shared>>
          tpu.wait_dma2 semaphore(%run_scoped3A : memref<!tpu.dma_semaphore, #tpu.memory_space<semaphore_mem>>) src(%dma_wait3A_81 : memref<16x16xf32, #tpu.memory_space<vmem_shared>>) dst(%dma_wait3A_78 : memref<16x16xf32, #tpu.memory_space<hbm>>)
          tpu.yield
        }) : () -> ()
      } else {
      }
    } else {
    }
    %eq3A_56 = arith.constant 1 : i32
    %eq3A_57 = arith.cmpi eq, %arg0, %eq3A_56 : i32
    %convert_element_type3A_58 = arith.extui %eq3A_57 : i1 to i32
    %cond3A_59 = arith.constant 0 : i32
    %cond3A_60 = arith.cmpi ne, %convert_element_type3A_58, %cond3A_59 : i32
    scf.if %cond3A_60 {
      %mul3A_61 = arith.constant 624 : i32
      %mul3A_62 = arith.muli %arg1, %mul3A_61 : i32
      %mul3A_63 = arith.constant 624 : i32
      %mul3A_64 = arith.muli %arg1, %mul3A_63 : i32
      "tpu.region"() ({
        %run_scoped3A = tpu.sem_alloc : memref<!tpu.dma_semaphore, #tpu.memory_space<semaphore_mem>>
        %dma_start3A_70 = arith.constant 0 : i32
        %dma_start3A_71 = tpu.memref_slice %arg5[%mul3A_64, %dma_start3A_70] : memref<10000x64xf32, #tpu.memory_space<hbm>> -> memref<624x16xf32, #tpu.memory_space<hbm>>
        %dma_start3A_72 = arith.constant 0 : i32
        %dma_start3A_73 = tpu.memref_slice %arg8[%mul3A_62, %dma_start3A_72] : memref<10000x16xf32, #tpu.memory_space<vmem_shared>> -> memref<624x16xf32, #tpu.memory_space<vmem_shared>>
        tpu.enqueue_dma source(%dma_start3A_73 : memref<624x16xf32, #tpu.memory_space<vmem_shared>>) target(%dma_start3A_71 : memref<624x16xf32, #tpu.memory_space<hbm>>) target_semaphore(%run_scoped3A : memref<!tpu.dma_semaphore, #tpu.memory_space<semaphore_mem>>)
        %dma_wait3A_74 = arith.constant 0 : i32
        %dma_wait3A_75 = tpu.memref_slice %arg5[%mul3A_64, %dma_wait3A_74] : memref<10000x64xf32, #tpu.memory_space<hbm>> -> memref<624x16xf32, #tpu.memory_space<hbm>>
        %dma_wait3A_76 = arith.constant 0 : i32
        %dma_wait3A_77 = tpu.memref_slice %arg8[%mul3A_62, %dma_wait3A_76] : memref<10000x16xf32, #tpu.memory_space<vmem_shared>> -> memref<624x16xf32, #tpu.memory_space<vmem_shared>>
        tpu.wait_dma2 semaphore(%run_scoped3A : memref<!tpu.dma_semaphore, #tpu.memory_space<semaphore_mem>>) src(%dma_wait3A_77 : memref<624x16xf32, #tpu.memory_space<vmem_shared>>) dst(%dma_wait3A_75 : memref<624x16xf32, #tpu.memory_space<hbm>>)
        tpu.yield
      }) : () -> ()
      %eq3A_65 = arith.constant 15 : i32
      %eq3A_66 = arith.cmpi eq, %arg1, %eq3A_65 : i32
      %convert_element_type3A_67 = arith.extui %eq3A_66 : i1 to i32
      %cond3A_68 = arith.constant 0 : i32
      %cond3A_69 = arith.cmpi ne, %convert_element_type3A_67, %cond3A_68 : i32
      scf.if %cond3A_69 {
        "tpu.region"() ({
          %run_scoped3A = tpu.sem_alloc : memref<!tpu.dma_semaphore, #tpu.memory_space<semaphore_mem>>
          %dma_start3A_70 = arith.constant 9984 : i32
          %dma_start3A_71 = arith.constant 0 : i32
          %dma_start3A_72 = tpu.memref_slice %arg5[%dma_start3A_70, %dma_start3A_71] : memref<10000x64xf32, #tpu.memory_space<hbm>> -> memref<16x16xf32, #tpu.memory_space<hbm>>
          %dma_start3A_73 = arith.constant 9984 : i32
          %dma_start3A_74 = arith.constant 0 : i32
          %dma_start3A_75 = tpu.memref_slice %arg8[%dma_start3A_73, %dma_start3A_74] : memref<10000x16xf32, #tpu.memory_space<vmem_shared>> -> memref<16x16xf32, #tpu.memory_space<vmem_shared>>
          tpu.enqueue_dma source(%dma_start3A_75 : memref<16x16xf32, #tpu.memory_space<vmem_shared>>) target(%dma_start3A_72 : memref<16x16xf32, #tpu.memory_space<hbm>>) target_semaphore(%run_scoped3A : memref<!tpu.dma_semaphore, #tpu.memory_space<semaphore_mem>>)
          %dma_wait3A_76 = arith.constant 9984 : i32
          %dma_wait3A_77 = arith.constant 0 : i32
          %dma_wait3A_78 = tpu.memref_slice %arg5[%dma_wait3A_76, %dma_wait3A_77] : memref<10000x64xf32, #tpu.memory_space<hbm>> -> memref<16x16xf32, #tpu.memory_space<hbm>>
          %dma_wait3A_79 = arith.constant 9984 : i32
          %dma_wait3A_80 = arith.constant 0 : i32
          %dma_wait3A_81 = tpu.memref_slice %arg8[%dma_wait3A_79, %dma_wait3A_80] : memref<10000x16xf32, #tpu.memory_space<vmem_shared>> -> memref<16x16xf32, #tpu.memory_space<vmem_shared>>
          tpu.wait_dma2 semaphore(%run_scoped3A : memref<!tpu.dma_semaphore, #tpu.memory_space<semaphore_mem>>) src(%dma_wait3A_81 : memref<16x16xf32, #tpu.memory_space<vmem_shared>>) dst(%dma_wait3A_78 : memref<16x16xf32, #tpu.memory_space<hbm>>)
          tpu.yield
        }) : () -> ()
      } else {
      }
    } else {
    }
    return
  }
}

#map = affine_map<(d0, d1) -> (0, 0)>
#map1 = affine_map<(d0, d1) -> (0, 0, 0)>
module attributes {stable_mosaic.version = 14 : i64} {
  func.func @_sc_aggregate(%arg0: i32, %arg1: i32, %arg2: memref<10000x64xf32, #tpu.memory_space<hbm>>, %arg3: memref<32x125x80xi32, #tpu.memory_space<hbm>>, %arg4: memref<32x125x80xi32, #tpu.memory_space<hbm>>, %arg5: memref<10000x64xf32, #tpu.memory_space<hbm>>, %arg6: memref<10000x64xf32, #tpu.memory_space<hbm>>, %arg7: memref<10000x64xf32, #tpu.memory_space<hbm>>, %arg8: memref<125x80xi32, #tpu.memory_space<vmem>>, %arg9: memref<125x80xi32, #tpu.memory_space<vmem>>, %arg10: memref<3x4x80x64xf32, #tpu.memory_space<vmem>>, %arg11: memref<10000x64xf32, #tpu.memory_space<vmem_shared>>, %arg12: memref<!tpu.dma_semaphore, #tpu.memory_space<semaphore_mem>>, %arg13: memref<!tpu.dma_semaphore, #tpu.memory_space<semaphore_mem>>, %arg14: memref<!tpu.dma_semaphore, #tpu.memory_space<semaphore_mem>>, %arg15: memref<!tpu.dma_semaphore, #tpu.memory_space<semaphore_mem>>, %arg16: memref<!tpu.dma_semaphore, #tpu.memory_space<semaphore_mem>>) attributes {dimension_semantics = [#tpu.dimension_semantics<core_parallel>, #tpu.dimension_semantics<subcore_parallel>], iteration_bounds = array<i64: 2, 16>, scalar_prefetch = 0 : i64, scratch_operands = 9 : i64, tpu.core_type = #tpu.core_type<sc_vector_subcore>, window_params = [{transform_indices = #map}, {transform_indices = #map1}, {transform_indices = #map1}, {transform_indices = #map}, {transform_indices = #map}, {transform_indices = #map}]} {
    %mul3A = arith.constant 16 : i32
    %mul3A_0 = arith.muli %arg0, %mul3A : i32
    %add3A = arith.addi %mul3A_0, %arg1 : i32
    %dma_start3A = arith.constant 0 : i32
    %dma_start3A_1 = arith.constant 0 : i32
    %dma_start3A_2 = tpu.memref_slice %arg3[%add3A, %dma_start3A, %dma_start3A_1] : memref<32x125x80xi32, #tpu.memory_space<hbm>> -> memref<1x125x80xi32, #tpu.memory_space<hbm>>
    %dma_start3A_3 = tpu.memref_squeeze %dma_start3A_2 : memref<1x125x80xi32, #tpu.memory_space<hbm>> -> memref<125x80xi32, #tpu.memory_space<hbm>>
    %dma_start3A_4 = arith.constant 0 : i32
    %dma_start3A_5 = arith.constant 0 : i32
    %dma_start3A_6 = tpu.memref_slice %arg3[%add3A, %dma_start3A_4, %dma_start3A_5] : memref<32x125x80xi32, #tpu.memory_space<hbm>> -> memref<1x125x80xi32, #tpu.memory_space<hbm>>
    %dma_start3A_7 = tpu.memref_squeeze %dma_start3A_6 : memref<1x125x80xi32, #tpu.memory_space<hbm>> -> memref<125x80xi32, #tpu.memory_space<hbm>>
    tpu.enqueue_dma source(%dma_start3A_7 : memref<125x80xi32, #tpu.memory_space<hbm>>) target(%arg8 : memref<125x80xi32, #tpu.memory_space<vmem>>) target_semaphore(%arg16 : memref<!tpu.dma_semaphore, #tpu.memory_space<semaphore_mem>>)
    %dma_start3A_8 = arith.constant 0 : i32
    %dma_start3A_9 = arith.constant 0 : i32
    %dma_start3A_10 = tpu.memref_slice %arg4[%add3A, %dma_start3A_8, %dma_start3A_9] : memref<32x125x80xi32, #tpu.memory_space<hbm>> -> memref<1x125x80xi32, #tpu.memory_space<hbm>>
    %dma_start3A_11 = tpu.memref_squeeze %dma_start3A_10 : memref<1x125x80xi32, #tpu.memory_space<hbm>> -> memref<125x80xi32, #tpu.memory_space<hbm>>
    %dma_start3A_12 = arith.constant 0 : i32
    %dma_start3A_13 = arith.constant 0 : i32
    %dma_start3A_14 = tpu.memref_slice %arg4[%add3A, %dma_start3A_12, %dma_start3A_13] : memref<32x125x80xi32, #tpu.memory_space<hbm>> -> memref<1x125x80xi32, #tpu.memory_space<hbm>>
    %dma_start3A_15 = tpu.memref_squeeze %dma_start3A_14 : memref<1x125x80xi32, #tpu.memory_space<hbm>> -> memref<125x80xi32, #tpu.memory_space<hbm>>
    tpu.enqueue_dma source(%dma_start3A_15 : memref<125x80xi32, #tpu.memory_space<hbm>>) target(%arg9 : memref<125x80xi32, #tpu.memory_space<vmem>>) target_semaphore(%arg16 : memref<!tpu.dma_semaphore, #tpu.memory_space<semaphore_mem>>)
    %mul3A_16 = arith.constant 624 : i32
    %mul3A_17 = arith.muli %arg1, %mul3A_16 : i32
    %mul3A_18 = arith.constant 624 : i32
    %mul3A_19 = arith.muli %arg1, %mul3A_18 : i32
    %dma_start3A_20 = arith.constant 0 : i32
    %dma_start3A_21 = tpu.memref_slice %arg11[%mul3A_19, %dma_start3A_20] : memref<10000x64xf32, #tpu.memory_space<vmem_shared>> -> memref<624x64xf32, #tpu.memory_space<vmem_shared>>
    %dma_start3A_22 = arith.constant 0 : i32
    %dma_start3A_23 = tpu.memref_slice %arg5[%mul3A_17, %dma_start3A_22] : memref<10000x64xf32, #tpu.memory_space<hbm>> -> memref<624x64xf32, #tpu.memory_space<hbm>>
    tpu.enqueue_dma source(%dma_start3A_23 : memref<624x64xf32, #tpu.memory_space<hbm>>) target(%dma_start3A_21 : memref<624x64xf32, #tpu.memory_space<vmem_shared>>) target_semaphore(%arg16 : memref<!tpu.dma_semaphore, #tpu.memory_space<semaphore_mem>>)
    %dma_wait3A = arith.constant 0 : i32
    %dma_wait3A_24 = arith.constant 0 : i32
    %dma_wait3A_25 = tpu.memref_slice %arg3[%add3A, %dma_wait3A, %dma_wait3A_24] : memref<32x125x80xi32, #tpu.memory_space<hbm>> -> memref<1x125x80xi32, #tpu.memory_space<hbm>>
    %dma_wait3A_26 = tpu.memref_squeeze %dma_wait3A_25 : memref<1x125x80xi32, #tpu.memory_space<hbm>> -> memref<125x80xi32, #tpu.memory_space<hbm>>
    %dma_wait3A_27 = arith.constant 0 : i32
    %dma_wait3A_28 = arith.constant 0 : i32
    %dma_wait3A_29 = tpu.memref_slice %arg3[%add3A, %dma_wait3A_27, %dma_wait3A_28] : memref<32x125x80xi32, #tpu.memory_space<hbm>> -> memref<1x125x80xi32, #tpu.memory_space<hbm>>
    %dma_wait3A_30 = tpu.memref_squeeze %dma_wait3A_29 : memref<1x125x80xi32, #tpu.memory_space<hbm>> -> memref<125x80xi32, #tpu.memory_space<hbm>>
    tpu.wait_dma2 semaphore(%arg16 : memref<!tpu.dma_semaphore, #tpu.memory_space<semaphore_mem>>) src(%dma_wait3A_30 : memref<125x80xi32, #tpu.memory_space<hbm>>) dst(%arg8 : memref<125x80xi32, #tpu.memory_space<vmem>>)
    %dma_wait3A_31 = arith.constant 0 : i32
    %dma_wait3A_32 = arith.constant 0 : i32
    %dma_wait3A_33 = tpu.memref_slice %arg4[%add3A, %dma_wait3A_31, %dma_wait3A_32] : memref<32x125x80xi32, #tpu.memory_space<hbm>> -> memref<1x125x80xi32, #tpu.memory_space<hbm>>
    %dma_wait3A_34 = tpu.memref_squeeze %dma_wait3A_33 : memref<1x125x80xi32, #tpu.memory_space<hbm>> -> memref<125x80xi32, #tpu.memory_space<hbm>>
    %dma_wait3A_35 = arith.constant 0 : i32
    %dma_wait3A_36 = arith.constant 0 : i32
    %dma_wait3A_37 = tpu.memref_slice %arg4[%add3A, %dma_wait3A_35, %dma_wait3A_36] : memref<32x125x80xi32, #tpu.memory_space<hbm>> -> memref<1x125x80xi32, #tpu.memory_space<hbm>>
    %dma_wait3A_38 = tpu.memref_squeeze %dma_wait3A_37 : memref<1x125x80xi32, #tpu.memory_space<hbm>> -> memref<125x80xi32, #tpu.memory_space<hbm>>
    tpu.wait_dma2 semaphore(%arg16 : memref<!tpu.dma_semaphore, #tpu.memory_space<semaphore_mem>>) src(%dma_wait3A_38 : memref<125x80xi32, #tpu.memory_space<hbm>>) dst(%arg9 : memref<125x80xi32, #tpu.memory_space<vmem>>)
    %mul3A_39 = arith.constant 624 : i32
    %mul3A_40 = arith.muli %arg1, %mul3A_39 : i32
    %mul3A_41 = arith.constant 624 : i32
    %mul3A_42 = arith.muli %arg1, %mul3A_41 : i32
    %dma_wait3A_43 = arith.constant 0 : i32
    %dma_wait3A_44 = tpu.memref_slice %arg11[%mul3A_42, %dma_wait3A_43] : memref<10000x64xf32, #tpu.memory_space<vmem_shared>> -> memref<624x64xf32, #tpu.memory_space<vmem_shared>>
    %dma_wait3A_45 = arith.constant 0 : i32
    %dma_wait3A_46 = tpu.memref_slice %arg5[%mul3A_40, %dma_wait3A_45] : memref<10000x64xf32, #tpu.memory_space<hbm>> -> memref<624x64xf32, #tpu.memory_space<hbm>>
    tpu.wait_dma2 semaphore(%arg16 : memref<!tpu.dma_semaphore, #tpu.memory_space<semaphore_mem>>) src(%dma_wait3A_46 : memref<624x64xf32, #tpu.memory_space<hbm>>) dst(%dma_wait3A_44 : memref<624x64xf32, #tpu.memory_space<vmem_shared>>)
    %eq3A = arith.constant 15 : i32
    %eq3A_47 = arith.cmpi eq, %arg1, %eq3A : i32
    %convert_element_type3A = arith.extui %eq3A_47 : i1 to i32
    %cond3A = arith.constant 0 : i32
    %cond3A_48 = arith.cmpi ne, %convert_element_type3A, %cond3A : i32
    scf.if %cond3A_48 {
      "tpu.region"() ({
        %run_scoped3A_226 = tpu.sem_alloc : memref<!tpu.dma_semaphore, #tpu.memory_space<semaphore_mem>>
        %dma_start3A_227 = arith.constant 9984 : i32
        %dma_start3A_228 = arith.constant 0 : i32
        %dma_start3A_229 = tpu.memref_slice %arg11[%dma_start3A_227, %dma_start3A_228] : memref<10000x64xf32, #tpu.memory_space<vmem_shared>> -> memref<16x64xf32, #tpu.memory_space<vmem_shared>>
        %dma_start3A_230 = arith.constant 9984 : i32
        %dma_start3A_231 = arith.constant 0 : i32
        %dma_start3A_232 = tpu.memref_slice %arg5[%dma_start3A_230, %dma_start3A_231] : memref<10000x64xf32, #tpu.memory_space<hbm>> -> memref<16x64xf32, #tpu.memory_space<hbm>>
        tpu.enqueue_dma source(%dma_start3A_232 : memref<16x64xf32, #tpu.memory_space<hbm>>) target(%dma_start3A_229 : memref<16x64xf32, #tpu.memory_space<vmem_shared>>) target_semaphore(%run_scoped3A_226 : memref<!tpu.dma_semaphore, #tpu.memory_space<semaphore_mem>>)
        %dma_wait3A_233 = arith.constant 9984 : i32
        %dma_wait3A_234 = arith.constant 0 : i32
        %dma_wait3A_235 = tpu.memref_slice %arg11[%dma_wait3A_233, %dma_wait3A_234] : memref<10000x64xf32, #tpu.memory_space<vmem_shared>> -> memref<16x64xf32, #tpu.memory_space<vmem_shared>>
        %dma_wait3A_236 = arith.constant 9984 : i32
        %dma_wait3A_237 = arith.constant 0 : i32
        %dma_wait3A_238 = tpu.memref_slice %arg5[%dma_wait3A_236, %dma_wait3A_237] : memref<10000x64xf32, #tpu.memory_space<hbm>> -> memref<16x64xf32, #tpu.memory_space<hbm>>
        tpu.wait_dma2 semaphore(%run_scoped3A_226 : memref<!tpu.dma_semaphore, #tpu.memory_space<semaphore_mem>>) src(%dma_wait3A_238 : memref<16x64xf32, #tpu.memory_space<hbm>>) dst(%dma_wait3A_235 : memref<16x64xf32, #tpu.memory_space<vmem_shared>>)
        tpu.yield
      }) : () -> ()
    } else {
    }
    %barrier3A = arith.constant 0 : index
    tpu.barrier barrier_id(%barrier3A)
    %dma_start3A_49 = arith.constant 0 : i32
    %dma_start3A_50 = arith.constant 0 : i32
    %dma_start3A_51 = arith.constant 0 : i32
    %dma_start3A_52 = arith.constant 0 : i32
    %dma_start3A_53 = arith.constant 0 : i32
    %dma_start3A_54 = tpu.memref_slice %arg10[%dma_start3A_50, %dma_start3A_51, %dma_start3A_52, %dma_start3A_53] : memref<3x4x80x64xf32, #tpu.memory_space<vmem>> -> memref<1x1x80x64xf32, #tpu.memory_space<vmem>>
    %dma_start3A_55 = tpu.memref_squeeze %dma_start3A_54 : memref<1x1x80x64xf32, #tpu.memory_space<vmem>> -> memref<80x64xf32, #tpu.memory_space<vmem>>
    %dma_start3A_56 = arith.constant 0 : i32
    %dma_start3A_57 = tpu.memref_slice %arg8[%dma_start3A_49, %dma_start3A_56] : memref<125x80xi32, #tpu.memory_space<vmem>> -> memref<1x80xi32, #tpu.memory_space<vmem>>
    %dma_start3A_58 = tpu.memref_squeeze %dma_start3A_57 : memref<1x80xi32, #tpu.memory_space<vmem>> -> memref<80xi32, #tpu.memory_space<vmem>>
    %dma_start3A_59 = arith.constant 0 : i32
    %dma_start3A_60 = arith.constant 0 : i32
    %dma_start3A_61 = tpu.memref_slice %arg2[%dma_start3A_59, %dma_start3A_60] : memref<10000x64xf32, #tpu.memory_space<hbm>> -> memref<10000x64xf32, #tpu.memory_space<hbm>>
    tpu.enqueue_indirect_dma source(%dma_start3A_61 : memref<10000x64xf32, #tpu.memory_space<hbm>>) target(%dma_start3A_55 : memref<80x64xf32, #tpu.memory_space<vmem>>) offsets(%dma_start3A_58 : memref<80xi32, #tpu.memory_space<vmem>>) semaphore(%arg12 : memref<!tpu.dma_semaphore, #tpu.memory_space<semaphore_mem>>)
    %dma_start3A_62 = arith.constant 1 : i32
    %dma_start3A_63 = arith.constant 0 : i32
    %dma_start3A_64 = arith.constant 1 : i32
    %dma_start3A_65 = arith.constant 0 : i32
    %dma_start3A_66 = arith.constant 0 : i32
    %dma_start3A_67 = tpu.memref_slice %arg10[%dma_start3A_63, %dma_start3A_64, %dma_start3A_65, %dma_start3A_66] : memref<3x4x80x64xf32, #tpu.memory_space<vmem>> -> memref<1x1x80x64xf32, #tpu.memory_space<vmem>>
    %dma_start3A_68 = tpu.memref_squeeze %dma_start3A_67 : memref<1x1x80x64xf32, #tpu.memory_space<vmem>> -> memref<80x64xf32, #tpu.memory_space<vmem>>
    %dma_start3A_69 = arith.constant 0 : i32
    %dma_start3A_70 = tpu.memref_slice %arg8[%dma_start3A_62, %dma_start3A_69] : memref<125x80xi32, #tpu.memory_space<vmem>> -> memref<1x80xi32, #tpu.memory_space<vmem>>
    %dma_start3A_71 = tpu.memref_squeeze %dma_start3A_70 : memref<1x80xi32, #tpu.memory_space<vmem>> -> memref<80xi32, #tpu.memory_space<vmem>>
    %dma_start3A_72 = arith.constant 0 : i32
    %dma_start3A_73 = arith.constant 0 : i32
    %dma_start3A_74 = tpu.memref_slice %arg2[%dma_start3A_72, %dma_start3A_73] : memref<10000x64xf32, #tpu.memory_space<hbm>> -> memref<10000x64xf32, #tpu.memory_space<hbm>>
    tpu.enqueue_indirect_dma source(%dma_start3A_74 : memref<10000x64xf32, #tpu.memory_space<hbm>>) target(%dma_start3A_68 : memref<80x64xf32, #tpu.memory_space<vmem>>) offsets(%dma_start3A_71 : memref<80xi32, #tpu.memory_space<vmem>>) semaphore(%arg12 : memref<!tpu.dma_semaphore, #tpu.memory_space<semaphore_mem>>)
    %dma_start3A_75 = arith.constant 2 : i32
    %dma_start3A_76 = arith.constant 0 : i32
    %dma_start3A_77 = arith.constant 2 : i32
    %dma_start3A_78 = arith.constant 0 : i32
    %dma_start3A_79 = arith.constant 0 : i32
    %dma_start3A_80 = tpu.memref_slice %arg10[%dma_start3A_76, %dma_start3A_77, %dma_start3A_78, %dma_start3A_79] : memref<3x4x80x64xf32, #tpu.memory_space<vmem>> -> memref<1x1x80x64xf32, #tpu.memory_space<vmem>>
    %dma_start3A_81 = tpu.memref_squeeze %dma_start3A_80 : memref<1x1x80x64xf32, #tpu.memory_space<vmem>> -> memref<80x64xf32, #tpu.memory_space<vmem>>
    %dma_start3A_82 = arith.constant 0 : i32
    %dma_start3A_83 = tpu.memref_slice %arg8[%dma_start3A_75, %dma_start3A_82] : memref<125x80xi32, #tpu.memory_space<vmem>> -> memref<1x80xi32, #tpu.memory_space<vmem>>
    %dma_start3A_84 = tpu.memref_squeeze %dma_start3A_83 : memref<1x80xi32, #tpu.memory_space<vmem>> -> memref<80xi32, #tpu.memory_space<vmem>>
    %dma_start3A_85 = arith.constant 0 : i32
    %dma_start3A_86 = arith.constant 0 : i32
    %dma_start3A_87 = tpu.memref_slice %arg2[%dma_start3A_85, %dma_start3A_86] : memref<10000x64xf32, #tpu.memory_space<hbm>> -> memref<10000x64xf32, #tpu.memory_space<hbm>>
    tpu.enqueue_indirect_dma source(%dma_start3A_87 : memref<10000x64xf32, #tpu.memory_space<hbm>>) target(%dma_start3A_81 : memref<80x64xf32, #tpu.memory_space<vmem>>) offsets(%dma_start3A_84 : memref<80xi32, #tpu.memory_space<vmem>>) semaphore(%arg12 : memref<!tpu.dma_semaphore, #tpu.memory_space<semaphore_mem>>)
    %dma_start3A_88 = arith.constant 3 : i32
    %dma_start3A_89 = arith.constant 0 : i32
    %dma_start3A_90 = arith.constant 3 : i32
    %dma_start3A_91 = arith.constant 0 : i32
    %dma_start3A_92 = arith.constant 0 : i32
    %dma_start3A_93 = tpu.memref_slice %arg10[%dma_start3A_89, %dma_start3A_90, %dma_start3A_91, %dma_start3A_92] : memref<3x4x80x64xf32, #tpu.memory_space<vmem>> -> memref<1x1x80x64xf32, #tpu.memory_space<vmem>>
    %dma_start3A_94 = tpu.memref_squeeze %dma_start3A_93 : memref<1x1x80x64xf32, #tpu.memory_space<vmem>> -> memref<80x64xf32, #tpu.memory_space<vmem>>
    %dma_start3A_95 = arith.constant 0 : i32
    %dma_start3A_96 = tpu.memref_slice %arg8[%dma_start3A_88, %dma_start3A_95] : memref<125x80xi32, #tpu.memory_space<vmem>> -> memref<1x80xi32, #tpu.memory_space<vmem>>
    %dma_start3A_97 = tpu.memref_squeeze %dma_start3A_96 : memref<1x80xi32, #tpu.memory_space<vmem>> -> memref<80xi32, #tpu.memory_space<vmem>>
    %dma_start3A_98 = arith.constant 0 : i32
    %dma_start3A_99 = arith.constant 0 : i32
    %dma_start3A_100 = tpu.memref_slice %arg2[%dma_start3A_98, %dma_start3A_99] : memref<10000x64xf32, #tpu.memory_space<hbm>> -> memref<10000x64xf32, #tpu.memory_space<hbm>>
    tpu.enqueue_indirect_dma source(%dma_start3A_100 : memref<10000x64xf32, #tpu.memory_space<hbm>>) target(%dma_start3A_94 : memref<80x64xf32, #tpu.memory_space<vmem>>) offsets(%dma_start3A_97 : memref<80xi32, #tpu.memory_space<vmem>>) semaphore(%arg12 : memref<!tpu.dma_semaphore, #tpu.memory_space<semaphore_mem>>)
    %scan3A = arith.constant 0 : i32
    %scan3A_101 = arith.constant 0 : i32
    %scan3A_102 = arith.constant 31 : i32
    %scan3A_103 = arith.addi %scan3A_101, %scan3A_102 : i32
    %scan3A_104 = arith.constant 1 : i32
    scf.for %scan3A_226 = %scan3A_101 to %scan3A_103 step %scan3A_104  : i32 {
      %rem3A = arith.constant 3 : i32
      %rem3A_227 = arith.remsi %scan3A_226, %rem3A : i32
      %add3A_228 = arith.constant 1 : i32
      %add3A_229 = arith.addi %scan3A_226, %add3A_228 : i32
      %rem3A_230 = arith.constant 3 : i32
      %rem3A_231 = arith.remsi %add3A_229, %rem3A_230 : i32
      %mul3A_232 = arith.constant 4 : i32
      %mul3A_233 = arith.muli %scan3A_226, %mul3A_232 : i32
      %add3A_234 = arith.constant 0 : i32
      %add3A_235 = arith.addi %mul3A_233, %add3A_234 : i32
      %dma_wait3A_236 = arith.constant 0 : i32
      %dma_wait3A_237 = arith.constant 0 : i32
      %dma_wait3A_238 = arith.constant 0 : i32
      %dma_wait3A_239 = tpu.memref_slice %arg10[%rem3A_227, %dma_wait3A_236, %dma_wait3A_237, %dma_wait3A_238] : memref<3x4x80x64xf32, #tpu.memory_space<vmem>> -> memref<1x1x80x64xf32, #tpu.memory_space<vmem>>
      %dma_wait3A_240 = tpu.memref_squeeze %dma_wait3A_239 : memref<1x1x80x64xf32, #tpu.memory_space<vmem>> -> memref<80x64xf32, #tpu.memory_space<vmem>>
      %dma_wait3A_241 = arith.constant 0 : i32
      %dma_wait3A_242 = tpu.memref_slice %arg8[%add3A_235, %dma_wait3A_241] : memref<125x80xi32, #tpu.memory_space<vmem>> -> memref<1x80xi32, #tpu.memory_space<vmem>>
      %dma_wait3A_243 = tpu.memref_squeeze %dma_wait3A_242 : memref<1x80xi32, #tpu.memory_space<vmem>> -> memref<80xi32, #tpu.memory_space<vmem>>
      %dma_wait3A_244 = arith.constant 0 : i32
      %dma_wait3A_245 = arith.constant 0 : i32
      %dma_wait3A_246 = tpu.memref_slice %arg2[%dma_wait3A_244, %dma_wait3A_245] : memref<10000x64xf32, #tpu.memory_space<hbm>> -> memref<10000x64xf32, #tpu.memory_space<hbm>>
      tpu.wait_indirect_dma semaphore(%arg12 : memref<!tpu.dma_semaphore, #tpu.memory_space<semaphore_mem>>) src(%dma_wait3A_246 : memref<10000x64xf32, #tpu.memory_space<hbm>>) dst(%dma_wait3A_240 : memref<80x64xf32, #tpu.memory_space<vmem>>)
      %mul3A_247 = arith.constant 4 : i32
      %mul3A_248 = arith.muli %scan3A_226, %mul3A_247 : i32
      %add3A_249 = arith.constant 1 : i32
      %add3A_250 = arith.addi %mul3A_248, %add3A_249 : i32
      %dma_wait3A_251 = arith.constant 1 : i32
      %dma_wait3A_252 = arith.constant 0 : i32
      %dma_wait3A_253 = arith.constant 0 : i32
      %dma_wait3A_254 = tpu.memref_slice %arg10[%rem3A_227, %dma_wait3A_251, %dma_wait3A_252, %dma_wait3A_253] : memref<3x4x80x64xf32, #tpu.memory_space<vmem>> -> memref<1x1x80x64xf32, #tpu.memory_space<vmem>>
      %dma_wait3A_255 = tpu.memref_squeeze %dma_wait3A_254 : memref<1x1x80x64xf32, #tpu.memory_space<vmem>> -> memref<80x64xf32, #tpu.memory_space<vmem>>
      %dma_wait3A_256 = arith.constant 0 : i32
      %dma_wait3A_257 = tpu.memref_slice %arg8[%add3A_250, %dma_wait3A_256] : memref<125x80xi32, #tpu.memory_space<vmem>> -> memref<1x80xi32, #tpu.memory_space<vmem>>
      %dma_wait3A_258 = tpu.memref_squeeze %dma_wait3A_257 : memref<1x80xi32, #tpu.memory_space<vmem>> -> memref<80xi32, #tpu.memory_space<vmem>>
      %dma_wait3A_259 = arith.constant 0 : i32
      %dma_wait3A_260 = arith.constant 0 : i32
      %dma_wait3A_261 = tpu.memref_slice %arg2[%dma_wait3A_259, %dma_wait3A_260] : memref<10000x64xf32, #tpu.memory_space<hbm>> -> memref<10000x64xf32, #tpu.memory_space<hbm>>
      tpu.wait_indirect_dma semaphore(%arg12 : memref<!tpu.dma_semaphore, #tpu.memory_space<semaphore_mem>>) src(%dma_wait3A_261 : memref<10000x64xf32, #tpu.memory_space<hbm>>) dst(%dma_wait3A_255 : memref<80x64xf32, #tpu.memory_space<vmem>>)
      %mul3A_262 = arith.constant 4 : i32
      %mul3A_263 = arith.muli %scan3A_226, %mul3A_262 : i32
      %add3A_264 = arith.constant 2 : i32
      %add3A_265 = arith.addi %mul3A_263, %add3A_264 : i32
      %dma_wait3A_266 = arith.constant 2 : i32
      %dma_wait3A_267 = arith.constant 0 : i32
      %dma_wait3A_268 = arith.constant 0 : i32
      %dma_wait3A_269 = tpu.memref_slice %arg10[%rem3A_227, %dma_wait3A_266, %dma_wait3A_267, %dma_wait3A_268] : memref<3x4x80x64xf32, #tpu.memory_space<vmem>> -> memref<1x1x80x64xf32, #tpu.memory_space<vmem>>
      %dma_wait3A_270 = tpu.memref_squeeze %dma_wait3A_269 : memref<1x1x80x64xf32, #tpu.memory_space<vmem>> -> memref<80x64xf32, #tpu.memory_space<vmem>>
      %dma_wait3A_271 = arith.constant 0 : i32
      %dma_wait3A_272 = tpu.memref_slice %arg8[%add3A_265, %dma_wait3A_271] : memref<125x80xi32, #tpu.memory_space<vmem>> -> memref<1x80xi32, #tpu.memory_space<vmem>>
      %dma_wait3A_273 = tpu.memref_squeeze %dma_wait3A_272 : memref<1x80xi32, #tpu.memory_space<vmem>> -> memref<80xi32, #tpu.memory_space<vmem>>
      %dma_wait3A_274 = arith.constant 0 : i32
      %dma_wait3A_275 = arith.constant 0 : i32
      %dma_wait3A_276 = tpu.memref_slice %arg2[%dma_wait3A_274, %dma_wait3A_275] : memref<10000x64xf32, #tpu.memory_space<hbm>> -> memref<10000x64xf32, #tpu.memory_space<hbm>>
      tpu.wait_indirect_dma semaphore(%arg12 : memref<!tpu.dma_semaphore, #tpu.memory_space<semaphore_mem>>) src(%dma_wait3A_276 : memref<10000x64xf32, #tpu.memory_space<hbm>>) dst(%dma_wait3A_270 : memref<80x64xf32, #tpu.memory_space<vmem>>)
      %mul3A_277 = arith.constant 4 : i32
      %mul3A_278 = arith.muli %scan3A_226, %mul3A_277 : i32
      %add3A_279 = arith.constant 3 : i32
      %add3A_280 = arith.addi %mul3A_278, %add3A_279 : i32
      %dma_wait3A_281 = arith.constant 3 : i32
      %dma_wait3A_282 = arith.constant 0 : i32
      %dma_wait3A_283 = arith.constant 0 : i32
      %dma_wait3A_284 = tpu.memref_slice %arg10[%rem3A_227, %dma_wait3A_281, %dma_wait3A_282, %dma_wait3A_283] : memref<3x4x80x64xf32, #tpu.memory_space<vmem>> -> memref<1x1x80x64xf32, #tpu.memory_space<vmem>>
      %dma_wait3A_285 = tpu.memref_squeeze %dma_wait3A_284 : memref<1x1x80x64xf32, #tpu.memory_space<vmem>> -> memref<80x64xf32, #tpu.memory_space<vmem>>
      %dma_wait3A_286 = arith.constant 0 : i32
      %dma_wait3A_287 = tpu.memref_slice %arg8[%add3A_280, %dma_wait3A_286] : memref<125x80xi32, #tpu.memory_space<vmem>> -> memref<1x80xi32, #tpu.memory_space<vmem>>
      %dma_wait3A_288 = tpu.memref_squeeze %dma_wait3A_287 : memref<1x80xi32, #tpu.memory_space<vmem>> -> memref<80xi32, #tpu.memory_space<vmem>>
      %dma_wait3A_289 = arith.constant 0 : i32
      %dma_wait3A_290 = arith.constant 0 : i32
      %dma_wait3A_291 = tpu.memref_slice %arg2[%dma_wait3A_289, %dma_wait3A_290] : memref<10000x64xf32, #tpu.memory_space<hbm>> -> memref<10000x64xf32, #tpu.memory_space<hbm>>
      tpu.wait_indirect_dma semaphore(%arg12 : memref<!tpu.dma_semaphore, #tpu.memory_space<semaphore_mem>>) src(%dma_wait3A_291 : memref<10000x64xf32, #tpu.memory_space<hbm>>) dst(%dma_wait3A_285 : memref<80x64xf32, #tpu.memory_space<vmem>>)
      %ge3A = arith.constant 2 : i32
      %ge3A_292 = arith.cmpi sge, %scan3A_226, %ge3A : i32
      %eq3A_293 = arith.constant 0 : i32
      %eq3A_294 = arith.cmpi eq, %rem3A_231, %eq3A_293 : i32
      %and3A = arith.andi %ge3A_292, %eq3A_294 : i1
      %convert_element_type3A_295 = arith.extui %and3A : i1 to i32
      %cond3A_296 = arith.constant 0 : i32
      %cond3A_297 = arith.cmpi ne, %convert_element_type3A_295, %cond3A_296 : i32
      scf.if %cond3A_297 {
        %dma_wait3A_335 = arith.constant 0 : i32
        %dma_wait3A_336 = arith.constant 0 : i32
        %dma_wait3A_337 = arith.constant 0 : i32
        %dma_wait3A_338 = arith.constant 0 : i32
        %dma_wait3A_339 = arith.constant 0 : i32
        %dma_wait3A_340 = tpu.memref_slice %arg10[%dma_wait3A_335, %dma_wait3A_336, %dma_wait3A_338, %dma_wait3A_339] : memref<3x4x80x64xf32, #tpu.memory_space<vmem>> -> memref<1x1x80x64xf32, #tpu.memory_space<vmem>>
        %dma_wait3A_341 = tpu.memref_squeeze %dma_wait3A_340 : memref<1x1x80x64xf32, #tpu.memory_space<vmem>> -> memref<80x64xf32, #tpu.memory_space<vmem>>
        %dma_wait3A_342 = arith.constant 0 : i32
        %dma_wait3A_343 = tpu.memref_slice %arg9[%dma_wait3A_337, %dma_wait3A_342] : memref<125x80xi32, #tpu.memory_space<vmem>> -> memref<1x80xi32, #tpu.memory_space<vmem>>
        %dma_wait3A_344 = tpu.memref_squeeze %dma_wait3A_343 : memref<1x80xi32, #tpu.memory_space<vmem>> -> memref<80xi32, #tpu.memory_space<vmem>>
        %dma_wait3A_345 = arith.constant 0 : i32
        %dma_wait3A_346 = arith.constant 0 : i32
        %dma_wait3A_347 = tpu.memref_slice %arg11[%dma_wait3A_345, %dma_wait3A_346] : memref<10000x64xf32, #tpu.memory_space<vmem_shared>> -> memref<10000x64xf32, #tpu.memory_space<vmem_shared>>
        tpu.wait_indirect_dma semaphore(%arg13 : memref<!tpu.dma_semaphore, #tpu.memory_space<semaphore_mem>>) src(%dma_wait3A_341 : memref<80x64xf32, #tpu.memory_space<vmem>>) dst(%dma_wait3A_347 : memref<10000x64xf32, #tpu.memory_space<vmem_shared>>)
        %dma_wait3A_348 = arith.constant 0 : i32
        %dma_wait3A_349 = arith.constant 1 : i32
        %dma_wait3A_350 = arith.constant 0 : i32
        %dma_wait3A_351 = arith.constant 0 : i32
        %dma_wait3A_352 = arith.constant 0 : i32
        %dma_wait3A_353 = tpu.memref_slice %arg10[%dma_wait3A_348, %dma_wait3A_349, %dma_wait3A_351, %dma_wait3A_352] : memref<3x4x80x64xf32, #tpu.memory_space<vmem>> -> memref<1x1x80x64xf32, #tpu.memory_space<vmem>>
        %dma_wait3A_354 = tpu.memref_squeeze %dma_wait3A_353 : memref<1x1x80x64xf32, #tpu.memory_space<vmem>> -> memref<80x64xf32, #tpu.memory_space<vmem>>
        %dma_wait3A_355 = arith.constant 0 : i32
        %dma_wait3A_356 = tpu.memref_slice %arg9[%dma_wait3A_350, %dma_wait3A_355] : memref<125x80xi32, #tpu.memory_space<vmem>> -> memref<1x80xi32, #tpu.memory_space<vmem>>
        %dma_wait3A_357 = tpu.memref_squeeze %dma_wait3A_356 : memref<1x80xi32, #tpu.memory_space<vmem>> -> memref<80xi32, #tpu.memory_space<vmem>>
        %dma_wait3A_358 = arith.constant 0 : i32
        %dma_wait3A_359 = arith.constant 0 : i32
        %dma_wait3A_360 = tpu.memref_slice %arg11[%dma_wait3A_358, %dma_wait3A_359] : memref<10000x64xf32, #tpu.memory_space<vmem_shared>> -> memref<10000x64xf32, #tpu.memory_space<vmem_shared>>
        tpu.wait_indirect_dma semaphore(%arg13 : memref<!tpu.dma_semaphore, #tpu.memory_space<semaphore_mem>>) src(%dma_wait3A_354 : memref<80x64xf32, #tpu.memory_space<vmem>>) dst(%dma_wait3A_360 : memref<10000x64xf32, #tpu.memory_space<vmem_shared>>)
        %dma_wait3A_361 = arith.constant 0 : i32
        %dma_wait3A_362 = arith.constant 2 : i32
        %dma_wait3A_363 = arith.constant 0 : i32
        %dma_wait3A_364 = arith.constant 0 : i32
        %dma_wait3A_365 = arith.constant 0 : i32
        %dma_wait3A_366 = tpu.memref_slice %arg10[%dma_wait3A_361, %dma_wait3A_362, %dma_wait3A_364, %dma_wait3A_365] : memref<3x4x80x64xf32, #tpu.memory_space<vmem>> -> memref<1x1x80x64xf32, #tpu.memory_space<vmem>>
        %dma_wait3A_367 = tpu.memref_squeeze %dma_wait3A_366 : memref<1x1x80x64xf32, #tpu.memory_space<vmem>> -> memref<80x64xf32, #tpu.memory_space<vmem>>
        %dma_wait3A_368 = arith.constant 0 : i32
        %dma_wait3A_369 = tpu.memref_slice %arg9[%dma_wait3A_363, %dma_wait3A_368] : memref<125x80xi32, #tpu.memory_space<vmem>> -> memref<1x80xi32, #tpu.memory_space<vmem>>
        %dma_wait3A_370 = tpu.memref_squeeze %dma_wait3A_369 : memref<1x80xi32, #tpu.memory_space<vmem>> -> memref<80xi32, #tpu.memory_space<vmem>>
        %dma_wait3A_371 = arith.constant 0 : i32
        %dma_wait3A_372 = arith.constant 0 : i32
        %dma_wait3A_373 = tpu.memref_slice %arg11[%dma_wait3A_371, %dma_wait3A_372] : memref<10000x64xf32, #tpu.memory_space<vmem_shared>> -> memref<10000x64xf32, #tpu.memory_space<vmem_shared>>
        tpu.wait_indirect_dma semaphore(%arg13 : memref<!tpu.dma_semaphore, #tpu.memory_space<semaphore_mem>>) src(%dma_wait3A_367 : memref<80x64xf32, #tpu.memory_space<vmem>>) dst(%dma_wait3A_373 : memref<10000x64xf32, #tpu.memory_space<vmem_shared>>)
        %dma_wait3A_374 = arith.constant 0 : i32
        %dma_wait3A_375 = arith.constant 3 : i32
        %dma_wait3A_376 = arith.constant 0 : i32
        %dma_wait3A_377 = arith.constant 0 : i32
        %dma_wait3A_378 = arith.constant 0 : i32
        %dma_wait3A_379 = tpu.memref_slice %arg10[%dma_wait3A_374, %dma_wait3A_375, %dma_wait3A_377, %dma_wait3A_378] : memref<3x4x80x64xf32, #tpu.memory_space<vmem>> -> memref<1x1x80x64xf32, #tpu.memory_space<vmem>>
        %dma_wait3A_380 = tpu.memref_squeeze %dma_wait3A_379 : memref<1x1x80x64xf32, #tpu.memory_space<vmem>> -> memref<80x64xf32, #tpu.memory_space<vmem>>
        %dma_wait3A_381 = arith.constant 0 : i32
        %dma_wait3A_382 = tpu.memref_slice %arg9[%dma_wait3A_376, %dma_wait3A_381] : memref<125x80xi32, #tpu.memory_space<vmem>> -> memref<1x80xi32, #tpu.memory_space<vmem>>
        %dma_wait3A_383 = tpu.memref_squeeze %dma_wait3A_382 : memref<1x80xi32, #tpu.memory_space<vmem>> -> memref<80xi32, #tpu.memory_space<vmem>>
        %dma_wait3A_384 = arith.constant 0 : i32
        %dma_wait3A_385 = arith.constant 0 : i32
        %dma_wait3A_386 = tpu.memref_slice %arg11[%dma_wait3A_384, %dma_wait3A_385] : memref<10000x64xf32, #tpu.memory_space<vmem_shared>> -> memref<10000x64xf32, #tpu.memory_space<vmem_shared>>
        tpu.wait_indirect_dma semaphore(%arg13 : memref<!tpu.dma_semaphore, #tpu.memory_space<semaphore_mem>>) src(%dma_wait3A_380 : memref<80x64xf32, #tpu.memory_space<vmem>>) dst(%dma_wait3A_386 : memref<10000x64xf32, #tpu.memory_space<vmem_shared>>)
      } else {
      }
      %ge3A_298 = arith.constant 2 : i32
      %ge3A_299 = arith.cmpi sge, %scan3A_226, %ge3A_298 : i32
      %eq3A_300 = arith.constant 1 : i32
      %eq3A_301 = arith.cmpi eq, %rem3A_231, %eq3A_300 : i32
      %and3A_302 = arith.andi %ge3A_299, %eq3A_301 : i1
      %convert_element_type3A_303 = arith.extui %and3A_302 : i1 to i32
      %cond3A_304 = arith.constant 0 : i32
      %cond3A_305 = arith.cmpi ne, %convert_element_type3A_303, %cond3A_304 : i32
      scf.if %cond3A_305 {
        %dma_wait3A_335 = arith.constant 1 : i32
        %dma_wait3A_336 = arith.constant 0 : i32
        %dma_wait3A_337 = arith.constant 0 : i32
        %dma_wait3A_338 = arith.constant 0 : i32
        %dma_wait3A_339 = arith.constant 0 : i32
        %dma_wait3A_340 = tpu.memref_slice %arg10[%dma_wait3A_335, %dma_wait3A_336, %dma_wait3A_338, %dma_wait3A_339] : memref<3x4x80x64xf32, #tpu.memory_space<vmem>> -> memref<1x1x80x64xf32, #tpu.memory_space<vmem>>
        %dma_wait3A_341 = tpu.memref_squeeze %dma_wait3A_340 : memref<1x1x80x64xf32, #tpu.memory_space<vmem>> -> memref<80x64xf32, #tpu.memory_space<vmem>>
        %dma_wait3A_342 = arith.constant 0 : i32
        %dma_wait3A_343 = tpu.memref_slice %arg9[%dma_wait3A_337, %dma_wait3A_342] : memref<125x80xi32, #tpu.memory_space<vmem>> -> memref<1x80xi32, #tpu.memory_space<vmem>>
        %dma_wait3A_344 = tpu.memref_squeeze %dma_wait3A_343 : memref<1x80xi32, #tpu.memory_space<vmem>> -> memref<80xi32, #tpu.memory_space<vmem>>
        %dma_wait3A_345 = arith.constant 0 : i32
        %dma_wait3A_346 = arith.constant 0 : i32
        %dma_wait3A_347 = tpu.memref_slice %arg11[%dma_wait3A_345, %dma_wait3A_346] : memref<10000x64xf32, #tpu.memory_space<vmem_shared>> -> memref<10000x64xf32, #tpu.memory_space<vmem_shared>>
        tpu.wait_indirect_dma semaphore(%arg14 : memref<!tpu.dma_semaphore, #tpu.memory_space<semaphore_mem>>) src(%dma_wait3A_341 : memref<80x64xf32, #tpu.memory_space<vmem>>) dst(%dma_wait3A_347 : memref<10000x64xf32, #tpu.memory_space<vmem_shared>>)
        %dma_wait3A_348 = arith.constant 1 : i32
        %dma_wait3A_349 = arith.constant 1 : i32
        %dma_wait3A_350 = arith.constant 0 : i32
        %dma_wait3A_351 = arith.constant 0 : i32
        %dma_wait3A_352 = arith.constant 0 : i32
        %dma_wait3A_353 = tpu.memref_slice %arg10[%dma_wait3A_348, %dma_wait3A_349, %dma_wait3A_351, %dma_wait3A_352] : memref<3x4x80x64xf32, #tpu.memory_space<vmem>> -> memref<1x1x80x64xf32, #tpu.memory_space<vmem>>
        %dma_wait3A_354 = tpu.memref_squeeze %dma_wait3A_353 : memref<1x1x80x64xf32, #tpu.memory_space<vmem>> -> memref<80x64xf32, #tpu.memory_space<vmem>>
        %dma_wait3A_355 = arith.constant 0 : i32
        %dma_wait3A_356 = tpu.memref_slice %arg9[%dma_wait3A_350, %dma_wait3A_355] : memref<125x80xi32, #tpu.memory_space<vmem>> -> memref<1x80xi32, #tpu.memory_space<vmem>>
        %dma_wait3A_357 = tpu.memref_squeeze %dma_wait3A_356 : memref<1x80xi32, #tpu.memory_space<vmem>> -> memref<80xi32, #tpu.memory_space<vmem>>
        %dma_wait3A_358 = arith.constant 0 : i32
        %dma_wait3A_359 = arith.constant 0 : i32
        %dma_wait3A_360 = tpu.memref_slice %arg11[%dma_wait3A_358, %dma_wait3A_359] : memref<10000x64xf32, #tpu.memory_space<vmem_shared>> -> memref<10000x64xf32, #tpu.memory_space<vmem_shared>>
        tpu.wait_indirect_dma semaphore(%arg14 : memref<!tpu.dma_semaphore, #tpu.memory_space<semaphore_mem>>) src(%dma_wait3A_354 : memref<80x64xf32, #tpu.memory_space<vmem>>) dst(%dma_wait3A_360 : memref<10000x64xf32, #tpu.memory_space<vmem_shared>>)
        %dma_wait3A_361 = arith.constant 1 : i32
        %dma_wait3A_362 = arith.constant 2 : i32
        %dma_wait3A_363 = arith.constant 0 : i32
        %dma_wait3A_364 = arith.constant 0 : i32
        %dma_wait3A_365 = arith.constant 0 : i32
        %dma_wait3A_366 = tpu.memref_slice %arg10[%dma_wait3A_361, %dma_wait3A_362, %dma_wait3A_364, %dma_wait3A_365] : memref<3x4x80x64xf32, #tpu.memory_space<vmem>> -> memref<1x1x80x64xf32, #tpu.memory_space<vmem>>
        %dma_wait3A_367 = tpu.memref_squeeze %dma_wait3A_366 : memref<1x1x80x64xf32, #tpu.memory_space<vmem>> -> memref<80x64xf32, #tpu.memory_space<vmem>>
        %dma_wait3A_368 = arith.constant 0 : i32
        %dma_wait3A_369 = tpu.memref_slice %arg9[%dma_wait3A_363, %dma_wait3A_368] : memref<125x80xi32, #tpu.memory_space<vmem>> -> memref<1x80xi32, #tpu.memory_space<vmem>>
        %dma_wait3A_370 = tpu.memref_squeeze %dma_wait3A_369 : memref<1x80xi32, #tpu.memory_space<vmem>> -> memref<80xi32, #tpu.memory_space<vmem>>
        %dma_wait3A_371 = arith.constant 0 : i32
        %dma_wait3A_372 = arith.constant 0 : i32
        %dma_wait3A_373 = tpu.memref_slice %arg11[%dma_wait3A_371, %dma_wait3A_372] : memref<10000x64xf32, #tpu.memory_space<vmem_shared>> -> memref<10000x64xf32, #tpu.memory_space<vmem_shared>>
        tpu.wait_indirect_dma semaphore(%arg14 : memref<!tpu.dma_semaphore, #tpu.memory_space<semaphore_mem>>) src(%dma_wait3A_367 : memref<80x64xf32, #tpu.memory_space<vmem>>) dst(%dma_wait3A_373 : memref<10000x64xf32, #tpu.memory_space<vmem_shared>>)
        %dma_wait3A_374 = arith.constant 1 : i32
        %dma_wait3A_375 = arith.constant 3 : i32
        %dma_wait3A_376 = arith.constant 0 : i32
        %dma_wait3A_377 = arith.constant 0 : i32
        %dma_wait3A_378 = arith.constant 0 : i32
        %dma_wait3A_379 = tpu.memref_slice %arg10[%dma_wait3A_374, %dma_wait3A_375, %dma_wait3A_377, %dma_wait3A_378] : memref<3x4x80x64xf32, #tpu.memory_space<vmem>> -> memref<1x1x80x64xf32, #tpu.memory_space<vmem>>
        %dma_wait3A_380 = tpu.memref_squeeze %dma_wait3A_379 : memref<1x1x80x64xf32, #tpu.memory_space<vmem>> -> memref<80x64xf32, #tpu.memory_space<vmem>>
        %dma_wait3A_381 = arith.constant 0 : i32
        %dma_wait3A_382 = tpu.memref_slice %arg9[%dma_wait3A_376, %dma_wait3A_381] : memref<125x80xi32, #tpu.memory_space<vmem>> -> memref<1x80xi32, #tpu.memory_space<vmem>>
        %dma_wait3A_383 = tpu.memref_squeeze %dma_wait3A_382 : memref<1x80xi32, #tpu.memory_space<vmem>> -> memref<80xi32, #tpu.memory_space<vmem>>
        %dma_wait3A_384 = arith.constant 0 : i32
        %dma_wait3A_385 = arith.constant 0 : i32
        %dma_wait3A_386 = tpu.memref_slice %arg11[%dma_wait3A_384, %dma_wait3A_385] : memref<10000x64xf32, #tpu.memory_space<vmem_shared>> -> memref<10000x64xf32, #tpu.memory_space<vmem_shared>>
        tpu.wait_indirect_dma semaphore(%arg14 : memref<!tpu.dma_semaphore, #tpu.memory_space<semaphore_mem>>) src(%dma_wait3A_380 : memref<80x64xf32, #tpu.memory_space<vmem>>) dst(%dma_wait3A_386 : memref<10000x64xf32, #tpu.memory_space<vmem_shared>>)
      } else {
      }
      %ge3A_306 = arith.constant 2 : i32
      %ge3A_307 = arith.cmpi sge, %scan3A_226, %ge3A_306 : i32
      %eq3A_308 = arith.constant 2 : i32
      %eq3A_309 = arith.cmpi eq, %rem3A_231, %eq3A_308 : i32
      %and3A_310 = arith.andi %ge3A_307, %eq3A_309 : i1
      %convert_element_type3A_311 = arith.extui %and3A_310 : i1 to i32
      %cond3A_312 = arith.constant 0 : i32
      %cond3A_313 = arith.cmpi ne, %convert_element_type3A_311, %cond3A_312 : i32
      scf.if %cond3A_313 {
        %dma_wait3A_335 = arith.constant 2 : i32
        %dma_wait3A_336 = arith.constant 0 : i32
        %dma_wait3A_337 = arith.constant 0 : i32
        %dma_wait3A_338 = arith.constant 0 : i32
        %dma_wait3A_339 = arith.constant 0 : i32
        %dma_wait3A_340 = tpu.memref_slice %arg10[%dma_wait3A_335, %dma_wait3A_336, %dma_wait3A_338, %dma_wait3A_339] : memref<3x4x80x64xf32, #tpu.memory_space<vmem>> -> memref<1x1x80x64xf32, #tpu.memory_space<vmem>>
        %dma_wait3A_341 = tpu.memref_squeeze %dma_wait3A_340 : memref<1x1x80x64xf32, #tpu.memory_space<vmem>> -> memref<80x64xf32, #tpu.memory_space<vmem>>
        %dma_wait3A_342 = arith.constant 0 : i32
        %dma_wait3A_343 = tpu.memref_slice %arg9[%dma_wait3A_337, %dma_wait3A_342] : memref<125x80xi32, #tpu.memory_space<vmem>> -> memref<1x80xi32, #tpu.memory_space<vmem>>
        %dma_wait3A_344 = tpu.memref_squeeze %dma_wait3A_343 : memref<1x80xi32, #tpu.memory_space<vmem>> -> memref<80xi32, #tpu.memory_space<vmem>>
        %dma_wait3A_345 = arith.constant 0 : i32
        %dma_wait3A_346 = arith.constant 0 : i32
        %dma_wait3A_347 = tpu.memref_slice %arg11[%dma_wait3A_345, %dma_wait3A_346] : memref<10000x64xf32, #tpu.memory_space<vmem_shared>> -> memref<10000x64xf32, #tpu.memory_space<vmem_shared>>
        tpu.wait_indirect_dma semaphore(%arg15 : memref<!tpu.dma_semaphore, #tpu.memory_space<semaphore_mem>>) src(%dma_wait3A_341 : memref<80x64xf32, #tpu.memory_space<vmem>>) dst(%dma_wait3A_347 : memref<10000x64xf32, #tpu.memory_space<vmem_shared>>)
        %dma_wait3A_348 = arith.constant 2 : i32
        %dma_wait3A_349 = arith.constant 1 : i32
        %dma_wait3A_350 = arith.constant 0 : i32
        %dma_wait3A_351 = arith.constant 0 : i32
        %dma_wait3A_352 = arith.constant 0 : i32
        %dma_wait3A_353 = tpu.memref_slice %arg10[%dma_wait3A_348, %dma_wait3A_349, %dma_wait3A_351, %dma_wait3A_352] : memref<3x4x80x64xf32, #tpu.memory_space<vmem>> -> memref<1x1x80x64xf32, #tpu.memory_space<vmem>>
        %dma_wait3A_354 = tpu.memref_squeeze %dma_wait3A_353 : memref<1x1x80x64xf32, #tpu.memory_space<vmem>> -> memref<80x64xf32, #tpu.memory_space<vmem>>
        %dma_wait3A_355 = arith.constant 0 : i32
        %dma_wait3A_356 = tpu.memref_slice %arg9[%dma_wait3A_350, %dma_wait3A_355] : memref<125x80xi32, #tpu.memory_space<vmem>> -> memref<1x80xi32, #tpu.memory_space<vmem>>
        %dma_wait3A_357 = tpu.memref_squeeze %dma_wait3A_356 : memref<1x80xi32, #tpu.memory_space<vmem>> -> memref<80xi32, #tpu.memory_space<vmem>>
        %dma_wait3A_358 = arith.constant 0 : i32
        %dma_wait3A_359 = arith.constant 0 : i32
        %dma_wait3A_360 = tpu.memref_slice %arg11[%dma_wait3A_358, %dma_wait3A_359] : memref<10000x64xf32, #tpu.memory_space<vmem_shared>> -> memref<10000x64xf32, #tpu.memory_space<vmem_shared>>
        tpu.wait_indirect_dma semaphore(%arg15 : memref<!tpu.dma_semaphore, #tpu.memory_space<semaphore_mem>>) src(%dma_wait3A_354 : memref<80x64xf32, #tpu.memory_space<vmem>>) dst(%dma_wait3A_360 : memref<10000x64xf32, #tpu.memory_space<vmem_shared>>)
        %dma_wait3A_361 = arith.constant 2 : i32
        %dma_wait3A_362 = arith.constant 2 : i32
        %dma_wait3A_363 = arith.constant 0 : i32
        %dma_wait3A_364 = arith.constant 0 : i32
        %dma_wait3A_365 = arith.constant 0 : i32
        %dma_wait3A_366 = tpu.memref_slice %arg10[%dma_wait3A_361, %dma_wait3A_362, %dma_wait3A_364, %dma_wait3A_365] : memref<3x4x80x64xf32, #tpu.memory_space<vmem>> -> memref<1x1x80x64xf32, #tpu.memory_space<vmem>>
        %dma_wait3A_367 = tpu.memref_squeeze %dma_wait3A_366 : memref<1x1x80x64xf32, #tpu.memory_space<vmem>> -> memref<80x64xf32, #tpu.memory_space<vmem>>
        %dma_wait3A_368 = arith.constant 0 : i32
        %dma_wait3A_369 = tpu.memref_slice %arg9[%dma_wait3A_363, %dma_wait3A_368] : memref<125x80xi32, #tpu.memory_space<vmem>> -> memref<1x80xi32, #tpu.memory_space<vmem>>
        %dma_wait3A_370 = tpu.memref_squeeze %dma_wait3A_369 : memref<1x80xi32, #tpu.memory_space<vmem>> -> memref<80xi32, #tpu.memory_space<vmem>>
        %dma_wait3A_371 = arith.constant 0 : i32
        %dma_wait3A_372 = arith.constant 0 : i32
        %dma_wait3A_373 = tpu.memref_slice %arg11[%dma_wait3A_371, %dma_wait3A_372] : memref<10000x64xf32, #tpu.memory_space<vmem_shared>> -> memref<10000x64xf32, #tpu.memory_space<vmem_shared>>
        tpu.wait_indirect_dma semaphore(%arg15 : memref<!tpu.dma_semaphore, #tpu.memory_space<semaphore_mem>>) src(%dma_wait3A_367 : memref<80x64xf32, #tpu.memory_space<vmem>>) dst(%dma_wait3A_373 : memref<10000x64xf32, #tpu.memory_space<vmem_shared>>)
        %dma_wait3A_374 = arith.constant 2 : i32
        %dma_wait3A_375 = arith.constant 3 : i32
        %dma_wait3A_376 = arith.constant 0 : i32
        %dma_wait3A_377 = arith.constant 0 : i32
        %dma_wait3A_378 = arith.constant 0 : i32
        %dma_wait3A_379 = tpu.memref_slice %arg10[%dma_wait3A_374, %dma_wait3A_375, %dma_wait3A_377, %dma_wait3A_378] : memref<3x4x80x64xf32, #tpu.memory_space<vmem>> -> memref<1x1x80x64xf32, #tpu.memory_space<vmem>>
        %dma_wait3A_380 = tpu.memref_squeeze %dma_wait3A_379 : memref<1x1x80x64xf32, #tpu.memory_space<vmem>> -> memref<80x64xf32, #tpu.memory_space<vmem>>
        %dma_wait3A_381 = arith.constant 0 : i32
        %dma_wait3A_382 = tpu.memref_slice %arg9[%dma_wait3A_376, %dma_wait3A_381] : memref<125x80xi32, #tpu.memory_space<vmem>> -> memref<1x80xi32, #tpu.memory_space<vmem>>
        %dma_wait3A_383 = tpu.memref_squeeze %dma_wait3A_382 : memref<1x80xi32, #tpu.memory_space<vmem>> -> memref<80xi32, #tpu.memory_space<vmem>>
        %dma_wait3A_384 = arith.constant 0 : i32
        %dma_wait3A_385 = arith.constant 0 : i32
        %dma_wait3A_386 = tpu.memref_slice %arg11[%dma_wait3A_384, %dma_wait3A_385] : memref<10000x64xf32, #tpu.memory_space<vmem_shared>> -> memref<10000x64xf32, #tpu.memory_space<vmem_shared>>
        tpu.wait_indirect_dma semaphore(%arg15 : memref<!tpu.dma_semaphore, #tpu.memory_space<semaphore_mem>>) src(%dma_wait3A_380 : memref<80x64xf32, #tpu.memory_space<vmem>>) dst(%dma_wait3A_386 : memref<10000x64xf32, #tpu.memory_space<vmem_shared>>)
      } else {
      }
      %add3A_314 = arith.constant 1 : i32
      %add3A_315 = arith.addi %scan3A_226, %add3A_314 : i32
      %lt3A = arith.constant 31 : i32
      %lt3A_316 = arith.cmpi slt, %add3A_315, %lt3A : i32
      %convert_element_type3A_317 = arith.extui %lt3A_316 : i1 to i32
      %cond3A_318 = arith.constant 0 : i32
      %cond3A_319 = arith.cmpi ne, %convert_element_type3A_317, %cond3A_318 : i32
      scf.if %cond3A_319 {
        %add3A_335 = arith.constant 1 : i32
        %add3A_336 = arith.addi %scan3A_226, %add3A_335 : i32
        %mul3A_337 = arith.constant 4 : i32
        %mul3A_338 = arith.muli %add3A_336, %mul3A_337 : i32
        %add3A_339 = arith.constant 0 : i32
        %add3A_340 = arith.addi %mul3A_338, %add3A_339 : i32
        %dma_start3A_341 = arith.constant 0 : i32
        %dma_start3A_342 = arith.constant 0 : i32
        %dma_start3A_343 = arith.constant 0 : i32
        %dma_start3A_344 = tpu.memref_slice %arg10[%rem3A_231, %dma_start3A_341, %dma_start3A_342, %dma_start3A_343] : memref<3x4x80x64xf32, #tpu.memory_space<vmem>> -> memref<1x1x80x64xf32, #tpu.memory_space<vmem>>
        %dma_start3A_345 = tpu.memref_squeeze %dma_start3A_344 : memref<1x1x80x64xf32, #tpu.memory_space<vmem>> -> memref<80x64xf32, #tpu.memory_space<vmem>>
        %dma_start3A_346 = arith.constant 0 : i32
        %dma_start3A_347 = tpu.memref_slice %arg8[%add3A_340, %dma_start3A_346] : memref<125x80xi32, #tpu.memory_space<vmem>> -> memref<1x80xi32, #tpu.memory_space<vmem>>
        %dma_start3A_348 = tpu.memref_squeeze %dma_start3A_347 : memref<1x80xi32, #tpu.memory_space<vmem>> -> memref<80xi32, #tpu.memory_space<vmem>>
        %dma_start3A_349 = arith.constant 0 : i32
        %dma_start3A_350 = arith.constant 0 : i32
        %dma_start3A_351 = tpu.memref_slice %arg2[%dma_start3A_349, %dma_start3A_350] : memref<10000x64xf32, #tpu.memory_space<hbm>> -> memref<10000x64xf32, #tpu.memory_space<hbm>>
        tpu.enqueue_indirect_dma source(%dma_start3A_351 : memref<10000x64xf32, #tpu.memory_space<hbm>>) target(%dma_start3A_345 : memref<80x64xf32, #tpu.memory_space<vmem>>) offsets(%dma_start3A_348 : memref<80xi32, #tpu.memory_space<vmem>>) semaphore(%arg12 : memref<!tpu.dma_semaphore, #tpu.memory_space<semaphore_mem>>)
        %add3A_352 = arith.constant 1 : i32
        %add3A_353 = arith.addi %scan3A_226, %add3A_352 : i32
        %mul3A_354 = arith.constant 4 : i32
        %mul3A_355 = arith.muli %add3A_353, %mul3A_354 : i32
        %add3A_356 = arith.constant 1 : i32
        %add3A_357 = arith.addi %mul3A_355, %add3A_356 : i32
        %dma_start3A_358 = arith.constant 1 : i32
        %dma_start3A_359 = arith.constant 0 : i32
        %dma_start3A_360 = arith.constant 0 : i32
        %dma_start3A_361 = tpu.memref_slice %arg10[%rem3A_231, %dma_start3A_358, %dma_start3A_359, %dma_start3A_360] : memref<3x4x80x64xf32, #tpu.memory_space<vmem>> -> memref<1x1x80x64xf32, #tpu.memory_space<vmem>>
        %dma_start3A_362 = tpu.memref_squeeze %dma_start3A_361 : memref<1x1x80x64xf32, #tpu.memory_space<vmem>> -> memref<80x64xf32, #tpu.memory_space<vmem>>
        %dma_start3A_363 = arith.constant 0 : i32
        %dma_start3A_364 = tpu.memref_slice %arg8[%add3A_357, %dma_start3A_363] : memref<125x80xi32, #tpu.memory_space<vmem>> -> memref<1x80xi32, #tpu.memory_space<vmem>>
        %dma_start3A_365 = tpu.memref_squeeze %dma_start3A_364 : memref<1x80xi32, #tpu.memory_space<vmem>> -> memref<80xi32, #tpu.memory_space<vmem>>
        %dma_start3A_366 = arith.constant 0 : i32
        %dma_start3A_367 = arith.constant 0 : i32
        %dma_start3A_368 = tpu.memref_slice %arg2[%dma_start3A_366, %dma_start3A_367] : memref<10000x64xf32, #tpu.memory_space<hbm>> -> memref<10000x64xf32, #tpu.memory_space<hbm>>
        tpu.enqueue_indirect_dma source(%dma_start3A_368 : memref<10000x64xf32, #tpu.memory_space<hbm>>) target(%dma_start3A_362 : memref<80x64xf32, #tpu.memory_space<vmem>>) offsets(%dma_start3A_365 : memref<80xi32, #tpu.memory_space<vmem>>) semaphore(%arg12 : memref<!tpu.dma_semaphore, #tpu.memory_space<semaphore_mem>>)
        %add3A_369 = arith.constant 1 : i32
        %add3A_370 = arith.addi %scan3A_226, %add3A_369 : i32
        %mul3A_371 = arith.constant 4 : i32
        %mul3A_372 = arith.muli %add3A_370, %mul3A_371 : i32
        %add3A_373 = arith.constant 2 : i32
        %add3A_374 = arith.addi %mul3A_372, %add3A_373 : i32
        %dma_start3A_375 = arith.constant 2 : i32
        %dma_start3A_376 = arith.constant 0 : i32
        %dma_start3A_377 = arith.constant 0 : i32
        %dma_start3A_378 = tpu.memref_slice %arg10[%rem3A_231, %dma_start3A_375, %dma_start3A_376, %dma_start3A_377] : memref<3x4x80x64xf32, #tpu.memory_space<vmem>> -> memref<1x1x80x64xf32, #tpu.memory_space<vmem>>
        %dma_start3A_379 = tpu.memref_squeeze %dma_start3A_378 : memref<1x1x80x64xf32, #tpu.memory_space<vmem>> -> memref<80x64xf32, #tpu.memory_space<vmem>>
        %dma_start3A_380 = arith.constant 0 : i32
        %dma_start3A_381 = tpu.memref_slice %arg8[%add3A_374, %dma_start3A_380] : memref<125x80xi32, #tpu.memory_space<vmem>> -> memref<1x80xi32, #tpu.memory_space<vmem>>
        %dma_start3A_382 = tpu.memref_squeeze %dma_start3A_381 : memref<1x80xi32, #tpu.memory_space<vmem>> -> memref<80xi32, #tpu.memory_space<vmem>>
        %dma_start3A_383 = arith.constant 0 : i32
        %dma_start3A_384 = arith.constant 0 : i32
        %dma_start3A_385 = tpu.memref_slice %arg2[%dma_start3A_383, %dma_start3A_384] : memref<10000x64xf32, #tpu.memory_space<hbm>> -> memref<10000x64xf32, #tpu.memory_space<hbm>>
        tpu.enqueue_indirect_dma source(%dma_start3A_385 : memref<10000x64xf32, #tpu.memory_space<hbm>>) target(%dma_start3A_379 : memref<80x64xf32, #tpu.memory_space<vmem>>) offsets(%dma_start3A_382 : memref<80xi32, #tpu.memory_space<vmem>>) semaphore(%arg12 : memref<!tpu.dma_semaphore, #tpu.memory_space<semaphore_mem>>)
        %add3A_386 = arith.constant 1 : i32
        %add3A_387 = arith.addi %scan3A_226, %add3A_386 : i32
        %mul3A_388 = arith.constant 4 : i32
        %mul3A_389 = arith.muli %add3A_387, %mul3A_388 : i32
        %add3A_390 = arith.constant 3 : i32
        %add3A_391 = arith.addi %mul3A_389, %add3A_390 : i32
        %dma_start3A_392 = arith.constant 3 : i32
        %dma_start3A_393 = arith.constant 0 : i32
        %dma_start3A_394 = arith.constant 0 : i32
        %dma_start3A_395 = tpu.memref_slice %arg10[%rem3A_231, %dma_start3A_392, %dma_start3A_393, %dma_start3A_394] : memref<3x4x80x64xf32, #tpu.memory_space<vmem>> -> memref<1x1x80x64xf32, #tpu.memory_space<vmem>>
        %dma_start3A_396 = tpu.memref_squeeze %dma_start3A_395 : memref<1x1x80x64xf32, #tpu.memory_space<vmem>> -> memref<80x64xf32, #tpu.memory_space<vmem>>
        %dma_start3A_397 = arith.constant 0 : i32
        %dma_start3A_398 = tpu.memref_slice %arg8[%add3A_391, %dma_start3A_397] : memref<125x80xi32, #tpu.memory_space<vmem>> -> memref<1x80xi32, #tpu.memory_space<vmem>>
        %dma_start3A_399 = tpu.memref_squeeze %dma_start3A_398 : memref<1x80xi32, #tpu.memory_space<vmem>> -> memref<80xi32, #tpu.memory_space<vmem>>
        %dma_start3A_400 = arith.constant 0 : i32
        %dma_start3A_401 = arith.constant 0 : i32
        %dma_start3A_402 = tpu.memref_slice %arg2[%dma_start3A_400, %dma_start3A_401] : memref<10000x64xf32, #tpu.memory_space<hbm>> -> memref<10000x64xf32, #tpu.memory_space<hbm>>
        tpu.enqueue_indirect_dma source(%dma_start3A_402 : memref<10000x64xf32, #tpu.memory_space<hbm>>) target(%dma_start3A_396 : memref<80x64xf32, #tpu.memory_space<vmem>>) offsets(%dma_start3A_399 : memref<80xi32, #tpu.memory_space<vmem>>) semaphore(%arg12 : memref<!tpu.dma_semaphore, #tpu.memory_space<semaphore_mem>>)
      } else {
      }
      %eq3A_320 = arith.constant 0 : i32
      %eq3A_321 = arith.cmpi eq, %rem3A_227, %eq3A_320 : i32
      %convert_element_type3A_322 = arith.extui %eq3A_321 : i1 to i32
      %cond3A_323 = arith.constant 0 : i32
      %cond3A_324 = arith.cmpi ne, %convert_element_type3A_322, %cond3A_323 : i32
      scf.if %cond3A_324 {
        %mul3A_335 = arith.constant 4 : i32
        %mul3A_336 = arith.muli %scan3A_226, %mul3A_335 : i32
        %add3A_337 = arith.constant 0 : i32
        %add3A_338 = arith.addi %mul3A_336, %add3A_337 : i32
        %dma_start3A_339 = arith.constant 0 : i32
        %dma_start3A_340 = arith.constant 0 : i32
        %dma_start3A_341 = arith.constant 0 : i32
        %dma_start3A_342 = arith.constant 0 : i32
        %dma_start3A_343 = tpu.memref_slice %arg10[%dma_start3A_339, %dma_start3A_340, %dma_start3A_341, %dma_start3A_342] : memref<3x4x80x64xf32, #tpu.memory_space<vmem>> -> memref<1x1x80x64xf32, #tpu.memory_space<vmem>>
        %dma_start3A_344 = tpu.memref_squeeze %dma_start3A_343 : memref<1x1x80x64xf32, #tpu.memory_space<vmem>> -> memref<80x64xf32, #tpu.memory_space<vmem>>
        %dma_start3A_345 = arith.constant 0 : i32
        %dma_start3A_346 = tpu.memref_slice %arg9[%add3A_338, %dma_start3A_345] : memref<125x80xi32, #tpu.memory_space<vmem>> -> memref<1x80xi32, #tpu.memory_space<vmem>>
        %dma_start3A_347 = tpu.memref_squeeze %dma_start3A_346 : memref<1x80xi32, #tpu.memory_space<vmem>> -> memref<80xi32, #tpu.memory_space<vmem>>
        %dma_start3A_348 = arith.constant 0 : i32
        %dma_start3A_349 = arith.constant 0 : i32
        %dma_start3A_350 = tpu.memref_slice %arg11[%dma_start3A_348, %dma_start3A_349] : memref<10000x64xf32, #tpu.memory_space<vmem_shared>> -> memref<10000x64xf32, #tpu.memory_space<vmem_shared>>
        tpu.enqueue_indirect_dma source(%dma_start3A_344 : memref<80x64xf32, #tpu.memory_space<vmem>>) target(%dma_start3A_350 : memref<10000x64xf32, #tpu.memory_space<vmem_shared>>) offsets(%dma_start3A_347 : memref<80xi32, #tpu.memory_space<vmem>>) semaphore(%arg13 : memref<!tpu.dma_semaphore, #tpu.memory_space<semaphore_mem>>) {add = true}
        %mul3A_351 = arith.constant 4 : i32
        %mul3A_352 = arith.muli %scan3A_226, %mul3A_351 : i32
        %add3A_353 = arith.constant 1 : i32
        %add3A_354 = arith.addi %mul3A_352, %add3A_353 : i32
        %dma_start3A_355 = arith.constant 0 : i32
        %dma_start3A_356 = arith.constant 1 : i32
        %dma_start3A_357 = arith.constant 0 : i32
        %dma_start3A_358 = arith.constant 0 : i32
        %dma_start3A_359 = tpu.memref_slice %arg10[%dma_start3A_355, %dma_start3A_356, %dma_start3A_357, %dma_start3A_358] : memref<3x4x80x64xf32, #tpu.memory_space<vmem>> -> memref<1x1x80x64xf32, #tpu.memory_space<vmem>>
        %dma_start3A_360 = tpu.memref_squeeze %dma_start3A_359 : memref<1x1x80x64xf32, #tpu.memory_space<vmem>> -> memref<80x64xf32, #tpu.memory_space<vmem>>
        %dma_start3A_361 = arith.constant 0 : i32
        %dma_start3A_362 = tpu.memref_slice %arg9[%add3A_354, %dma_start3A_361] : memref<125x80xi32, #tpu.memory_space<vmem>> -> memref<1x80xi32, #tpu.memory_space<vmem>>
        %dma_start3A_363 = tpu.memref_squeeze %dma_start3A_362 : memref<1x80xi32, #tpu.memory_space<vmem>> -> memref<80xi32, #tpu.memory_space<vmem>>
        %dma_start3A_364 = arith.constant 0 : i32
        %dma_start3A_365 = arith.constant 0 : i32
        %dma_start3A_366 = tpu.memref_slice %arg11[%dma_start3A_364, %dma_start3A_365] : memref<10000x64xf32, #tpu.memory_space<vmem_shared>> -> memref<10000x64xf32, #tpu.memory_space<vmem_shared>>
        tpu.enqueue_indirect_dma source(%dma_start3A_360 : memref<80x64xf32, #tpu.memory_space<vmem>>) target(%dma_start3A_366 : memref<10000x64xf32, #tpu.memory_space<vmem_shared>>) offsets(%dma_start3A_363 : memref<80xi32, #tpu.memory_space<vmem>>) semaphore(%arg13 : memref<!tpu.dma_semaphore, #tpu.memory_space<semaphore_mem>>) {add = true}
        %mul3A_367 = arith.constant 4 : i32
        %mul3A_368 = arith.muli %scan3A_226, %mul3A_367 : i32
        %add3A_369 = arith.constant 2 : i32
        %add3A_370 = arith.addi %mul3A_368, %add3A_369 : i32
        %dma_start3A_371 = arith.constant 0 : i32
        %dma_start3A_372 = arith.constant 2 : i32
        %dma_start3A_373 = arith.constant 0 : i32
        %dma_start3A_374 = arith.constant 0 : i32
        %dma_start3A_375 = tpu.memref_slice %arg10[%dma_start3A_371, %dma_start3A_372, %dma_start3A_373, %dma_start3A_374] : memref<3x4x80x64xf32, #tpu.memory_space<vmem>> -> memref<1x1x80x64xf32, #tpu.memory_space<vmem>>
        %dma_start3A_376 = tpu.memref_squeeze %dma_start3A_375 : memref<1x1x80x64xf32, #tpu.memory_space<vmem>> -> memref<80x64xf32, #tpu.memory_space<vmem>>
        %dma_start3A_377 = arith.constant 0 : i32
        %dma_start3A_378 = tpu.memref_slice %arg9[%add3A_370, %dma_start3A_377] : memref<125x80xi32, #tpu.memory_space<vmem>> -> memref<1x80xi32, #tpu.memory_space<vmem>>
        %dma_start3A_379 = tpu.memref_squeeze %dma_start3A_378 : memref<1x80xi32, #tpu.memory_space<vmem>> -> memref<80xi32, #tpu.memory_space<vmem>>
        %dma_start3A_380 = arith.constant 0 : i32
        %dma_start3A_381 = arith.constant 0 : i32
        %dma_start3A_382 = tpu.memref_slice %arg11[%dma_start3A_380, %dma_start3A_381] : memref<10000x64xf32, #tpu.memory_space<vmem_shared>> -> memref<10000x64xf32, #tpu.memory_space<vmem_shared>>
        tpu.enqueue_indirect_dma source(%dma_start3A_376 : memref<80x64xf32, #tpu.memory_space<vmem>>) target(%dma_start3A_382 : memref<10000x64xf32, #tpu.memory_space<vmem_shared>>) offsets(%dma_start3A_379 : memref<80xi32, #tpu.memory_space<vmem>>) semaphore(%arg13 : memref<!tpu.dma_semaphore, #tpu.memory_space<semaphore_mem>>) {add = true}
        %mul3A_383 = arith.constant 4 : i32
        %mul3A_384 = arith.muli %scan3A_226, %mul3A_383 : i32
        %add3A_385 = arith.constant 3 : i32
        %add3A_386 = arith.addi %mul3A_384, %add3A_385 : i32
        %dma_start3A_387 = arith.constant 0 : i32
        %dma_start3A_388 = arith.constant 3 : i32
        %dma_start3A_389 = arith.constant 0 : i32
        %dma_start3A_390 = arith.constant 0 : i32
        %dma_start3A_391 = tpu.memref_slice %arg10[%dma_start3A_387, %dma_start3A_388, %dma_start3A_389, %dma_start3A_390] : memref<3x4x80x64xf32, #tpu.memory_space<vmem>> -> memref<1x1x80x64xf32, #tpu.memory_space<vmem>>
        %dma_start3A_392 = tpu.memref_squeeze %dma_start3A_391 : memref<1x1x80x64xf32, #tpu.memory_space<vmem>> -> memref<80x64xf32, #tpu.memory_space<vmem>>
        %dma_start3A_393 = arith.constant 0 : i32
        %dma_start3A_394 = tpu.memref_slice %arg9[%add3A_386, %dma_start3A_393] : memref<125x80xi32, #tpu.memory_space<vmem>> -> memref<1x80xi32, #tpu.memory_space<vmem>>
        %dma_start3A_395 = tpu.memref_squeeze %dma_start3A_394 : memref<1x80xi32, #tpu.memory_space<vmem>> -> memref<80xi32, #tpu.memory_space<vmem>>
        %dma_start3A_396 = arith.constant 0 : i32
        %dma_start3A_397 = arith.constant 0 : i32
        %dma_start3A_398 = tpu.memref_slice %arg11[%dma_start3A_396, %dma_start3A_397] : memref<10000x64xf32, #tpu.memory_space<vmem_shared>> -> memref<10000x64xf32, #tpu.memory_space<vmem_shared>>
        tpu.enqueue_indirect_dma source(%dma_start3A_392 : memref<80x64xf32, #tpu.memory_space<vmem>>) target(%dma_start3A_398 : memref<10000x64xf32, #tpu.memory_space<vmem_shared>>) offsets(%dma_start3A_395 : memref<80xi32, #tpu.memory_space<vmem>>) semaphore(%arg13 : memref<!tpu.dma_semaphore, #tpu.memory_space<semaphore_mem>>) {add = true}
      } else {
      }
      %eq3A_325 = arith.constant 1 : i32
      %eq3A_326 = arith.cmpi eq, %rem3A_227, %eq3A_325 : i32
      %convert_element_type3A_327 = arith.extui %eq3A_326 : i1 to i32
      %cond3A_328 = arith.constant 0 : i32
      %cond3A_329 = arith.cmpi ne, %convert_element_type3A_327, %cond3A_328 : i32
      scf.if %cond3A_329 {
        %mul3A_335 = arith.constant 4 : i32
        %mul3A_336 = arith.muli %scan3A_226, %mul3A_335 : i32
        %add3A_337 = arith.constant 0 : i32
        %add3A_338 = arith.addi %mul3A_336, %add3A_337 : i32
        %dma_start3A_339 = arith.constant 1 : i32
        %dma_start3A_340 = arith.constant 0 : i32
        %dma_start3A_341 = arith.constant 0 : i32
        %dma_start3A_342 = arith.constant 0 : i32
        %dma_start3A_343 = tpu.memref_slice %arg10[%dma_start3A_339, %dma_start3A_340, %dma_start3A_341, %dma_start3A_342] : memref<3x4x80x64xf32, #tpu.memory_space<vmem>> -> memref<1x1x80x64xf32, #tpu.memory_space<vmem>>
        %dma_start3A_344 = tpu.memref_squeeze %dma_start3A_343 : memref<1x1x80x64xf32, #tpu.memory_space<vmem>> -> memref<80x64xf32, #tpu.memory_space<vmem>>
        %dma_start3A_345 = arith.constant 0 : i32
        %dma_start3A_346 = tpu.memref_slice %arg9[%add3A_338, %dma_start3A_345] : memref<125x80xi32, #tpu.memory_space<vmem>> -> memref<1x80xi32, #tpu.memory_space<vmem>>
        %dma_start3A_347 = tpu.memref_squeeze %dma_start3A_346 : memref<1x80xi32, #tpu.memory_space<vmem>> -> memref<80xi32, #tpu.memory_space<vmem>>
        %dma_start3A_348 = arith.constant 0 : i32
        %dma_start3A_349 = arith.constant 0 : i32
        %dma_start3A_350 = tpu.memref_slice %arg11[%dma_start3A_348, %dma_start3A_349] : memref<10000x64xf32, #tpu.memory_space<vmem_shared>> -> memref<10000x64xf32, #tpu.memory_space<vmem_shared>>
        tpu.enqueue_indirect_dma source(%dma_start3A_344 : memref<80x64xf32, #tpu.memory_space<vmem>>) target(%dma_start3A_350 : memref<10000x64xf32, #tpu.memory_space<vmem_shared>>) offsets(%dma_start3A_347 : memref<80xi32, #tpu.memory_space<vmem>>) semaphore(%arg14 : memref<!tpu.dma_semaphore, #tpu.memory_space<semaphore_mem>>) {add = true}
        %mul3A_351 = arith.constant 4 : i32
        %mul3A_352 = arith.muli %scan3A_226, %mul3A_351 : i32
        %add3A_353 = arith.constant 1 : i32
        %add3A_354 = arith.addi %mul3A_352, %add3A_353 : i32
        %dma_start3A_355 = arith.constant 1 : i32
        %dma_start3A_356 = arith.constant 1 : i32
        %dma_start3A_357 = arith.constant 0 : i32
        %dma_start3A_358 = arith.constant 0 : i32
        %dma_start3A_359 = tpu.memref_slice %arg10[%dma_start3A_355, %dma_start3A_356, %dma_start3A_357, %dma_start3A_358] : memref<3x4x80x64xf32, #tpu.memory_space<vmem>> -> memref<1x1x80x64xf32, #tpu.memory_space<vmem>>
        %dma_start3A_360 = tpu.memref_squeeze %dma_start3A_359 : memref<1x1x80x64xf32, #tpu.memory_space<vmem>> -> memref<80x64xf32, #tpu.memory_space<vmem>>
        %dma_start3A_361 = arith.constant 0 : i32
        %dma_start3A_362 = tpu.memref_slice %arg9[%add3A_354, %dma_start3A_361] : memref<125x80xi32, #tpu.memory_space<vmem>> -> memref<1x80xi32, #tpu.memory_space<vmem>>
        %dma_start3A_363 = tpu.memref_squeeze %dma_start3A_362 : memref<1x80xi32, #tpu.memory_space<vmem>> -> memref<80xi32, #tpu.memory_space<vmem>>
        %dma_start3A_364 = arith.constant 0 : i32
        %dma_start3A_365 = arith.constant 0 : i32
        %dma_start3A_366 = tpu.memref_slice %arg11[%dma_start3A_364, %dma_start3A_365] : memref<10000x64xf32, #tpu.memory_space<vmem_shared>> -> memref<10000x64xf32, #tpu.memory_space<vmem_shared>>
        tpu.enqueue_indirect_dma source(%dma_start3A_360 : memref<80x64xf32, #tpu.memory_space<vmem>>) target(%dma_start3A_366 : memref<10000x64xf32, #tpu.memory_space<vmem_shared>>) offsets(%dma_start3A_363 : memref<80xi32, #tpu.memory_space<vmem>>) semaphore(%arg14 : memref<!tpu.dma_semaphore, #tpu.memory_space<semaphore_mem>>) {add = true}
        %mul3A_367 = arith.constant 4 : i32
        %mul3A_368 = arith.muli %scan3A_226, %mul3A_367 : i32
        %add3A_369 = arith.constant 2 : i32
        %add3A_370 = arith.addi %mul3A_368, %add3A_369 : i32
        %dma_start3A_371 = arith.constant 1 : i32
        %dma_start3A_372 = arith.constant 2 : i32
        %dma_start3A_373 = arith.constant 0 : i32
        %dma_start3A_374 = arith.constant 0 : i32
        %dma_start3A_375 = tpu.memref_slice %arg10[%dma_start3A_371, %dma_start3A_372, %dma_start3A_373, %dma_start3A_374] : memref<3x4x80x64xf32, #tpu.memory_space<vmem>> -> memref<1x1x80x64xf32, #tpu.memory_space<vmem>>
        %dma_start3A_376 = tpu.memref_squeeze %dma_start3A_375 : memref<1x1x80x64xf32, #tpu.memory_space<vmem>> -> memref<80x64xf32, #tpu.memory_space<vmem>>
        %dma_start3A_377 = arith.constant 0 : i32
        %dma_start3A_378 = tpu.memref_slice %arg9[%add3A_370, %dma_start3A_377] : memref<125x80xi32, #tpu.memory_space<vmem>> -> memref<1x80xi32, #tpu.memory_space<vmem>>
        %dma_start3A_379 = tpu.memref_squeeze %dma_start3A_378 : memref<1x80xi32, #tpu.memory_space<vmem>> -> memref<80xi32, #tpu.memory_space<vmem>>
        %dma_start3A_380 = arith.constant 0 : i32
        %dma_start3A_381 = arith.constant 0 : i32
        %dma_start3A_382 = tpu.memref_slice %arg11[%dma_start3A_380, %dma_start3A_381] : memref<10000x64xf32, #tpu.memory_space<vmem_shared>> -> memref<10000x64xf32, #tpu.memory_space<vmem_shared>>
        tpu.enqueue_indirect_dma source(%dma_start3A_376 : memref<80x64xf32, #tpu.memory_space<vmem>>) target(%dma_start3A_382 : memref<10000x64xf32, #tpu.memory_space<vmem_shared>>) offsets(%dma_start3A_379 : memref<80xi32, #tpu.memory_space<vmem>>) semaphore(%arg14 : memref<!tpu.dma_semaphore, #tpu.memory_space<semaphore_mem>>) {add = true}
        %mul3A_383 = arith.constant 4 : i32
        %mul3A_384 = arith.muli %scan3A_226, %mul3A_383 : i32
        %add3A_385 = arith.constant 3 : i32
        %add3A_386 = arith.addi %mul3A_384, %add3A_385 : i32
        %dma_start3A_387 = arith.constant 1 : i32
        %dma_start3A_388 = arith.constant 3 : i32
        %dma_start3A_389 = arith.constant 0 : i32
        %dma_start3A_390 = arith.constant 0 : i32
        %dma_start3A_391 = tpu.memref_slice %arg10[%dma_start3A_387, %dma_start3A_388, %dma_start3A_389, %dma_start3A_390] : memref<3x4x80x64xf32, #tpu.memory_space<vmem>> -> memref<1x1x80x64xf32, #tpu.memory_space<vmem>>
        %dma_start3A_392 = tpu.memref_squeeze %dma_start3A_391 : memref<1x1x80x64xf32, #tpu.memory_space<vmem>> -> memref<80x64xf32, #tpu.memory_space<vmem>>
        %dma_start3A_393 = arith.constant 0 : i32
        %dma_start3A_394 = tpu.memref_slice %arg9[%add3A_386, %dma_start3A_393] : memref<125x80xi32, #tpu.memory_space<vmem>> -> memref<1x80xi32, #tpu.memory_space<vmem>>
        %dma_start3A_395 = tpu.memref_squeeze %dma_start3A_394 : memref<1x80xi32, #tpu.memory_space<vmem>> -> memref<80xi32, #tpu.memory_space<vmem>>
        %dma_start3A_396 = arith.constant 0 : i32
        %dma_start3A_397 = arith.constant 0 : i32
        %dma_start3A_398 = tpu.memref_slice %arg11[%dma_start3A_396, %dma_start3A_397] : memref<10000x64xf32, #tpu.memory_space<vmem_shared>> -> memref<10000x64xf32, #tpu.memory_space<vmem_shared>>
        tpu.enqueue_indirect_dma source(%dma_start3A_392 : memref<80x64xf32, #tpu.memory_space<vmem>>) target(%dma_start3A_398 : memref<10000x64xf32, #tpu.memory_space<vmem_shared>>) offsets(%dma_start3A_395 : memref<80xi32, #tpu.memory_space<vmem>>) semaphore(%arg14 : memref<!tpu.dma_semaphore, #tpu.memory_space<semaphore_mem>>) {add = true}
      } else {
      }
      %eq3A_330 = arith.constant 2 : i32
      %eq3A_331 = arith.cmpi eq, %rem3A_227, %eq3A_330 : i32
      %convert_element_type3A_332 = arith.extui %eq3A_331 : i1 to i32
      %cond3A_333 = arith.constant 0 : i32
      %cond3A_334 = arith.cmpi ne, %convert_element_type3A_332, %cond3A_333 : i32
      scf.if %cond3A_334 {
        %mul3A_335 = arith.constant 4 : i32
        %mul3A_336 = arith.muli %scan3A_226, %mul3A_335 : i32
        %add3A_337 = arith.constant 0 : i32
        %add3A_338 = arith.addi %mul3A_336, %add3A_337 : i32
        %dma_start3A_339 = arith.constant 2 : i32
        %dma_start3A_340 = arith.constant 0 : i32
        %dma_start3A_341 = arith.constant 0 : i32
        %dma_start3A_342 = arith.constant 0 : i32
        %dma_start3A_343 = tpu.memref_slice %arg10[%dma_start3A_339, %dma_start3A_340, %dma_start3A_341, %dma_start3A_342] : memref<3x4x80x64xf32, #tpu.memory_space<vmem>> -> memref<1x1x80x64xf32, #tpu.memory_space<vmem>>
        %dma_start3A_344 = tpu.memref_squeeze %dma_start3A_343 : memref<1x1x80x64xf32, #tpu.memory_space<vmem>> -> memref<80x64xf32, #tpu.memory_space<vmem>>
        %dma_start3A_345 = arith.constant 0 : i32
        %dma_start3A_346 = tpu.memref_slice %arg9[%add3A_338, %dma_start3A_345] : memref<125x80xi32, #tpu.memory_space<vmem>> -> memref<1x80xi32, #tpu.memory_space<vmem>>
        %dma_start3A_347 = tpu.memref_squeeze %dma_start3A_346 : memref<1x80xi32, #tpu.memory_space<vmem>> -> memref<80xi32, #tpu.memory_space<vmem>>
        %dma_start3A_348 = arith.constant 0 : i32
        %dma_start3A_349 = arith.constant 0 : i32
        %dma_start3A_350 = tpu.memref_slice %arg11[%dma_start3A_348, %dma_start3A_349] : memref<10000x64xf32, #tpu.memory_space<vmem_shared>> -> memref<10000x64xf32, #tpu.memory_space<vmem_shared>>
        tpu.enqueue_indirect_dma source(%dma_start3A_344 : memref<80x64xf32, #tpu.memory_space<vmem>>) target(%dma_start3A_350 : memref<10000x64xf32, #tpu.memory_space<vmem_shared>>) offsets(%dma_start3A_347 : memref<80xi32, #tpu.memory_space<vmem>>) semaphore(%arg15 : memref<!tpu.dma_semaphore, #tpu.memory_space<semaphore_mem>>) {add = true}
        %mul3A_351 = arith.constant 4 : i32
        %mul3A_352 = arith.muli %scan3A_226, %mul3A_351 : i32
        %add3A_353 = arith.constant 1 : i32
        %add3A_354 = arith.addi %mul3A_352, %add3A_353 : i32
        %dma_start3A_355 = arith.constant 2 : i32
        %dma_start3A_356 = arith.constant 1 : i32
        %dma_start3A_357 = arith.constant 0 : i32
        %dma_start3A_358 = arith.constant 0 : i32
        %dma_start3A_359 = tpu.memref_slice %arg10[%dma_start3A_355, %dma_start3A_356, %dma_start3A_357, %dma_start3A_358] : memref<3x4x80x64xf32, #tpu.memory_space<vmem>> -> memref<1x1x80x64xf32, #tpu.memory_space<vmem>>
        %dma_start3A_360 = tpu.memref_squeeze %dma_start3A_359 : memref<1x1x80x64xf32, #tpu.memory_space<vmem>> -> memref<80x64xf32, #tpu.memory_space<vmem>>
        %dma_start3A_361 = arith.constant 0 : i32
        %dma_start3A_362 = tpu.memref_slice %arg9[%add3A_354, %dma_start3A_361] : memref<125x80xi32, #tpu.memory_space<vmem>> -> memref<1x80xi32, #tpu.memory_space<vmem>>
        %dma_start3A_363 = tpu.memref_squeeze %dma_start3A_362 : memref<1x80xi32, #tpu.memory_space<vmem>> -> memref<80xi32, #tpu.memory_space<vmem>>
        %dma_start3A_364 = arith.constant 0 : i32
        %dma_start3A_365 = arith.constant 0 : i32
        %dma_start3A_366 = tpu.memref_slice %arg11[%dma_start3A_364, %dma_start3A_365] : memref<10000x64xf32, #tpu.memory_space<vmem_shared>> -> memref<10000x64xf32, #tpu.memory_space<vmem_shared>>
        tpu.enqueue_indirect_dma source(%dma_start3A_360 : memref<80x64xf32, #tpu.memory_space<vmem>>) target(%dma_start3A_366 : memref<10000x64xf32, #tpu.memory_space<vmem_shared>>) offsets(%dma_start3A_363 : memref<80xi32, #tpu.memory_space<vmem>>) semaphore(%arg15 : memref<!tpu.dma_semaphore, #tpu.memory_space<semaphore_mem>>) {add = true}
        %mul3A_367 = arith.constant 4 : i32
        %mul3A_368 = arith.muli %scan3A_226, %mul3A_367 : i32
        %add3A_369 = arith.constant 2 : i32
        %add3A_370 = arith.addi %mul3A_368, %add3A_369 : i32
        %dma_start3A_371 = arith.constant 2 : i32
        %dma_start3A_372 = arith.constant 2 : i32
        %dma_start3A_373 = arith.constant 0 : i32
        %dma_start3A_374 = arith.constant 0 : i32
        %dma_start3A_375 = tpu.memref_slice %arg10[%dma_start3A_371, %dma_start3A_372, %dma_start3A_373, %dma_start3A_374] : memref<3x4x80x64xf32, #tpu.memory_space<vmem>> -> memref<1x1x80x64xf32, #tpu.memory_space<vmem>>
        %dma_start3A_376 = tpu.memref_squeeze %dma_start3A_375 : memref<1x1x80x64xf32, #tpu.memory_space<vmem>> -> memref<80x64xf32, #tpu.memory_space<vmem>>
        %dma_start3A_377 = arith.constant 0 : i32
        %dma_start3A_378 = tpu.memref_slice %arg9[%add3A_370, %dma_start3A_377] : memref<125x80xi32, #tpu.memory_space<vmem>> -> memref<1x80xi32, #tpu.memory_space<vmem>>
        %dma_start3A_379 = tpu.memref_squeeze %dma_start3A_378 : memref<1x80xi32, #tpu.memory_space<vmem>> -> memref<80xi32, #tpu.memory_space<vmem>>
        %dma_start3A_380 = arith.constant 0 : i32
        %dma_start3A_381 = arith.constant 0 : i32
        %dma_start3A_382 = tpu.memref_slice %arg11[%dma_start3A_380, %dma_start3A_381] : memref<10000x64xf32, #tpu.memory_space<vmem_shared>> -> memref<10000x64xf32, #tpu.memory_space<vmem_shared>>
        tpu.enqueue_indirect_dma source(%dma_start3A_376 : memref<80x64xf32, #tpu.memory_space<vmem>>) target(%dma_start3A_382 : memref<10000x64xf32, #tpu.memory_space<vmem_shared>>) offsets(%dma_start3A_379 : memref<80xi32, #tpu.memory_space<vmem>>) semaphore(%arg15 : memref<!tpu.dma_semaphore, #tpu.memory_space<semaphore_mem>>) {add = true}
        %mul3A_383 = arith.constant 4 : i32
        %mul3A_384 = arith.muli %scan3A_226, %mul3A_383 : i32
        %add3A_385 = arith.constant 3 : i32
        %add3A_386 = arith.addi %mul3A_384, %add3A_385 : i32
        %dma_start3A_387 = arith.constant 2 : i32
        %dma_start3A_388 = arith.constant 3 : i32
        %dma_start3A_389 = arith.constant 0 : i32
        %dma_start3A_390 = arith.constant 0 : i32
        %dma_start3A_391 = tpu.memref_slice %arg10[%dma_start3A_387, %dma_start3A_388, %dma_start3A_389, %dma_start3A_390] : memref<3x4x80x64xf32, #tpu.memory_space<vmem>> -> memref<1x1x80x64xf32, #tpu.memory_space<vmem>>
        %dma_start3A_392 = tpu.memref_squeeze %dma_start3A_391 : memref<1x1x80x64xf32, #tpu.memory_space<vmem>> -> memref<80x64xf32, #tpu.memory_space<vmem>>
        %dma_start3A_393 = arith.constant 0 : i32
        %dma_start3A_394 = tpu.memref_slice %arg9[%add3A_386, %dma_start3A_393] : memref<125x80xi32, #tpu.memory_space<vmem>> -> memref<1x80xi32, #tpu.memory_space<vmem>>
        %dma_start3A_395 = tpu.memref_squeeze %dma_start3A_394 : memref<1x80xi32, #tpu.memory_space<vmem>> -> memref<80xi32, #tpu.memory_space<vmem>>
        %dma_start3A_396 = arith.constant 0 : i32
        %dma_start3A_397 = arith.constant 0 : i32
        %dma_start3A_398 = tpu.memref_slice %arg11[%dma_start3A_396, %dma_start3A_397] : memref<10000x64xf32, #tpu.memory_space<vmem_shared>> -> memref<10000x64xf32, #tpu.memory_space<vmem_shared>>
        tpu.enqueue_indirect_dma source(%dma_start3A_392 : memref<80x64xf32, #tpu.memory_space<vmem>>) target(%dma_start3A_398 : memref<10000x64xf32, #tpu.memory_space<vmem_shared>>) offsets(%dma_start3A_395 : memref<80xi32, #tpu.memory_space<vmem>>) semaphore(%arg15 : memref<!tpu.dma_semaphore, #tpu.memory_space<semaphore_mem>>) {add = true}
      } else {
      }
    }
    %scan3A_105 = arith.constant 31 : i32
    %dma_wait3A_106 = arith.constant 2 : i32
    %dma_wait3A_107 = arith.constant 0 : i32
    %dma_wait3A_108 = arith.constant 0 : i32
    %dma_wait3A_109 = arith.constant 0 : i32
    %dma_wait3A_110 = arith.constant 0 : i32
    %dma_wait3A_111 = tpu.memref_slice %arg10[%dma_wait3A_106, %dma_wait3A_107, %dma_wait3A_109, %dma_wait3A_110] : memref<3x4x80x64xf32, #tpu.memory_space<vmem>> -> memref<1x1x80x64xf32, #tpu.memory_space<vmem>>
    %dma_wait3A_112 = tpu.memref_squeeze %dma_wait3A_111 : memref<1x1x80x64xf32, #tpu.memory_space<vmem>> -> memref<80x64xf32, #tpu.memory_space<vmem>>
    %dma_wait3A_113 = arith.constant 0 : i32
    %dma_wait3A_114 = tpu.memref_slice %arg9[%dma_wait3A_108, %dma_wait3A_113] : memref<125x80xi32, #tpu.memory_space<vmem>> -> memref<1x80xi32, #tpu.memory_space<vmem>>
    %dma_wait3A_115 = tpu.memref_squeeze %dma_wait3A_114 : memref<1x80xi32, #tpu.memory_space<vmem>> -> memref<80xi32, #tpu.memory_space<vmem>>
    %dma_wait3A_116 = arith.constant 0 : i32
    %dma_wait3A_117 = arith.constant 0 : i32
    %dma_wait3A_118 = tpu.memref_slice %arg11[%dma_wait3A_116, %dma_wait3A_117] : memref<10000x64xf32, #tpu.memory_space<vmem_shared>> -> memref<10000x64xf32, #tpu.memory_space<vmem_shared>>
    tpu.wait_indirect_dma semaphore(%arg15 : memref<!tpu.dma_semaphore, #tpu.memory_space<semaphore_mem>>) src(%dma_wait3A_112 : memref<80x64xf32, #tpu.memory_space<vmem>>) dst(%dma_wait3A_118 : memref<10000x64xf32, #tpu.memory_space<vmem_shared>>)
    %dma_wait3A_119 = arith.constant 2 : i32
    %dma_wait3A_120 = arith.constant 1 : i32
    %dma_wait3A_121 = arith.constant 0 : i32
    %dma_wait3A_122 = arith.constant 0 : i32
    %dma_wait3A_123 = arith.constant 0 : i32
    %dma_wait3A_124 = tpu.memref_slice %arg10[%dma_wait3A_119, %dma_wait3A_120, %dma_wait3A_122, %dma_wait3A_123] : memref<3x4x80x64xf32, #tpu.memory_space<vmem>> -> memref<1x1x80x64xf32, #tpu.memory_space<vmem>>
    %dma_wait3A_125 = tpu.memref_squeeze %dma_wait3A_124 : memref<1x1x80x64xf32, #tpu.memory_space<vmem>> -> memref<80x64xf32, #tpu.memory_space<vmem>>
    %dma_wait3A_126 = arith.constant 0 : i32
    %dma_wait3A_127 = tpu.memref_slice %arg9[%dma_wait3A_121, %dma_wait3A_126] : memref<125x80xi32, #tpu.memory_space<vmem>> -> memref<1x80xi32, #tpu.memory_space<vmem>>
    %dma_wait3A_128 = tpu.memref_squeeze %dma_wait3A_127 : memref<1x80xi32, #tpu.memory_space<vmem>> -> memref<80xi32, #tpu.memory_space<vmem>>
    %dma_wait3A_129 = arith.constant 0 : i32
    %dma_wait3A_130 = arith.constant 0 : i32
    %dma_wait3A_131 = tpu.memref_slice %arg11[%dma_wait3A_129, %dma_wait3A_130] : memref<10000x64xf32, #tpu.memory_space<vmem_shared>> -> memref<10000x64xf32, #tpu.memory_space<vmem_shared>>
    tpu.wait_indirect_dma semaphore(%arg15 : memref<!tpu.dma_semaphore, #tpu.memory_space<semaphore_mem>>) src(%dma_wait3A_125 : memref<80x64xf32, #tpu.memory_space<vmem>>) dst(%dma_wait3A_131 : memref<10000x64xf32, #tpu.memory_space<vmem_shared>>)
    %dma_wait3A_132 = arith.constant 2 : i32
    %dma_wait3A_133 = arith.constant 2 : i32
    %dma_wait3A_134 = arith.constant 0 : i32
    %dma_wait3A_135 = arith.constant 0 : i32
    %dma_wait3A_136 = arith.constant 0 : i32
    %dma_wait3A_137 = tpu.memref_slice %arg10[%dma_wait3A_132, %dma_wait3A_133, %dma_wait3A_135, %dma_wait3A_136] : memref<3x4x80x64xf32, #tpu.memory_space<vmem>> -> memref<1x1x80x64xf32, #tpu.memory_space<vmem>>
    %dma_wait3A_138 = tpu.memref_squeeze %dma_wait3A_137 : memref<1x1x80x64xf32, #tpu.memory_space<vmem>> -> memref<80x64xf32, #tpu.memory_space<vmem>>
    %dma_wait3A_139 = arith.constant 0 : i32
    %dma_wait3A_140 = tpu.memref_slice %arg9[%dma_wait3A_134, %dma_wait3A_139] : memref<125x80xi32, #tpu.memory_space<vmem>> -> memref<1x80xi32, #tpu.memory_space<vmem>>
    %dma_wait3A_141 = tpu.memref_squeeze %dma_wait3A_140 : memref<1x80xi32, #tpu.memory_space<vmem>> -> memref<80xi32, #tpu.memory_space<vmem>>
    %dma_wait3A_142 = arith.constant 0 : i32
    %dma_wait3A_143 = arith.constant 0 : i32
    %dma_wait3A_144 = tpu.memref_slice %arg11[%dma_wait3A_142, %dma_wait3A_143] : memref<10000x64xf32, #tpu.memory_space<vmem_shared>> -> memref<10000x64xf32, #tpu.memory_space<vmem_shared>>
    tpu.wait_indirect_dma semaphore(%arg15 : memref<!tpu.dma_semaphore, #tpu.memory_space<semaphore_mem>>) src(%dma_wait3A_138 : memref<80x64xf32, #tpu.memory_space<vmem>>) dst(%dma_wait3A_144 : memref<10000x64xf32, #tpu.memory_space<vmem_shared>>)
    %dma_wait3A_145 = arith.constant 2 : i32
    %dma_wait3A_146 = arith.constant 3 : i32
    %dma_wait3A_147 = arith.constant 0 : i32
    %dma_wait3A_148 = arith.constant 0 : i32
    %dma_wait3A_149 = arith.constant 0 : i32
    %dma_wait3A_150 = tpu.memref_slice %arg10[%dma_wait3A_145, %dma_wait3A_146, %dma_wait3A_148, %dma_wait3A_149] : memref<3x4x80x64xf32, #tpu.memory_space<vmem>> -> memref<1x1x80x64xf32, #tpu.memory_space<vmem>>
    %dma_wait3A_151 = tpu.memref_squeeze %dma_wait3A_150 : memref<1x1x80x64xf32, #tpu.memory_space<vmem>> -> memref<80x64xf32, #tpu.memory_space<vmem>>
    %dma_wait3A_152 = arith.constant 0 : i32
    %dma_wait3A_153 = tpu.memref_slice %arg9[%dma_wait3A_147, %dma_wait3A_152] : memref<125x80xi32, #tpu.memory_space<vmem>> -> memref<1x80xi32, #tpu.memory_space<vmem>>
    %dma_wait3A_154 = tpu.memref_squeeze %dma_wait3A_153 : memref<1x80xi32, #tpu.memory_space<vmem>> -> memref<80xi32, #tpu.memory_space<vmem>>
    %dma_wait3A_155 = arith.constant 0 : i32
    %dma_wait3A_156 = arith.constant 0 : i32
    %dma_wait3A_157 = tpu.memref_slice %arg11[%dma_wait3A_155, %dma_wait3A_156] : memref<10000x64xf32, #tpu.memory_space<vmem_shared>> -> memref<10000x64xf32, #tpu.memory_space<vmem_shared>>
    tpu.wait_indirect_dma semaphore(%arg15 : memref<!tpu.dma_semaphore, #tpu.memory_space<semaphore_mem>>) src(%dma_wait3A_151 : memref<80x64xf32, #tpu.memory_space<vmem>>) dst(%dma_wait3A_157 : memref<10000x64xf32, #tpu.memory_space<vmem_shared>>)
    %dma_wait3A_158 = arith.constant 0 : i32
    %dma_wait3A_159 = arith.constant 0 : i32
    %dma_wait3A_160 = arith.constant 0 : i32
    %dma_wait3A_161 = arith.constant 0 : i32
    %dma_wait3A_162 = arith.constant 0 : i32
    %dma_wait3A_163 = tpu.memref_slice %arg10[%dma_wait3A_158, %dma_wait3A_159, %dma_wait3A_161, %dma_wait3A_162] : memref<3x4x80x64xf32, #tpu.memory_space<vmem>> -> memref<1x1x80x64xf32, #tpu.memory_space<vmem>>
    %dma_wait3A_164 = tpu.memref_squeeze %dma_wait3A_163 : memref<1x1x80x64xf32, #tpu.memory_space<vmem>> -> memref<80x64xf32, #tpu.memory_space<vmem>>
    %dma_wait3A_165 = arith.constant 0 : i32
    %dma_wait3A_166 = tpu.memref_slice %arg9[%dma_wait3A_160, %dma_wait3A_165] : memref<125x80xi32, #tpu.memory_space<vmem>> -> memref<1x80xi32, #tpu.memory_space<vmem>>
    %dma_wait3A_167 = tpu.memref_squeeze %dma_wait3A_166 : memref<1x80xi32, #tpu.memory_space<vmem>> -> memref<80xi32, #tpu.memory_space<vmem>>
    %dma_wait3A_168 = arith.constant 0 : i32
    %dma_wait3A_169 = arith.constant 0 : i32
    %dma_wait3A_170 = tpu.memref_slice %arg11[%dma_wait3A_168, %dma_wait3A_169] : memref<10000x64xf32, #tpu.memory_space<vmem_shared>> -> memref<10000x64xf32, #tpu.memory_space<vmem_shared>>
    tpu.wait_indirect_dma semaphore(%arg13 : memref<!tpu.dma_semaphore, #tpu.memory_space<semaphore_mem>>) src(%dma_wait3A_164 : memref<80x64xf32, #tpu.memory_space<vmem>>) dst(%dma_wait3A_170 : memref<10000x64xf32, #tpu.memory_space<vmem_shared>>)
    %dma_wait3A_171 = arith.constant 0 : i32
    %dma_wait3A_172 = arith.constant 1 : i32
    %dma_wait3A_173 = arith.constant 0 : i32
    %dma_wait3A_174 = arith.constant 0 : i32
    %dma_wait3A_175 = arith.constant 0 : i32
    %dma_wait3A_176 = tpu.memref_slice %arg10[%dma_wait3A_171, %dma_wait3A_172, %dma_wait3A_174, %dma_wait3A_175] : memref<3x4x80x64xf32, #tpu.memory_space<vmem>> -> memref<1x1x80x64xf32, #tpu.memory_space<vmem>>
    %dma_wait3A_177 = tpu.memref_squeeze %dma_wait3A_176 : memref<1x1x80x64xf32, #tpu.memory_space<vmem>> -> memref<80x64xf32, #tpu.memory_space<vmem>>
    %dma_wait3A_178 = arith.constant 0 : i32
    %dma_wait3A_179 = tpu.memref_slice %arg9[%dma_wait3A_173, %dma_wait3A_178] : memref<125x80xi32, #tpu.memory_space<vmem>> -> memref<1x80xi32, #tpu.memory_space<vmem>>
    %dma_wait3A_180 = tpu.memref_squeeze %dma_wait3A_179 : memref<1x80xi32, #tpu.memory_space<vmem>> -> memref<80xi32, #tpu.memory_space<vmem>>
    %dma_wait3A_181 = arith.constant 0 : i32
    %dma_wait3A_182 = arith.constant 0 : i32
    %dma_wait3A_183 = tpu.memref_slice %arg11[%dma_wait3A_181, %dma_wait3A_182] : memref<10000x64xf32, #tpu.memory_space<vmem_shared>> -> memref<10000x64xf32, #tpu.memory_space<vmem_shared>>
    tpu.wait_indirect_dma semaphore(%arg13 : memref<!tpu.dma_semaphore, #tpu.memory_space<semaphore_mem>>) src(%dma_wait3A_177 : memref<80x64xf32, #tpu.memory_space<vmem>>) dst(%dma_wait3A_183 : memref<10000x64xf32, #tpu.memory_space<vmem_shared>>)
    %dma_wait3A_184 = arith.constant 0 : i32
    %dma_wait3A_185 = arith.constant 2 : i32
    %dma_wait3A_186 = arith.constant 0 : i32
    %dma_wait3A_187 = arith.constant 0 : i32
    %dma_wait3A_188 = arith.constant 0 : i32
    %dma_wait3A_189 = tpu.memref_slice %arg10[%dma_wait3A_184, %dma_wait3A_185, %dma_wait3A_187, %dma_wait3A_188] : memref<3x4x80x64xf32, #tpu.memory_space<vmem>> -> memref<1x1x80x64xf32, #tpu.memory_space<vmem>>
    %dma_wait3A_190 = tpu.memref_squeeze %dma_wait3A_189 : memref<1x1x80x64xf32, #tpu.memory_space<vmem>> -> memref<80x64xf32, #tpu.memory_space<vmem>>
    %dma_wait3A_191 = arith.constant 0 : i32
    %dma_wait3A_192 = tpu.memref_slice %arg9[%dma_wait3A_186, %dma_wait3A_191] : memref<125x80xi32, #tpu.memory_space<vmem>> -> memref<1x80xi32, #tpu.memory_space<vmem>>
    %dma_wait3A_193 = tpu.memref_squeeze %dma_wait3A_192 : memref<1x80xi32, #tpu.memory_space<vmem>> -> memref<80xi32, #tpu.memory_space<vmem>>
    %dma_wait3A_194 = arith.constant 0 : i32
    %dma_wait3A_195 = arith.constant 0 : i32
    %dma_wait3A_196 = tpu.memref_slice %arg11[%dma_wait3A_194, %dma_wait3A_195] : memref<10000x64xf32, #tpu.memory_space<vmem_shared>> -> memref<10000x64xf32, #tpu.memory_space<vmem_shared>>
    tpu.wait_indirect_dma semaphore(%arg13 : memref<!tpu.dma_semaphore, #tpu.memory_space<semaphore_mem>>) src(%dma_wait3A_190 : memref<80x64xf32, #tpu.memory_space<vmem>>) dst(%dma_wait3A_196 : memref<10000x64xf32, #tpu.memory_space<vmem_shared>>)
    %dma_wait3A_197 = arith.constant 0 : i32
    %dma_wait3A_198 = arith.constant 3 : i32
    %dma_wait3A_199 = arith.constant 0 : i32
    %dma_wait3A_200 = arith.constant 0 : i32
    %dma_wait3A_201 = arith.constant 0 : i32
    %dma_wait3A_202 = tpu.memref_slice %arg10[%dma_wait3A_197, %dma_wait3A_198, %dma_wait3A_200, %dma_wait3A_201] : memref<3x4x80x64xf32, #tpu.memory_space<vmem>> -> memref<1x1x80x64xf32, #tpu.memory_space<vmem>>
    %dma_wait3A_203 = tpu.memref_squeeze %dma_wait3A_202 : memref<1x1x80x64xf32, #tpu.memory_space<vmem>> -> memref<80x64xf32, #tpu.memory_space<vmem>>
    %dma_wait3A_204 = arith.constant 0 : i32
    %dma_wait3A_205 = tpu.memref_slice %arg9[%dma_wait3A_199, %dma_wait3A_204] : memref<125x80xi32, #tpu.memory_space<vmem>> -> memref<1x80xi32, #tpu.memory_space<vmem>>
    %dma_wait3A_206 = tpu.memref_squeeze %dma_wait3A_205 : memref<1x80xi32, #tpu.memory_space<vmem>> -> memref<80xi32, #tpu.memory_space<vmem>>
    %dma_wait3A_207 = arith.constant 0 : i32
    %dma_wait3A_208 = arith.constant 0 : i32
    %dma_wait3A_209 = tpu.memref_slice %arg11[%dma_wait3A_207, %dma_wait3A_208] : memref<10000x64xf32, #tpu.memory_space<vmem_shared>> -> memref<10000x64xf32, #tpu.memory_space<vmem_shared>>
    tpu.wait_indirect_dma semaphore(%arg13 : memref<!tpu.dma_semaphore, #tpu.memory_space<semaphore_mem>>) src(%dma_wait3A_203 : memref<80x64xf32, #tpu.memory_space<vmem>>) dst(%dma_wait3A_209 : memref<10000x64xf32, #tpu.memory_space<vmem_shared>>)
    %run_scoped3A = arith.constant 124 : i32
    %run_scoped3A_210 = arith.constant 0 : i32
    %run_scoped3A_211 = arith.constant 0 : i32
    "tpu.region"() ({
      %run_scoped3A_226 = tpu.sem_alloc : memref<!tpu.dma_semaphore, #tpu.memory_space<semaphore_mem>>
      %dma_start3A_227 = arith.constant 0 : i32
      %dma_start3A_228 = arith.constant 0 : i32
      %dma_start3A_229 = tpu.memref_slice %arg10[%run_scoped3A_210, %run_scoped3A_211, %dma_start3A_227, %dma_start3A_228] : memref<3x4x80x64xf32, #tpu.memory_space<vmem>> -> memref<1x1x80x64xf32, #tpu.memory_space<vmem>>
      %dma_start3A_230 = tpu.memref_squeeze %dma_start3A_229 : memref<1x1x80x64xf32, #tpu.memory_space<vmem>> -> memref<80x64xf32, #tpu.memory_space<vmem>>
      %dma_start3A_231 = arith.constant 0 : i32
      %dma_start3A_232 = tpu.memref_slice %arg8[%run_scoped3A, %dma_start3A_231] : memref<125x80xi32, #tpu.memory_space<vmem>> -> memref<1x80xi32, #tpu.memory_space<vmem>>
      %dma_start3A_233 = tpu.memref_squeeze %dma_start3A_232 : memref<1x80xi32, #tpu.memory_space<vmem>> -> memref<80xi32, #tpu.memory_space<vmem>>
      %dma_start3A_234 = arith.constant 0 : i32
      %dma_start3A_235 = arith.constant 0 : i32
      %dma_start3A_236 = tpu.memref_slice %arg2[%dma_start3A_234, %dma_start3A_235] : memref<10000x64xf32, #tpu.memory_space<hbm>> -> memref<10000x64xf32, #tpu.memory_space<hbm>>
      tpu.enqueue_indirect_dma source(%dma_start3A_236 : memref<10000x64xf32, #tpu.memory_space<hbm>>) target(%dma_start3A_230 : memref<80x64xf32, #tpu.memory_space<vmem>>) offsets(%dma_start3A_233 : memref<80xi32, #tpu.memory_space<vmem>>) semaphore(%run_scoped3A_226 : memref<!tpu.dma_semaphore, #tpu.memory_space<semaphore_mem>>)
      %dma_wait3A_237 = arith.constant 0 : i32
      %dma_wait3A_238 = arith.constant 0 : i32
      %dma_wait3A_239 = tpu.memref_slice %arg10[%run_scoped3A_210, %run_scoped3A_211, %dma_wait3A_237, %dma_wait3A_238] : memref<3x4x80x64xf32, #tpu.memory_space<vmem>> -> memref<1x1x80x64xf32, #tpu.memory_space<vmem>>
      %dma_wait3A_240 = tpu.memref_squeeze %dma_wait3A_239 : memref<1x1x80x64xf32, #tpu.memory_space<vmem>> -> memref<80x64xf32, #tpu.memory_space<vmem>>
      %dma_wait3A_241 = arith.constant 0 : i32
      %dma_wait3A_242 = tpu.memref_slice %arg8[%run_scoped3A, %dma_wait3A_241] : memref<125x80xi32, #tpu.memory_space<vmem>> -> memref<1x80xi32, #tpu.memory_space<vmem>>
      %dma_wait3A_243 = tpu.memref_squeeze %dma_wait3A_242 : memref<1x80xi32, #tpu.memory_space<vmem>> -> memref<80xi32, #tpu.memory_space<vmem>>
      %dma_wait3A_244 = arith.constant 0 : i32
      %dma_wait3A_245 = arith.constant 0 : i32
      %dma_wait3A_246 = tpu.memref_slice %arg2[%dma_wait3A_244, %dma_wait3A_245] : memref<10000x64xf32, #tpu.memory_space<hbm>> -> memref<10000x64xf32, #tpu.memory_space<hbm>>
      tpu.wait_indirect_dma semaphore(%run_scoped3A_226 : memref<!tpu.dma_semaphore, #tpu.memory_space<semaphore_mem>>) src(%dma_wait3A_246 : memref<10000x64xf32, #tpu.memory_space<hbm>>) dst(%dma_wait3A_240 : memref<80x64xf32, #tpu.memory_space<vmem>>)
      tpu.yield
    }) : () -> ()
    %run_scoped3A_212 = arith.constant 0 : i32
    %run_scoped3A_213 = arith.constant 0 : i32
    %run_scoped3A_214 = arith.constant 124 : i32
    "tpu.region"() ({
      %run_scoped3A_226 = tpu.sem_alloc : memref<!tpu.dma_semaphore, #tpu.memory_space<semaphore_mem>>
      %dma_start3A_227 = arith.constant 0 : i32
      %dma_start3A_228 = arith.constant 0 : i32
      %dma_start3A_229 = tpu.memref_slice %arg10[%run_scoped3A_212, %run_scoped3A_213, %dma_start3A_227, %dma_start3A_228] : memref<3x4x80x64xf32, #tpu.memory_space<vmem>> -> memref<1x1x80x64xf32, #tpu.memory_space<vmem>>
      %dma_start3A_230 = tpu.memref_squeeze %dma_start3A_229 : memref<1x1x80x64xf32, #tpu.memory_space<vmem>> -> memref<80x64xf32, #tpu.memory_space<vmem>>
      %dma_start3A_231 = arith.constant 0 : i32
      %dma_start3A_232 = tpu.memref_slice %arg9[%run_scoped3A_214, %dma_start3A_231] : memref<125x80xi32, #tpu.memory_space<vmem>> -> memref<1x80xi32, #tpu.memory_space<vmem>>
      %dma_start3A_233 = tpu.memref_squeeze %dma_start3A_232 : memref<1x80xi32, #tpu.memory_space<vmem>> -> memref<80xi32, #tpu.memory_space<vmem>>
      %dma_start3A_234 = arith.constant 0 : i32
      %dma_start3A_235 = arith.constant 0 : i32
      %dma_start3A_236 = tpu.memref_slice %arg11[%dma_start3A_234, %dma_start3A_235] : memref<10000x64xf32, #tpu.memory_space<vmem_shared>> -> memref<10000x64xf32, #tpu.memory_space<vmem_shared>>
      tpu.enqueue_indirect_dma source(%dma_start3A_230 : memref<80x64xf32, #tpu.memory_space<vmem>>) target(%dma_start3A_236 : memref<10000x64xf32, #tpu.memory_space<vmem_shared>>) offsets(%dma_start3A_233 : memref<80xi32, #tpu.memory_space<vmem>>) semaphore(%run_scoped3A_226 : memref<!tpu.dma_semaphore, #tpu.memory_space<semaphore_mem>>) {add = true}
      %dma_wait3A_237 = arith.constant 0 : i32
      %dma_wait3A_238 = arith.constant 0 : i32
      %dma_wait3A_239 = tpu.memref_slice %arg10[%run_scoped3A_212, %run_scoped3A_213, %dma_wait3A_237, %dma_wait3A_238] : memref<3x4x80x64xf32, #tpu.memory_space<vmem>> -> memref<1x1x80x64xf32, #tpu.memory_space<vmem>>
      %dma_wait3A_240 = tpu.memref_squeeze %dma_wait3A_239 : memref<1x1x80x64xf32, #tpu.memory_space<vmem>> -> memref<80x64xf32, #tpu.memory_space<vmem>>
      %dma_wait3A_241 = arith.constant 0 : i32
      %dma_wait3A_242 = tpu.memref_slice %arg9[%run_scoped3A_214, %dma_wait3A_241] : memref<125x80xi32, #tpu.memory_space<vmem>> -> memref<1x80xi32, #tpu.memory_space<vmem>>
      %dma_wait3A_243 = tpu.memref_squeeze %dma_wait3A_242 : memref<1x80xi32, #tpu.memory_space<vmem>> -> memref<80xi32, #tpu.memory_space<vmem>>
      %dma_wait3A_244 = arith.constant 0 : i32
      %dma_wait3A_245 = arith.constant 0 : i32
      %dma_wait3A_246 = tpu.memref_slice %arg11[%dma_wait3A_244, %dma_wait3A_245] : memref<10000x64xf32, #tpu.memory_space<vmem_shared>> -> memref<10000x64xf32, #tpu.memory_space<vmem_shared>>
      tpu.wait_indirect_dma semaphore(%run_scoped3A_226 : memref<!tpu.dma_semaphore, #tpu.memory_space<semaphore_mem>>) src(%dma_wait3A_240 : memref<80x64xf32, #tpu.memory_space<vmem>>) dst(%dma_wait3A_246 : memref<10000x64xf32, #tpu.memory_space<vmem_shared>>)
      tpu.yield
    }) : () -> ()
    %barrier3A_215 = arith.constant 0 : index
    tpu.barrier barrier_id(%barrier3A_215)
    %eq3A_216 = arith.constant 0 : i32
    %eq3A_217 = arith.cmpi eq, %arg0, %eq3A_216 : i32
    %convert_element_type3A_218 = arith.extui %eq3A_217 : i1 to i32
    %cond3A_219 = arith.constant 0 : i32
    %cond3A_220 = arith.cmpi ne, %convert_element_type3A_218, %cond3A_219 : i32
    scf.if %cond3A_220 {
      %mul3A_226 = arith.constant 624 : i32
      %mul3A_227 = arith.muli %arg1, %mul3A_226 : i32
      %mul3A_228 = arith.constant 624 : i32
      %mul3A_229 = arith.muli %arg1, %mul3A_228 : i32
      "tpu.region"() ({
        %run_scoped3A_235 = tpu.sem_alloc : memref<!tpu.dma_semaphore, #tpu.memory_space<semaphore_mem>>
        %dma_start3A_236 = arith.constant 0 : i32
        %dma_start3A_237 = tpu.memref_slice %arg6[%mul3A_229, %dma_start3A_236] : memref<10000x64xf32, #tpu.memory_space<hbm>> -> memref<624x64xf32, #tpu.memory_space<hbm>>
        %dma_start3A_238 = arith.constant 0 : i32
        %dma_start3A_239 = tpu.memref_slice %arg11[%mul3A_227, %dma_start3A_238] : memref<10000x64xf32, #tpu.memory_space<vmem_shared>> -> memref<624x64xf32, #tpu.memory_space<vmem_shared>>
        tpu.enqueue_dma source(%dma_start3A_239 : memref<624x64xf32, #tpu.memory_space<vmem_shared>>) target(%dma_start3A_237 : memref<624x64xf32, #tpu.memory_space<hbm>>) target_semaphore(%run_scoped3A_235 : memref<!tpu.dma_semaphore, #tpu.memory_space<semaphore_mem>>)
        %dma_wait3A_240 = arith.constant 0 : i32
        %dma_wait3A_241 = tpu.memref_slice %arg6[%mul3A_229, %dma_wait3A_240] : memref<10000x64xf32, #tpu.memory_space<hbm>> -> memref<624x64xf32, #tpu.memory_space<hbm>>
        %dma_wait3A_242 = arith.constant 0 : i32
        %dma_wait3A_243 = tpu.memref_slice %arg11[%mul3A_227, %dma_wait3A_242] : memref<10000x64xf32, #tpu.memory_space<vmem_shared>> -> memref<624x64xf32, #tpu.memory_space<vmem_shared>>
        tpu.wait_dma2 semaphore(%run_scoped3A_235 : memref<!tpu.dma_semaphore, #tpu.memory_space<semaphore_mem>>) src(%dma_wait3A_243 : memref<624x64xf32, #tpu.memory_space<vmem_shared>>) dst(%dma_wait3A_241 : memref<624x64xf32, #tpu.memory_space<hbm>>)
        tpu.yield
      }) : () -> ()
      %eq3A_230 = arith.constant 15 : i32
      %eq3A_231 = arith.cmpi eq, %arg1, %eq3A_230 : i32
      %convert_element_type3A_232 = arith.extui %eq3A_231 : i1 to i32
      %cond3A_233 = arith.constant 0 : i32
      %cond3A_234 = arith.cmpi ne, %convert_element_type3A_232, %cond3A_233 : i32
      scf.if %cond3A_234 {
        "tpu.region"() ({
          %run_scoped3A_235 = tpu.sem_alloc : memref<!tpu.dma_semaphore, #tpu.memory_space<semaphore_mem>>
          %dma_start3A_236 = arith.constant 9984 : i32
          %dma_start3A_237 = arith.constant 0 : i32
          %dma_start3A_238 = tpu.memref_slice %arg6[%dma_start3A_236, %dma_start3A_237] : memref<10000x64xf32, #tpu.memory_space<hbm>> -> memref<16x64xf32, #tpu.memory_space<hbm>>
          %dma_start3A_239 = arith.constant 9984 : i32
          %dma_start3A_240 = arith.constant 0 : i32
          %dma_start3A_241 = tpu.memref_slice %arg11[%dma_start3A_239, %dma_start3A_240] : memref<10000x64xf32, #tpu.memory_space<vmem_shared>> -> memref<16x64xf32, #tpu.memory_space<vmem_shared>>
          tpu.enqueue_dma source(%dma_start3A_241 : memref<16x64xf32, #tpu.memory_space<vmem_shared>>) target(%dma_start3A_238 : memref<16x64xf32, #tpu.memory_space<hbm>>) target_semaphore(%run_scoped3A_235 : memref<!tpu.dma_semaphore, #tpu.memory_space<semaphore_mem>>)
          %dma_wait3A_242 = arith.constant 9984 : i32
          %dma_wait3A_243 = arith.constant 0 : i32
          %dma_wait3A_244 = tpu.memref_slice %arg6[%dma_wait3A_242, %dma_wait3A_243] : memref<10000x64xf32, #tpu.memory_space<hbm>> -> memref<16x64xf32, #tpu.memory_space<hbm>>
          %dma_wait3A_245 = arith.constant 9984 : i32
          %dma_wait3A_246 = arith.constant 0 : i32
          %dma_wait3A_247 = tpu.memref_slice %arg11[%dma_wait3A_245, %dma_wait3A_246] : memref<10000x64xf32, #tpu.memory_space<vmem_shared>> -> memref<16x64xf32, #tpu.memory_space<vmem_shared>>
          tpu.wait_dma2 semaphore(%run_scoped3A_235 : memref<!tpu.dma_semaphore, #tpu.memory_space<semaphore_mem>>) src(%dma_wait3A_247 : memref<16x64xf32, #tpu.memory_space<vmem_shared>>) dst(%dma_wait3A_244 : memref<16x64xf32, #tpu.memory_space<hbm>>)
          tpu.yield
        }) : () -> ()
      } else {
      }
    } else {
    }
    %eq3A_221 = arith.constant 1 : i32
    %eq3A_222 = arith.cmpi eq, %arg0, %eq3A_221 : i32
    %convert_element_type3A_223 = arith.extui %eq3A_222 : i1 to i32
    %cond3A_224 = arith.constant 0 : i32
    %cond3A_225 = arith.cmpi ne, %convert_element_type3A_223, %cond3A_224 : i32
    scf.if %cond3A_225 {
      %mul3A_226 = arith.constant 624 : i32
      %mul3A_227 = arith.muli %arg1, %mul3A_226 : i32
      %mul3A_228 = arith.constant 624 : i32
      %mul3A_229 = arith.muli %arg1, %mul3A_228 : i32
      "tpu.region"() ({
        %run_scoped3A_235 = tpu.sem_alloc : memref<!tpu.dma_semaphore, #tpu.memory_space<semaphore_mem>>
        %dma_start3A_236 = arith.constant 0 : i32
        %dma_start3A_237 = tpu.memref_slice %arg7[%mul3A_229, %dma_start3A_236] : memref<10000x64xf32, #tpu.memory_space<hbm>> -> memref<624x64xf32, #tpu.memory_space<hbm>>
        %dma_start3A_238 = arith.constant 0 : i32
        %dma_start3A_239 = tpu.memref_slice %arg11[%mul3A_227, %dma_start3A_238] : memref<10000x64xf32, #tpu.memory_space<vmem_shared>> -> memref<624x64xf32, #tpu.memory_space<vmem_shared>>
        tpu.enqueue_dma source(%dma_start3A_239 : memref<624x64xf32, #tpu.memory_space<vmem_shared>>) target(%dma_start3A_237 : memref<624x64xf32, #tpu.memory_space<hbm>>) target_semaphore(%run_scoped3A_235 : memref<!tpu.dma_semaphore, #tpu.memory_space<semaphore_mem>>)
        %dma_wait3A_240 = arith.constant 0 : i32
        %dma_wait3A_241 = tpu.memref_slice %arg7[%mul3A_229, %dma_wait3A_240] : memref<10000x64xf32, #tpu.memory_space<hbm>> -> memref<624x64xf32, #tpu.memory_space<hbm>>
        %dma_wait3A_242 = arith.constant 0 : i32
        %dma_wait3A_243 = tpu.memref_slice %arg11[%mul3A_227, %dma_wait3A_242] : memref<10000x64xf32, #tpu.memory_space<vmem_shared>> -> memref<624x64xf32, #tpu.memory_space<vmem_shared>>
        tpu.wait_dma2 semaphore(%run_scoped3A_235 : memref<!tpu.dma_semaphore, #tpu.memory_space<semaphore_mem>>) src(%dma_wait3A_243 : memref<624x64xf32, #tpu.memory_space<vmem_shared>>) dst(%dma_wait3A_241 : memref<624x64xf32, #tpu.memory_space<hbm>>)
        tpu.yield
      }) : () -> ()
      %eq3A_230 = arith.constant 15 : i32
      %eq3A_231 = arith.cmpi eq, %arg1, %eq3A_230 : i32
      %convert_element_type3A_232 = arith.extui %eq3A_231 : i1 to i32
      %cond3A_233 = arith.constant 0 : i32
      %cond3A_234 = arith.cmpi ne, %convert_element_type3A_232, %cond3A_233 : i32
      scf.if %cond3A_234 {
        "tpu.region"() ({
          %run_scoped3A_235 = tpu.sem_alloc : memref<!tpu.dma_semaphore, #tpu.memory_space<semaphore_mem>>
          %dma_start3A_236 = arith.constant 9984 : i32
          %dma_start3A_237 = arith.constant 0 : i32
          %dma_start3A_238 = tpu.memref_slice %arg7[%dma_start3A_236, %dma_start3A_237] : memref<10000x64xf32, #tpu.memory_space<hbm>> -> memref<16x64xf32, #tpu.memory_space<hbm>>
          %dma_start3A_239 = arith.constant 9984 : i32
          %dma_start3A_240 = arith.constant 0 : i32
          %dma_start3A_241 = tpu.memref_slice %arg11[%dma_start3A_239, %dma_start3A_240] : memref<10000x64xf32, #tpu.memory_space<vmem_shared>> -> memref<16x64xf32, #tpu.memory_space<vmem_shared>>
          tpu.enqueue_dma source(%dma_start3A_241 : memref<16x64xf32, #tpu.memory_space<vmem_shared>>) target(%dma_start3A_238 : memref<16x64xf32, #tpu.memory_space<hbm>>) target_semaphore(%run_scoped3A_235 : memref<!tpu.dma_semaphore, #tpu.memory_space<semaphore_mem>>)
          %dma_wait3A_242 = arith.constant 9984 : i32
          %dma_wait3A_243 = arith.constant 0 : i32
          %dma_wait3A_244 = tpu.memref_slice %arg7[%dma_wait3A_242, %dma_wait3A_243] : memref<10000x64xf32, #tpu.memory_space<hbm>> -> memref<16x64xf32, #tpu.memory_space<hbm>>
          %dma_wait3A_245 = arith.constant 9984 : i32
          %dma_wait3A_246 = arith.constant 0 : i32
          %dma_wait3A_247 = tpu.memref_slice %arg11[%dma_wait3A_245, %dma_wait3A_246] : memref<10000x64xf32, #tpu.memory_space<vmem_shared>> -> memref<16x64xf32, #tpu.memory_space<vmem_shared>>
          tpu.wait_dma2 semaphore(%run_scoped3A_235 : memref<!tpu.dma_semaphore, #tpu.memory_space<semaphore_mem>>) src(%dma_wait3A_247 : memref<16x64xf32, #tpu.memory_space<vmem_shared>>) dst(%dma_wait3A_244 : memref<16x64xf32, #tpu.memory_space<hbm>>)
          tpu.yield
        }) : () -> ()
      } else {
      }
    } else {
    }
    return
  }
}

#map = affine_map<(d0, d1) -> (0, 0)>
#map1 = affine_map<(d0, d1) -> (0, 0, 0)>
module attributes {stable_mosaic.version = 14 : i64} {
  func.func @_sc_aggregate(%arg0: i32, %arg1: i32, %arg2: memref<10000x64xf32, #tpu.memory_space<hbm>>, %arg3: memref<32x125x80xi32, #tpu.memory_space<hbm>>, %arg4: memref<32x125x80xi32, #tpu.memory_space<hbm>>, %arg5: memref<10000x64xf32, #tpu.memory_space<hbm>>, %arg6: memref<10000x64xf32, #tpu.memory_space<hbm>>, %arg7: memref<10000x64xf32, #tpu.memory_space<hbm>>, %arg8: memref<125x80xi32, #tpu.memory_space<vmem>>, %arg9: memref<125x80xi32, #tpu.memory_space<vmem>>, %arg10: memref<3x4x80x64xf32, #tpu.memory_space<vmem>>, %arg11: memref<10000x64xf32, #tpu.memory_space<vmem_shared>>, %arg12: memref<!tpu.dma_semaphore, #tpu.memory_space<semaphore_mem>>, %arg13: memref<!tpu.dma_semaphore, #tpu.memory_space<semaphore_mem>>, %arg14: memref<!tpu.dma_semaphore, #tpu.memory_space<semaphore_mem>>, %arg15: memref<!tpu.dma_semaphore, #tpu.memory_space<semaphore_mem>>, %arg16: memref<!tpu.dma_semaphore, #tpu.memory_space<semaphore_mem>>) attributes {dimension_semantics = [#tpu.dimension_semantics<core_parallel>, #tpu.dimension_semantics<subcore_parallel>], iteration_bounds = array<i64: 2, 16>, scalar_prefetch = 0 : i64, scratch_operands = 9 : i64, tpu.core_type = #tpu.core_type<sc_vector_subcore>, window_params = [{transform_indices = #map}, {transform_indices = #map1}, {transform_indices = #map1}, {transform_indices = #map}, {transform_indices = #map}, {transform_indices = #map}]} {
    %mul3A = arith.constant 16 : i32
    %mul3A_0 = arith.muli %arg0, %mul3A : i32
    %add3A = arith.addi %mul3A_0, %arg1 : i32
    %dma_start3A = arith.constant 0 : i32
    %dma_start3A_1 = arith.constant 0 : i32
    %dma_start3A_2 = tpu.memref_slice %arg3[%add3A, %dma_start3A, %dma_start3A_1] : memref<32x125x80xi32, #tpu.memory_space<hbm>> -> memref<1x125x80xi32, #tpu.memory_space<hbm>>
    %dma_start3A_3 = tpu.memref_squeeze %dma_start3A_2 : memref<1x125x80xi32, #tpu.memory_space<hbm>> -> memref<125x80xi32, #tpu.memory_space<hbm>>
    %dma_start3A_4 = arith.constant 0 : i32
    %dma_start3A_5 = arith.constant 0 : i32
    %dma_start3A_6 = tpu.memref_slice %arg3[%add3A, %dma_start3A_4, %dma_start3A_5] : memref<32x125x80xi32, #tpu.memory_space<hbm>> -> memref<1x125x80xi32, #tpu.memory_space<hbm>>
    %dma_start3A_7 = tpu.memref_squeeze %dma_start3A_6 : memref<1x125x80xi32, #tpu.memory_space<hbm>> -> memref<125x80xi32, #tpu.memory_space<hbm>>
    tpu.enqueue_dma source(%dma_start3A_7 : memref<125x80xi32, #tpu.memory_space<hbm>>) target(%arg8 : memref<125x80xi32, #tpu.memory_space<vmem>>) target_semaphore(%arg16 : memref<!tpu.dma_semaphore, #tpu.memory_space<semaphore_mem>>)
    %dma_start3A_8 = arith.constant 0 : i32
    %dma_start3A_9 = arith.constant 0 : i32
    %dma_start3A_10 = tpu.memref_slice %arg4[%add3A, %dma_start3A_8, %dma_start3A_9] : memref<32x125x80xi32, #tpu.memory_space<hbm>> -> memref<1x125x80xi32, #tpu.memory_space<hbm>>
    %dma_start3A_11 = tpu.memref_squeeze %dma_start3A_10 : memref<1x125x80xi32, #tpu.memory_space<hbm>> -> memref<125x80xi32, #tpu.memory_space<hbm>>
    %dma_start3A_12 = arith.constant 0 : i32
    %dma_start3A_13 = arith.constant 0 : i32
    %dma_start3A_14 = tpu.memref_slice %arg4[%add3A, %dma_start3A_12, %dma_start3A_13] : memref<32x125x80xi32, #tpu.memory_space<hbm>> -> memref<1x125x80xi32, #tpu.memory_space<hbm>>
    %dma_start3A_15 = tpu.memref_squeeze %dma_start3A_14 : memref<1x125x80xi32, #tpu.memory_space<hbm>> -> memref<125x80xi32, #tpu.memory_space<hbm>>
    tpu.enqueue_dma source(%dma_start3A_15 : memref<125x80xi32, #tpu.memory_space<hbm>>) target(%arg9 : memref<125x80xi32, #tpu.memory_space<vmem>>) target_semaphore(%arg16 : memref<!tpu.dma_semaphore, #tpu.memory_space<semaphore_mem>>)
    %mul3A_16 = arith.constant 624 : i32
    %mul3A_17 = arith.muli %arg1, %mul3A_16 : i32
    %mul3A_18 = arith.constant 624 : i32
    %mul3A_19 = arith.muli %arg1, %mul3A_18 : i32
    %dma_start3A_20 = arith.constant 0 : i32
    %dma_start3A_21 = tpu.memref_slice %arg11[%mul3A_19, %dma_start3A_20] : memref<10000x64xf32, #tpu.memory_space<vmem_shared>> -> memref<624x64xf32, #tpu.memory_space<vmem_shared>>
    %dma_start3A_22 = arith.constant 0 : i32
    %dma_start3A_23 = tpu.memref_slice %arg5[%mul3A_17, %dma_start3A_22] : memref<10000x64xf32, #tpu.memory_space<hbm>> -> memref<624x64xf32, #tpu.memory_space<hbm>>
    tpu.enqueue_dma source(%dma_start3A_23 : memref<624x64xf32, #tpu.memory_space<hbm>>) target(%dma_start3A_21 : memref<624x64xf32, #tpu.memory_space<vmem_shared>>) target_semaphore(%arg16 : memref<!tpu.dma_semaphore, #tpu.memory_space<semaphore_mem>>)
    %dma_wait3A = arith.constant 0 : i32
    %dma_wait3A_24 = arith.constant 0 : i32
    %dma_wait3A_25 = tpu.memref_slice %arg3[%add3A, %dma_wait3A, %dma_wait3A_24] : memref<32x125x80xi32, #tpu.memory_space<hbm>> -> memref<1x125x80xi32, #tpu.memory_space<hbm>>
    %dma_wait3A_26 = tpu.memref_squeeze %dma_wait3A_25 : memref<1x125x80xi32, #tpu.memory_space<hbm>> -> memref<125x80xi32, #tpu.memory_space<hbm>>
    %dma_wait3A_27 = arith.constant 0 : i32
    %dma_wait3A_28 = arith.constant 0 : i32
    %dma_wait3A_29 = tpu.memref_slice %arg3[%add3A, %dma_wait3A_27, %dma_wait3A_28] : memref<32x125x80xi32, #tpu.memory_space<hbm>> -> memref<1x125x80xi32, #tpu.memory_space<hbm>>
    %dma_wait3A_30 = tpu.memref_squeeze %dma_wait3A_29 : memref<1x125x80xi32, #tpu.memory_space<hbm>> -> memref<125x80xi32, #tpu.memory_space<hbm>>
    tpu.wait_dma2 semaphore(%arg16 : memref<!tpu.dma_semaphore, #tpu.memory_space<semaphore_mem>>) src(%dma_wait3A_30 : memref<125x80xi32, #tpu.memory_space<hbm>>) dst(%arg8 : memref<125x80xi32, #tpu.memory_space<vmem>>)
    %dma_wait3A_31 = arith.constant 0 : i32
    %dma_wait3A_32 = arith.constant 0 : i32
    %dma_wait3A_33 = tpu.memref_slice %arg4[%add3A, %dma_wait3A_31, %dma_wait3A_32] : memref<32x125x80xi32, #tpu.memory_space<hbm>> -> memref<1x125x80xi32, #tpu.memory_space<hbm>>
    %dma_wait3A_34 = tpu.memref_squeeze %dma_wait3A_33 : memref<1x125x80xi32, #tpu.memory_space<hbm>> -> memref<125x80xi32, #tpu.memory_space<hbm>>
    %dma_wait3A_35 = arith.constant 0 : i32
    %dma_wait3A_36 = arith.constant 0 : i32
    %dma_wait3A_37 = tpu.memref_slice %arg4[%add3A, %dma_wait3A_35, %dma_wait3A_36] : memref<32x125x80xi32, #tpu.memory_space<hbm>> -> memref<1x125x80xi32, #tpu.memory_space<hbm>>
    %dma_wait3A_38 = tpu.memref_squeeze %dma_wait3A_37 : memref<1x125x80xi32, #tpu.memory_space<hbm>> -> memref<125x80xi32, #tpu.memory_space<hbm>>
    tpu.wait_dma2 semaphore(%arg16 : memref<!tpu.dma_semaphore, #tpu.memory_space<semaphore_mem>>) src(%dma_wait3A_38 : memref<125x80xi32, #tpu.memory_space<hbm>>) dst(%arg9 : memref<125x80xi32, #tpu.memory_space<vmem>>)
    %mul3A_39 = arith.constant 624 : i32
    %mul3A_40 = arith.muli %arg1, %mul3A_39 : i32
    %mul3A_41 = arith.constant 624 : i32
    %mul3A_42 = arith.muli %arg1, %mul3A_41 : i32
    %dma_wait3A_43 = arith.constant 0 : i32
    %dma_wait3A_44 = tpu.memref_slice %arg11[%mul3A_42, %dma_wait3A_43] : memref<10000x64xf32, #tpu.memory_space<vmem_shared>> -> memref<624x64xf32, #tpu.memory_space<vmem_shared>>
    %dma_wait3A_45 = arith.constant 0 : i32
    %dma_wait3A_46 = tpu.memref_slice %arg5[%mul3A_40, %dma_wait3A_45] : memref<10000x64xf32, #tpu.memory_space<hbm>> -> memref<624x64xf32, #tpu.memory_space<hbm>>
    tpu.wait_dma2 semaphore(%arg16 : memref<!tpu.dma_semaphore, #tpu.memory_space<semaphore_mem>>) src(%dma_wait3A_46 : memref<624x64xf32, #tpu.memory_space<hbm>>) dst(%dma_wait3A_44 : memref<624x64xf32, #tpu.memory_space<vmem_shared>>)
    %eq3A = arith.constant 15 : i32
    %eq3A_47 = arith.cmpi eq, %arg1, %eq3A : i32
    %convert_element_type3A = arith.extui %eq3A_47 : i1 to i32
    %cond3A = arith.constant 0 : i32
    %cond3A_48 = arith.cmpi ne, %convert_element_type3A, %cond3A : i32
    scf.if %cond3A_48 {
      "tpu.region"() ({
        %run_scoped3A_226 = tpu.sem_alloc : memref<!tpu.dma_semaphore, #tpu.memory_space<semaphore_mem>>
        %dma_start3A_227 = arith.constant 9984 : i32
        %dma_start3A_228 = arith.constant 0 : i32
        %dma_start3A_229 = tpu.memref_slice %arg11[%dma_start3A_227, %dma_start3A_228] : memref<10000x64xf32, #tpu.memory_space<vmem_shared>> -> memref<16x64xf32, #tpu.memory_space<vmem_shared>>
        %dma_start3A_230 = arith.constant 9984 : i32
        %dma_start3A_231 = arith.constant 0 : i32
        %dma_start3A_232 = tpu.memref_slice %arg5[%dma_start3A_230, %dma_start3A_231] : memref<10000x64xf32, #tpu.memory_space<hbm>> -> memref<16x64xf32, #tpu.memory_space<hbm>>
        tpu.enqueue_dma source(%dma_start3A_232 : memref<16x64xf32, #tpu.memory_space<hbm>>) target(%dma_start3A_229 : memref<16x64xf32, #tpu.memory_space<vmem_shared>>) target_semaphore(%run_scoped3A_226 : memref<!tpu.dma_semaphore, #tpu.memory_space<semaphore_mem>>)
        %dma_wait3A_233 = arith.constant 9984 : i32
        %dma_wait3A_234 = arith.constant 0 : i32
        %dma_wait3A_235 = tpu.memref_slice %arg11[%dma_wait3A_233, %dma_wait3A_234] : memref<10000x64xf32, #tpu.memory_space<vmem_shared>> -> memref<16x64xf32, #tpu.memory_space<vmem_shared>>
        %dma_wait3A_236 = arith.constant 9984 : i32
        %dma_wait3A_237 = arith.constant 0 : i32
        %dma_wait3A_238 = tpu.memref_slice %arg5[%dma_wait3A_236, %dma_wait3A_237] : memref<10000x64xf32, #tpu.memory_space<hbm>> -> memref<16x64xf32, #tpu.memory_space<hbm>>
        tpu.wait_dma2 semaphore(%run_scoped3A_226 : memref<!tpu.dma_semaphore, #tpu.memory_space<semaphore_mem>>) src(%dma_wait3A_238 : memref<16x64xf32, #tpu.memory_space<hbm>>) dst(%dma_wait3A_235 : memref<16x64xf32, #tpu.memory_space<vmem_shared>>)
        tpu.yield
      }) : () -> ()
    } else {
    }
    %barrier3A = arith.constant 0 : index
    tpu.barrier barrier_id(%barrier3A)
    %dma_start3A_49 = arith.constant 0 : i32
    %dma_start3A_50 = arith.constant 0 : i32
    %dma_start3A_51 = arith.constant 0 : i32
    %dma_start3A_52 = arith.constant 0 : i32
    %dma_start3A_53 = arith.constant 0 : i32
    %dma_start3A_54 = tpu.memref_slice %arg10[%dma_start3A_50, %dma_start3A_51, %dma_start3A_52, %dma_start3A_53] : memref<3x4x80x64xf32, #tpu.memory_space<vmem>> -> memref<1x1x80x64xf32, #tpu.memory_space<vmem>>
    %dma_start3A_55 = tpu.memref_squeeze %dma_start3A_54 : memref<1x1x80x64xf32, #tpu.memory_space<vmem>> -> memref<80x64xf32, #tpu.memory_space<vmem>>
    %dma_start3A_56 = arith.constant 0 : i32
    %dma_start3A_57 = tpu.memref_slice %arg8[%dma_start3A_49, %dma_start3A_56] : memref<125x80xi32, #tpu.memory_space<vmem>> -> memref<1x80xi32, #tpu.memory_space<vmem>>
    %dma_start3A_58 = tpu.memref_squeeze %dma_start3A_57 : memref<1x80xi32, #tpu.memory_space<vmem>> -> memref<80xi32, #tpu.memory_space<vmem>>
    %dma_start3A_59 = arith.constant 0 : i32
    %dma_start3A_60 = arith.constant 0 : i32
    %dma_start3A_61 = tpu.memref_slice %arg2[%dma_start3A_59, %dma_start3A_60] : memref<10000x64xf32, #tpu.memory_space<hbm>> -> memref<10000x64xf32, #tpu.memory_space<hbm>>
    tpu.enqueue_indirect_dma source(%dma_start3A_61 : memref<10000x64xf32, #tpu.memory_space<hbm>>) target(%dma_start3A_55 : memref<80x64xf32, #tpu.memory_space<vmem>>) offsets(%dma_start3A_58 : memref<80xi32, #tpu.memory_space<vmem>>) semaphore(%arg12 : memref<!tpu.dma_semaphore, #tpu.memory_space<semaphore_mem>>)
    %dma_start3A_62 = arith.constant 1 : i32
    %dma_start3A_63 = arith.constant 0 : i32
    %dma_start3A_64 = arith.constant 1 : i32
    %dma_start3A_65 = arith.constant 0 : i32
    %dma_start3A_66 = arith.constant 0 : i32
    %dma_start3A_67 = tpu.memref_slice %arg10[%dma_start3A_63, %dma_start3A_64, %dma_start3A_65, %dma_start3A_66] : memref<3x4x80x64xf32, #tpu.memory_space<vmem>> -> memref<1x1x80x64xf32, #tpu.memory_space<vmem>>
    %dma_start3A_68 = tpu.memref_squeeze %dma_start3A_67 : memref<1x1x80x64xf32, #tpu.memory_space<vmem>> -> memref<80x64xf32, #tpu.memory_space<vmem>>
    %dma_start3A_69 = arith.constant 0 : i32
    %dma_start3A_70 = tpu.memref_slice %arg8[%dma_start3A_62, %dma_start3A_69] : memref<125x80xi32, #tpu.memory_space<vmem>> -> memref<1x80xi32, #tpu.memory_space<vmem>>
    %dma_start3A_71 = tpu.memref_squeeze %dma_start3A_70 : memref<1x80xi32, #tpu.memory_space<vmem>> -> memref<80xi32, #tpu.memory_space<vmem>>
    %dma_start3A_72 = arith.constant 0 : i32
    %dma_start3A_73 = arith.constant 0 : i32
    %dma_start3A_74 = tpu.memref_slice %arg2[%dma_start3A_72, %dma_start3A_73] : memref<10000x64xf32, #tpu.memory_space<hbm>> -> memref<10000x64xf32, #tpu.memory_space<hbm>>
    tpu.enqueue_indirect_dma source(%dma_start3A_74 : memref<10000x64xf32, #tpu.memory_space<hbm>>) target(%dma_start3A_68 : memref<80x64xf32, #tpu.memory_space<vmem>>) offsets(%dma_start3A_71 : memref<80xi32, #tpu.memory_space<vmem>>) semaphore(%arg12 : memref<!tpu.dma_semaphore, #tpu.memory_space<semaphore_mem>>)
    %dma_start3A_75 = arith.constant 2 : i32
    %dma_start3A_76 = arith.constant 0 : i32
    %dma_start3A_77 = arith.constant 2 : i32
    %dma_start3A_78 = arith.constant 0 : i32
    %dma_start3A_79 = arith.constant 0 : i32
    %dma_start3A_80 = tpu.memref_slice %arg10[%dma_start3A_76, %dma_start3A_77, %dma_start3A_78, %dma_start3A_79] : memref<3x4x80x64xf32, #tpu.memory_space<vmem>> -> memref<1x1x80x64xf32, #tpu.memory_space<vmem>>
    %dma_start3A_81 = tpu.memref_squeeze %dma_start3A_80 : memref<1x1x80x64xf32, #tpu.memory_space<vmem>> -> memref<80x64xf32, #tpu.memory_space<vmem>>
    %dma_start3A_82 = arith.constant 0 : i32
    %dma_start3A_83 = tpu.memref_slice %arg8[%dma_start3A_75, %dma_start3A_82] : memref<125x80xi32, #tpu.memory_space<vmem>> -> memref<1x80xi32, #tpu.memory_space<vmem>>
    %dma_start3A_84 = tpu.memref_squeeze %dma_start3A_83 : memref<1x80xi32, #tpu.memory_space<vmem>> -> memref<80xi32, #tpu.memory_space<vmem>>
    %dma_start3A_85 = arith.constant 0 : i32
    %dma_start3A_86 = arith.constant 0 : i32
    %dma_start3A_87 = tpu.memref_slice %arg2[%dma_start3A_85, %dma_start3A_86] : memref<10000x64xf32, #tpu.memory_space<hbm>> -> memref<10000x64xf32, #tpu.memory_space<hbm>>
    tpu.enqueue_indirect_dma source(%dma_start3A_87 : memref<10000x64xf32, #tpu.memory_space<hbm>>) target(%dma_start3A_81 : memref<80x64xf32, #tpu.memory_space<vmem>>) offsets(%dma_start3A_84 : memref<80xi32, #tpu.memory_space<vmem>>) semaphore(%arg12 : memref<!tpu.dma_semaphore, #tpu.memory_space<semaphore_mem>>)
    %dma_start3A_88 = arith.constant 3 : i32
    %dma_start3A_89 = arith.constant 0 : i32
    %dma_start3A_90 = arith.constant 3 : i32
    %dma_start3A_91 = arith.constant 0 : i32
    %dma_start3A_92 = arith.constant 0 : i32
    %dma_start3A_93 = tpu.memref_slice %arg10[%dma_start3A_89, %dma_start3A_90, %dma_start3A_91, %dma_start3A_92] : memref<3x4x80x64xf32, #tpu.memory_space<vmem>> -> memref<1x1x80x64xf32, #tpu.memory_space<vmem>>
    %dma_start3A_94 = tpu.memref_squeeze %dma_start3A_93 : memref<1x1x80x64xf32, #tpu.memory_space<vmem>> -> memref<80x64xf32, #tpu.memory_space<vmem>>
    %dma_start3A_95 = arith.constant 0 : i32
    %dma_start3A_96 = tpu.memref_slice %arg8[%dma_start3A_88, %dma_start3A_95] : memref<125x80xi32, #tpu.memory_space<vmem>> -> memref<1x80xi32, #tpu.memory_space<vmem>>
    %dma_start3A_97 = tpu.memref_squeeze %dma_start3A_96 : memref<1x80xi32, #tpu.memory_space<vmem>> -> memref<80xi32, #tpu.memory_space<vmem>>
    %dma_start3A_98 = arith.constant 0 : i32
    %dma_start3A_99 = arith.constant 0 : i32
    %dma_start3A_100 = tpu.memref_slice %arg2[%dma_start3A_98, %dma_start3A_99] : memref<10000x64xf32, #tpu.memory_space<hbm>> -> memref<10000x64xf32, #tpu.memory_space<hbm>>
    tpu.enqueue_indirect_dma source(%dma_start3A_100 : memref<10000x64xf32, #tpu.memory_space<hbm>>) target(%dma_start3A_94 : memref<80x64xf32, #tpu.memory_space<vmem>>) offsets(%dma_start3A_97 : memref<80xi32, #tpu.memory_space<vmem>>) semaphore(%arg12 : memref<!tpu.dma_semaphore, #tpu.memory_space<semaphore_mem>>)
    %scan3A = arith.constant 0 : i32
    %scan3A_101 = arith.constant 0 : i32
    %scan3A_102 = arith.constant 31 : i32
    %scan3A_103 = arith.addi %scan3A_101, %scan3A_102 : i32
    %scan3A_104 = arith.constant 1 : i32
    scf.for %scan3A_226 = %scan3A_101 to %scan3A_103 step %scan3A_104  : i32 {
      %rem3A = arith.constant 3 : i32
      %rem3A_227 = arith.remsi %scan3A_226, %rem3A : i32
      %add3A_228 = arith.constant 1 : i32
      %add3A_229 = arith.addi %scan3A_226, %add3A_228 : i32
      %rem3A_230 = arith.constant 3 : i32
      %rem3A_231 = arith.remsi %add3A_229, %rem3A_230 : i32
      %mul3A_232 = arith.constant 4 : i32
      %mul3A_233 = arith.muli %scan3A_226, %mul3A_232 : i32
      %add3A_234 = arith.constant 0 : i32
      %add3A_235 = arith.addi %mul3A_233, %add3A_234 : i32
      %dma_wait3A_236 = arith.constant 0 : i32
      %dma_wait3A_237 = arith.constant 0 : i32
      %dma_wait3A_238 = arith.constant 0 : i32
      %dma_wait3A_239 = tpu.memref_slice %arg10[%rem3A_227, %dma_wait3A_236, %dma_wait3A_237, %dma_wait3A_238] : memref<3x4x80x64xf32, #tpu.memory_space<vmem>> -> memref<1x1x80x64xf32, #tpu.memory_space<vmem>>
      %dma_wait3A_240 = tpu.memref_squeeze %dma_wait3A_239 : memref<1x1x80x64xf32, #tpu.memory_space<vmem>> -> memref<80x64xf32, #tpu.memory_space<vmem>>
      %dma_wait3A_241 = arith.constant 0 : i32
      %dma_wait3A_242 = tpu.memref_slice %arg8[%add3A_235, %dma_wait3A_241] : memref<125x80xi32, #tpu.memory_space<vmem>> -> memref<1x80xi32, #tpu.memory_space<vmem>>
      %dma_wait3A_243 = tpu.memref_squeeze %dma_wait3A_242 : memref<1x80xi32, #tpu.memory_space<vmem>> -> memref<80xi32, #tpu.memory_space<vmem>>
      %dma_wait3A_244 = arith.constant 0 : i32
      %dma_wait3A_245 = arith.constant 0 : i32
      %dma_wait3A_246 = tpu.memref_slice %arg2[%dma_wait3A_244, %dma_wait3A_245] : memref<10000x64xf32, #tpu.memory_space<hbm>> -> memref<10000x64xf32, #tpu.memory_space<hbm>>
      tpu.wait_indirect_dma semaphore(%arg12 : memref<!tpu.dma_semaphore, #tpu.memory_space<semaphore_mem>>) src(%dma_wait3A_246 : memref<10000x64xf32, #tpu.memory_space<hbm>>) dst(%dma_wait3A_240 : memref<80x64xf32, #tpu.memory_space<vmem>>)
      %mul3A_247 = arith.constant 4 : i32
      %mul3A_248 = arith.muli %scan3A_226, %mul3A_247 : i32
      %add3A_249 = arith.constant 1 : i32
      %add3A_250 = arith.addi %mul3A_248, %add3A_249 : i32
      %dma_wait3A_251 = arith.constant 1 : i32
      %dma_wait3A_252 = arith.constant 0 : i32
      %dma_wait3A_253 = arith.constant 0 : i32
      %dma_wait3A_254 = tpu.memref_slice %arg10[%rem3A_227, %dma_wait3A_251, %dma_wait3A_252, %dma_wait3A_253] : memref<3x4x80x64xf32, #tpu.memory_space<vmem>> -> memref<1x1x80x64xf32, #tpu.memory_space<vmem>>
      %dma_wait3A_255 = tpu.memref_squeeze %dma_wait3A_254 : memref<1x1x80x64xf32, #tpu.memory_space<vmem>> -> memref<80x64xf32, #tpu.memory_space<vmem>>
      %dma_wait3A_256 = arith.constant 0 : i32
      %dma_wait3A_257 = tpu.memref_slice %arg8[%add3A_250, %dma_wait3A_256] : memref<125x80xi32, #tpu.memory_space<vmem>> -> memref<1x80xi32, #tpu.memory_space<vmem>>
      %dma_wait3A_258 = tpu.memref_squeeze %dma_wait3A_257 : memref<1x80xi32, #tpu.memory_space<vmem>> -> memref<80xi32, #tpu.memory_space<vmem>>
      %dma_wait3A_259 = arith.constant 0 : i32
      %dma_wait3A_260 = arith.constant 0 : i32
      %dma_wait3A_261 = tpu.memref_slice %arg2[%dma_wait3A_259, %dma_wait3A_260] : memref<10000x64xf32, #tpu.memory_space<hbm>> -> memref<10000x64xf32, #tpu.memory_space<hbm>>
      tpu.wait_indirect_dma semaphore(%arg12 : memref<!tpu.dma_semaphore, #tpu.memory_space<semaphore_mem>>) src(%dma_wait3A_261 : memref<10000x64xf32, #tpu.memory_space<hbm>>) dst(%dma_wait3A_255 : memref<80x64xf32, #tpu.memory_space<vmem>>)
      %mul3A_262 = arith.constant 4 : i32
      %mul3A_263 = arith.muli %scan3A_226, %mul3A_262 : i32
      %add3A_264 = arith.constant 2 : i32
      %add3A_265 = arith.addi %mul3A_263, %add3A_264 : i32
      %dma_wait3A_266 = arith.constant 2 : i32
      %dma_wait3A_267 = arith.constant 0 : i32
      %dma_wait3A_268 = arith.constant 0 : i32
      %dma_wait3A_269 = tpu.memref_slice %arg10[%rem3A_227, %dma_wait3A_266, %dma_wait3A_267, %dma_wait3A_268] : memref<3x4x80x64xf32, #tpu.memory_space<vmem>> -> memref<1x1x80x64xf32, #tpu.memory_space<vmem>>
      %dma_wait3A_270 = tpu.memref_squeeze %dma_wait3A_269 : memref<1x1x80x64xf32, #tpu.memory_space<vmem>> -> memref<80x64xf32, #tpu.memory_space<vmem>>
      %dma_wait3A_271 = arith.constant 0 : i32
      %dma_wait3A_272 = tpu.memref_slice %arg8[%add3A_265, %dma_wait3A_271] : memref<125x80xi32, #tpu.memory_space<vmem>> -> memref<1x80xi32, #tpu.memory_space<vmem>>
      %dma_wait3A_273 = tpu.memref_squeeze %dma_wait3A_272 : memref<1x80xi32, #tpu.memory_space<vmem>> -> memref<80xi32, #tpu.memory_space<vmem>>
      %dma_wait3A_274 = arith.constant 0 : i32
      %dma_wait3A_275 = arith.constant 0 : i32
      %dma_wait3A_276 = tpu.memref_slice %arg2[%dma_wait3A_274, %dma_wait3A_275] : memref<10000x64xf32, #tpu.memory_space<hbm>> -> memref<10000x64xf32, #tpu.memory_space<hbm>>
      tpu.wait_indirect_dma semaphore(%arg12 : memref<!tpu.dma_semaphore, #tpu.memory_space<semaphore_mem>>) src(%dma_wait3A_276 : memref<10000x64xf32, #tpu.memory_space<hbm>>) dst(%dma_wait3A_270 : memref<80x64xf32, #tpu.memory_space<vmem>>)
      %mul3A_277 = arith.constant 4 : i32
      %mul3A_278 = arith.muli %scan3A_226, %mul3A_277 : i32
      %add3A_279 = arith.constant 3 : i32
      %add3A_280 = arith.addi %mul3A_278, %add3A_279 : i32
      %dma_wait3A_281 = arith.constant 3 : i32
      %dma_wait3A_282 = arith.constant 0 : i32
      %dma_wait3A_283 = arith.constant 0 : i32
      %dma_wait3A_284 = tpu.memref_slice %arg10[%rem3A_227, %dma_wait3A_281, %dma_wait3A_282, %dma_wait3A_283] : memref<3x4x80x64xf32, #tpu.memory_space<vmem>> -> memref<1x1x80x64xf32, #tpu.memory_space<vmem>>
      %dma_wait3A_285 = tpu.memref_squeeze %dma_wait3A_284 : memref<1x1x80x64xf32, #tpu.memory_space<vmem>> -> memref<80x64xf32, #tpu.memory_space<vmem>>
      %dma_wait3A_286 = arith.constant 0 : i32
      %dma_wait3A_287 = tpu.memref_slice %arg8[%add3A_280, %dma_wait3A_286] : memref<125x80xi32, #tpu.memory_space<vmem>> -> memref<1x80xi32, #tpu.memory_space<vmem>>
      %dma_wait3A_288 = tpu.memref_squeeze %dma_wait3A_287 : memref<1x80xi32, #tpu.memory_space<vmem>> -> memref<80xi32, #tpu.memory_space<vmem>>
      %dma_wait3A_289 = arith.constant 0 : i32
      %dma_wait3A_290 = arith.constant 0 : i32
      %dma_wait3A_291 = tpu.memref_slice %arg2[%dma_wait3A_289, %dma_wait3A_290] : memref<10000x64xf32, #tpu.memory_space<hbm>> -> memref<10000x64xf32, #tpu.memory_space<hbm>>
      tpu.wait_indirect_dma semaphore(%arg12 : memref<!tpu.dma_semaphore, #tpu.memory_space<semaphore_mem>>) src(%dma_wait3A_291 : memref<10000x64xf32, #tpu.memory_space<hbm>>) dst(%dma_wait3A_285 : memref<80x64xf32, #tpu.memory_space<vmem>>)
      %ge3A = arith.constant 2 : i32
      %ge3A_292 = arith.cmpi sge, %scan3A_226, %ge3A : i32
      %eq3A_293 = arith.constant 0 : i32
      %eq3A_294 = arith.cmpi eq, %rem3A_231, %eq3A_293 : i32
      %and3A = arith.andi %ge3A_292, %eq3A_294 : i1
      %convert_element_type3A_295 = arith.extui %and3A : i1 to i32
      %cond3A_296 = arith.constant 0 : i32
      %cond3A_297 = arith.cmpi ne, %convert_element_type3A_295, %cond3A_296 : i32
      scf.if %cond3A_297 {
        %dma_wait3A_335 = arith.constant 0 : i32
        %dma_wait3A_336 = arith.constant 0 : i32
        %dma_wait3A_337 = arith.constant 0 : i32
        %dma_wait3A_338 = arith.constant 0 : i32
        %dma_wait3A_339 = arith.constant 0 : i32
        %dma_wait3A_340 = tpu.memref_slice %arg10[%dma_wait3A_335, %dma_wait3A_336, %dma_wait3A_338, %dma_wait3A_339] : memref<3x4x80x64xf32, #tpu.memory_space<vmem>> -> memref<1x1x80x64xf32, #tpu.memory_space<vmem>>
        %dma_wait3A_341 = tpu.memref_squeeze %dma_wait3A_340 : memref<1x1x80x64xf32, #tpu.memory_space<vmem>> -> memref<80x64xf32, #tpu.memory_space<vmem>>
        %dma_wait3A_342 = arith.constant 0 : i32
        %dma_wait3A_343 = tpu.memref_slice %arg9[%dma_wait3A_337, %dma_wait3A_342] : memref<125x80xi32, #tpu.memory_space<vmem>> -> memref<1x80xi32, #tpu.memory_space<vmem>>
        %dma_wait3A_344 = tpu.memref_squeeze %dma_wait3A_343 : memref<1x80xi32, #tpu.memory_space<vmem>> -> memref<80xi32, #tpu.memory_space<vmem>>
        %dma_wait3A_345 = arith.constant 0 : i32
        %dma_wait3A_346 = arith.constant 0 : i32
        %dma_wait3A_347 = tpu.memref_slice %arg11[%dma_wait3A_345, %dma_wait3A_346] : memref<10000x64xf32, #tpu.memory_space<vmem_shared>> -> memref<10000x64xf32, #tpu.memory_space<vmem_shared>>
        tpu.wait_indirect_dma semaphore(%arg13 : memref<!tpu.dma_semaphore, #tpu.memory_space<semaphore_mem>>) src(%dma_wait3A_341 : memref<80x64xf32, #tpu.memory_space<vmem>>) dst(%dma_wait3A_347 : memref<10000x64xf32, #tpu.memory_space<vmem_shared>>)
        %dma_wait3A_348 = arith.constant 0 : i32
        %dma_wait3A_349 = arith.constant 1 : i32
        %dma_wait3A_350 = arith.constant 0 : i32
        %dma_wait3A_351 = arith.constant 0 : i32
        %dma_wait3A_352 = arith.constant 0 : i32
        %dma_wait3A_353 = tpu.memref_slice %arg10[%dma_wait3A_348, %dma_wait3A_349, %dma_wait3A_351, %dma_wait3A_352] : memref<3x4x80x64xf32, #tpu.memory_space<vmem>> -> memref<1x1x80x64xf32, #tpu.memory_space<vmem>>
        %dma_wait3A_354 = tpu.memref_squeeze %dma_wait3A_353 : memref<1x1x80x64xf32, #tpu.memory_space<vmem>> -> memref<80x64xf32, #tpu.memory_space<vmem>>
        %dma_wait3A_355 = arith.constant 0 : i32
        %dma_wait3A_356 = tpu.memref_slice %arg9[%dma_wait3A_350, %dma_wait3A_355] : memref<125x80xi32, #tpu.memory_space<vmem>> -> memref<1x80xi32, #tpu.memory_space<vmem>>
        %dma_wait3A_357 = tpu.memref_squeeze %dma_wait3A_356 : memref<1x80xi32, #tpu.memory_space<vmem>> -> memref<80xi32, #tpu.memory_space<vmem>>
        %dma_wait3A_358 = arith.constant 0 : i32
        %dma_wait3A_359 = arith.constant 0 : i32
        %dma_wait3A_360 = tpu.memref_slice %arg11[%dma_wait3A_358, %dma_wait3A_359] : memref<10000x64xf32, #tpu.memory_space<vmem_shared>> -> memref<10000x64xf32, #tpu.memory_space<vmem_shared>>
        tpu.wait_indirect_dma semaphore(%arg13 : memref<!tpu.dma_semaphore, #tpu.memory_space<semaphore_mem>>) src(%dma_wait3A_354 : memref<80x64xf32, #tpu.memory_space<vmem>>) dst(%dma_wait3A_360 : memref<10000x64xf32, #tpu.memory_space<vmem_shared>>)
        %dma_wait3A_361 = arith.constant 0 : i32
        %dma_wait3A_362 = arith.constant 2 : i32
        %dma_wait3A_363 = arith.constant 0 : i32
        %dma_wait3A_364 = arith.constant 0 : i32
        %dma_wait3A_365 = arith.constant 0 : i32
        %dma_wait3A_366 = tpu.memref_slice %arg10[%dma_wait3A_361, %dma_wait3A_362, %dma_wait3A_364, %dma_wait3A_365] : memref<3x4x80x64xf32, #tpu.memory_space<vmem>> -> memref<1x1x80x64xf32, #tpu.memory_space<vmem>>
        %dma_wait3A_367 = tpu.memref_squeeze %dma_wait3A_366 : memref<1x1x80x64xf32, #tpu.memory_space<vmem>> -> memref<80x64xf32, #tpu.memory_space<vmem>>
        %dma_wait3A_368 = arith.constant 0 : i32
        %dma_wait3A_369 = tpu.memref_slice %arg9[%dma_wait3A_363, %dma_wait3A_368] : memref<125x80xi32, #tpu.memory_space<vmem>> -> memref<1x80xi32, #tpu.memory_space<vmem>>
        %dma_wait3A_370 = tpu.memref_squeeze %dma_wait3A_369 : memref<1x80xi32, #tpu.memory_space<vmem>> -> memref<80xi32, #tpu.memory_space<vmem>>
        %dma_wait3A_371 = arith.constant 0 : i32
        %dma_wait3A_372 = arith.constant 0 : i32
        %dma_wait3A_373 = tpu.memref_slice %arg11[%dma_wait3A_371, %dma_wait3A_372] : memref<10000x64xf32, #tpu.memory_space<vmem_shared>> -> memref<10000x64xf32, #tpu.memory_space<vmem_shared>>
        tpu.wait_indirect_dma semaphore(%arg13 : memref<!tpu.dma_semaphore, #tpu.memory_space<semaphore_mem>>) src(%dma_wait3A_367 : memref<80x64xf32, #tpu.memory_space<vmem>>) dst(%dma_wait3A_373 : memref<10000x64xf32, #tpu.memory_space<vmem_shared>>)
        %dma_wait3A_374 = arith.constant 0 : i32
        %dma_wait3A_375 = arith.constant 3 : i32
        %dma_wait3A_376 = arith.constant 0 : i32
        %dma_wait3A_377 = arith.constant 0 : i32
        %dma_wait3A_378 = arith.constant 0 : i32
        %dma_wait3A_379 = tpu.memref_slice %arg10[%dma_wait3A_374, %dma_wait3A_375, %dma_wait3A_377, %dma_wait3A_378] : memref<3x4x80x64xf32, #tpu.memory_space<vmem>> -> memref<1x1x80x64xf32, #tpu.memory_space<vmem>>
        %dma_wait3A_380 = tpu.memref_squeeze %dma_wait3A_379 : memref<1x1x80x64xf32, #tpu.memory_space<vmem>> -> memref<80x64xf32, #tpu.memory_space<vmem>>
        %dma_wait3A_381 = arith.constant 0 : i32
        %dma_wait3A_382 = tpu.memref_slice %arg9[%dma_wait3A_376, %dma_wait3A_381] : memref<125x80xi32, #tpu.memory_space<vmem>> -> memref<1x80xi32, #tpu.memory_space<vmem>>
        %dma_wait3A_383 = tpu.memref_squeeze %dma_wait3A_382 : memref<1x80xi32, #tpu.memory_space<vmem>> -> memref<80xi32, #tpu.memory_space<vmem>>
        %dma_wait3A_384 = arith.constant 0 : i32
        %dma_wait3A_385 = arith.constant 0 : i32
        %dma_wait3A_386 = tpu.memref_slice %arg11[%dma_wait3A_384, %dma_wait3A_385] : memref<10000x64xf32, #tpu.memory_space<vmem_shared>> -> memref<10000x64xf32, #tpu.memory_space<vmem_shared>>
        tpu.wait_indirect_dma semaphore(%arg13 : memref<!tpu.dma_semaphore, #tpu.memory_space<semaphore_mem>>) src(%dma_wait3A_380 : memref<80x64xf32, #tpu.memory_space<vmem>>) dst(%dma_wait3A_386 : memref<10000x64xf32, #tpu.memory_space<vmem_shared>>)
      } else {
      }
      %ge3A_298 = arith.constant 2 : i32
      %ge3A_299 = arith.cmpi sge, %scan3A_226, %ge3A_298 : i32
      %eq3A_300 = arith.constant 1 : i32
      %eq3A_301 = arith.cmpi eq, %rem3A_231, %eq3A_300 : i32
      %and3A_302 = arith.andi %ge3A_299, %eq3A_301 : i1
      %convert_element_type3A_303 = arith.extui %and3A_302 : i1 to i32
      %cond3A_304 = arith.constant 0 : i32
      %cond3A_305 = arith.cmpi ne, %convert_element_type3A_303, %cond3A_304 : i32
      scf.if %cond3A_305 {
        %dma_wait3A_335 = arith.constant 1 : i32
        %dma_wait3A_336 = arith.constant 0 : i32
        %dma_wait3A_337 = arith.constant 0 : i32
        %dma_wait3A_338 = arith.constant 0 : i32
        %dma_wait3A_339 = arith.constant 0 : i32
        %dma_wait3A_340 = tpu.memref_slice %arg10[%dma_wait3A_335, %dma_wait3A_336, %dma_wait3A_338, %dma_wait3A_339] : memref<3x4x80x64xf32, #tpu.memory_space<vmem>> -> memref<1x1x80x64xf32, #tpu.memory_space<vmem>>
        %dma_wait3A_341 = tpu.memref_squeeze %dma_wait3A_340 : memref<1x1x80x64xf32, #tpu.memory_space<vmem>> -> memref<80x64xf32, #tpu.memory_space<vmem>>
        %dma_wait3A_342 = arith.constant 0 : i32
        %dma_wait3A_343 = tpu.memref_slice %arg9[%dma_wait3A_337, %dma_wait3A_342] : memref<125x80xi32, #tpu.memory_space<vmem>> -> memref<1x80xi32, #tpu.memory_space<vmem>>
        %dma_wait3A_344 = tpu.memref_squeeze %dma_wait3A_343 : memref<1x80xi32, #tpu.memory_space<vmem>> -> memref<80xi32, #tpu.memory_space<vmem>>
        %dma_wait3A_345 = arith.constant 0 : i32
        %dma_wait3A_346 = arith.constant 0 : i32
        %dma_wait3A_347 = tpu.memref_slice %arg11[%dma_wait3A_345, %dma_wait3A_346] : memref<10000x64xf32, #tpu.memory_space<vmem_shared>> -> memref<10000x64xf32, #tpu.memory_space<vmem_shared>>
        tpu.wait_indirect_dma semaphore(%arg14 : memref<!tpu.dma_semaphore, #tpu.memory_space<semaphore_mem>>) src(%dma_wait3A_341 : memref<80x64xf32, #tpu.memory_space<vmem>>) dst(%dma_wait3A_347 : memref<10000x64xf32, #tpu.memory_space<vmem_shared>>)
        %dma_wait3A_348 = arith.constant 1 : i32
        %dma_wait3A_349 = arith.constant 1 : i32
        %dma_wait3A_350 = arith.constant 0 : i32
        %dma_wait3A_351 = arith.constant 0 : i32
        %dma_wait3A_352 = arith.constant 0 : i32
        %dma_wait3A_353 = tpu.memref_slice %arg10[%dma_wait3A_348, %dma_wait3A_349, %dma_wait3A_351, %dma_wait3A_352] : memref<3x4x80x64xf32, #tpu.memory_space<vmem>> -> memref<1x1x80x64xf32, #tpu.memory_space<vmem>>
        %dma_wait3A_354 = tpu.memref_squeeze %dma_wait3A_353 : memref<1x1x80x64xf32, #tpu.memory_space<vmem>> -> memref<80x64xf32, #tpu.memory_space<vmem>>
        %dma_wait3A_355 = arith.constant 0 : i32
        %dma_wait3A_356 = tpu.memref_slice %arg9[%dma_wait3A_350, %dma_wait3A_355] : memref<125x80xi32, #tpu.memory_space<vmem>> -> memref<1x80xi32, #tpu.memory_space<vmem>>
        %dma_wait3A_357 = tpu.memref_squeeze %dma_wait3A_356 : memref<1x80xi32, #tpu.memory_space<vmem>> -> memref<80xi32, #tpu.memory_space<vmem>>
        %dma_wait3A_358 = arith.constant 0 : i32
        %dma_wait3A_359 = arith.constant 0 : i32
        %dma_wait3A_360 = tpu.memref_slice %arg11[%dma_wait3A_358, %dma_wait3A_359] : memref<10000x64xf32, #tpu.memory_space<vmem_shared>> -> memref<10000x64xf32, #tpu.memory_space<vmem_shared>>
        tpu.wait_indirect_dma semaphore(%arg14 : memref<!tpu.dma_semaphore, #tpu.memory_space<semaphore_mem>>) src(%dma_wait3A_354 : memref<80x64xf32, #tpu.memory_space<vmem>>) dst(%dma_wait3A_360 : memref<10000x64xf32, #tpu.memory_space<vmem_shared>>)
        %dma_wait3A_361 = arith.constant 1 : i32
        %dma_wait3A_362 = arith.constant 2 : i32
        %dma_wait3A_363 = arith.constant 0 : i32
        %dma_wait3A_364 = arith.constant 0 : i32
        %dma_wait3A_365 = arith.constant 0 : i32
        %dma_wait3A_366 = tpu.memref_slice %arg10[%dma_wait3A_361, %dma_wait3A_362, %dma_wait3A_364, %dma_wait3A_365] : memref<3x4x80x64xf32, #tpu.memory_space<vmem>> -> memref<1x1x80x64xf32, #tpu.memory_space<vmem>>
        %dma_wait3A_367 = tpu.memref_squeeze %dma_wait3A_366 : memref<1x1x80x64xf32, #tpu.memory_space<vmem>> -> memref<80x64xf32, #tpu.memory_space<vmem>>
        %dma_wait3A_368 = arith.constant 0 : i32
        %dma_wait3A_369 = tpu.memref_slice %arg9[%dma_wait3A_363, %dma_wait3A_368] : memref<125x80xi32, #tpu.memory_space<vmem>> -> memref<1x80xi32, #tpu.memory_space<vmem>>
        %dma_wait3A_370 = tpu.memref_squeeze %dma_wait3A_369 : memref<1x80xi32, #tpu.memory_space<vmem>> -> memref<80xi32, #tpu.memory_space<vmem>>
        %dma_wait3A_371 = arith.constant 0 : i32
        %dma_wait3A_372 = arith.constant 0 : i32
        %dma_wait3A_373 = tpu.memref_slice %arg11[%dma_wait3A_371, %dma_wait3A_372] : memref<10000x64xf32, #tpu.memory_space<vmem_shared>> -> memref<10000x64xf32, #tpu.memory_space<vmem_shared>>
        tpu.wait_indirect_dma semaphore(%arg14 : memref<!tpu.dma_semaphore, #tpu.memory_space<semaphore_mem>>) src(%dma_wait3A_367 : memref<80x64xf32, #tpu.memory_space<vmem>>) dst(%dma_wait3A_373 : memref<10000x64xf32, #tpu.memory_space<vmem_shared>>)
        %dma_wait3A_374 = arith.constant 1 : i32
        %dma_wait3A_375 = arith.constant 3 : i32
        %dma_wait3A_376 = arith.constant 0 : i32
        %dma_wait3A_377 = arith.constant 0 : i32
        %dma_wait3A_378 = arith.constant 0 : i32
        %dma_wait3A_379 = tpu.memref_slice %arg10[%dma_wait3A_374, %dma_wait3A_375, %dma_wait3A_377, %dma_wait3A_378] : memref<3x4x80x64xf32, #tpu.memory_space<vmem>> -> memref<1x1x80x64xf32, #tpu.memory_space<vmem>>
        %dma_wait3A_380 = tpu.memref_squeeze %dma_wait3A_379 : memref<1x1x80x64xf32, #tpu.memory_space<vmem>> -> memref<80x64xf32, #tpu.memory_space<vmem>>
        %dma_wait3A_381 = arith.constant 0 : i32
        %dma_wait3A_382 = tpu.memref_slice %arg9[%dma_wait3A_376, %dma_wait3A_381] : memref<125x80xi32, #tpu.memory_space<vmem>> -> memref<1x80xi32, #tpu.memory_space<vmem>>
        %dma_wait3A_383 = tpu.memref_squeeze %dma_wait3A_382 : memref<1x80xi32, #tpu.memory_space<vmem>> -> memref<80xi32, #tpu.memory_space<vmem>>
        %dma_wait3A_384 = arith.constant 0 : i32
        %dma_wait3A_385 = arith.constant 0 : i32
        %dma_wait3A_386 = tpu.memref_slice %arg11[%dma_wait3A_384, %dma_wait3A_385] : memref<10000x64xf32, #tpu.memory_space<vmem_shared>> -> memref<10000x64xf32, #tpu.memory_space<vmem_shared>>
        tpu.wait_indirect_dma semaphore(%arg14 : memref<!tpu.dma_semaphore, #tpu.memory_space<semaphore_mem>>) src(%dma_wait3A_380 : memref<80x64xf32, #tpu.memory_space<vmem>>) dst(%dma_wait3A_386 : memref<10000x64xf32, #tpu.memory_space<vmem_shared>>)
      } else {
      }
      %ge3A_306 = arith.constant 2 : i32
      %ge3A_307 = arith.cmpi sge, %scan3A_226, %ge3A_306 : i32
      %eq3A_308 = arith.constant 2 : i32
      %eq3A_309 = arith.cmpi eq, %rem3A_231, %eq3A_308 : i32
      %and3A_310 = arith.andi %ge3A_307, %eq3A_309 : i1
      %convert_element_type3A_311 = arith.extui %and3A_310 : i1 to i32
      %cond3A_312 = arith.constant 0 : i32
      %cond3A_313 = arith.cmpi ne, %convert_element_type3A_311, %cond3A_312 : i32
      scf.if %cond3A_313 {
        %dma_wait3A_335 = arith.constant 2 : i32
        %dma_wait3A_336 = arith.constant 0 : i32
        %dma_wait3A_337 = arith.constant 0 : i32
        %dma_wait3A_338 = arith.constant 0 : i32
        %dma_wait3A_339 = arith.constant 0 : i32
        %dma_wait3A_340 = tpu.memref_slice %arg10[%dma_wait3A_335, %dma_wait3A_336, %dma_wait3A_338, %dma_wait3A_339] : memref<3x4x80x64xf32, #tpu.memory_space<vmem>> -> memref<1x1x80x64xf32, #tpu.memory_space<vmem>>
        %dma_wait3A_341 = tpu.memref_squeeze %dma_wait3A_340 : memref<1x1x80x64xf32, #tpu.memory_space<vmem>> -> memref<80x64xf32, #tpu.memory_space<vmem>>
        %dma_wait3A_342 = arith.constant 0 : i32
        %dma_wait3A_343 = tpu.memref_slice %arg9[%dma_wait3A_337, %dma_wait3A_342] : memref<125x80xi32, #tpu.memory_space<vmem>> -> memref<1x80xi32, #tpu.memory_space<vmem>>
        %dma_wait3A_344 = tpu.memref_squeeze %dma_wait3A_343 : memref<1x80xi32, #tpu.memory_space<vmem>> -> memref<80xi32, #tpu.memory_space<vmem>>
        %dma_wait3A_345 = arith.constant 0 : i32
        %dma_wait3A_346 = arith.constant 0 : i32
        %dma_wait3A_347 = tpu.memref_slice %arg11[%dma_wait3A_345, %dma_wait3A_346] : memref<10000x64xf32, #tpu.memory_space<vmem_shared>> -> memref<10000x64xf32, #tpu.memory_space<vmem_shared>>
        tpu.wait_indirect_dma semaphore(%arg15 : memref<!tpu.dma_semaphore, #tpu.memory_space<semaphore_mem>>) src(%dma_wait3A_341 : memref<80x64xf32, #tpu.memory_space<vmem>>) dst(%dma_wait3A_347 : memref<10000x64xf32, #tpu.memory_space<vmem_shared>>)
        %dma_wait3A_348 = arith.constant 2 : i32
        %dma_wait3A_349 = arith.constant 1 : i32
        %dma_wait3A_350 = arith.constant 0 : i32
        %dma_wait3A_351 = arith.constant 0 : i32
        %dma_wait3A_352 = arith.constant 0 : i32
        %dma_wait3A_353 = tpu.memref_slice %arg10[%dma_wait3A_348, %dma_wait3A_349, %dma_wait3A_351, %dma_wait3A_352] : memref<3x4x80x64xf32, #tpu.memory_space<vmem>> -> memref<1x1x80x64xf32, #tpu.memory_space<vmem>>
        %dma_wait3A_354 = tpu.memref_squeeze %dma_wait3A_353 : memref<1x1x80x64xf32, #tpu.memory_space<vmem>> -> memref<80x64xf32, #tpu.memory_space<vmem>>
        %dma_wait3A_355 = arith.constant 0 : i32
        %dma_wait3A_356 = tpu.memref_slice %arg9[%dma_wait3A_350, %dma_wait3A_355] : memref<125x80xi32, #tpu.memory_space<vmem>> -> memref<1x80xi32, #tpu.memory_space<vmem>>
        %dma_wait3A_357 = tpu.memref_squeeze %dma_wait3A_356 : memref<1x80xi32, #tpu.memory_space<vmem>> -> memref<80xi32, #tpu.memory_space<vmem>>
        %dma_wait3A_358 = arith.constant 0 : i32
        %dma_wait3A_359 = arith.constant 0 : i32
        %dma_wait3A_360 = tpu.memref_slice %arg11[%dma_wait3A_358, %dma_wait3A_359] : memref<10000x64xf32, #tpu.memory_space<vmem_shared>> -> memref<10000x64xf32, #tpu.memory_space<vmem_shared>>
        tpu.wait_indirect_dma semaphore(%arg15 : memref<!tpu.dma_semaphore, #tpu.memory_space<semaphore_mem>>) src(%dma_wait3A_354 : memref<80x64xf32, #tpu.memory_space<vmem>>) dst(%dma_wait3A_360 : memref<10000x64xf32, #tpu.memory_space<vmem_shared>>)
        %dma_wait3A_361 = arith.constant 2 : i32
        %dma_wait3A_362 = arith.constant 2 : i32
        %dma_wait3A_363 = arith.constant 0 : i32
        %dma_wait3A_364 = arith.constant 0 : i32
        %dma_wait3A_365 = arith.constant 0 : i32
        %dma_wait3A_366 = tpu.memref_slice %arg10[%dma_wait3A_361, %dma_wait3A_362, %dma_wait3A_364, %dma_wait3A_365] : memref<3x4x80x64xf32, #tpu.memory_space<vmem>> -> memref<1x1x80x64xf32, #tpu.memory_space<vmem>>
        %dma_wait3A_367 = tpu.memref_squeeze %dma_wait3A_366 : memref<1x1x80x64xf32, #tpu.memory_space<vmem>> -> memref<80x64xf32, #tpu.memory_space<vmem>>
        %dma_wait3A_368 = arith.constant 0 : i32
        %dma_wait3A_369 = tpu.memref_slice %arg9[%dma_wait3A_363, %dma_wait3A_368] : memref<125x80xi32, #tpu.memory_space<vmem>> -> memref<1x80xi32, #tpu.memory_space<vmem>>
        %dma_wait3A_370 = tpu.memref_squeeze %dma_wait3A_369 : memref<1x80xi32, #tpu.memory_space<vmem>> -> memref<80xi32, #tpu.memory_space<vmem>>
        %dma_wait3A_371 = arith.constant 0 : i32
        %dma_wait3A_372 = arith.constant 0 : i32
        %dma_wait3A_373 = tpu.memref_slice %arg11[%dma_wait3A_371, %dma_wait3A_372] : memref<10000x64xf32, #tpu.memory_space<vmem_shared>> -> memref<10000x64xf32, #tpu.memory_space<vmem_shared>>
        tpu.wait_indirect_dma semaphore(%arg15 : memref<!tpu.dma_semaphore, #tpu.memory_space<semaphore_mem>>) src(%dma_wait3A_367 : memref<80x64xf32, #tpu.memory_space<vmem>>) dst(%dma_wait3A_373 : memref<10000x64xf32, #tpu.memory_space<vmem_shared>>)
        %dma_wait3A_374 = arith.constant 2 : i32
        %dma_wait3A_375 = arith.constant 3 : i32
        %dma_wait3A_376 = arith.constant 0 : i32
        %dma_wait3A_377 = arith.constant 0 : i32
        %dma_wait3A_378 = arith.constant 0 : i32
        %dma_wait3A_379 = tpu.memref_slice %arg10[%dma_wait3A_374, %dma_wait3A_375, %dma_wait3A_377, %dma_wait3A_378] : memref<3x4x80x64xf32, #tpu.memory_space<vmem>> -> memref<1x1x80x64xf32, #tpu.memory_space<vmem>>
        %dma_wait3A_380 = tpu.memref_squeeze %dma_wait3A_379 : memref<1x1x80x64xf32, #tpu.memory_space<vmem>> -> memref<80x64xf32, #tpu.memory_space<vmem>>
        %dma_wait3A_381 = arith.constant 0 : i32
        %dma_wait3A_382 = tpu.memref_slice %arg9[%dma_wait3A_376, %dma_wait3A_381] : memref<125x80xi32, #tpu.memory_space<vmem>> -> memref<1x80xi32, #tpu.memory_space<vmem>>
        %dma_wait3A_383 = tpu.memref_squeeze %dma_wait3A_382 : memref<1x80xi32, #tpu.memory_space<vmem>> -> memref<80xi32, #tpu.memory_space<vmem>>
        %dma_wait3A_384 = arith.constant 0 : i32
        %dma_wait3A_385 = arith.constant 0 : i32
        %dma_wait3A_386 = tpu.memref_slice %arg11[%dma_wait3A_384, %dma_wait3A_385] : memref<10000x64xf32, #tpu.memory_space<vmem_shared>> -> memref<10000x64xf32, #tpu.memory_space<vmem_shared>>
        tpu.wait_indirect_dma semaphore(%arg15 : memref<!tpu.dma_semaphore, #tpu.memory_space<semaphore_mem>>) src(%dma_wait3A_380 : memref<80x64xf32, #tpu.memory_space<vmem>>) dst(%dma_wait3A_386 : memref<10000x64xf32, #tpu.memory_space<vmem_shared>>)
      } else {
      }
      %add3A_314 = arith.constant 1 : i32
      %add3A_315 = arith.addi %scan3A_226, %add3A_314 : i32
      %lt3A = arith.constant 31 : i32
      %lt3A_316 = arith.cmpi slt, %add3A_315, %lt3A : i32
      %convert_element_type3A_317 = arith.extui %lt3A_316 : i1 to i32
      %cond3A_318 = arith.constant 0 : i32
      %cond3A_319 = arith.cmpi ne, %convert_element_type3A_317, %cond3A_318 : i32
      scf.if %cond3A_319 {
        %add3A_335 = arith.constant 1 : i32
        %add3A_336 = arith.addi %scan3A_226, %add3A_335 : i32
        %mul3A_337 = arith.constant 4 : i32
        %mul3A_338 = arith.muli %add3A_336, %mul3A_337 : i32
        %add3A_339 = arith.constant 0 : i32
        %add3A_340 = arith.addi %mul3A_338, %add3A_339 : i32
        %dma_start3A_341 = arith.constant 0 : i32
        %dma_start3A_342 = arith.constant 0 : i32
        %dma_start3A_343 = arith.constant 0 : i32
        %dma_start3A_344 = tpu.memref_slice %arg10[%rem3A_231, %dma_start3A_341, %dma_start3A_342, %dma_start3A_343] : memref<3x4x80x64xf32, #tpu.memory_space<vmem>> -> memref<1x1x80x64xf32, #tpu.memory_space<vmem>>
        %dma_start3A_345 = tpu.memref_squeeze %dma_start3A_344 : memref<1x1x80x64xf32, #tpu.memory_space<vmem>> -> memref<80x64xf32, #tpu.memory_space<vmem>>
        %dma_start3A_346 = arith.constant 0 : i32
        %dma_start3A_347 = tpu.memref_slice %arg8[%add3A_340, %dma_start3A_346] : memref<125x80xi32, #tpu.memory_space<vmem>> -> memref<1x80xi32, #tpu.memory_space<vmem>>
        %dma_start3A_348 = tpu.memref_squeeze %dma_start3A_347 : memref<1x80xi32, #tpu.memory_space<vmem>> -> memref<80xi32, #tpu.memory_space<vmem>>
        %dma_start3A_349 = arith.constant 0 : i32
        %dma_start3A_350 = arith.constant 0 : i32
        %dma_start3A_351 = tpu.memref_slice %arg2[%dma_start3A_349, %dma_start3A_350] : memref<10000x64xf32, #tpu.memory_space<hbm>> -> memref<10000x64xf32, #tpu.memory_space<hbm>>
        tpu.enqueue_indirect_dma source(%dma_start3A_351 : memref<10000x64xf32, #tpu.memory_space<hbm>>) target(%dma_start3A_345 : memref<80x64xf32, #tpu.memory_space<vmem>>) offsets(%dma_start3A_348 : memref<80xi32, #tpu.memory_space<vmem>>) semaphore(%arg12 : memref<!tpu.dma_semaphore, #tpu.memory_space<semaphore_mem>>)
        %add3A_352 = arith.constant 1 : i32
        %add3A_353 = arith.addi %scan3A_226, %add3A_352 : i32
        %mul3A_354 = arith.constant 4 : i32
        %mul3A_355 = arith.muli %add3A_353, %mul3A_354 : i32
        %add3A_356 = arith.constant 1 : i32
        %add3A_357 = arith.addi %mul3A_355, %add3A_356 : i32
        %dma_start3A_358 = arith.constant 1 : i32
        %dma_start3A_359 = arith.constant 0 : i32
        %dma_start3A_360 = arith.constant 0 : i32
        %dma_start3A_361 = tpu.memref_slice %arg10[%rem3A_231, %dma_start3A_358, %dma_start3A_359, %dma_start3A_360] : memref<3x4x80x64xf32, #tpu.memory_space<vmem>> -> memref<1x1x80x64xf32, #tpu.memory_space<vmem>>
        %dma_start3A_362 = tpu.memref_squeeze %dma_start3A_361 : memref<1x1x80x64xf32, #tpu.memory_space<vmem>> -> memref<80x64xf32, #tpu.memory_space<vmem>>
        %dma_start3A_363 = arith.constant 0 : i32
        %dma_start3A_364 = tpu.memref_slice %arg8[%add3A_357, %dma_start3A_363] : memref<125x80xi32, #tpu.memory_space<vmem>> -> memref<1x80xi32, #tpu.memory_space<vmem>>
        %dma_start3A_365 = tpu.memref_squeeze %dma_start3A_364 : memref<1x80xi32, #tpu.memory_space<vmem>> -> memref<80xi32, #tpu.memory_space<vmem>>
        %dma_start3A_366 = arith.constant 0 : i32
        %dma_start3A_367 = arith.constant 0 : i32
        %dma_start3A_368 = tpu.memref_slice %arg2[%dma_start3A_366, %dma_start3A_367] : memref<10000x64xf32, #tpu.memory_space<hbm>> -> memref<10000x64xf32, #tpu.memory_space<hbm>>
        tpu.enqueue_indirect_dma source(%dma_start3A_368 : memref<10000x64xf32, #tpu.memory_space<hbm>>) target(%dma_start3A_362 : memref<80x64xf32, #tpu.memory_space<vmem>>) offsets(%dma_start3A_365 : memref<80xi32, #tpu.memory_space<vmem>>) semaphore(%arg12 : memref<!tpu.dma_semaphore, #tpu.memory_space<semaphore_mem>>)
        %add3A_369 = arith.constant 1 : i32
        %add3A_370 = arith.addi %scan3A_226, %add3A_369 : i32
        %mul3A_371 = arith.constant 4 : i32
        %mul3A_372 = arith.muli %add3A_370, %mul3A_371 : i32
        %add3A_373 = arith.constant 2 : i32
        %add3A_374 = arith.addi %mul3A_372, %add3A_373 : i32
        %dma_start3A_375 = arith.constant 2 : i32
        %dma_start3A_376 = arith.constant 0 : i32
        %dma_start3A_377 = arith.constant 0 : i32
        %dma_start3A_378 = tpu.memref_slice %arg10[%rem3A_231, %dma_start3A_375, %dma_start3A_376, %dma_start3A_377] : memref<3x4x80x64xf32, #tpu.memory_space<vmem>> -> memref<1x1x80x64xf32, #tpu.memory_space<vmem>>
        %dma_start3A_379 = tpu.memref_squeeze %dma_start3A_378 : memref<1x1x80x64xf32, #tpu.memory_space<vmem>> -> memref<80x64xf32, #tpu.memory_space<vmem>>
        %dma_start3A_380 = arith.constant 0 : i32
        %dma_start3A_381 = tpu.memref_slice %arg8[%add3A_374, %dma_start3A_380] : memref<125x80xi32, #tpu.memory_space<vmem>> -> memref<1x80xi32, #tpu.memory_space<vmem>>
        %dma_start3A_382 = tpu.memref_squeeze %dma_start3A_381 : memref<1x80xi32, #tpu.memory_space<vmem>> -> memref<80xi32, #tpu.memory_space<vmem>>
        %dma_start3A_383 = arith.constant 0 : i32
        %dma_start3A_384 = arith.constant 0 : i32
        %dma_start3A_385 = tpu.memref_slice %arg2[%dma_start3A_383, %dma_start3A_384] : memref<10000x64xf32, #tpu.memory_space<hbm>> -> memref<10000x64xf32, #tpu.memory_space<hbm>>
        tpu.enqueue_indirect_dma source(%dma_start3A_385 : memref<10000x64xf32, #tpu.memory_space<hbm>>) target(%dma_start3A_379 : memref<80x64xf32, #tpu.memory_space<vmem>>) offsets(%dma_start3A_382 : memref<80xi32, #tpu.memory_space<vmem>>) semaphore(%arg12 : memref<!tpu.dma_semaphore, #tpu.memory_space<semaphore_mem>>)
        %add3A_386 = arith.constant 1 : i32
        %add3A_387 = arith.addi %scan3A_226, %add3A_386 : i32
        %mul3A_388 = arith.constant 4 : i32
        %mul3A_389 = arith.muli %add3A_387, %mul3A_388 : i32
        %add3A_390 = arith.constant 3 : i32
        %add3A_391 = arith.addi %mul3A_389, %add3A_390 : i32
        %dma_start3A_392 = arith.constant 3 : i32
        %dma_start3A_393 = arith.constant 0 : i32
        %dma_start3A_394 = arith.constant 0 : i32
        %dma_start3A_395 = tpu.memref_slice %arg10[%rem3A_231, %dma_start3A_392, %dma_start3A_393, %dma_start3A_394] : memref<3x4x80x64xf32, #tpu.memory_space<vmem>> -> memref<1x1x80x64xf32, #tpu.memory_space<vmem>>
        %dma_start3A_396 = tpu.memref_squeeze %dma_start3A_395 : memref<1x1x80x64xf32, #tpu.memory_space<vmem>> -> memref<80x64xf32, #tpu.memory_space<vmem>>
        %dma_start3A_397 = arith.constant 0 : i32
        %dma_start3A_398 = tpu.memref_slice %arg8[%add3A_391, %dma_start3A_397] : memref<125x80xi32, #tpu.memory_space<vmem>> -> memref<1x80xi32, #tpu.memory_space<vmem>>
        %dma_start3A_399 = tpu.memref_squeeze %dma_start3A_398 : memref<1x80xi32, #tpu.memory_space<vmem>> -> memref<80xi32, #tpu.memory_space<vmem>>
        %dma_start3A_400 = arith.constant 0 : i32
        %dma_start3A_401 = arith.constant 0 : i32
        %dma_start3A_402 = tpu.memref_slice %arg2[%dma_start3A_400, %dma_start3A_401] : memref<10000x64xf32, #tpu.memory_space<hbm>> -> memref<10000x64xf32, #tpu.memory_space<hbm>>
        tpu.enqueue_indirect_dma source(%dma_start3A_402 : memref<10000x64xf32, #tpu.memory_space<hbm>>) target(%dma_start3A_396 : memref<80x64xf32, #tpu.memory_space<vmem>>) offsets(%dma_start3A_399 : memref<80xi32, #tpu.memory_space<vmem>>) semaphore(%arg12 : memref<!tpu.dma_semaphore, #tpu.memory_space<semaphore_mem>>)
      } else {
      }
      %eq3A_320 = arith.constant 0 : i32
      %eq3A_321 = arith.cmpi eq, %rem3A_227, %eq3A_320 : i32
      %convert_element_type3A_322 = arith.extui %eq3A_321 : i1 to i32
      %cond3A_323 = arith.constant 0 : i32
      %cond3A_324 = arith.cmpi ne, %convert_element_type3A_322, %cond3A_323 : i32
      scf.if %cond3A_324 {
        %mul3A_335 = arith.constant 4 : i32
        %mul3A_336 = arith.muli %scan3A_226, %mul3A_335 : i32
        %add3A_337 = arith.constant 0 : i32
        %add3A_338 = arith.addi %mul3A_336, %add3A_337 : i32
        %dma_start3A_339 = arith.constant 0 : i32
        %dma_start3A_340 = arith.constant 0 : i32
        %dma_start3A_341 = arith.constant 0 : i32
        %dma_start3A_342 = arith.constant 0 : i32
        %dma_start3A_343 = tpu.memref_slice %arg10[%dma_start3A_339, %dma_start3A_340, %dma_start3A_341, %dma_start3A_342] : memref<3x4x80x64xf32, #tpu.memory_space<vmem>> -> memref<1x1x80x64xf32, #tpu.memory_space<vmem>>
        %dma_start3A_344 = tpu.memref_squeeze %dma_start3A_343 : memref<1x1x80x64xf32, #tpu.memory_space<vmem>> -> memref<80x64xf32, #tpu.memory_space<vmem>>
        %dma_start3A_345 = arith.constant 0 : i32
        %dma_start3A_346 = tpu.memref_slice %arg9[%add3A_338, %dma_start3A_345] : memref<125x80xi32, #tpu.memory_space<vmem>> -> memref<1x80xi32, #tpu.memory_space<vmem>>
        %dma_start3A_347 = tpu.memref_squeeze %dma_start3A_346 : memref<1x80xi32, #tpu.memory_space<vmem>> -> memref<80xi32, #tpu.memory_space<vmem>>
        %dma_start3A_348 = arith.constant 0 : i32
        %dma_start3A_349 = arith.constant 0 : i32
        %dma_start3A_350 = tpu.memref_slice %arg11[%dma_start3A_348, %dma_start3A_349] : memref<10000x64xf32, #tpu.memory_space<vmem_shared>> -> memref<10000x64xf32, #tpu.memory_space<vmem_shared>>
        tpu.enqueue_indirect_dma source(%dma_start3A_344 : memref<80x64xf32, #tpu.memory_space<vmem>>) target(%dma_start3A_350 : memref<10000x64xf32, #tpu.memory_space<vmem_shared>>) offsets(%dma_start3A_347 : memref<80xi32, #tpu.memory_space<vmem>>) semaphore(%arg13 : memref<!tpu.dma_semaphore, #tpu.memory_space<semaphore_mem>>) {add = true}
        %mul3A_351 = arith.constant 4 : i32
        %mul3A_352 = arith.muli %scan3A_226, %mul3A_351 : i32
        %add3A_353 = arith.constant 1 : i32
        %add3A_354 = arith.addi %mul3A_352, %add3A_353 : i32
        %dma_start3A_355 = arith.constant 0 : i32
        %dma_start3A_356 = arith.constant 1 : i32
        %dma_start3A_357 = arith.constant 0 : i32
        %dma_start3A_358 = arith.constant 0 : i32
        %dma_start3A_359 = tpu.memref_slice %arg10[%dma_start3A_355, %dma_start3A_356, %dma_start3A_357, %dma_start3A_358] : memref<3x4x80x64xf32, #tpu.memory_space<vmem>> -> memref<1x1x80x64xf32, #tpu.memory_space<vmem>>
        %dma_start3A_360 = tpu.memref_squeeze %dma_start3A_359 : memref<1x1x80x64xf32, #tpu.memory_space<vmem>> -> memref<80x64xf32, #tpu.memory_space<vmem>>
        %dma_start3A_361 = arith.constant 0 : i32
        %dma_start3A_362 = tpu.memref_slice %arg9[%add3A_354, %dma_start3A_361] : memref<125x80xi32, #tpu.memory_space<vmem>> -> memref<1x80xi32, #tpu.memory_space<vmem>>
        %dma_start3A_363 = tpu.memref_squeeze %dma_start3A_362 : memref<1x80xi32, #tpu.memory_space<vmem>> -> memref<80xi32, #tpu.memory_space<vmem>>
        %dma_start3A_364 = arith.constant 0 : i32
        %dma_start3A_365 = arith.constant 0 : i32
        %dma_start3A_366 = tpu.memref_slice %arg11[%dma_start3A_364, %dma_start3A_365] : memref<10000x64xf32, #tpu.memory_space<vmem_shared>> -> memref<10000x64xf32, #tpu.memory_space<vmem_shared>>
        tpu.enqueue_indirect_dma source(%dma_start3A_360 : memref<80x64xf32, #tpu.memory_space<vmem>>) target(%dma_start3A_366 : memref<10000x64xf32, #tpu.memory_space<vmem_shared>>) offsets(%dma_start3A_363 : memref<80xi32, #tpu.memory_space<vmem>>) semaphore(%arg13 : memref<!tpu.dma_semaphore, #tpu.memory_space<semaphore_mem>>) {add = true}
        %mul3A_367 = arith.constant 4 : i32
        %mul3A_368 = arith.muli %scan3A_226, %mul3A_367 : i32
        %add3A_369 = arith.constant 2 : i32
        %add3A_370 = arith.addi %mul3A_368, %add3A_369 : i32
        %dma_start3A_371 = arith.constant 0 : i32
        %dma_start3A_372 = arith.constant 2 : i32
        %dma_start3A_373 = arith.constant 0 : i32
        %dma_start3A_374 = arith.constant 0 : i32
        %dma_start3A_375 = tpu.memref_slice %arg10[%dma_start3A_371, %dma_start3A_372, %dma_start3A_373, %dma_start3A_374] : memref<3x4x80x64xf32, #tpu.memory_space<vmem>> -> memref<1x1x80x64xf32, #tpu.memory_space<vmem>>
        %dma_start3A_376 = tpu.memref_squeeze %dma_start3A_375 : memref<1x1x80x64xf32, #tpu.memory_space<vmem>> -> memref<80x64xf32, #tpu.memory_space<vmem>>
        %dma_start3A_377 = arith.constant 0 : i32
        %dma_start3A_378 = tpu.memref_slice %arg9[%add3A_370, %dma_start3A_377] : memref<125x80xi32, #tpu.memory_space<vmem>> -> memref<1x80xi32, #tpu.memory_space<vmem>>
        %dma_start3A_379 = tpu.memref_squeeze %dma_start3A_378 : memref<1x80xi32, #tpu.memory_space<vmem>> -> memref<80xi32, #tpu.memory_space<vmem>>
        %dma_start3A_380 = arith.constant 0 : i32
        %dma_start3A_381 = arith.constant 0 : i32
        %dma_start3A_382 = tpu.memref_slice %arg11[%dma_start3A_380, %dma_start3A_381] : memref<10000x64xf32, #tpu.memory_space<vmem_shared>> -> memref<10000x64xf32, #tpu.memory_space<vmem_shared>>
        tpu.enqueue_indirect_dma source(%dma_start3A_376 : memref<80x64xf32, #tpu.memory_space<vmem>>) target(%dma_start3A_382 : memref<10000x64xf32, #tpu.memory_space<vmem_shared>>) offsets(%dma_start3A_379 : memref<80xi32, #tpu.memory_space<vmem>>) semaphore(%arg13 : memref<!tpu.dma_semaphore, #tpu.memory_space<semaphore_mem>>) {add = true}
        %mul3A_383 = arith.constant 4 : i32
        %mul3A_384 = arith.muli %scan3A_226, %mul3A_383 : i32
        %add3A_385 = arith.constant 3 : i32
        %add3A_386 = arith.addi %mul3A_384, %add3A_385 : i32
        %dma_start3A_387 = arith.constant 0 : i32
        %dma_start3A_388 = arith.constant 3 : i32
        %dma_start3A_389 = arith.constant 0 : i32
        %dma_start3A_390 = arith.constant 0 : i32
        %dma_start3A_391 = tpu.memref_slice %arg10[%dma_start3A_387, %dma_start3A_388, %dma_start3A_389, %dma_start3A_390] : memref<3x4x80x64xf32, #tpu.memory_space<vmem>> -> memref<1x1x80x64xf32, #tpu.memory_space<vmem>>
        %dma_start3A_392 = tpu.memref_squeeze %dma_start3A_391 : memref<1x1x80x64xf32, #tpu.memory_space<vmem>> -> memref<80x64xf32, #tpu.memory_space<vmem>>
        %dma_start3A_393 = arith.constant 0 : i32
        %dma_start3A_394 = tpu.memref_slice %arg9[%add3A_386, %dma_start3A_393] : memref<125x80xi32, #tpu.memory_space<vmem>> -> memref<1x80xi32, #tpu.memory_space<vmem>>
        %dma_start3A_395 = tpu.memref_squeeze %dma_start3A_394 : memref<1x80xi32, #tpu.memory_space<vmem>> -> memref<80xi32, #tpu.memory_space<vmem>>
        %dma_start3A_396 = arith.constant 0 : i32
        %dma_start3A_397 = arith.constant 0 : i32
        %dma_start3A_398 = tpu.memref_slice %arg11[%dma_start3A_396, %dma_start3A_397] : memref<10000x64xf32, #tpu.memory_space<vmem_shared>> -> memref<10000x64xf32, #tpu.memory_space<vmem_shared>>
        tpu.enqueue_indirect_dma source(%dma_start3A_392 : memref<80x64xf32, #tpu.memory_space<vmem>>) target(%dma_start3A_398 : memref<10000x64xf32, #tpu.memory_space<vmem_shared>>) offsets(%dma_start3A_395 : memref<80xi32, #tpu.memory_space<vmem>>) semaphore(%arg13 : memref<!tpu.dma_semaphore, #tpu.memory_space<semaphore_mem>>) {add = true}
      } else {
      }
      %eq3A_325 = arith.constant 1 : i32
      %eq3A_326 = arith.cmpi eq, %rem3A_227, %eq3A_325 : i32
      %convert_element_type3A_327 = arith.extui %eq3A_326 : i1 to i32
      %cond3A_328 = arith.constant 0 : i32
      %cond3A_329 = arith.cmpi ne, %convert_element_type3A_327, %cond3A_328 : i32
      scf.if %cond3A_329 {
        %mul3A_335 = arith.constant 4 : i32
        %mul3A_336 = arith.muli %scan3A_226, %mul3A_335 : i32
        %add3A_337 = arith.constant 0 : i32
        %add3A_338 = arith.addi %mul3A_336, %add3A_337 : i32
        %dma_start3A_339 = arith.constant 1 : i32
        %dma_start3A_340 = arith.constant 0 : i32
        %dma_start3A_341 = arith.constant 0 : i32
        %dma_start3A_342 = arith.constant 0 : i32
        %dma_start3A_343 = tpu.memref_slice %arg10[%dma_start3A_339, %dma_start3A_340, %dma_start3A_341, %dma_start3A_342] : memref<3x4x80x64xf32, #tpu.memory_space<vmem>> -> memref<1x1x80x64xf32, #tpu.memory_space<vmem>>
        %dma_start3A_344 = tpu.memref_squeeze %dma_start3A_343 : memref<1x1x80x64xf32, #tpu.memory_space<vmem>> -> memref<80x64xf32, #tpu.memory_space<vmem>>
        %dma_start3A_345 = arith.constant 0 : i32
        %dma_start3A_346 = tpu.memref_slice %arg9[%add3A_338, %dma_start3A_345] : memref<125x80xi32, #tpu.memory_space<vmem>> -> memref<1x80xi32, #tpu.memory_space<vmem>>
        %dma_start3A_347 = tpu.memref_squeeze %dma_start3A_346 : memref<1x80xi32, #tpu.memory_space<vmem>> -> memref<80xi32, #tpu.memory_space<vmem>>
        %dma_start3A_348 = arith.constant 0 : i32
        %dma_start3A_349 = arith.constant 0 : i32
        %dma_start3A_350 = tpu.memref_slice %arg11[%dma_start3A_348, %dma_start3A_349] : memref<10000x64xf32, #tpu.memory_space<vmem_shared>> -> memref<10000x64xf32, #tpu.memory_space<vmem_shared>>
        tpu.enqueue_indirect_dma source(%dma_start3A_344 : memref<80x64xf32, #tpu.memory_space<vmem>>) target(%dma_start3A_350 : memref<10000x64xf32, #tpu.memory_space<vmem_shared>>) offsets(%dma_start3A_347 : memref<80xi32, #tpu.memory_space<vmem>>) semaphore(%arg14 : memref<!tpu.dma_semaphore, #tpu.memory_space<semaphore_mem>>) {add = true}
        %mul3A_351 = arith.constant 4 : i32
        %mul3A_352 = arith.muli %scan3A_226, %mul3A_351 : i32
        %add3A_353 = arith.constant 1 : i32
        %add3A_354 = arith.addi %mul3A_352, %add3A_353 : i32
        %dma_start3A_355 = arith.constant 1 : i32
        %dma_start3A_356 = arith.constant 1 : i32
        %dma_start3A_357 = arith.constant 0 : i32
        %dma_start3A_358 = arith.constant 0 : i32
        %dma_start3A_359 = tpu.memref_slice %arg10[%dma_start3A_355, %dma_start3A_356, %dma_start3A_357, %dma_start3A_358] : memref<3x4x80x64xf32, #tpu.memory_space<vmem>> -> memref<1x1x80x64xf32, #tpu.memory_space<vmem>>
        %dma_start3A_360 = tpu.memref_squeeze %dma_start3A_359 : memref<1x1x80x64xf32, #tpu.memory_space<vmem>> -> memref<80x64xf32, #tpu.memory_space<vmem>>
        %dma_start3A_361 = arith.constant 0 : i32
        %dma_start3A_362 = tpu.memref_slice %arg9[%add3A_354, %dma_start3A_361] : memref<125x80xi32, #tpu.memory_space<vmem>> -> memref<1x80xi32, #tpu.memory_space<vmem>>
        %dma_start3A_363 = tpu.memref_squeeze %dma_start3A_362 : memref<1x80xi32, #tpu.memory_space<vmem>> -> memref<80xi32, #tpu.memory_space<vmem>>
        %dma_start3A_364 = arith.constant 0 : i32
        %dma_start3A_365 = arith.constant 0 : i32
        %dma_start3A_366 = tpu.memref_slice %arg11[%dma_start3A_364, %dma_start3A_365] : memref<10000x64xf32, #tpu.memory_space<vmem_shared>> -> memref<10000x64xf32, #tpu.memory_space<vmem_shared>>
        tpu.enqueue_indirect_dma source(%dma_start3A_360 : memref<80x64xf32, #tpu.memory_space<vmem>>) target(%dma_start3A_366 : memref<10000x64xf32, #tpu.memory_space<vmem_shared>>) offsets(%dma_start3A_363 : memref<80xi32, #tpu.memory_space<vmem>>) semaphore(%arg14 : memref<!tpu.dma_semaphore, #tpu.memory_space<semaphore_mem>>) {add = true}
        %mul3A_367 = arith.constant 4 : i32
        %mul3A_368 = arith.muli %scan3A_226, %mul3A_367 : i32
        %add3A_369 = arith.constant 2 : i32
        %add3A_370 = arith.addi %mul3A_368, %add3A_369 : i32
        %dma_start3A_371 = arith.constant 1 : i32
        %dma_start3A_372 = arith.constant 2 : i32
        %dma_start3A_373 = arith.constant 0 : i32
        %dma_start3A_374 = arith.constant 0 : i32
        %dma_start3A_375 = tpu.memref_slice %arg10[%dma_start3A_371, %dma_start3A_372, %dma_start3A_373, %dma_start3A_374] : memref<3x4x80x64xf32, #tpu.memory_space<vmem>> -> memref<1x1x80x64xf32, #tpu.memory_space<vmem>>
        %dma_start3A_376 = tpu.memref_squeeze %dma_start3A_375 : memref<1x1x80x64xf32, #tpu.memory_space<vmem>> -> memref<80x64xf32, #tpu.memory_space<vmem>>
        %dma_start3A_377 = arith.constant 0 : i32
        %dma_start3A_378 = tpu.memref_slice %arg9[%add3A_370, %dma_start3A_377] : memref<125x80xi32, #tpu.memory_space<vmem>> -> memref<1x80xi32, #tpu.memory_space<vmem>>
        %dma_start3A_379 = tpu.memref_squeeze %dma_start3A_378 : memref<1x80xi32, #tpu.memory_space<vmem>> -> memref<80xi32, #tpu.memory_space<vmem>>
        %dma_start3A_380 = arith.constant 0 : i32
        %dma_start3A_381 = arith.constant 0 : i32
        %dma_start3A_382 = tpu.memref_slice %arg11[%dma_start3A_380, %dma_start3A_381] : memref<10000x64xf32, #tpu.memory_space<vmem_shared>> -> memref<10000x64xf32, #tpu.memory_space<vmem_shared>>
        tpu.enqueue_indirect_dma source(%dma_start3A_376 : memref<80x64xf32, #tpu.memory_space<vmem>>) target(%dma_start3A_382 : memref<10000x64xf32, #tpu.memory_space<vmem_shared>>) offsets(%dma_start3A_379 : memref<80xi32, #tpu.memory_space<vmem>>) semaphore(%arg14 : memref<!tpu.dma_semaphore, #tpu.memory_space<semaphore_mem>>) {add = true}
        %mul3A_383 = arith.constant 4 : i32
        %mul3A_384 = arith.muli %scan3A_226, %mul3A_383 : i32
        %add3A_385 = arith.constant 3 : i32
        %add3A_386 = arith.addi %mul3A_384, %add3A_385 : i32
        %dma_start3A_387 = arith.constant 1 : i32
        %dma_start3A_388 = arith.constant 3 : i32
        %dma_start3A_389 = arith.constant 0 : i32
        %dma_start3A_390 = arith.constant 0 : i32
        %dma_start3A_391 = tpu.memref_slice %arg10[%dma_start3A_387, %dma_start3A_388, %dma_start3A_389, %dma_start3A_390] : memref<3x4x80x64xf32, #tpu.memory_space<vmem>> -> memref<1x1x80x64xf32, #tpu.memory_space<vmem>>
        %dma_start3A_392 = tpu.memref_squeeze %dma_start3A_391 : memref<1x1x80x64xf32, #tpu.memory_space<vmem>> -> memref<80x64xf32, #tpu.memory_space<vmem>>
        %dma_start3A_393 = arith.constant 0 : i32
        %dma_start3A_394 = tpu.memref_slice %arg9[%add3A_386, %dma_start3A_393] : memref<125x80xi32, #tpu.memory_space<vmem>> -> memref<1x80xi32, #tpu.memory_space<vmem>>
        %dma_start3A_395 = tpu.memref_squeeze %dma_start3A_394 : memref<1x80xi32, #tpu.memory_space<vmem>> -> memref<80xi32, #tpu.memory_space<vmem>>
        %dma_start3A_396 = arith.constant 0 : i32
        %dma_start3A_397 = arith.constant 0 : i32
        %dma_start3A_398 = tpu.memref_slice %arg11[%dma_start3A_396, %dma_start3A_397] : memref<10000x64xf32, #tpu.memory_space<vmem_shared>> -> memref<10000x64xf32, #tpu.memory_space<vmem_shared>>
        tpu.enqueue_indirect_dma source(%dma_start3A_392 : memref<80x64xf32, #tpu.memory_space<vmem>>) target(%dma_start3A_398 : memref<10000x64xf32, #tpu.memory_space<vmem_shared>>) offsets(%dma_start3A_395 : memref<80xi32, #tpu.memory_space<vmem>>) semaphore(%arg14 : memref<!tpu.dma_semaphore, #tpu.memory_space<semaphore_mem>>) {add = true}
      } else {
      }
      %eq3A_330 = arith.constant 2 : i32
      %eq3A_331 = arith.cmpi eq, %rem3A_227, %eq3A_330 : i32
      %convert_element_type3A_332 = arith.extui %eq3A_331 : i1 to i32
      %cond3A_333 = arith.constant 0 : i32
      %cond3A_334 = arith.cmpi ne, %convert_element_type3A_332, %cond3A_333 : i32
      scf.if %cond3A_334 {
        %mul3A_335 = arith.constant 4 : i32
        %mul3A_336 = arith.muli %scan3A_226, %mul3A_335 : i32
        %add3A_337 = arith.constant 0 : i32
        %add3A_338 = arith.addi %mul3A_336, %add3A_337 : i32
        %dma_start3A_339 = arith.constant 2 : i32
        %dma_start3A_340 = arith.constant 0 : i32
        %dma_start3A_341 = arith.constant 0 : i32
        %dma_start3A_342 = arith.constant 0 : i32
        %dma_start3A_343 = tpu.memref_slice %arg10[%dma_start3A_339, %dma_start3A_340, %dma_start3A_341, %dma_start3A_342] : memref<3x4x80x64xf32, #tpu.memory_space<vmem>> -> memref<1x1x80x64xf32, #tpu.memory_space<vmem>>
        %dma_start3A_344 = tpu.memref_squeeze %dma_start3A_343 : memref<1x1x80x64xf32, #tpu.memory_space<vmem>> -> memref<80x64xf32, #tpu.memory_space<vmem>>
        %dma_start3A_345 = arith.constant 0 : i32
        %dma_start3A_346 = tpu.memref_slice %arg9[%add3A_338, %dma_start3A_345] : memref<125x80xi32, #tpu.memory_space<vmem>> -> memref<1x80xi32, #tpu.memory_space<vmem>>
        %dma_start3A_347 = tpu.memref_squeeze %dma_start3A_346 : memref<1x80xi32, #tpu.memory_space<vmem>> -> memref<80xi32, #tpu.memory_space<vmem>>
        %dma_start3A_348 = arith.constant 0 : i32
        %dma_start3A_349 = arith.constant 0 : i32
        %dma_start3A_350 = tpu.memref_slice %arg11[%dma_start3A_348, %dma_start3A_349] : memref<10000x64xf32, #tpu.memory_space<vmem_shared>> -> memref<10000x64xf32, #tpu.memory_space<vmem_shared>>
        tpu.enqueue_indirect_dma source(%dma_start3A_344 : memref<80x64xf32, #tpu.memory_space<vmem>>) target(%dma_start3A_350 : memref<10000x64xf32, #tpu.memory_space<vmem_shared>>) offsets(%dma_start3A_347 : memref<80xi32, #tpu.memory_space<vmem>>) semaphore(%arg15 : memref<!tpu.dma_semaphore, #tpu.memory_space<semaphore_mem>>) {add = true}
        %mul3A_351 = arith.constant 4 : i32
        %mul3A_352 = arith.muli %scan3A_226, %mul3A_351 : i32
        %add3A_353 = arith.constant 1 : i32
        %add3A_354 = arith.addi %mul3A_352, %add3A_353 : i32
        %dma_start3A_355 = arith.constant 2 : i32
        %dma_start3A_356 = arith.constant 1 : i32
        %dma_start3A_357 = arith.constant 0 : i32
        %dma_start3A_358 = arith.constant 0 : i32
        %dma_start3A_359 = tpu.memref_slice %arg10[%dma_start3A_355, %dma_start3A_356, %dma_start3A_357, %dma_start3A_358] : memref<3x4x80x64xf32, #tpu.memory_space<vmem>> -> memref<1x1x80x64xf32, #tpu.memory_space<vmem>>
        %dma_start3A_360 = tpu.memref_squeeze %dma_start3A_359 : memref<1x1x80x64xf32, #tpu.memory_space<vmem>> -> memref<80x64xf32, #tpu.memory_space<vmem>>
        %dma_start3A_361 = arith.constant 0 : i32
        %dma_start3A_362 = tpu.memref_slice %arg9[%add3A_354, %dma_start3A_361] : memref<125x80xi32, #tpu.memory_space<vmem>> -> memref<1x80xi32, #tpu.memory_space<vmem>>
        %dma_start3A_363 = tpu.memref_squeeze %dma_start3A_362 : memref<1x80xi32, #tpu.memory_space<vmem>> -> memref<80xi32, #tpu.memory_space<vmem>>
        %dma_start3A_364 = arith.constant 0 : i32
        %dma_start3A_365 = arith.constant 0 : i32
        %dma_start3A_366 = tpu.memref_slice %arg11[%dma_start3A_364, %dma_start3A_365] : memref<10000x64xf32, #tpu.memory_space<vmem_shared>> -> memref<10000x64xf32, #tpu.memory_space<vmem_shared>>
        tpu.enqueue_indirect_dma source(%dma_start3A_360 : memref<80x64xf32, #tpu.memory_space<vmem>>) target(%dma_start3A_366 : memref<10000x64xf32, #tpu.memory_space<vmem_shared>>) offsets(%dma_start3A_363 : memref<80xi32, #tpu.memory_space<vmem>>) semaphore(%arg15 : memref<!tpu.dma_semaphore, #tpu.memory_space<semaphore_mem>>) {add = true}
        %mul3A_367 = arith.constant 4 : i32
        %mul3A_368 = arith.muli %scan3A_226, %mul3A_367 : i32
        %add3A_369 = arith.constant 2 : i32
        %add3A_370 = arith.addi %mul3A_368, %add3A_369 : i32
        %dma_start3A_371 = arith.constant 2 : i32
        %dma_start3A_372 = arith.constant 2 : i32
        %dma_start3A_373 = arith.constant 0 : i32
        %dma_start3A_374 = arith.constant 0 : i32
        %dma_start3A_375 = tpu.memref_slice %arg10[%dma_start3A_371, %dma_start3A_372, %dma_start3A_373, %dma_start3A_374] : memref<3x4x80x64xf32, #tpu.memory_space<vmem>> -> memref<1x1x80x64xf32, #tpu.memory_space<vmem>>
        %dma_start3A_376 = tpu.memref_squeeze %dma_start3A_375 : memref<1x1x80x64xf32, #tpu.memory_space<vmem>> -> memref<80x64xf32, #tpu.memory_space<vmem>>
        %dma_start3A_377 = arith.constant 0 : i32
        %dma_start3A_378 = tpu.memref_slice %arg9[%add3A_370, %dma_start3A_377] : memref<125x80xi32, #tpu.memory_space<vmem>> -> memref<1x80xi32, #tpu.memory_space<vmem>>
        %dma_start3A_379 = tpu.memref_squeeze %dma_start3A_378 : memref<1x80xi32, #tpu.memory_space<vmem>> -> memref<80xi32, #tpu.memory_space<vmem>>
        %dma_start3A_380 = arith.constant 0 : i32
        %dma_start3A_381 = arith.constant 0 : i32
        %dma_start3A_382 = tpu.memref_slice %arg11[%dma_start3A_380, %dma_start3A_381] : memref<10000x64xf32, #tpu.memory_space<vmem_shared>> -> memref<10000x64xf32, #tpu.memory_space<vmem_shared>>
        tpu.enqueue_indirect_dma source(%dma_start3A_376 : memref<80x64xf32, #tpu.memory_space<vmem>>) target(%dma_start3A_382 : memref<10000x64xf32, #tpu.memory_space<vmem_shared>>) offsets(%dma_start3A_379 : memref<80xi32, #tpu.memory_space<vmem>>) semaphore(%arg15 : memref<!tpu.dma_semaphore, #tpu.memory_space<semaphore_mem>>) {add = true}
        %mul3A_383 = arith.constant 4 : i32
        %mul3A_384 = arith.muli %scan3A_226, %mul3A_383 : i32
        %add3A_385 = arith.constant 3 : i32
        %add3A_386 = arith.addi %mul3A_384, %add3A_385 : i32
        %dma_start3A_387 = arith.constant 2 : i32
        %dma_start3A_388 = arith.constant 3 : i32
        %dma_start3A_389 = arith.constant 0 : i32
        %dma_start3A_390 = arith.constant 0 : i32
        %dma_start3A_391 = tpu.memref_slice %arg10[%dma_start3A_387, %dma_start3A_388, %dma_start3A_389, %dma_start3A_390] : memref<3x4x80x64xf32, #tpu.memory_space<vmem>> -> memref<1x1x80x64xf32, #tpu.memory_space<vmem>>
        %dma_start3A_392 = tpu.memref_squeeze %dma_start3A_391 : memref<1x1x80x64xf32, #tpu.memory_space<vmem>> -> memref<80x64xf32, #tpu.memory_space<vmem>>
        %dma_start3A_393 = arith.constant 0 : i32
        %dma_start3A_394 = tpu.memref_slice %arg9[%add3A_386, %dma_start3A_393] : memref<125x80xi32, #tpu.memory_space<vmem>> -> memref<1x80xi32, #tpu.memory_space<vmem>>
        %dma_start3A_395 = tpu.memref_squeeze %dma_start3A_394 : memref<1x80xi32, #tpu.memory_space<vmem>> -> memref<80xi32, #tpu.memory_space<vmem>>
        %dma_start3A_396 = arith.constant 0 : i32
        %dma_start3A_397 = arith.constant 0 : i32
        %dma_start3A_398 = tpu.memref_slice %arg11[%dma_start3A_396, %dma_start3A_397] : memref<10000x64xf32, #tpu.memory_space<vmem_shared>> -> memref<10000x64xf32, #tpu.memory_space<vmem_shared>>
        tpu.enqueue_indirect_dma source(%dma_start3A_392 : memref<80x64xf32, #tpu.memory_space<vmem>>) target(%dma_start3A_398 : memref<10000x64xf32, #tpu.memory_space<vmem_shared>>) offsets(%dma_start3A_395 : memref<80xi32, #tpu.memory_space<vmem>>) semaphore(%arg15 : memref<!tpu.dma_semaphore, #tpu.memory_space<semaphore_mem>>) {add = true}
      } else {
      }
    }
    %scan3A_105 = arith.constant 31 : i32
    %dma_wait3A_106 = arith.constant 2 : i32
    %dma_wait3A_107 = arith.constant 0 : i32
    %dma_wait3A_108 = arith.constant 0 : i32
    %dma_wait3A_109 = arith.constant 0 : i32
    %dma_wait3A_110 = arith.constant 0 : i32
    %dma_wait3A_111 = tpu.memref_slice %arg10[%dma_wait3A_106, %dma_wait3A_107, %dma_wait3A_109, %dma_wait3A_110] : memref<3x4x80x64xf32, #tpu.memory_space<vmem>> -> memref<1x1x80x64xf32, #tpu.memory_space<vmem>>
    %dma_wait3A_112 = tpu.memref_squeeze %dma_wait3A_111 : memref<1x1x80x64xf32, #tpu.memory_space<vmem>> -> memref<80x64xf32, #tpu.memory_space<vmem>>
    %dma_wait3A_113 = arith.constant 0 : i32
    %dma_wait3A_114 = tpu.memref_slice %arg9[%dma_wait3A_108, %dma_wait3A_113] : memref<125x80xi32, #tpu.memory_space<vmem>> -> memref<1x80xi32, #tpu.memory_space<vmem>>
    %dma_wait3A_115 = tpu.memref_squeeze %dma_wait3A_114 : memref<1x80xi32, #tpu.memory_space<vmem>> -> memref<80xi32, #tpu.memory_space<vmem>>
    %dma_wait3A_116 = arith.constant 0 : i32
    %dma_wait3A_117 = arith.constant 0 : i32
    %dma_wait3A_118 = tpu.memref_slice %arg11[%dma_wait3A_116, %dma_wait3A_117] : memref<10000x64xf32, #tpu.memory_space<vmem_shared>> -> memref<10000x64xf32, #tpu.memory_space<vmem_shared>>
    tpu.wait_indirect_dma semaphore(%arg15 : memref<!tpu.dma_semaphore, #tpu.memory_space<semaphore_mem>>) src(%dma_wait3A_112 : memref<80x64xf32, #tpu.memory_space<vmem>>) dst(%dma_wait3A_118 : memref<10000x64xf32, #tpu.memory_space<vmem_shared>>)
    %dma_wait3A_119 = arith.constant 2 : i32
    %dma_wait3A_120 = arith.constant 1 : i32
    %dma_wait3A_121 = arith.constant 0 : i32
    %dma_wait3A_122 = arith.constant 0 : i32
    %dma_wait3A_123 = arith.constant 0 : i32
    %dma_wait3A_124 = tpu.memref_slice %arg10[%dma_wait3A_119, %dma_wait3A_120, %dma_wait3A_122, %dma_wait3A_123] : memref<3x4x80x64xf32, #tpu.memory_space<vmem>> -> memref<1x1x80x64xf32, #tpu.memory_space<vmem>>
    %dma_wait3A_125 = tpu.memref_squeeze %dma_wait3A_124 : memref<1x1x80x64xf32, #tpu.memory_space<vmem>> -> memref<80x64xf32, #tpu.memory_space<vmem>>
    %dma_wait3A_126 = arith.constant 0 : i32
    %dma_wait3A_127 = tpu.memref_slice %arg9[%dma_wait3A_121, %dma_wait3A_126] : memref<125x80xi32, #tpu.memory_space<vmem>> -> memref<1x80xi32, #tpu.memory_space<vmem>>
    %dma_wait3A_128 = tpu.memref_squeeze %dma_wait3A_127 : memref<1x80xi32, #tpu.memory_space<vmem>> -> memref<80xi32, #tpu.memory_space<vmem>>
    %dma_wait3A_129 = arith.constant 0 : i32
    %dma_wait3A_130 = arith.constant 0 : i32
    %dma_wait3A_131 = tpu.memref_slice %arg11[%dma_wait3A_129, %dma_wait3A_130] : memref<10000x64xf32, #tpu.memory_space<vmem_shared>> -> memref<10000x64xf32, #tpu.memory_space<vmem_shared>>
    tpu.wait_indirect_dma semaphore(%arg15 : memref<!tpu.dma_semaphore, #tpu.memory_space<semaphore_mem>>) src(%dma_wait3A_125 : memref<80x64xf32, #tpu.memory_space<vmem>>) dst(%dma_wait3A_131 : memref<10000x64xf32, #tpu.memory_space<vmem_shared>>)
    %dma_wait3A_132 = arith.constant 2 : i32
    %dma_wait3A_133 = arith.constant 2 : i32
    %dma_wait3A_134 = arith.constant 0 : i32
    %dma_wait3A_135 = arith.constant 0 : i32
    %dma_wait3A_136 = arith.constant 0 : i32
    %dma_wait3A_137 = tpu.memref_slice %arg10[%dma_wait3A_132, %dma_wait3A_133, %dma_wait3A_135, %dma_wait3A_136] : memref<3x4x80x64xf32, #tpu.memory_space<vmem>> -> memref<1x1x80x64xf32, #tpu.memory_space<vmem>>
    %dma_wait3A_138 = tpu.memref_squeeze %dma_wait3A_137 : memref<1x1x80x64xf32, #tpu.memory_space<vmem>> -> memref<80x64xf32, #tpu.memory_space<vmem>>
    %dma_wait3A_139 = arith.constant 0 : i32
    %dma_wait3A_140 = tpu.memref_slice %arg9[%dma_wait3A_134, %dma_wait3A_139] : memref<125x80xi32, #tpu.memory_space<vmem>> -> memref<1x80xi32, #tpu.memory_space<vmem>>
    %dma_wait3A_141 = tpu.memref_squeeze %dma_wait3A_140 : memref<1x80xi32, #tpu.memory_space<vmem>> -> memref<80xi32, #tpu.memory_space<vmem>>
    %dma_wait3A_142 = arith.constant 0 : i32
    %dma_wait3A_143 = arith.constant 0 : i32
    %dma_wait3A_144 = tpu.memref_slice %arg11[%dma_wait3A_142, %dma_wait3A_143] : memref<10000x64xf32, #tpu.memory_space<vmem_shared>> -> memref<10000x64xf32, #tpu.memory_space<vmem_shared>>
    tpu.wait_indirect_dma semaphore(%arg15 : memref<!tpu.dma_semaphore, #tpu.memory_space<semaphore_mem>>) src(%dma_wait3A_138 : memref<80x64xf32, #tpu.memory_space<vmem>>) dst(%dma_wait3A_144 : memref<10000x64xf32, #tpu.memory_space<vmem_shared>>)
    %dma_wait3A_145 = arith.constant 2 : i32
    %dma_wait3A_146 = arith.constant 3 : i32
    %dma_wait3A_147 = arith.constant 0 : i32
    %dma_wait3A_148 = arith.constant 0 : i32
    %dma_wait3A_149 = arith.constant 0 : i32
    %dma_wait3A_150 = tpu.memref_slice %arg10[%dma_wait3A_145, %dma_wait3A_146, %dma_wait3A_148, %dma_wait3A_149] : memref<3x4x80x64xf32, #tpu.memory_space<vmem>> -> memref<1x1x80x64xf32, #tpu.memory_space<vmem>>
    %dma_wait3A_151 = tpu.memref_squeeze %dma_wait3A_150 : memref<1x1x80x64xf32, #tpu.memory_space<vmem>> -> memref<80x64xf32, #tpu.memory_space<vmem>>
    %dma_wait3A_152 = arith.constant 0 : i32
    %dma_wait3A_153 = tpu.memref_slice %arg9[%dma_wait3A_147, %dma_wait3A_152] : memref<125x80xi32, #tpu.memory_space<vmem>> -> memref<1x80xi32, #tpu.memory_space<vmem>>
    %dma_wait3A_154 = tpu.memref_squeeze %dma_wait3A_153 : memref<1x80xi32, #tpu.memory_space<vmem>> -> memref<80xi32, #tpu.memory_space<vmem>>
    %dma_wait3A_155 = arith.constant 0 : i32
    %dma_wait3A_156 = arith.constant 0 : i32
    %dma_wait3A_157 = tpu.memref_slice %arg11[%dma_wait3A_155, %dma_wait3A_156] : memref<10000x64xf32, #tpu.memory_space<vmem_shared>> -> memref<10000x64xf32, #tpu.memory_space<vmem_shared>>
    tpu.wait_indirect_dma semaphore(%arg15 : memref<!tpu.dma_semaphore, #tpu.memory_space<semaphore_mem>>) src(%dma_wait3A_151 : memref<80x64xf32, #tpu.memory_space<vmem>>) dst(%dma_wait3A_157 : memref<10000x64xf32, #tpu.memory_space<vmem_shared>>)
    %dma_wait3A_158 = arith.constant 0 : i32
    %dma_wait3A_159 = arith.constant 0 : i32
    %dma_wait3A_160 = arith.constant 0 : i32
    %dma_wait3A_161 = arith.constant 0 : i32
    %dma_wait3A_162 = arith.constant 0 : i32
    %dma_wait3A_163 = tpu.memref_slice %arg10[%dma_wait3A_158, %dma_wait3A_159, %dma_wait3A_161, %dma_wait3A_162] : memref<3x4x80x64xf32, #tpu.memory_space<vmem>> -> memref<1x1x80x64xf32, #tpu.memory_space<vmem>>
    %dma_wait3A_164 = tpu.memref_squeeze %dma_wait3A_163 : memref<1x1x80x64xf32, #tpu.memory_space<vmem>> -> memref<80x64xf32, #tpu.memory_space<vmem>>
    %dma_wait3A_165 = arith.constant 0 : i32
    %dma_wait3A_166 = tpu.memref_slice %arg9[%dma_wait3A_160, %dma_wait3A_165] : memref<125x80xi32, #tpu.memory_space<vmem>> -> memref<1x80xi32, #tpu.memory_space<vmem>>
    %dma_wait3A_167 = tpu.memref_squeeze %dma_wait3A_166 : memref<1x80xi32, #tpu.memory_space<vmem>> -> memref<80xi32, #tpu.memory_space<vmem>>
    %dma_wait3A_168 = arith.constant 0 : i32
    %dma_wait3A_169 = arith.constant 0 : i32
    %dma_wait3A_170 = tpu.memref_slice %arg11[%dma_wait3A_168, %dma_wait3A_169] : memref<10000x64xf32, #tpu.memory_space<vmem_shared>> -> memref<10000x64xf32, #tpu.memory_space<vmem_shared>>
    tpu.wait_indirect_dma semaphore(%arg13 : memref<!tpu.dma_semaphore, #tpu.memory_space<semaphore_mem>>) src(%dma_wait3A_164 : memref<80x64xf32, #tpu.memory_space<vmem>>) dst(%dma_wait3A_170 : memref<10000x64xf32, #tpu.memory_space<vmem_shared>>)
    %dma_wait3A_171 = arith.constant 0 : i32
    %dma_wait3A_172 = arith.constant 1 : i32
    %dma_wait3A_173 = arith.constant 0 : i32
    %dma_wait3A_174 = arith.constant 0 : i32
    %dma_wait3A_175 = arith.constant 0 : i32
    %dma_wait3A_176 = tpu.memref_slice %arg10[%dma_wait3A_171, %dma_wait3A_172, %dma_wait3A_174, %dma_wait3A_175] : memref<3x4x80x64xf32, #tpu.memory_space<vmem>> -> memref<1x1x80x64xf32, #tpu.memory_space<vmem>>
    %dma_wait3A_177 = tpu.memref_squeeze %dma_wait3A_176 : memref<1x1x80x64xf32, #tpu.memory_space<vmem>> -> memref<80x64xf32, #tpu.memory_space<vmem>>
    %dma_wait3A_178 = arith.constant 0 : i32
    %dma_wait3A_179 = tpu.memref_slice %arg9[%dma_wait3A_173, %dma_wait3A_178] : memref<125x80xi32, #tpu.memory_space<vmem>> -> memref<1x80xi32, #tpu.memory_space<vmem>>
    %dma_wait3A_180 = tpu.memref_squeeze %dma_wait3A_179 : memref<1x80xi32, #tpu.memory_space<vmem>> -> memref<80xi32, #tpu.memory_space<vmem>>
    %dma_wait3A_181 = arith.constant 0 : i32
    %dma_wait3A_182 = arith.constant 0 : i32
    %dma_wait3A_183 = tpu.memref_slice %arg11[%dma_wait3A_181, %dma_wait3A_182] : memref<10000x64xf32, #tpu.memory_space<vmem_shared>> -> memref<10000x64xf32, #tpu.memory_space<vmem_shared>>
    tpu.wait_indirect_dma semaphore(%arg13 : memref<!tpu.dma_semaphore, #tpu.memory_space<semaphore_mem>>) src(%dma_wait3A_177 : memref<80x64xf32, #tpu.memory_space<vmem>>) dst(%dma_wait3A_183 : memref<10000x64xf32, #tpu.memory_space<vmem_shared>>)
    %dma_wait3A_184 = arith.constant 0 : i32
    %dma_wait3A_185 = arith.constant 2 : i32
    %dma_wait3A_186 = arith.constant 0 : i32
    %dma_wait3A_187 = arith.constant 0 : i32
    %dma_wait3A_188 = arith.constant 0 : i32
    %dma_wait3A_189 = tpu.memref_slice %arg10[%dma_wait3A_184, %dma_wait3A_185, %dma_wait3A_187, %dma_wait3A_188] : memref<3x4x80x64xf32, #tpu.memory_space<vmem>> -> memref<1x1x80x64xf32, #tpu.memory_space<vmem>>
    %dma_wait3A_190 = tpu.memref_squeeze %dma_wait3A_189 : memref<1x1x80x64xf32, #tpu.memory_space<vmem>> -> memref<80x64xf32, #tpu.memory_space<vmem>>
    %dma_wait3A_191 = arith.constant 0 : i32
    %dma_wait3A_192 = tpu.memref_slice %arg9[%dma_wait3A_186, %dma_wait3A_191] : memref<125x80xi32, #tpu.memory_space<vmem>> -> memref<1x80xi32, #tpu.memory_space<vmem>>
    %dma_wait3A_193 = tpu.memref_squeeze %dma_wait3A_192 : memref<1x80xi32, #tpu.memory_space<vmem>> -> memref<80xi32, #tpu.memory_space<vmem>>
    %dma_wait3A_194 = arith.constant 0 : i32
    %dma_wait3A_195 = arith.constant 0 : i32
    %dma_wait3A_196 = tpu.memref_slice %arg11[%dma_wait3A_194, %dma_wait3A_195] : memref<10000x64xf32, #tpu.memory_space<vmem_shared>> -> memref<10000x64xf32, #tpu.memory_space<vmem_shared>>
    tpu.wait_indirect_dma semaphore(%arg13 : memref<!tpu.dma_semaphore, #tpu.memory_space<semaphore_mem>>) src(%dma_wait3A_190 : memref<80x64xf32, #tpu.memory_space<vmem>>) dst(%dma_wait3A_196 : memref<10000x64xf32, #tpu.memory_space<vmem_shared>>)
    %dma_wait3A_197 = arith.constant 0 : i32
    %dma_wait3A_198 = arith.constant 3 : i32
    %dma_wait3A_199 = arith.constant 0 : i32
    %dma_wait3A_200 = arith.constant 0 : i32
    %dma_wait3A_201 = arith.constant 0 : i32
    %dma_wait3A_202 = tpu.memref_slice %arg10[%dma_wait3A_197, %dma_wait3A_198, %dma_wait3A_200, %dma_wait3A_201] : memref<3x4x80x64xf32, #tpu.memory_space<vmem>> -> memref<1x1x80x64xf32, #tpu.memory_space<vmem>>
    %dma_wait3A_203 = tpu.memref_squeeze %dma_wait3A_202 : memref<1x1x80x64xf32, #tpu.memory_space<vmem>> -> memref<80x64xf32, #tpu.memory_space<vmem>>
    %dma_wait3A_204 = arith.constant 0 : i32
    %dma_wait3A_205 = tpu.memref_slice %arg9[%dma_wait3A_199, %dma_wait3A_204] : memref<125x80xi32, #tpu.memory_space<vmem>> -> memref<1x80xi32, #tpu.memory_space<vmem>>
    %dma_wait3A_206 = tpu.memref_squeeze %dma_wait3A_205 : memref<1x80xi32, #tpu.memory_space<vmem>> -> memref<80xi32, #tpu.memory_space<vmem>>
    %dma_wait3A_207 = arith.constant 0 : i32
    %dma_wait3A_208 = arith.constant 0 : i32
    %dma_wait3A_209 = tpu.memref_slice %arg11[%dma_wait3A_207, %dma_wait3A_208] : memref<10000x64xf32, #tpu.memory_space<vmem_shared>> -> memref<10000x64xf32, #tpu.memory_space<vmem_shared>>
    tpu.wait_indirect_dma semaphore(%arg13 : memref<!tpu.dma_semaphore, #tpu.memory_space<semaphore_mem>>) src(%dma_wait3A_203 : memref<80x64xf32, #tpu.memory_space<vmem>>) dst(%dma_wait3A_209 : memref<10000x64xf32, #tpu.memory_space<vmem_shared>>)
    %run_scoped3A = arith.constant 124 : i32
    %run_scoped3A_210 = arith.constant 0 : i32
    %run_scoped3A_211 = arith.constant 0 : i32
    "tpu.region"() ({
      %run_scoped3A_226 = tpu.sem_alloc : memref<!tpu.dma_semaphore, #tpu.memory_space<semaphore_mem>>
      %dma_start3A_227 = arith.constant 0 : i32
      %dma_start3A_228 = arith.constant 0 : i32
      %dma_start3A_229 = tpu.memref_slice %arg10[%run_scoped3A_210, %run_scoped3A_211, %dma_start3A_227, %dma_start3A_228] : memref<3x4x80x64xf32, #tpu.memory_space<vmem>> -> memref<1x1x80x64xf32, #tpu.memory_space<vmem>>
      %dma_start3A_230 = tpu.memref_squeeze %dma_start3A_229 : memref<1x1x80x64xf32, #tpu.memory_space<vmem>> -> memref<80x64xf32, #tpu.memory_space<vmem>>
      %dma_start3A_231 = arith.constant 0 : i32
      %dma_start3A_232 = tpu.memref_slice %arg8[%run_scoped3A, %dma_start3A_231] : memref<125x80xi32, #tpu.memory_space<vmem>> -> memref<1x80xi32, #tpu.memory_space<vmem>>
      %dma_start3A_233 = tpu.memref_squeeze %dma_start3A_232 : memref<1x80xi32, #tpu.memory_space<vmem>> -> memref<80xi32, #tpu.memory_space<vmem>>
      %dma_start3A_234 = arith.constant 0 : i32
      %dma_start3A_235 = arith.constant 0 : i32
      %dma_start3A_236 = tpu.memref_slice %arg2[%dma_start3A_234, %dma_start3A_235] : memref<10000x64xf32, #tpu.memory_space<hbm>> -> memref<10000x64xf32, #tpu.memory_space<hbm>>
      tpu.enqueue_indirect_dma source(%dma_start3A_236 : memref<10000x64xf32, #tpu.memory_space<hbm>>) target(%dma_start3A_230 : memref<80x64xf32, #tpu.memory_space<vmem>>) offsets(%dma_start3A_233 : memref<80xi32, #tpu.memory_space<vmem>>) semaphore(%run_scoped3A_226 : memref<!tpu.dma_semaphore, #tpu.memory_space<semaphore_mem>>)
      %dma_wait3A_237 = arith.constant 0 : i32
      %dma_wait3A_238 = arith.constant 0 : i32
      %dma_wait3A_239 = tpu.memref_slice %arg10[%run_scoped3A_210, %run_scoped3A_211, %dma_wait3A_237, %dma_wait3A_238] : memref<3x4x80x64xf32, #tpu.memory_space<vmem>> -> memref<1x1x80x64xf32, #tpu.memory_space<vmem>>
      %dma_wait3A_240 = tpu.memref_squeeze %dma_wait3A_239 : memref<1x1x80x64xf32, #tpu.memory_space<vmem>> -> memref<80x64xf32, #tpu.memory_space<vmem>>
      %dma_wait3A_241 = arith.constant 0 : i32
      %dma_wait3A_242 = tpu.memref_slice %arg8[%run_scoped3A, %dma_wait3A_241] : memref<125x80xi32, #tpu.memory_space<vmem>> -> memref<1x80xi32, #tpu.memory_space<vmem>>
      %dma_wait3A_243 = tpu.memref_squeeze %dma_wait3A_242 : memref<1x80xi32, #tpu.memory_space<vmem>> -> memref<80xi32, #tpu.memory_space<vmem>>
      %dma_wait3A_244 = arith.constant 0 : i32
      %dma_wait3A_245 = arith.constant 0 : i32
      %dma_wait3A_246 = tpu.memref_slice %arg2[%dma_wait3A_244, %dma_wait3A_245] : memref<10000x64xf32, #tpu.memory_space<hbm>> -> memref<10000x64xf32, #tpu.memory_space<hbm>>
      tpu.wait_indirect_dma semaphore(%run_scoped3A_226 : memref<!tpu.dma_semaphore, #tpu.memory_space<semaphore_mem>>) src(%dma_wait3A_246 : memref<10000x64xf32, #tpu.memory_space<hbm>>) dst(%dma_wait3A_240 : memref<80x64xf32, #tpu.memory_space<vmem>>)
      tpu.yield
    }) : () -> ()
    %run_scoped3A_212 = arith.constant 0 : i32
    %run_scoped3A_213 = arith.constant 0 : i32
    %run_scoped3A_214 = arith.constant 124 : i32
    "tpu.region"() ({
      %run_scoped3A_226 = tpu.sem_alloc : memref<!tpu.dma_semaphore, #tpu.memory_space<semaphore_mem>>
      %dma_start3A_227 = arith.constant 0 : i32
      %dma_start3A_228 = arith.constant 0 : i32
      %dma_start3A_229 = tpu.memref_slice %arg10[%run_scoped3A_212, %run_scoped3A_213, %dma_start3A_227, %dma_start3A_228] : memref<3x4x80x64xf32, #tpu.memory_space<vmem>> -> memref<1x1x80x64xf32, #tpu.memory_space<vmem>>
      %dma_start3A_230 = tpu.memref_squeeze %dma_start3A_229 : memref<1x1x80x64xf32, #tpu.memory_space<vmem>> -> memref<80x64xf32, #tpu.memory_space<vmem>>
      %dma_start3A_231 = arith.constant 0 : i32
      %dma_start3A_232 = tpu.memref_slice %arg9[%run_scoped3A_214, %dma_start3A_231] : memref<125x80xi32, #tpu.memory_space<vmem>> -> memref<1x80xi32, #tpu.memory_space<vmem>>
      %dma_start3A_233 = tpu.memref_squeeze %dma_start3A_232 : memref<1x80xi32, #tpu.memory_space<vmem>> -> memref<80xi32, #tpu.memory_space<vmem>>
      %dma_start3A_234 = arith.constant 0 : i32
      %dma_start3A_235 = arith.constant 0 : i32
      %dma_start3A_236 = tpu.memref_slice %arg11[%dma_start3A_234, %dma_start3A_235] : memref<10000x64xf32, #tpu.memory_space<vmem_shared>> -> memref<10000x64xf32, #tpu.memory_space<vmem_shared>>
      tpu.enqueue_indirect_dma source(%dma_start3A_230 : memref<80x64xf32, #tpu.memory_space<vmem>>) target(%dma_start3A_236 : memref<10000x64xf32, #tpu.memory_space<vmem_shared>>) offsets(%dma_start3A_233 : memref<80xi32, #tpu.memory_space<vmem>>) semaphore(%run_scoped3A_226 : memref<!tpu.dma_semaphore, #tpu.memory_space<semaphore_mem>>) {add = true}
      %dma_wait3A_237 = arith.constant 0 : i32
      %dma_wait3A_238 = arith.constant 0 : i32
      %dma_wait3A_239 = tpu.memref_slice %arg10[%run_scoped3A_212, %run_scoped3A_213, %dma_wait3A_237, %dma_wait3A_238] : memref<3x4x80x64xf32, #tpu.memory_space<vmem>> -> memref<1x1x80x64xf32, #tpu.memory_space<vmem>>
      %dma_wait3A_240 = tpu.memref_squeeze %dma_wait3A_239 : memref<1x1x80x64xf32, #tpu.memory_space<vmem>> -> memref<80x64xf32, #tpu.memory_space<vmem>>
      %dma_wait3A_241 = arith.constant 0 : i32
      %dma_wait3A_242 = tpu.memref_slice %arg9[%run_scoped3A_214, %dma_wait3A_241] : memref<125x80xi32, #tpu.memory_space<vmem>> -> memref<1x80xi32, #tpu.memory_space<vmem>>
      %dma_wait3A_243 = tpu.memref_squeeze %dma_wait3A_242 : memref<1x80xi32, #tpu.memory_space<vmem>> -> memref<80xi32, #tpu.memory_space<vmem>>
      %dma_wait3A_244 = arith.constant 0 : i32
      %dma_wait3A_245 = arith.constant 0 : i32
      %dma_wait3A_246 = tpu.memref_slice %arg11[%dma_wait3A_244, %dma_wait3A_245] : memref<10000x64xf32, #tpu.memory_space<vmem_shared>> -> memref<10000x64xf32, #tpu.memory_space<vmem_shared>>
      tpu.wait_indirect_dma semaphore(%run_scoped3A_226 : memref<!tpu.dma_semaphore, #tpu.memory_space<semaphore_mem>>) src(%dma_wait3A_240 : memref<80x64xf32, #tpu.memory_space<vmem>>) dst(%dma_wait3A_246 : memref<10000x64xf32, #tpu.memory_space<vmem_shared>>)
      tpu.yield
    }) : () -> ()
    %barrier3A_215 = arith.constant 0 : index
    tpu.barrier barrier_id(%barrier3A_215)
    %eq3A_216 = arith.constant 0 : i32
    %eq3A_217 = arith.cmpi eq, %arg0, %eq3A_216 : i32
    %convert_element_type3A_218 = arith.extui %eq3A_217 : i1 to i32
    %cond3A_219 = arith.constant 0 : i32
    %cond3A_220 = arith.cmpi ne, %convert_element_type3A_218, %cond3A_219 : i32
    scf.if %cond3A_220 {
      %mul3A_226 = arith.constant 624 : i32
      %mul3A_227 = arith.muli %arg1, %mul3A_226 : i32
      %mul3A_228 = arith.constant 624 : i32
      %mul3A_229 = arith.muli %arg1, %mul3A_228 : i32
      "tpu.region"() ({
        %run_scoped3A_235 = tpu.sem_alloc : memref<!tpu.dma_semaphore, #tpu.memory_space<semaphore_mem>>
        %dma_start3A_236 = arith.constant 0 : i32
        %dma_start3A_237 = tpu.memref_slice %arg6[%mul3A_229, %dma_start3A_236] : memref<10000x64xf32, #tpu.memory_space<hbm>> -> memref<624x64xf32, #tpu.memory_space<hbm>>
        %dma_start3A_238 = arith.constant 0 : i32
        %dma_start3A_239 = tpu.memref_slice %arg11[%mul3A_227, %dma_start3A_238] : memref<10000x64xf32, #tpu.memory_space<vmem_shared>> -> memref<624x64xf32, #tpu.memory_space<vmem_shared>>
        tpu.enqueue_dma source(%dma_start3A_239 : memref<624x64xf32, #tpu.memory_space<vmem_shared>>) target(%dma_start3A_237 : memref<624x64xf32, #tpu.memory_space<hbm>>) target_semaphore(%run_scoped3A_235 : memref<!tpu.dma_semaphore, #tpu.memory_space<semaphore_mem>>)
        %dma_wait3A_240 = arith.constant 0 : i32
        %dma_wait3A_241 = tpu.memref_slice %arg6[%mul3A_229, %dma_wait3A_240] : memref<10000x64xf32, #tpu.memory_space<hbm>> -> memref<624x64xf32, #tpu.memory_space<hbm>>
        %dma_wait3A_242 = arith.constant 0 : i32
        %dma_wait3A_243 = tpu.memref_slice %arg11[%mul3A_227, %dma_wait3A_242] : memref<10000x64xf32, #tpu.memory_space<vmem_shared>> -> memref<624x64xf32, #tpu.memory_space<vmem_shared>>
        tpu.wait_dma2 semaphore(%run_scoped3A_235 : memref<!tpu.dma_semaphore, #tpu.memory_space<semaphore_mem>>) src(%dma_wait3A_243 : memref<624x64xf32, #tpu.memory_space<vmem_shared>>) dst(%dma_wait3A_241 : memref<624x64xf32, #tpu.memory_space<hbm>>)
        tpu.yield
      }) : () -> ()
      %eq3A_230 = arith.constant 15 : i32
      %eq3A_231 = arith.cmpi eq, %arg1, %eq3A_230 : i32
      %convert_element_type3A_232 = arith.extui %eq3A_231 : i1 to i32
      %cond3A_233 = arith.constant 0 : i32
      %cond3A_234 = arith.cmpi ne, %convert_element_type3A_232, %cond3A_233 : i32
      scf.if %cond3A_234 {
        "tpu.region"() ({
          %run_scoped3A_235 = tpu.sem_alloc : memref<!tpu.dma_semaphore, #tpu.memory_space<semaphore_mem>>
          %dma_start3A_236 = arith.constant 9984 : i32
          %dma_start3A_237 = arith.constant 0 : i32
          %dma_start3A_238 = tpu.memref_slice %arg6[%dma_start3A_236, %dma_start3A_237] : memref<10000x64xf32, #tpu.memory_space<hbm>> -> memref<16x64xf32, #tpu.memory_space<hbm>>
          %dma_start3A_239 = arith.constant 9984 : i32
          %dma_start3A_240 = arith.constant 0 : i32
          %dma_start3A_241 = tpu.memref_slice %arg11[%dma_start3A_239, %dma_start3A_240] : memref<10000x64xf32, #tpu.memory_space<vmem_shared>> -> memref<16x64xf32, #tpu.memory_space<vmem_shared>>
          tpu.enqueue_dma source(%dma_start3A_241 : memref<16x64xf32, #tpu.memory_space<vmem_shared>>) target(%dma_start3A_238 : memref<16x64xf32, #tpu.memory_space<hbm>>) target_semaphore(%run_scoped3A_235 : memref<!tpu.dma_semaphore, #tpu.memory_space<semaphore_mem>>)
          %dma_wait3A_242 = arith.constant 9984 : i32
          %dma_wait3A_243 = arith.constant 0 : i32
          %dma_wait3A_244 = tpu.memref_slice %arg6[%dma_wait3A_242, %dma_wait3A_243] : memref<10000x64xf32, #tpu.memory_space<hbm>> -> memref<16x64xf32, #tpu.memory_space<hbm>>
          %dma_wait3A_245 = arith.constant 9984 : i32
          %dma_wait3A_246 = arith.constant 0 : i32
          %dma_wait3A_247 = tpu.memref_slice %arg11[%dma_wait3A_245, %dma_wait3A_246] : memref<10000x64xf32, #tpu.memory_space<vmem_shared>> -> memref<16x64xf32, #tpu.memory_space<vmem_shared>>
          tpu.wait_dma2 semaphore(%run_scoped3A_235 : memref<!tpu.dma_semaphore, #tpu.memory_space<semaphore_mem>>) src(%dma_wait3A_247 : memref<16x64xf32, #tpu.memory_space<vmem_shared>>) dst(%dma_wait3A_244 : memref<16x64xf32, #tpu.memory_space<hbm>>)
          tpu.yield
        }) : () -> ()
      } else {
      }
    } else {
    }
    %eq3A_221 = arith.constant 1 : i32
    %eq3A_222 = arith.cmpi eq, %arg0, %eq3A_221 : i32
    %convert_element_type3A_223 = arith.extui %eq3A_222 : i1 to i32
    %cond3A_224 = arith.constant 0 : i32
    %cond3A_225 = arith.cmpi ne, %convert_element_type3A_223, %cond3A_224 : i32
    scf.if %cond3A_225 {
      %mul3A_226 = arith.constant 624 : i32
      %mul3A_227 = arith.muli %arg1, %mul3A_226 : i32
      %mul3A_228 = arith.constant 624 : i32
      %mul3A_229 = arith.muli %arg1, %mul3A_228 : i32
      "tpu.region"() ({
        %run_scoped3A_235 = tpu.sem_alloc : memref<!tpu.dma_semaphore, #tpu.memory_space<semaphore_mem>>
        %dma_start3A_236 = arith.constant 0 : i32
        %dma_start3A_237 = tpu.memref_slice %arg7[%mul3A_229, %dma_start3A_236] : memref<10000x64xf32, #tpu.memory_space<hbm>> -> memref<624x64xf32, #tpu.memory_space<hbm>>
        %dma_start3A_238 = arith.constant 0 : i32
        %dma_start3A_239 = tpu.memref_slice %arg11[%mul3A_227, %dma_start3A_238] : memref<10000x64xf32, #tpu.memory_space<vmem_shared>> -> memref<624x64xf32, #tpu.memory_space<vmem_shared>>
        tpu.enqueue_dma source(%dma_start3A_239 : memref<624x64xf32, #tpu.memory_space<vmem_shared>>) target(%dma_start3A_237 : memref<624x64xf32, #tpu.memory_space<hbm>>) target_semaphore(%run_scoped3A_235 : memref<!tpu.dma_semaphore, #tpu.memory_space<semaphore_mem>>)
        %dma_wait3A_240 = arith.constant 0 : i32
        %dma_wait3A_241 = tpu.memref_slice %arg7[%mul3A_229, %dma_wait3A_240] : memref<10000x64xf32, #tpu.memory_space<hbm>> -> memref<624x64xf32, #tpu.memory_space<hbm>>
        %dma_wait3A_242 = arith.constant 0 : i32
        %dma_wait3A_243 = tpu.memref_slice %arg11[%mul3A_227, %dma_wait3A_242] : memref<10000x64xf32, #tpu.memory_space<vmem_shared>> -> memref<624x64xf32, #tpu.memory_space<vmem_shared>>
        tpu.wait_dma2 semaphore(%run_scoped3A_235 : memref<!tpu.dma_semaphore, #tpu.memory_space<semaphore_mem>>) src(%dma_wait3A_243 : memref<624x64xf32, #tpu.memory_space<vmem_shared>>) dst(%dma_wait3A_241 : memref<624x64xf32, #tpu.memory_space<hbm>>)
        tpu.yield
      }) : () -> ()
      %eq3A_230 = arith.constant 15 : i32
      %eq3A_231 = arith.cmpi eq, %arg1, %eq3A_230 : i32
      %convert_element_type3A_232 = arith.extui %eq3A_231 : i1 to i32
      %cond3A_233 = arith.constant 0 : i32
      %cond3A_234 = arith.cmpi ne, %convert_element_type3A_232, %cond3A_233 : i32
      scf.if %cond3A_234 {
        "tpu.region"() ({
          %run_scoped3A_235 = tpu.sem_alloc : memref<!tpu.dma_semaphore, #tpu.memory_space<semaphore_mem>>
          %dma_start3A_236 = arith.constant 9984 : i32
          %dma_start3A_237 = arith.constant 0 : i32
          %dma_start3A_238 = tpu.memref_slice %arg7[%dma_start3A_236, %dma_start3A_237] : memref<10000x64xf32, #tpu.memory_space<hbm>> -> memref<16x64xf32, #tpu.memory_space<hbm>>
          %dma_start3A_239 = arith.constant 9984 : i32
          %dma_start3A_240 = arith.constant 0 : i32
          %dma_start3A_241 = tpu.memref_slice %arg11[%dma_start3A_239, %dma_start3A_240] : memref<10000x64xf32, #tpu.memory_space<vmem_shared>> -> memref<16x64xf32, #tpu.memory_space<vmem_shared>>
          tpu.enqueue_dma source(%dma_start3A_241 : memref<16x64xf32, #tpu.memory_space<vmem_shared>>) target(%dma_start3A_238 : memref<16x64xf32, #tpu.memory_space<hbm>>) target_semaphore(%run_scoped3A_235 : memref<!tpu.dma_semaphore, #tpu.memory_space<semaphore_mem>>)
          %dma_wait3A_242 = arith.constant 9984 : i32
          %dma_wait3A_243 = arith.constant 0 : i32
          %dma_wait3A_244 = tpu.memref_slice %arg7[%dma_wait3A_242, %dma_wait3A_243] : memref<10000x64xf32, #tpu.memory_space<hbm>> -> memref<16x64xf32, #tpu.memory_space<hbm>>
          %dma_wait3A_245 = arith.constant 9984 : i32
          %dma_wait3A_246 = arith.constant 0 : i32
          %dma_wait3A_247 = tpu.memref_slice %arg11[%dma_wait3A_245, %dma_wait3A_246] : memref<10000x64xf32, #tpu.memory_space<vmem_shared>> -> memref<16x64xf32, #tpu.memory_space<vmem_shared>>
          tpu.wait_dma2 semaphore(%run_scoped3A_235 : memref<!tpu.dma_semaphore, #tpu.memory_space<semaphore_mem>>) src(%dma_wait3A_247 : memref<16x64xf32, #tpu.memory_space<vmem_shared>>) dst(%dma_wait3A_244 : memref<16x64xf32, #tpu.memory_space<hbm>>)
          tpu.yield
        }) : () -> ()
      } else {
      }
    } else {
    }
    return
  }
}

module attributes {stable_mosaic.version = 14 : i64} {
  func.func @_remap_body(%arg0: memref<5000x128xi32, #tpu.memory_space<vmem>>, %arg1: memref<2500x128xi32, #tpu.memory_space<vmem>>, %arg2: memref<2500x128xi32, #tpu.memory_space<vmem>>) attributes {dimension_semantics = [], scalar_prefetch = 0 : i64, scratch_operands = 0 : i64, tpu.core_type = #tpu.core_type<tc>} {
    %get3A = arith.constant 0 : index
    %get3A_0 = arith.constant 0 : index
    %get3A_1 = vector.load %arg0[%get3A, %get3A_0] : memref<5000x128xi32, #tpu.memory_space<vmem>>, vector<2500x128xi32>
    %get3A_2 = arith.constant 2500 : index
    %get3A_3 = arith.constant 0 : index
    %get3A_4 = vector.load %arg0[%get3A_2, %get3A_3] : memref<5000x128xi32, #tpu.memory_space<vmem>>, vector<2500x128xi32>
    %lt3A = arith.constant 5000 : i32
    %lt3A_5 = vector.broadcast %lt3A : i32 to vector<2500x128xi32>
    %lt3A_6 = arith.cmpi slt, %get3A_1, %lt3A_5 : vector<2500x128xi32>
    %mul3A = arith.constant 2 : i32
    %mul3A_7 = vector.broadcast %mul3A : i32 to vector<2500x128xi32>
    %mul3A_8 = arith.muli %mul3A_7, %get3A_1 : vector<2500x128xi32>
    %sub3A = arith.constant 5000 : i32
    %sub3A_9 = vector.broadcast %sub3A : i32 to vector<2500x128xi32>
    %sub3A_10 = arith.subi %get3A_1, %sub3A_9 : vector<2500x128xi32>
    %mul3A_11 = arith.constant 2 : i32
    %mul3A_12 = vector.broadcast %mul3A_11 : i32 to vector<2500x128xi32>
    %mul3A_13 = arith.muli %mul3A_12, %sub3A_10 : vector<2500x128xi32>
    %add3A = arith.constant 1 : i32
    %add3A_14 = vector.broadcast %add3A : i32 to vector<2500x128xi32>
    %add3A_15 = arith.addi %mul3A_13, %add3A_14 : vector<2500x128xi32>
    %select_n3A = arith.select %lt3A_6, %mul3A_8, %add3A_15 : vector<2500x128xi1>, vector<2500x128xi32>
    %swap3A = arith.constant 0 : index
    %swap3A_16 = arith.constant 0 : index
    %swap3A_17 = vector.load %arg1[%swap3A, %swap3A_16] : memref<2500x128xi32, #tpu.memory_space<vmem>>, vector<2500x128xi32>
    tpu.vector_store %arg1[%swap3A, %swap3A_16], %select_n3A {strides = array<i32>} : memref<2500x128xi32, #tpu.memory_space<vmem>>, vector<2500x128xi32>,
    %lt3A_18 = arith.constant 5000 : i32
    %lt3A_19 = vector.broadcast %lt3A_18 : i32 to vector<2500x128xi32>
    %lt3A_20 = arith.cmpi slt, %get3A_4, %lt3A_19 : vector<2500x128xi32>
    %mul3A_21 = arith.constant 2 : i32
    %mul3A_22 = vector.broadcast %mul3A_21 : i32 to vector<2500x128xi32>
    %mul3A_23 = arith.muli %mul3A_22, %get3A_4 : vector<2500x128xi32>
    %sub3A_24 = arith.constant 5000 : i32
    %sub3A_25 = vector.broadcast %sub3A_24 : i32 to vector<2500x128xi32>
    %sub3A_26 = arith.subi %get3A_4, %sub3A_25 : vector<2500x128xi32>
    %mul3A_27 = arith.constant 2 : i32
    %mul3A_28 = vector.broadcast %mul3A_27 : i32 to vector<2500x128xi32>
    %mul3A_29 = arith.muli %mul3A_28, %sub3A_26 : vector<2500x128xi32>
    %add3A_30 = arith.constant 1 : i32
    %add3A_31 = vector.broadcast %add3A_30 : i32 to vector<2500x128xi32>
    %add3A_32 = arith.addi %mul3A_29, %add3A_31 : vector<2500x128xi32>
    %select_n3A_33 = arith.select %lt3A_20, %mul3A_23, %add3A_32 : vector<2500x128xi1>, vector<2500x128xi32>
    %swap3A_34 = arith.constant 0 : index
    %swap3A_35 = arith.constant 0 : index
    %swap3A_36 = vector.load %arg2[%swap3A_34, %swap3A_35] : memref<2500x128xi32, #tpu.memory_space<vmem>>, vector<2500x128xi32>
    tpu.vector_store %arg2[%swap3A_34, %swap3A_35], %select_n3A_33 {strides = array<i32>} : memref<2500x128xi32, #tpu.memory_space<vmem>>, vector<2500x128xi32>,
    return
  }
}

module attributes {stable_mosaic.version = 14 : i64} {
  func.func @_mm1_body(%arg0: memref<10000x128xf32, #tpu.memory_space<vmem>>, %arg1: memref<128x64xf32, #tpu.memory_space<vmem>>, %arg2: memref<5000x128xf32, #tpu.memory_space<vmem>>) attributes {dimension_semantics = [], scalar_prefetch = 0 : i64, scratch_operands = 0 : i64, tpu.core_type = #tpu.core_type<tc>} {
    %get3A = arith.constant 0 : index
    %get3A_0 = arith.constant 0 : index
    %get3A_1 = vector.load %arg0[%get3A, %get3A_0] : memref<10000x128xf32, #tpu.memory_space<vmem>>, vector<5000x128xf32>
    %get3A_2 = arith.constant 0 : index
    %get3A_3 = arith.constant 0 : index
    %get3A_4 = vector.load %arg1[%get3A_2, %get3A_3] : memref<128x64xf32, #tpu.memory_space<vmem>>, vector<128x64xf32>
    %dot_general3A = arith.constant dense<0.000000e+00> : vector<5000x64xf32>
    %dot_general3A_5 = tpu.matmul %get3A_1, %get3A_4, %dot_general3A {dimension_numbers = #tpu.dot_dimension_numbers<[1], [0], [0], [1], [0, 0, 1, 1], [], []>, transpose_lhs_hint = false} : vector<5000x128xf32>, vector<128x64xf32>, vector<5000x64xf32> -> vector<5000x64xf32>
    %get3A_6 = arith.constant 5000 : index
    %get3A_7 = arith.constant 0 : index
    %get3A_8 = vector.load %arg0[%get3A_6, %get3A_7] : memref<10000x128xf32, #tpu.memory_space<vmem>>, vector<5000x128xf32>
    %get3A_9 = arith.constant 0 : index
    %get3A_10 = arith.constant 0 : index
    %get3A_11 = vector.load %arg1[%get3A_9, %get3A_10] : memref<128x64xf32, #tpu.memory_space<vmem>>, vector<128x64xf32>
    %dot_general3A_12 = arith.constant dense<0.000000e+00> : vector<5000x64xf32>
    %dot_general3A_13 = tpu.matmul %get3A_8, %get3A_11, %dot_general3A_12 {dimension_numbers = #tpu.dot_dimension_numbers<[1], [0], [0], [1], [0, 0, 1, 1], [], []>, transpose_lhs_hint = false} : vector<5000x128xf32>, vector<128x64xf32>, vector<5000x64xf32> -> vector<5000x64xf32>
    %concatenate3A = tpu.concatenate %dot_general3A_5, %dot_general3A_13 in 1 : vector<5000x64xf32>, vector<5000x64xf32> -> vector<5000x128xf32>
    %swap3A = arith.constant 0 : index
    %swap3A_14 = arith.constant 0 : index
    %swap3A_15 = vector.load %arg2[%swap3A, %swap3A_14] : memref<5000x128xf32, #tpu.memory_space<vmem>>, vector<5000x128xf32>
    tpu.vector_store %arg2[%swap3A, %swap3A_14], %concatenate3A {strides = array<i32>} : memref<5000x128xf32, #tpu.memory_space<vmem>>, vector<5000x128xf32>,
    return
  }
}

module attributes {stable_mosaic.version = 14 : i64} {
  func.func @_scale_body(%arg0: memref<5000x128xf32, #tpu.memory_space<vmem>>, %arg1: memref<5000x128xf32, #tpu.memory_space<vmem>>, %arg2: memref<5000x128xf32, #tpu.memory_space<vmem>>, %arg3: memref<128x128xf32, #tpu.memory_space<vmem>>, %arg4: memref<5000x128xf32, #tpu.memory_space<vmem>>, %arg5: memref<5000x128xf32, #tpu.memory_space<vmem>>) attributes {dimension_semantics = [], scalar_prefetch = 0 : i64, scratch_operands = 0 : i64, tpu.core_type = #tpu.core_type<tc>} {
    %iota3A = tpu.iota {dimensions = array<i32: 1>} : vector<5000x128xi32>
    %jit3A = arith.constant 64 : i32
    %eq3A = arith.constant 0 : i32
    %eq3A_0 = arith.cmpi eq, %jit3A, %eq3A : i32
    %jit3A_1 = arith.constant 1 : i32
    %select_n3A = arith.select %eq3A_0, %jit3A_1, %jit3A : i32
    %rem3A = vector.broadcast %select_n3A : i32 to vector<5000x128xi32>
    %rem3A_2 = arith.remsi %iota3A, %rem3A : vector<5000x128xi32>
    %ne3A = arith.constant 0 : i32
    %ne3A_3 = vector.broadcast %ne3A : i32 to vector<5000x128xi32>
    %ne3A_4 = arith.cmpi ne, %rem3A_2, %ne3A_3 : vector<5000x128xi32>
    %lt3A = arith.constant 0 : i32
    %lt3A_5 = vector.broadcast %lt3A : i32 to vector<5000x128xi32>
    %lt3A_6 = arith.cmpi slt, %rem3A_2, %lt3A_5 : vector<5000x128xi32>
    %lt3A_7 = arith.constant 0 : i32
    %lt3A_8 = arith.cmpi slt, %select_n3A, %lt3A_7 : i32
    %ne3A_9 = vector.broadcast %lt3A_8 : i1 to vector<5000x128xi1>
    %ne3A_10 = vector.broadcast %ne3A_9 : vector<5000x128xi1> to vector<5000x128xi1>
    %ne3A_11 = arith.xori %lt3A_6, %ne3A_10 : vector<5000x128xi1>
    %and3A = arith.andi %ne3A_11, %ne3A_4 : vector<5000x128xi1>
    %add3A = vector.broadcast %select_n3A : i32 to vector<5000x128xi32>
    %add3A_12 = arith.addi %rem3A_2, %add3A : vector<5000x128xi32>
    %select_n3A_13 = arith.select %and3A, %add3A_12, %rem3A_2 : vector<5000x128xi1>, vector<5000x128xi32>
    %lt3A_14 = arith.constant 16 : i32
    %lt3A_15 = vector.broadcast %lt3A_14 : i32 to vector<5000x128xi32>
    %lt3A_16 = arith.cmpi slt, %select_n3A_13, %lt3A_15 : vector<5000x128xi32>
    %get3A = arith.constant 0 : index
    %get3A_17 = arith.constant 0 : index
    %get3A_18 = vector.load %arg1[%get3A, %get3A_17] : memref<5000x128xf32, #tpu.memory_space<vmem>>, vector<5000x128xf32>
    %get3A_19 = arith.constant 0 : index
    %get3A_20 = arith.constant 0 : index
    %get3A_21 = vector.load %arg2[%get3A_19, %get3A_20] : memref<5000x128xf32, #tpu.memory_space<vmem>>, vector<5000x128xf32>
    %add3A_22 = arith.addf %get3A_18, %get3A_21 : vector<5000x128xf32>
    %jit3A_23 = arith.constant 0.000000e+00 : f32
    %broadcast_in_dim3A = vector.broadcast %jit3A_23 : f32 to vector<5000x128xf32>
    %select_n3A_24 = arith.select %lt3A_16, %add3A_22, %broadcast_in_dim3A : vector<5000x128xi1>, vector<5000x128xf32>
    %get3A_25 = arith.constant 0 : index
    %get3A_26 = arith.constant 0 : index
    %get3A_27 = vector.load %arg3[%get3A_25, %get3A_26] : memref<128x128xf32, #tpu.memory_space<vmem>>, vector<128x128xf32>
    %dot_general3A = arith.constant dense<0.000000e+00> : vector<5000x128xf32>
    %dot_general3A_28 = tpu.matmul %select_n3A_24, %get3A_27, %dot_general3A {dimension_numbers = #tpu.dot_dimension_numbers<[1], [0], [0], [1], [0, 0, 1, 1], [], []>, transpose_lhs_hint = false} : vector<5000x128xf32>, vector<128x128xf32>, vector<5000x128xf32> -> vector<5000x128xf32>
    %add3A_29 = arith.constant 1.000000e+00 : f32
    %add3A_30 = vector.broadcast %add3A_29 : f32 to vector<5000x128xf32>
    %add3A_31 = arith.addf %dot_general3A_28, %add3A_30 : vector<5000x128xf32>
    %rsqrt3A = math.rsqrt %add3A_31 : vector<5000x128xf32>
    %swap3A = arith.constant 0 : index
    %swap3A_32 = arith.constant 0 : index
    %swap3A_33 = vector.load %arg5[%swap3A, %swap3A_32] : memref<5000x128xf32, #tpu.memory_space<vmem>>, vector<5000x128xf32>
    tpu.vector_store %arg5[%swap3A, %swap3A_32], %rsqrt3A {strides = array<i32>} : memref<5000x128xf32, #tpu.memory_space<vmem>>, vector<5000x128xf32>,
    %get3A_34 = arith.constant 0 : index
    %get3A_35 = arith.constant 0 : index
    %get3A_36 = vector.load %arg0[%get3A_34, %get3A_35] : memref<5000x128xf32, #tpu.memory_space<vmem>>, vector<5000x128xf32>
    %mul3A = arith.mulf %get3A_36, %rsqrt3A : vector<5000x128xf32>
    %swap3A_37 = arith.constant 0 : index
    %swap3A_38 = arith.constant 0 : index
    %swap3A_39 = vector.load %arg4[%swap3A_37, %swap3A_38] : memref<5000x128xf32, #tpu.memory_space<vmem>>, vector<5000x128xf32>
    tpu.vector_store %arg4[%swap3A_37, %swap3A_38], %mul3A {strides = array<i32>} : memref<5000x128xf32, #tpu.memory_space<vmem>>, vector<5000x128xf32>,
    return
  }
}

module attributes {stable_mosaic.version = 14 : i64} {
  func.func @_mid_body(%arg0: memref<5000x128xf32, #tpu.memory_space<vmem>>, %arg1: memref<5000x128xf32, #tpu.memory_space<vmem>>, %arg2: memref<5000x128xf32, #tpu.memory_space<vmem>>, %arg3: memref<5000x128xf32, #tpu.memory_space<vmem>>, %arg4: memref<1x128xf32, #tpu.memory_space<vmem>>, %arg5: memref<1x128xf32, #tpu.memory_space<vmem>>, %arg6: memref<1x128xf32, #tpu.memory_space<vmem>>, %arg7: memref<128x128xf32, #tpu.memory_space<vmem>>, %arg8: memref<5000x128xf32, #tpu.memory_space<vmem>>) attributes {dimension_semantics = [], scalar_prefetch = 0 : i64, scratch_operands = 0 : i64, tpu.core_type = #tpu.core_type<tc>} {
    %get3A = arith.constant 0 : index
    %get3A_0 = arith.constant 0 : index
    %get3A_1 = vector.load %arg3[%get3A, %get3A_0] : memref<5000x128xf32, #tpu.memory_space<vmem>>, vector<5000x128xf32>
    %get3A_2 = arith.constant 0 : index
    %get3A_3 = arith.constant 0 : index
    %get3A_4 = vector.load %arg0[%get3A_2, %get3A_3] : memref<5000x128xf32, #tpu.memory_space<vmem>>, vector<5000x128xf32>
    %get3A_5 = arith.constant 0 : index
    %get3A_6 = arith.constant 0 : index
    %get3A_7 = vector.load %arg1[%get3A_5, %get3A_6] : memref<5000x128xf32, #tpu.memory_space<vmem>>, vector<5000x128xf32>
    %add3A = arith.addf %get3A_4, %get3A_7 : vector<5000x128xf32>
    %get3A_8 = arith.constant 0 : index
    %get3A_9 = arith.constant 0 : index
    %get3A_10 = vector.load %arg2[%get3A_8, %get3A_9] : memref<5000x128xf32, #tpu.memory_space<vmem>>, vector<5000x128xf32>
    %add3A_11 = arith.addf %add3A, %get3A_10 : vector<5000x128xf32>
    %mul3A = arith.mulf %add3A_11, %get3A_1 : vector<5000x128xf32>
    %get3A_12 = arith.constant 0 : index
    %get3A_13 = arith.constant 0 : index
    %get3A_14 = vector.load %arg4[%get3A_12, %get3A_13] : memref<1x128xf32, #tpu.memory_space<vmem>>, vector<1x128xf32>
    %add3A_15 = vector.broadcast %get3A_14 : vector<1x128xf32> to vector<5000x128xf32>
    %add3A_16 = arith.addf %mul3A, %add3A_15 : vector<5000x128xf32>
    %get3A_17 = arith.constant 0 : index
    %get3A_18 = arith.constant 0 : index
    %get3A_19 = vector.load %arg5[%get3A_17, %get3A_18] : memref<1x128xf32, #tpu.memory_space<vmem>>, vector<1x128xf32>
    %mul3A_20 = arith.constant 0.999994993 : f32
    %mul3A_21 = vector.broadcast %mul3A_20 : f32 to vector<1x128xf32>
    %mul3A_22 = arith.mulf %get3A_19, %mul3A_21 : vector<1x128xf32>
    %mul3A_23 = vector.broadcast %mul3A_22 : vector<1x128xf32> to vector<5000x128xf32>
    %mul3A_24 = arith.mulf %add3A_16, %mul3A_23 : vector<5000x128xf32>
    %get3A_25 = arith.constant 0 : index
    %get3A_26 = arith.constant 0 : index
    %get3A_27 = vector.load %arg6[%get3A_25, %get3A_26] : memref<1x128xf32, #tpu.memory_space<vmem>>, vector<1x128xf32>
    %add3A_28 = vector.broadcast %get3A_27 : vector<1x128xf32> to vector<5000x128xf32>
    %add3A_29 = arith.addf %mul3A_24, %add3A_28 : vector<5000x128xf32>
    %max3A = arith.constant 0.000000e+00 : f32
    %max3A_30 = vector.broadcast %max3A : f32 to vector<5000x128xf32>
    %max3A_31 = arith.maximumf %add3A_29, %max3A_30 : vector<5000x128xf32>
    %get3A_32 = arith.constant 0 : index
    %get3A_33 = arith.constant 0 : index
    %get3A_34 = vector.load %arg7[%get3A_32, %get3A_33] : memref<128x128xf32, #tpu.memory_space<vmem>>, vector<128x128xf32>
    %dot_general3A = arith.constant dense<0.000000e+00> : vector<5000x128xf32>
    %dot_general3A_35 = tpu.matmul %max3A_31, %get3A_34, %dot_general3A {dimension_numbers = #tpu.dot_dimension_numbers<[1], [0], [0], [1], [0, 0, 1, 1], [], []>, transpose_lhs_hint = false} : vector<5000x128xf32>, vector<128x128xf32>, vector<5000x128xf32> -> vector<5000x128xf32>
    %mul3A_36 = arith.mulf %dot_general3A_35, %get3A_1 : vector<5000x128xf32>
    %swap3A = arith.constant 0 : index
    %swap3A_37 = arith.constant 0 : index
    %swap3A_38 = vector.load %arg8[%swap3A, %swap3A_37] : memref<5000x128xf32, #tpu.memory_space<vmem>>, vector<5000x128xf32>
    tpu.vector_store %arg8[%swap3A, %swap3A_37], %mul3A_36 {strides = array<i32>} : memref<5000x128xf32, #tpu.memory_space<vmem>>, vector<5000x128xf32>,
    return
  }
}

module attributes {stable_mosaic.version = 14 : i64} {
  func.func @_final_body(%arg0: memref<5000x128xf32, #tpu.memory_space<vmem>>, %arg1: memref<5000x128xf32, #tpu.memory_space<vmem>>, %arg2: memref<5000x128xf32, #tpu.memory_space<vmem>>, %arg3: memref<5000x128xf32, #tpu.memory_space<vmem>>, %arg4: memref<1x128xf32, #tpu.memory_space<vmem>>, %arg5: memref<1x128xf32, #tpu.memory_space<vmem>>, %arg6: memref<1x128xf32, #tpu.memory_space<vmem>>, %arg7: memref<1x5000xi32, #tpu.memory_space<vmem>>, %arg8: memref<1x5000xi32, #tpu.memory_space<vmem>>, %arg9: memref<64x32xf32, #tpu.memory_space<vmem>>, %arg10: memref<1x32xf32, #tpu.memory_space<vmem>>, %arg11: memref<32x2xf32, #tpu.memory_space<vmem>>, %arg12: memref<1x2xf32, #tpu.memory_space<vmem>>, %arg13: memref<64x2xf32, #tpu.memory_space<vmem>>) attributes {dimension_semantics = [], scalar_prefetch = 0 : i64, scratch_operands = 0 : i64, tpu.core_type = #tpu.core_type<tc>} {
    %get3A = arith.constant 0 : index
    %get3A_0 = arith.constant 0 : index
    %get3A_1 = vector.load %arg0[%get3A, %get3A_0] : memref<5000x128xf32, #tpu.memory_space<vmem>>, vector<5000x128xf32>
    %get3A_2 = arith.constant 0 : index
    %get3A_3 = arith.constant 0 : index
    %get3A_4 = vector.load %arg1[%get3A_2, %get3A_3] : memref<5000x128xf32, #tpu.memory_space<vmem>>, vector<5000x128xf32>
    %add3A = arith.addf %get3A_1, %get3A_4 : vector<5000x128xf32>
    %get3A_5 = arith.constant 0 : index
    %get3A_6 = arith.constant 0 : index
    %get3A_7 = vector.load %arg2[%get3A_5, %get3A_6] : memref<5000x128xf32, #tpu.memory_space<vmem>>, vector<5000x128xf32>
    %add3A_8 = arith.addf %add3A, %get3A_7 : vector<5000x128xf32>
    %get3A_9 = arith.constant 0 : index
    %get3A_10 = arith.constant 0 : index
    %get3A_11 = vector.load %arg3[%get3A_9, %get3A_10] : memref<5000x128xf32, #tpu.memory_space<vmem>>, vector<5000x128xf32>
    %mul3A = arith.mulf %add3A_8, %get3A_11 : vector<5000x128xf32>
    %get3A_12 = arith.constant 0 : index
    %get3A_13 = arith.constant 0 : index
    %get3A_14 = vector.load %arg4[%get3A_12, %get3A_13] : memref<1x128xf32, #tpu.memory_space<vmem>>, vector<1x128xf32>
    %add3A_15 = vector.broadcast %get3A_14 : vector<1x128xf32> to vector<5000x128xf32>
    %add3A_16 = arith.addf %mul3A, %add3A_15 : vector<5000x128xf32>
    %get3A_17 = arith.constant 0 : index
    %get3A_18 = arith.constant 0 : index
    %get3A_19 = vector.load %arg5[%get3A_17, %get3A_18] : memref<1x128xf32, #tpu.memory_space<vmem>>, vector<1x128xf32>
    %mul3A_20 = arith.constant 0.999994993 : f32
    %mul3A_21 = vector.broadcast %mul3A_20 : f32 to vector<1x128xf32>
    %mul3A_22 = arith.mulf %get3A_19, %mul3A_21 : vector<1x128xf32>
    %mul3A_23 = vector.broadcast %mul3A_22 : vector<1x128xf32> to vector<5000x128xf32>
    %mul3A_24 = arith.mulf %add3A_16, %mul3A_23 : vector<5000x128xf32>
    %get3A_25 = arith.constant 0 : index
    %get3A_26 = arith.constant 0 : index
    %get3A_27 = vector.load %arg6[%get3A_25, %get3A_26] : memref<1x128xf32, #tpu.memory_space<vmem>>, vector<1x128xf32>
    %add3A_28 = vector.broadcast %get3A_27 : vector<1x128xf32> to vector<5000x128xf32>
    %add3A_29 = arith.addf %mul3A_24, %add3A_28 : vector<5000x128xf32>
    %max3A = arith.constant 0.000000e+00 : f32
    %max3A_30 = vector.broadcast %max3A : f32 to vector<5000x128xf32>
    %max3A_31 = arith.maximumf %add3A_29, %max3A_30 : vector<5000x128xf32>
    %iota3A = tpu.iota {dimensions = array<i32: 0>} : vector<64x5000xi32>
    %get3A_32 = arith.constant 0 : index
    %get3A_33 = arith.constant 0 : index
    %get3A_34 = vector.load %arg7[%get3A_32, %get3A_33] : memref<1x5000xi32, #tpu.memory_space<vmem>>, vector<1x5000xi32>
    %eq3A = vector.broadcast %get3A_34 : vector<1x5000xi32> to vector<64x5000xi32>
    %eq3A_35 = arith.cmpi eq, %eq3A, %iota3A : vector<64x5000xi32>
    %convert_element_type3A = arith.extui %eq3A_35 : vector<64x5000xi1> to vector<64x5000xi32>
    %convert_element_type3A_36 = arith.sitofp %convert_element_type3A : vector<64x5000xi32> to vector<64x5000xf32>
    %get3A_37 = arith.constant 0 : index
    %get3A_38 = arith.constant 0 : index
    %get3A_39 = vector.load %arg8[%get3A_37, %get3A_38] : memref<1x5000xi32, #tpu.memory_space<vmem>>, vector<1x5000xi32>
    %eq3A_40 = vector.broadcast %get3A_39 : vector<1x5000xi32> to vector<64x5000xi32>
    %eq3A_41 = arith.cmpi eq, %eq3A_40, %iota3A : vector<64x5000xi32>
    %convert_element_type3A_42 = arith.extui %eq3A_41 : vector<64x5000xi1> to vector<64x5000xi32>
    %convert_element_type3A_43 = arith.sitofp %convert_element_type3A_42 : vector<64x5000xi32> to vector<64x5000xf32>
    %dot_general3A = arith.constant dense<0.000000e+00> : vector<64x128xf32>
    %dot_general3A_44 = tpu.matmul %convert_element_type3A_36, %max3A_31, %dot_general3A {dimension_numbers = #tpu.dot_dimension_numbers<[1], [0], [0], [1], [0, 0, 1, 1], [], []>, transpose_lhs_hint = false} : vector<64x5000xf32>, vector<5000x128xf32>, vector<64x128xf32> -> vector<64x128xf32>
    %dot_general3A_45 = arith.constant dense<0.000000e+00> : vector<64x128xf32>
    %dot_general3A_46 = tpu.matmul %convert_element_type3A_43, %max3A_31, %dot_general3A_45 {dimension_numbers = #tpu.dot_dimension_numbers<[1], [0], [0], [1], [0, 0, 1, 1], [], []>, transpose_lhs_hint = false} : vector<64x5000xf32>, vector<5000x128xf32>, vector<64x128xf32> -> vector<64x128xf32>
    %slice3A = vector.extract_strided_slice %dot_general3A_44 {offsets = [0, 0], sizes = [64, 64], strides = [1, 1]} : vector<64x128xf32> to vector<64x64xf32>
    %slice3A_47 = vector.extract_strided_slice %dot_general3A_46 {offsets = [0, 64], sizes = [64, 64], strides = [1, 1]} : vector<64x128xf32> to vector<64x64xf32>
    %add3A_48 = arith.addf %slice3A, %slice3A_47 : vector<64x64xf32>
    %get3A_49 = arith.constant 0 : index
    %get3A_50 = arith.constant 0 : index
    %get3A_51 = vector.load %arg9[%get3A_49, %get3A_50] : memref<64x32xf32, #tpu.memory_space<vmem>>, vector<64x32xf32>
    %dot_general3A_52 = arith.constant dense<0.000000e+00> : vector<64x32xf32>
    %dot_general3A_53 = tpu.matmul %add3A_48, %get3A_51, %dot_general3A_52 {dimension_numbers = #tpu.dot_dimension_numbers<[1], [0], [0], [1], [0, 0, 1, 1], [], []>, transpose_lhs_hint = false} : vector<64x64xf32>, vector<64x32xf32>, vector<64x32xf32> -> vector<64x32xf32>
    %get3A_54 = arith.constant 0 : index
    %get3A_55 = arith.constant 0 : index
    %get3A_56 = vector.load %arg10[%get3A_54, %get3A_55] : memref<1x32xf32, #tpu.memory_space<vmem>>, vector<1x32xf32>
    %add3A_57 = vector.broadcast %get3A_56 : vector<1x32xf32> to vector<64x32xf32>
    %add3A_58 = arith.addf %dot_general3A_53, %add3A_57 : vector<64x32xf32>
    %max3A_59 = arith.constant 0.000000e+00 : f32
    %max3A_60 = vector.broadcast %max3A_59 : f32 to vector<64x32xf32>
    %max3A_61 = arith.maximumf %add3A_58, %max3A_60 : vector<64x32xf32>
    %get3A_62 = arith.constant 0 : index
    %get3A_63 = arith.constant 0 : index
    %get3A_64 = vector.load %arg11[%get3A_62, %get3A_63] : memref<32x2xf32, #tpu.memory_space<vmem>>, vector<32x2xf32>
    %dot_general3A_65 = arith.constant dense<0.000000e+00> : vector<64x2xf32>
    %dot_general3A_66 = tpu.matmul %max3A_61, %get3A_64, %dot_general3A_65 {dimension_numbers = #tpu.dot_dimension_numbers<[1], [0], [0], [1], [0, 0, 1, 1], [], []>, transpose_lhs_hint = false} : vector<64x32xf32>, vector<32x2xf32>, vector<64x2xf32> -> vector<64x2xf32>
    %get3A_67 = arith.constant 0 : index
    %get3A_68 = arith.constant 0 : index
    %get3A_69 = vector.load %arg12[%get3A_67, %get3A_68] : memref<1x2xf32, #tpu.memory_space<vmem>>, vector<1x2xf32>
    %add3A_70 = vector.broadcast %get3A_69 : vector<1x2xf32> to vector<64x2xf32>
    %add3A_71 = arith.addf %dot_general3A_66, %add3A_70 : vector<64x2xf32>
    %swap3A = arith.constant 0 : index
    %swap3A_72 = arith.constant 0 : index
    %swap3A_73 = vector.load %arg13[%swap3A, %swap3A_72] : memref<64x2xf32, #tpu.memory_space<vmem>>, vector<64x2xf32>
    tpu.vector_store %arg13[%swap3A, %swap3A_72], %add3A_71 {strides = array<i32>} : memref<64x2xf32, #tpu.memory_space<vmem>>, vector<64x2xf32>,
    return
  }
}

</mosaic_0001>

<sc_bundles>
// kernel: kernel.12.cloned.1.call-start
scs
__scs_entry_jumppad:
0x0: {  	(pc) =	sbr.rel $0x88, $3  }
0x1: {  	(tag) =	ssettag $0x0;
	lr =	simm.s32 $0x1  }
0x2: {  	[smem:$0x3F8E] =	sst lr;
	_ =	strace $0xD0000000  }
0x3: {  	_ = 	snop  }
0x4: {  	_ = 	snop  }
0x5: {  	_ = 	snop  }
0x6: {  	_ = 	snop  }
0x7: {  	_ = 	snop  }
__scs_overlays_trampoline_lowered:
0x8: {  	[smem:$0x3F9D] =	sst s0  }
0x9: {  	[smem:$0x3F9E] =	sst s1  }
0xa: {  	[smem:$0x3F9F] =	sst s2  }
0xb: {  	[smem:$0x3FA0] =	sst s3  }
0xc: {  	[smem:$0x3FA1] =	sst s4  }
0xd: {  	[smem:$0x3FA2] =	sst s5  }
0xe: {  	[smem:$0x3FA3] =	sst s6  }
0xf: {  	[smem:$0x3FA4] =	sst s7  }
0x10: {  	[smem:$0x3FA5] =	sst s8  }
0x11: {  	[smem:$0x3FA6] =	sst s9;
	s0 =	simm.s32 @!p0 $0x0  }
0x12: {  	s1 =	sld [smem:$0x3F8C];
	s0 =	simm.s32 @p0 $0x1  }
0x13: {  	[smem:$0x3FA7] =	sst s0;
	s0 =	simm.s32 @!p1 $0x0  }
0x14: {  	s2 =	sld [smem:$0x3F8B];
	s0 =	simm.s32 @p1 $0x1  }
0x15: {  	[smem:$0x3FA8] =	sst s0;
	s0 =	simm.s32 @!p2 $0x0  }
0x16: {  	s3 =	sld [smem:$0x3FDB];
	s0 =	simm.s32 @p2 $0x1  }
0x17: {  	s4 =	simm.s32 $0x1BF5;
	[smem:$0x3FAA] =	sst s0  }
0x18: {  	s0 =	sld [smem:$0x3F8D];
	_ =	swait.ge [sflag:s4], $0x0  }
0x19: {  	s7 =	sld [smem:$0x3F8E]  }
0x1a: {  	s8 =	sadd.s32 $0xFFFFE003, lr  }
0x1b: {  	s9 =	sadd.s32 $0xFFFFFEF7, lr;
	s5 =	simm.s32 $0xFFFFFFFF;
	p2 =	slt.u32 s8, $0xFFFFF086  }
0x1c: {  	p1 =	slt.u32 s9, $0xF7A;
	s5 =	simm.s32 @!p2 $0x0  }
0x1d: {  	s5 =	simm.s32 @p1 $0x1;
	p0 =	seq.s32 s7, s2  }
0x1e: {  	s7 =	smul.u32 @!p0 $0xF7A, s2;
	p2 =	seq.s32 @!p0 s5, $0x0  }
0x1f: {  	s9 =	smul.u32 $0xF7A, s1;
	s8 =	simm.s32 @!p0 $0x1BF5;
	p2 =	por !p2, p0  }
0x20: {  	[sflag:s8] =	ssyncset.s32 @!p0 $0xFFFFF086;
	s6 =	sadd.s32 @!p0 s3, s7;
	s7 =	simm.s32 @!p0 $0x108  }
0x21: {  	s3 =	sadd.s32 s3, s9;
	s6 =	sadd.s32 @!p0 $0x88, s6;
	s7 =	simm.s32 @p2 $0x1082  }
0x22: {  	[simem:s7], [sflag:s8] =	dma.local @!p0 [hbm:s6], $0xF7A  }
0x23: {  	s9 =	sor.u32 $0xD0000000, s2;
	s6 =	simm.s32 $0x108;
	_ =	swait.ge @!p0 [sflag:s8], $0x0  }
0x24: {  	s3 =	sadd.s32 $0x88, s3;
	s6 =	simm.s32 @!p1 $0x1082;
	[sflag:s4] =	ssyncset.s32 $0xFFFFF086  }
0x25: {  	[simem:s6], [sflag:s4] =	dma.local [hbm:s3], $0xF7A  }
0x26: {  	[smem:$0x3F8E] =	sst s1;
	(tag) =	ssettag s2;
	_ =	strace s9  }
0x27: {  	s1 =	sld [smem:$0x3F9E]  }
0x28: {  	s2 =	sld [smem:$0x3F9F]  }
0x29: {  	s4 =	sld [smem:$0x3FA1]  }
0x2a: {  	p0 =	seq.s32 s5, $0x0;
	s5 =	sld [smem:$0x3FA2]  }
0x2b: {  	s6 =	sld [smem:$0x3FA3]  }
0x2c: {  	s7 =	sld [smem:$0x3FA4]  }
0x2d: {  	s3 =	simm.s32 $0x108;
	s8 =	sld [smem:$0x3FA5]  }
0x2e: {  	s3 =	simm.s32 @!p0 $0x1082;
	s9 =	sld [smem:$0x3FA6]  }
0x2f: {  	lr =	sadd.s32 s0, s3;
	s0 =	sld [smem:$0x3F9D]  }
0x30: {  	s3 =	sld [smem:$0x3FA0]  }
0x31: {  	[smem:$0x3FA9] =	sst s10  }
0x32: {  	s10 =	sld [smem:$0x3FA7];
	_ =	sdelay $0x3  }
0x33: {  	p0 =	seq.s32 s10, $0x1;
	s10 =	sld [smem:$0x3FA9];
	_ =	sdelay $0x3  }
0x34: {  	[smem:$0x3FA9] =	sst s10  }
0x35: {  	s10 =	sld [smem:$0x3FA8];
	_ =	sdelay $0x3  }
0x36: {  	p1 =	seq.s32 s10, $0x1;
	s10 =	sld [smem:$0x3FA9];
	_ =	sdelay $0x3  }
0x37: {  	[smem:$0x3FA9] =	sst s10  }
0x38: {  	s10 =	sld [smem:$0x3FAA]  }
0x39: {  	_ = 	snop;
	(pc) =	sbr.ind lr, $3  }
0x3a: {  	_ = 	snop  }
0x3b: {  	_ = 	snop  }
0x3c: {  	p2 =	seq.s32 s10, $0x1;
	s10 =	sld [smem:$0x3FA9]  }
0x3d: {  	_ =	shalt  }
0x3e: {  	_ =	shalt  }
0x3f: {  	_ =	shalt  }
0x40: {  	_ =	shalt  }
0x41: {  	_ =	shalt  }
0x42: {  	_ =	shalt  }
0x43: {  	_ =	shalt  }
0x44: {  	_ =	shalt  }
0x45: {  	_ =	shalt  }
0x46: {  	_ =	shalt  }
0x47: {  	_ =	shalt  }
0x48: {  	_ =	shalt  }
0x49: {  	_ =	shalt  }
0x4a: {  	_ =	shalt  }
0x4b: {  	_ =	shalt  }
0x4c: {  	_ =	shalt  }
0x4d: {  	_ =	shalt  }
0x4e: {  	_ =	shalt  }
0x4f: {  	_ =	shalt  }
0x50: {  	_ =	shalt  }
0x51: {  	_ =	shalt  }
0x52: {  	_ =	shalt  }
0x53: {  	_ =	shalt  }
0x54: {  	_ =	shalt  }
0x55: {  	_ =	shalt  }
0x56: {  	_ =	shalt  }
0x57: {  	_ =	shalt  }
0x58: {  	_ =	shalt  }
0x59: {  	_ =	shalt  }
0x5a: {  	_ =	shalt  }
0x5b: {  	_ =	shalt  }
0x5c: {  	_ =	shalt  }
0x5d: {  	_ =	shalt  }
0x5e: {  	_ =	shalt  }
0x5f: {  	_ =	shalt  }
0x60: {  	_ =	shalt  }
0x61: {  	_ =	shalt  }
0x62: {  	_ =	shalt  }
0x63: {  	_ =	shalt  }
0x64: {  	_ =	shalt  }
0x65: {  	_ =	shalt  }
0x66: {  	_ =	shalt  }
0x67: {  	_ =	shalt  }
0x68: {  	_ =	shalt  }
0x69: {  	_ =	shalt  }
0x6a: {  	_ =	shalt  }
0x6b: {  	_ =	shalt  }
0x6c: {  	_ =	shalt  }
0x6d: {  	_ =	shalt  }
0x6e: {  	_ =	shalt  }
0x6f: {  	_ =	shalt  }
0x70: {  	_ =	shalt  }
0x71: {  	_ =	shalt  }
0x72: {  	_ =	shalt  }
0x73: {  	_ =	shalt  }
0x74: {  	_ =	shalt  }
0x75: {  	_ =	shalt  }
0x76: {  	_ =	shalt  }
0x77: {  	_ =	shalt  }
0x78: {  	_ =	shalt  }
0x79: {  	_ =	shalt  }
0x7a: {  	_ =	shalt  }
0x7b: {  	_ =	shalt  }
0x7c: {  	_ =	shalt  }
0x7d: {  	_ =	shalt  }
0x7e: {  	_ =	shalt  }
0x7f: {  	_ =	shalt  }
0x80: {  	_ =	shalt  }
0x81: {  	_ =	shalt  }
0x82: {  	_ =	shalt  }
0x83: {  	_ =	shalt  }
0x84: {  	_ =	shalt  }
0x85: {  	_ =	shalt  }
0x86: {  	_ =	shalt  }
0x87: {  	_ =	shalt  }
.Lfunc_end0:
.L_simem_size_0:
called_computation_lowered:
.L_overlay_start_0:
0x88: {  	s2 =	sld [smem:$0x3FD9]  }
0x89: {  	s3 =	sld [smem:$0x3FFE];
	_ =	sdelay $0x1  }
0x8a: {  	s1 =	srdreg.scid  }
0x8b: {  	s0 =	sand.u32 $0x1, s1  }
0x8c: {  	s16 =	sshll.u32 s0, $0xA;
	s2 =	sadd.s32 s3, s2  }
0x8d: {  	s2 =	sadd.s32 s2, s16  }
0x8e: {  	[smem:$0x3FB5] =	sst s2  }
0x8f: {  	_ = 	snop  }
0x90: {  	(tm) =	ssettm $0x1  }
0x91: {  	s17 =	sld [smem:$0x3FFB];
	_ =	sdelay $0x3  }
0x92: {  	_ =	strace s17  }
0x93: {  	s2 =	sld [smem:$0x3FFC];
	_ =	sdelay $0x3  }
0x94: {  	_ =	strace s2  }
0x95: {  	s2 =	sld [smem:$0x3FFD];
	_ =	sdelay $0x3  }
0x96: {  	_ =	strace s2  }
0x97: {  	_ =	strace $0x8FFFFFFF  }
0x98: {  	s18 =	sld [smem:$0x3FDB];
	_ =	sdelay $0x1  }
0x99: {  	s19 =	simm.s32 $_scs_section_size  }
0x9a: {  	s4 =	simm.s32 $_size__tile_overlayer_lowered;
	s5 =	simm.s32 $_tile_overlayer_lowered  }
0x9b: {  	s22 =	simm.s32 $0x1BFF;
	s21 =	sshll.u32 s5, $0x1;
	s2 =	sadd.s32 s19, s18  }
0x9c: {  	s6 =	simm.s32 $0x0;
	s20 =	sshll.u32 s4, $0x1;
	s4 =	sadd.s32 s21, s2  }
0x9d: {  	[timem:s6], [sflag:s22] =	dma.local [hbm:s4], s20  }
0x9e: {  	_ =	swait.ge [sflag:s22], s20  }
0x9f: {  	s3 =	ssub.s32 $0x0, s20;
	[sflag:s22] =	ssyncset.done $0x0  }
0xa0: {  	[sflag:s22] =	ssyncadd.s32 s3;
	_ =	sdelay $0x1  }
0xa1: {  	s23 =	simm.s32 $0x1B8B  }
0xa2: {  	_ =	swait.ge [sflag:s23], $0x1  }
0xa3: {  	[sflag:s23] =	ssyncset.done $0x0  }
0xa4: {  	s25 =	simm.s32 $0x1B8E;
	s24 =	sld [smem:$0x3FFE];
	[sflag:s23] =	ssyncadd.s32 $0xFFFFFFFF  }
0xa5: {  	s26 =	simm.s32 $execute0_lowered;
	[smem:$0x3FD2] =	sst s25  }
0xa6: {  	s4 =	sshll.u32 s26, $0x1;
	_ =	strace $0x80000046;
	[dreg:$0x1] =	wrdreg $0xFFFFFFFF  }
0xa7: {  	s28 =	simm.s32 $_size_execute0_lowered;
	s2 =	sadd.s32 s2, s4;
	[dreg:$0x0] =	wrdreg $0x0  }
0xa8: {  	s4 =	sshll.u32 s28, $0x1;
	[dreg:$0x2] =	wrdreg s2  }
0xa9: {  	[dreg:$0x3] =	wrdreg s4  }
0xaa: {  	[dreg:$0x4] =	wrdreg $0xC0  }
0xab: {  	_ =	task [dreg:s6], $0x5FFFF  }
0xac: {  	[dreg:$0x1] =	wrdreg $0xFFFFFFFF  }
0xad: {  	[dreg:$0x0] =	wrdreg $0x60  }
0xae: {  	[dreg:$0x2] =	wrdreg s24  }
0xaf: {  	[dreg:$0x3] =	wrdreg $0x2C100  }
0xb0: {  	[dreg:$0x4] =	wrdreg $0x9  }
0xb1: {  	_ =	task.clear_ibuf [dreg:s6], $0x5FFFF;
	_ =	strace $0x90000046  }
0xb2: {  	s29 =	simm.s32 $0x9;
	_ =	strace $0x80000048  }
0xb3: {  	_ =	swait.ge [sflag:s29], $0x1  }
0xb4: {  	[sflag:s29] =	ssyncadd.s32 $0xFFFFFFFF  }
0xb5: {  	_ =	strace $0x90000048  }
0xb6: {  	_ =	sfence  }
0xb7: {  	s30 =	sld [smem:$0x0];
	_ =	sdelay $0x2  }
0xb8: {  	s31 =	sshll.u32 s1, $0xD;
	s1 =	sshrl.u32 s1, $0x2  }
0xb9: {  	s3 =	sand.u32 $0x4000, s31;
	s1 =	sadd.s32 s1, s30  }
0xba: {  	s0 =	sor.u32 s3, s0;
	s1 =	sshll.u32 s1, $0x11  }
0xbb: {  	s0 =	sor.u32 s1, s0  }
0xbc: {  	s0 =	sadd.s32 $0x8F2B, s0  }
0xbd: {  	[sflag:s0] =	ssyncadd.remote.s32 $0x1  }
0xbe: {  	_ =	sfence.sel $0xFFFF  }
0xbf: {  	[dreg:$0x0] =	wrdreg $0xFFFFFFFF;
	(pc) =	sbr.abs _section_cstart, $3  }
0xc0: {  	[dreg:$0x1] =	wrdreg $0xFFFFFFFF  }
0xc1: {  	_ =	task.clear_ibuf [dreg:s6], $0x2FFFF;
	_ =	strace $0x9FFFFFFF  }
0xc2: {  	(tm) =	ssettm $0x7FFFFFFF  }
0xc3: {  	_ =	shalt  }
tec
execute0_lowered:
.L_overlay_start_1:
0x0: {  	(tag) =	ssettag $0x1  }
0x1: {  	s11 =	rddreg [dreg:$0x0]  }
0x2: {  	s0 =	srdreg.scid;
	s2 =	rddreg [dreg:$0x1]  }
0x3: {  	s1 =	stileid.u32;
	s3 =	simm.s32 $0x0;
	s16 =	simm.s32 $0x2  }
0x4: {  	s18 =	simm.s32 $0x50;
	s19 =	simm.s32 $0x2710;
	s20 =	simm.s32 $0x1  }
0x5: {  	s21 =	simm.s32 $0x8;
	s22 =	simm.s32 $0x3;
	s23 =	simm.s32 $0x0  }
0x6: {  	s12 =	sand.u32 $0x1, s0;
	s0 =	rddreg [dreg:$0x2];
	s7 =	smul.u32 $0x2700, s1  }
0x7: {  	[smem:$0x7FF] =	sst s3;
	s13 =	smul.u32 $0x1380, s1;
	p1 =	sne.s32 s1, $0xF  }
0x8: {  	p2 =	seq.s32 s1, $0xF;
	s4 =	sshll.u32 s12, $0x4;
	_ =	strace $0x80000047  }
0x9: {  	s9 =	ssub.s32 $0x2, s12;
	p0 =	seq.s32 s12, $0x1;
	s4 =	sor.u32 s1, s4  }
0xa: {  	s5 =	sshrl.u32 s7, $0x3;
	s10 =	sshrl.u32 s9, $0x1;
	s15 =	sadd.s32 s7, s2  }
0xb: {  	s4 =	smul.u32 $0x4E2, s4;
	s8 =	sadd.s32 s5, s11;
	s5 =	sadd.s32 $0x33C00, s11  }
.Ltmp0:
0xc: {  	s14 =	ssub.s32 s9, s10;
	s10 =	sadd.s32 $0x27000, s2;
	(pc) =	sbr.rel .LBB2_1-.Ltmp0, $4  }
0xd: {  	s15 =	sshrl.u32 s15, $0x3;
	s7 =	sadd.s32 $0x1B200, s8;
	s8 =	sshll.u32 s1, $0x6  }
0xe: {  	s14 =	smax.u32 s14, $0x1;
	s17 =	sshrl.u32 @!p1 s10, $0x3;
	s6 =	sadd.s32 s4, s11  }
0xf: {  	s4 =	sadd.s32 $0x20200, s11;
	s9 =	sor.u32 $0x1C02, s8;
	s11 =	sadd.s32 $0x20000, s11  }
0x10: {  	v0 =	vimm.f32 $1.000000000e+00;
	s6 =	sadd.s32 $0x7600, s6;
	s12 =	sadd.s32 s4, s13;
	s13 =	sadd.s32 s5, s13  }
.LBB2_8:
0x11: {  	s25 =	sadd.s32 $0x13800, s25;
	s26 =	sshrl.u32 s10, $0x3  }
0x12: {  	[hbm:s25@s21], [sflag:s24] =	dma.strided [spmem:s26@s16], $0x20, s20, $0x2   }
0x13: {  	_ =	swait.ge [sflag:s22], $0x20  }
0x14: {  	[sflag:s22] =	ssyncset.done $0x0  }
0x15: {  	[sflag:s22] =	ssyncadd.s32 $0xFFFFFFE0  }
.LBB2_9:
0x16: {  	s23 =	sadd.s32 $0x1, s23  }
0x17: {  	p3 =	sne.s32 s23, s14  }
.Ltmp1:
0x18: {  	_ = 	snop;
	(pc) =	sbr.rel @!p3 .LBB2_10-.Ltmp1, $1  }
0x19: {  	_ =	sdelay $0x3  }
.LBB2_1:
0x1a: {  	s24 =	simm.s32 $0x40;
	s25 =	simm.s32 $0x0  }
.LBB2_2:
0x1b: {  	p3 =	sne.s32 s24, $0x13C0;
	[tilespmem:s25+$0x2710] =	vst v0;
	s25 =	smov.u32 s24;
	s24 =	sadd.s32 $0x40, s24  }
.Ltmp2:
0x1c: {  	(pc) =	sbr.rel @p3 .LBB2_2-.Ltmp2, $2  }
0x1d: {  	_ =	sdelay $0x2  }
0x1e: {  	s25 =	sshra.s32 s25, $0x2  }
0x1f: {  	[tilespmem:s25+$0x2710] =	vst v0  }
0x20: {  	[tilespmem:s3], [sflag:$0x2] =	stream.linear.gather [hbm4b:s6+s3], $0x2710, $0x38;
	[tilespmem:$0x5320] =	vst v63  }
0x21: {  	[spmem:s15], [sflag:s9] =	dma.local [hbm:s7], $0x4E0  }
0x22: {  	_ =	swait.ge [sflag:s16], $0x2710  }
0x23: {  	[sflag:s16] =	ssyncset.done $0x0  }
0x24: {  	[sflag:s16] =	ssyncadd.s32 $0xFFFFD8F0  }
0x25: {  	_ =	swait.ge [sflag:s16], $0x4E0  }
0x26: {  	[sflag:s16] =	ssyncset.done $0x0  }
0x27: {  	s24 =	simm.s32 @!p1 $0x1FC3;
	[sflag:s16] =	ssyncadd.s32 $0xFFFFFB20  }
0x28: {  	[spmem:s17], [sflag:s24] =	dma.local @!p1 [hbm:s11], $0x20  }
0x29: {  	s24 =	simm.s32 @!p1 $0x3  }
0x2a: {  	_ =	swait.ge @!p1 [sflag:s24], $0x20  }
0x2b: {  	[sflag:s24] =	ssyncset.done @!p1 $0x0  }
0x2c: {  	p3 =	por $0x1, $0x1;
	[sflag:s24] =	ssyncadd.s32 @!p1 $0xFFFFFFE0  }
0x2d: {  	s26 =	simm.s32 @!p3 $0x1;
	s24 =	simm.s32 $0x0;
	[bflag:$0x0] =	sbarrier.arrive $0xFFFF  }
0x2e: {  	[spmem:s2] =	stream.indirect.scatter.add.f32 [tilespmem:s19], [sflag:$0x1], $0x10, s24, s18, $0xb8;
	[tilespmem:$0x5320] =	vst v63  }
0x2f: {  	_ =	swait.ge @!p3 [sflag:s26], $0x500  }
0x30: {  	s25 =	simm.s32 $0x1;
	[sflag:s26] =	ssyncset.done @!p3 $0x0  }
.LBB2_4:
0x31: {  	[sflag:s26] =	ssyncadd.s32 @!p3 $0xFFFFFB00  }
0x32: {  	s24 =	sadd.s32 $0x50, s24;
	s26 =	smov.u32 s25;
	s25 =	sadd.s32 $0x1, s25  }
0x33: {  	p4 =	sne.s32 s25, $0x7D  }
0x34: {  	[spmem:s2] =	stream.indirect.scatter.add.f32 [tilespmem:s19], [sflag:$0x1], $0x10, s24, s18, $0xb8;
	[tilespmem:$0x5320] =	vst v63  }
.Ltmp3:
0x35: {  	_ = 	snop;
	(pc) =	sbr.rel @p4 .LBB2_4-.Ltmp3, $4  }
0x36: {  	p3 =	slt.u32 s26, $0x10  }
0x37: {  	s26 =	simm.s32 @!p3 $0x1  }
0x38: {  	_ =	swait.ge @!p3 [sflag:s26], $0x500  }
0x39: {  	[sflag:s26] =	ssyncset.done @!p3 $0x0  }
0x3a: {  	[sflag:s26] =	ssyncadd.s32 @!p3 $0xFFFFFB00  }
0x3b: {  	_ =	swait.ge [sflag:s20], $0x500  }
0x3c: {  	[sflag:s20] =	ssyncset.done $0x0  }
0x3d: {  	[sflag:s20] =	ssyncadd.s32 $0xFFFFFB00  }
0x3e: {  	_ =	swait.ge [sflag:s20], $0x500  }
0x3f: {  	[sflag:s20] =	ssyncset.done $0x0  }
0x40: {  	[sflag:s20] =	ssyncadd.s32 $0xFFFFFB00  }
0x41: {  	_ =	swait.ge [sflag:s20], $0x500  }
0x42: {  	[sflag:s20] =	ssyncset.done $0x0  }
0x43: {  	[sflag:s20] =	ssyncadd.s32 $0xFFFFFB00  }
0x44: {  	_ =	swait.ge [sflag:s20], $0x500  }
0x45: {  	[sflag:s20] =	ssyncset.done $0x0  }
0x46: {  	[sflag:s20] =	ssyncadd.s32 $0xFFFFFB00  }
0x47: {  	_ =	swait.ge [sflag:s20], $0x500  }
0x48: {  	[sflag:s20] =	ssyncset.done $0x0  }
0x49: {  	[sflag:s20] =	ssyncadd.s32 $0xFFFFFB00  }
0x4a: {  	_ =	swait.ge [sflag:s20], $0x500  }
0x4b: {  	[sflag:s20] =	ssyncset.done $0x0  }
0x4c: {  	[sflag:s20] =	ssyncadd.s32 $0xFFFFFB00  }
0x4d: {  	_ =	swait.ge [sflag:s20], $0x500  }
0x4e: {  	[sflag:s20] =	ssyncset.done $0x0  }
0x4f: {  	[sflag:s20] =	ssyncadd.s32 $0xFFFFFB00  }
0x50: {  	_ =	swait.ge [sflag:s20], $0x500  }
0x51: {  	[sflag:s20] =	ssyncset.done $0x0  }
0x52: {  	[sflag:s20] =	ssyncadd.s32 $0xFFFFFB00  }
0x53: {  	_ =	swait.ge [sflag:s20], $0x500  }
0x54: {  	[sflag:s20] =	ssyncset.done $0x0  }
0x55: {  	[sflag:s20] =	ssyncadd.s32 $0xFFFFFB00  }
0x56: {  	_ =	swait.ge [sflag:s20], $0x500  }
0x57: {  	[sflag:s20] =	ssyncset.done $0x0  }
0x58: {  	[sflag:s20] =	ssyncadd.s32 $0xFFFFFB00  }
0x59: {  	_ =	swait.ge [sflag:s20], $0x500  }
0x5a: {  	[sflag:s20] =	ssyncset.done $0x0  }
0x5b: {  	[sflag:s20] =	ssyncadd.s32 $0xFFFFFB00  }
0x5c: {  	_ =	swait.ge [sflag:s20], $0x500  }
0x5d: {  	[sflag:s20] =	ssyncset.done $0x0  }
0x5e: {  	[sflag:s20] =	ssyncadd.s32 $0xFFFFFB00  }
0x5f: {  	_ =	swait.ge [sflag:s20], $0x500  }
0x60: {  	[sflag:s20] =	ssyncset.done $0x0  }
0x61: {  	[sflag:s20] =	ssyncadd.s32 $0xFFFFFB00  }
0x62: {  	_ =	swait.ge [sflag:s20], $0x500  }
0x63: {  	[sflag:s20] =	ssyncset.done $0x0  }
0x64: {  	[sflag:s20] =	ssyncadd.s32 $0xFFFFFB00  }
0x65: {  	_ =	swait.ge [sflag:s20], $0x500  }
0x66: {  	[sflag:s20] =	ssyncset.done $0x0  }
0x67: {  	[sflag:s20] =	ssyncadd.s32 $0xFFFFFB00  }
.Ltmp4:
0x68: {  	_ =	swait.ge [sflag:s20], $0x500;
	(pc) =	sbr.rel @!p0 .LBB2_6-.Ltmp4, $4  }
0x69: {  	[sflag:s20] =	ssyncset.done $0x0  }
0x6a: {  	[sflag:s20] =	ssyncadd.s32 $0xFFFFFB00  }
0x6b: {  	[bflag:$0x0] =	sbarrier.arrive $0xFFFF  }
0x6c: {  	s24 =	sor.u32 $0x1C03, s8  }
0x6d: {  	s24 =	sor.u32 $0x1C03, s8  }
0x6e: {  	[hbm:s13@s21], [sflag:s24] =	dma.strided [spmem:s15@s16], $0x4E0, s20, $0x2   }
.Ltmp5:
0x6f: {  	_ = 	snop;
	(pc) =	sbr.rel @p1 .LBB2_9-.Ltmp5, $4  }
.Ltmp6:
0x70: {  	_ = 	snop;
	(pc) =	sbr.rel @!p1 .LBB2_8-.Ltmp6, $4  }
0x71: {  	_ =	swait.ge [sflag:s22], $0x4E0  }
0x72: {  	[sflag:s22] =	ssyncset.done $0x0  }
0x73: {  	s25 =	smov.u32 s5;
	[sflag:s22] =	ssyncadd.s32 $0xFFFFFB20  }
0x74: {  	_ = 	snop  }
.LBB2_6:
0x75: {  	[hbm:s12@s21], [sflag:s24] =	dma.strided [spmem:s15@s16], $0x4E0, s20, $0x2   }
.Ltmp7:
0x76: {  	_ = 	snop;
	(pc) =	sbr.rel @p2 .LBB2_8-.Ltmp7, $4  }
.Ltmp8:
0x77: {  	_ = 	snop;
	(pc) =	sbr.rel @!p2 .LBB2_9-.Ltmp8, $4  }
0x78: {  	_ =	swait.ge [sflag:s22], $0x4E0  }
0x79: {  	[sflag:s22] =	ssyncset.done $0x0  }
0x7a: {  	s25 =	smov.u32 s4;
	[sflag:s22] =	ssyncadd.s32 $0xFFFFFB20  }
0x7b: {  	_ = 	snop  }
.LBB2_10:
0x7c: {  	_ =	sfence.sel $0x180000  }
0x7d: {  	[bflag:$0x0] =	sbarrier.arrive $0xFFFF  }
0x7e: {  	p0 =	sne.s32 s1, $0x0;
	_ =	strace $0x90000047  }
0x7f: {  	s0 =	sadd.s32 @!p0 $0x100000, s0;
	[bflag:$0x2] =	sbarrier.arrive $0xFFFF  }
0x80: {  	[sflag:s0] =	ssyncadd.tile.s32 @!p0 $0x1;
	_ =	shalt  }
.Lfunc_end2:
_tile_overlayer_lowered:
.L_overlay_start_2:
0x81: {  	(tag) =	ssettag $0x2  }
0x82: {  	s0 =	rddreg [dreg:$0x0];
	s2 =	stileid.u32  }
0x83: {  	s1 =	rddreg [dreg:$0x1];
	p0 =	sne.s32 s2, $0x0  }
0x84: {  	s3 =	rddreg [dreg:$0x2];
	[bflag:$0x3] =	sbarrier.arrive $0xFFFF;
	s2 =	simm.s32 @!p0 $0x1C03  }
0x85: {  	[timem:s3], [sflag:s2] =	dma.local @!p0 [hbm:s0], s1  }
0x86: {  	s0 =	simm.s32 @!p0 $0x3  }
0x87: {  	_ =	swait.ge @!p0 [sflag:s0], s1  }
0x88: {  	s1 =	ssub.s32 @!p0 $0x0, s1;
	[sflag:s0] =	ssyncset.done @!p0 $0x0  }
0x89: {  	[sflag:s0] =	ssyncadd.s32 @!p0 s1  }
0x8a: {  	[bflag:$0x3] =	sbarrier.arrive $0xFFFF  }
0x8b: {  	_ =	shalt  }

// kernel: kernel.15.cloned.1.call-start
scs
__scs_entry_jumppad:
0x0: {  	(pc) =	sbr.rel $0x88, $3  }
0x1: {  	(tag) =	ssettag $0x0;
	lr =	simm.s32 $0x1  }
0x2: {  	[smem:$0x3F8E] =	sst lr;
	_ =	strace $0xD0000000  }
0x3: {  	_ = 	snop  }
0x4: {  	_ = 	snop  }
0x5: {  	_ = 	snop  }
0x6: {  	_ = 	snop  }
0x7: {  	_ = 	snop  }
__scs_overlays_trampoline_lowered:
0x8: {  	[smem:$0x3F9D] =	sst s0  }
0x9: {  	[smem:$0x3F9E] =	sst s1  }
0xa: {  	[smem:$0x3F9F] =	sst s2  }
0xb: {  	[smem:$0x3FA0] =	sst s3  }
0xc: {  	[smem:$0x3FA1] =	sst s4  }
0xd: {  	[smem:$0x3FA2] =	sst s5  }
0xe: {  	[smem:$0x3FA3] =	sst s6  }
0xf: {  	[smem:$0x3FA4] =	sst s7  }
0x10: {  	[smem:$0x3FA5] =	sst s8  }
0x11: {  	[smem:$0x3FA6] =	sst s9;
	s0 =	simm.s32 @!p0 $0x0  }
0x12: {  	s1 =	sld [smem:$0x3F8C];
	s0 =	simm.s32 @p0 $0x1  }
0x13: {  	[smem:$0x3FA7] =	sst s0;
	s0 =	simm.s32 @!p1 $0x0  }
0x14: {  	s2 =	sld [smem:$0x3F8B];
	s0 =	simm.s32 @p1 $0x1  }
0x15: {  	[smem:$0x3FA8] =	sst s0;
	s0 =	simm.s32 @!p2 $0x0  }
0x16: {  	s3 =	sld [smem:$0x3FDB];
	s0 =	simm.s32 @p2 $0x1  }
0x17: {  	s4 =	simm.s32 $0x1BF5;
	[smem:$0x3FAA] =	sst s0  }
0x18: {  	s0 =	sld [smem:$0x3F8D];
	_ =	swait.ge [sflag:s4], $0x0  }
0x19: {  	s7 =	sld [smem:$0x3F8E]  }
0x1a: {  	s8 =	sadd.s32 $0xFFFFE003, lr  }
0x1b: {  	s9 =	sadd.s32 $0xFFFFFEF7, lr;
	s5 =	simm.s32 $0xFFFFFFFF;
	p2 =	slt.u32 s8, $0xFFFFF086  }
0x1c: {  	p1 =	slt.u32 s9, $0xF7A;
	s5 =	simm.s32 @!p2 $0x0  }
0x1d: {  	s5 =	simm.s32 @p1 $0x1;
	p0 =	seq.s32 s7, s2  }
0x1e: {  	s7 =	smul.u32 @!p0 $0xF7A, s2;
	p2 =	seq.s32 @!p0 s5, $0x0  }
0x1f: {  	s9 =	smul.u32 $0xF7A, s1;
	s8 =	simm.s32 @!p0 $0x1BF5;
	p2 =	por !p2, p0  }
0x20: {  	[sflag:s8] =	ssyncset.s32 @!p0 $0xFFFFF086;
	s6 =	sadd.s32 @!p0 s3, s7;
	s7 =	simm.s32 @!p0 $0x108  }
0x21: {  	s3 =	sadd.s32 s3, s9;
	s6 =	sadd.s32 @!p0 $0x88, s6;
	s7 =	simm.s32 @p2 $0x1082  }
0x22: {  	[simem:s7], [sflag:s8] =	dma.local @!p0 [hbm:s6], $0xF7A  }
0x23: {  	s9 =	sor.u32 $0xD0000000, s2;
	s6 =	simm.s32 $0x108;
	_ =	swait.ge @!p0 [sflag:s8], $0x0  }
0x24: {  	s3 =	sadd.s32 $0x88, s3;
	s6 =	simm.s32 @!p1 $0x1082;
	[sflag:s4] =	ssyncset.s32 $0xFFFFF086  }
0x25: {  	[simem:s6], [sflag:s4] =	dma.local [hbm:s3], $0xF7A  }
0x26: {  	[smem:$0x3F8E] =	sst s1;
	(tag) =	ssettag s2;
	_ =	strace s9  }
0x27: {  	s1 =	sld [smem:$0x3F9E]  }
0x28: {  	s2 =	sld [smem:$0x3F9F]  }
0x29: {  	s4 =	sld [smem:$0x3FA1]  }
0x2a: {  	p0 =	seq.s32 s5, $0x0;
	s5 =	sld [smem:$0x3FA2]  }
0x2b: {  	s6 =	sld [smem:$0x3FA3]  }
0x2c: {  	s7 =	sld [smem:$0x3FA4]  }
0x2d: {  	s3 =	simm.s32 $0x108;
	s8 =	sld [smem:$0x3FA5]  }
0x2e: {  	s3 =	simm.s32 @!p0 $0x1082;
	s9 =	sld [smem:$0x3FA6]  }
0x2f: {  	lr =	sadd.s32 s0, s3;
	s0 =	sld [smem:$0x3F9D]  }
0x30: {  	s3 =	sld [smem:$0x3FA0]  }
0x31: {  	[smem:$0x3FA9] =	sst s10  }
0x32: {  	s10 =	sld [smem:$0x3FA7];
	_ =	sdelay $0x3  }
0x33: {  	p0 =	seq.s32 s10, $0x1;
	s10 =	sld [smem:$0x3FA9];
	_ =	sdelay $0x3  }
0x34: {  	[smem:$0x3FA9] =	sst s10  }
0x35: {  	s10 =	sld [smem:$0x3FA8];
	_ =	sdelay $0x3  }
0x36: {  	p1 =	seq.s32 s10, $0x1;
	s10 =	sld [smem:$0x3FA9];
	_ =	sdelay $0x3  }
0x37: {  	[smem:$0x3FA9] =	sst s10  }
0x38: {  	s10 =	sld [smem:$0x3FAA]  }
0x39: {  	_ = 	snop;
	(pc) =	sbr.ind lr, $3  }
0x3a: {  	_ = 	snop  }
0x3b: {  	_ = 	snop  }
0x3c: {  	p2 =	seq.s32 s10, $0x1;
	s10 =	sld [smem:$0x3FA9]  }
0x3d: {  	_ =	shalt  }
0x3e: {  	_ =	shalt  }
0x3f: {  	_ =	shalt  }
0x40: {  	_ =	shalt  }
0x41: {  	_ =	shalt  }
0x42: {  	_ =	shalt  }
0x43: {  	_ =	shalt  }
0x44: {  	_ =	shalt  }
0x45: {  	_ =	shalt  }
0x46: {  	_ =	shalt  }
0x47: {  	_ =	shalt  }
0x48: {  	_ =	shalt  }
0x49: {  	_ =	shalt  }
0x4a: {  	_ =	shalt  }
0x4b: {  	_ =	shalt  }
0x4c: {  	_ =	shalt  }
0x4d: {  	_ =	shalt  }
0x4e: {  	_ =	shalt  }
0x4f: {  	_ =	shalt  }
0x50: {  	_ =	shalt  }
0x51: {  	_ =	shalt  }
0x52: {  	_ =	shalt  }
0x53: {  	_ =	shalt  }
0x54: {  	_ =	shalt  }
0x55: {  	_ =	shalt  }
0x56: {  	_ =	shalt  }
0x57: {  	_ =	shalt  }
0x58: {  	_ =	shalt  }
0x59: {  	_ =	shalt  }
0x5a: {  	_ =	shalt  }
0x5b: {  	_ =	shalt  }
0x5c: {  	_ =	shalt  }
0x5d: {  	_ =	shalt  }
0x5e: {  	_ =	shalt  }
0x5f: {  	_ =	shalt  }
0x60: {  	_ =	shalt  }
0x61: {  	_ =	shalt  }
0x62: {  	_ =	shalt  }
0x63: {  	_ =	shalt  }
0x64: {  	_ =	shalt  }
0x65: {  	_ =	shalt  }
0x66: {  	_ =	shalt  }
0x67: {  	_ =	shalt  }
0x68: {  	_ =	shalt  }
0x69: {  	_ =	shalt  }
0x6a: {  	_ =	shalt  }
0x6b: {  	_ =	shalt  }
0x6c: {  	_ =	shalt  }
0x6d: {  	_ =	shalt  }
0x6e: {  	_ =	shalt  }
0x6f: {  	_ =	shalt  }
0x70: {  	_ =	shalt  }
0x71: {  	_ =	shalt  }
0x72: {  	_ =	shalt  }
0x73: {  	_ =	shalt  }
0x74: {  	_ =	shalt  }
0x75: {  	_ =	shalt  }
0x76: {  	_ =	shalt  }
0x77: {  	_ =	shalt  }
0x78: {  	_ =	shalt  }
0x79: {  	_ =	shalt  }
0x7a: {  	_ =	shalt  }
0x7b: {  	_ =	shalt  }
0x7c: {  	_ =	shalt  }
0x7d: {  	_ =	shalt  }
0x7e: {  	_ =	shalt  }
0x7f: {  	_ =	shalt  }
0x80: {  	_ =	shalt  }
0x81: {  	_ =	shalt  }
0x82: {  	_ =	shalt  }
0x83: {  	_ =	shalt  }
0x84: {  	_ =	shalt  }
0x85: {  	_ =	shalt  }
0x86: {  	_ =	shalt  }
0x87: {  	_ =	shalt  }
.Lfunc_end0:
.L_simem_size_0:
called_computation.1_lowered:
.L_overlay_start_0:
0x88: {  	s2 =	sld [smem:$0x3FD9]  }
0x89: {  	s3 =	sld [smem:$0x3FFE];
	_ =	sdelay $0x1  }
0x8a: {  	s1 =	srdreg.scid  }
0x8b: {  	s0 =	sand.u32 $0x1, s1  }
0x8c: {  	s16 =	sshll.u32 s0, $0xA;
	s2 =	sadd.s32 s3, s2  }
0x8d: {  	s2 =	sadd.s32 s2, s16  }
0x8e: {  	[smem:$0x3FB5] =	sst s2  }
0x8f: {  	_ = 	snop  }
0x90: {  	(tm) =	ssettm $0x1  }
0x91: {  	s17 =	sld [smem:$0x3FFB];
	_ =	sdelay $0x3  }
0x92: {  	_ =	strace s17  }
0x93: {  	s2 =	sld [smem:$0x3FFC];
	_ =	sdelay $0x3  }
0x94: {  	_ =	strace s2  }
0x95: {  	s2 =	sld [smem:$0x3FFD];
	_ =	sdelay $0x3  }
0x96: {  	_ =	strace s2  }
0x97: {  	_ =	strace $0x8FFFFFFF  }
0x98: {  	s18 =	sld [smem:$0x3FDB];
	_ =	sdelay $0x1  }
0x99: {  	s19 =	simm.s32 $_scs_section_size  }
0x9a: {  	s4 =	simm.s32 $_size__tile_overlayer_lowered;
	s5 =	simm.s32 $_tile_overlayer_lowered  }
0x9b: {  	s22 =	simm.s32 $0x1BFF;
	s21 =	sshll.u32 s5, $0x1;
	s2 =	sadd.s32 s19, s18  }
0x9c: {  	s6 =	simm.s32 $0x0;
	s20 =	sshll.u32 s4, $0x1;
	s4 =	sadd.s32 s21, s2  }
0x9d: {  	[timem:s6], [sflag:s22] =	dma.local [hbm:s4], s20  }
0x9e: {  	_ =	swait.ge [sflag:s22], s20  }
0x9f: {  	s3 =	ssub.s32 $0x0, s20;
	[sflag:s22] =	ssyncset.done $0x0  }
0xa0: {  	[sflag:s22] =	ssyncadd.s32 s3;
	_ =	sdelay $0x1  }
0xa1: {  	s23 =	simm.s32 $0x1B8B  }
0xa2: {  	_ =	swait.ge [sflag:s23], $0x1  }
0xa3: {  	[sflag:s23] =	ssyncset.done $0x0  }
0xa4: {  	s25 =	simm.s32 $0x1B8E;
	s24 =	sld [smem:$0x3FFE];
	[sflag:s23] =	ssyncadd.s32 $0xFFFFFFFF  }
0xa5: {  	s26 =	simm.s32 $execute0_lowered;
	[smem:$0x3FD2] =	sst s25  }
0xa6: {  	s4 =	sshll.u32 s26, $0x1;
	_ =	strace $0x80000049;
	[dreg:$0x1] =	wrdreg $0xFFFFFFFF  }
0xa7: {  	s28 =	simm.s32 $_size_execute0_lowered;
	s2 =	sadd.s32 s2, s4;
	[dreg:$0x0] =	wrdreg $0x0  }
0xa8: {  	s4 =	sshll.u32 s28, $0x1;
	[dreg:$0x2] =	wrdreg s2  }
0xa9: {  	[dreg:$0x3] =	wrdreg s4  }
0xaa: {  	[dreg:$0x4] =	wrdreg $0xC0  }
0xab: {  	_ =	task [dreg:s6], $0x5FFFF  }
0xac: {  	[dreg:$0x1] =	wrdreg $0xFFFFFFFF  }
0xad: {  	[dreg:$0x0] =	wrdreg $0x60  }
0xae: {  	[dreg:$0x2] =	wrdreg s24  }
0xaf: {  	[dreg:$0x3] =	wrdreg $0x13E200  }
0xb0: {  	[dreg:$0x4] =	wrdreg $0x9  }
0xb1: {  	_ =	task.clear_ibuf [dreg:s6], $0x5FFFF;
	_ =	strace $0x90000049  }
0xb2: {  	s29 =	simm.s32 $0x9;
	_ =	strace $0x8000004B  }
0xb3: {  	_ =	swait.ge [sflag:s29], $0x1  }
0xb4: {  	[sflag:s29] =	ssyncadd.s32 $0xFFFFFFFF  }
0xb5: {  	_ =	strace $0x9000004B  }
0xb6: {  	_ =	sfence  }
0xb7: {  	s30 =	sld [smem:$0x0];
	_ =	sdelay $0x2  }
0xb8: {  	s31 =	sshll.u32 s1, $0xD;
	s1 =	sshrl.u32 s1, $0x2  }
0xb9: {  	s3 =	sand.u32 $0x4000, s31;
	s1 =	sadd.s32 s1, s30  }
0xba: {  	s0 =	sor.u32 s3, s0;
	s1 =	sshll.u32 s1, $0x11  }
0xbb: {  	s0 =	sor.u32 s1, s0  }
0xbc: {  	s0 =	sadd.s32 $0x8F2B, s0  }
0xbd: {  	[sflag:s0] =	ssyncadd.remote.s32 $0x1  }
0xbe: {  	_ =	sfence.sel $0xFFFF  }
0xbf: {  	[dreg:$0x0] =	wrdreg $0xFFFFFFFF;
	(pc) =	sbr.abs _section_cstart, $3  }
0xc0: {  	[dreg:$0x1] =	wrdreg $0xFFFFFFFF  }
0xc1: {  	_ =	task.clear_ibuf [dreg:s6], $0x2FFFF;
	_ =	strace $0x9FFFFFFF  }
0xc2: {  	(tm) =	ssettm $0x7FFFFFFF  }
0xc3: {  	_ =	shalt  }
tec
execute0_lowered:
.L_overlay_start_1:
0x0: {  	(tag) =	ssettag $0x1  }
0x1: {  	s0 =	srdreg.scid  }
0x2: {  	s1 =	rddreg [dreg:$0x0];
	s11 =	stileid.u32  }
0x3: {  	s2 =	rddreg [dreg:$0x1];
	s19 =	simm.s32 $0x5;
	s28 =	simm.s32 $0x8A20  }
0x4: {  	s29 =	simm.s32 $0x1;
	s30 =	simm.s32 $0x2;
	s31 =	simm.s32 $0x4  }
0x5: {  	s14 =	simm.s32 $0xEE20;
	s15 =	simm.s32 $0x10220;
	s17 =	simm.s32 $0x0  }
0x6: {  	s0 =	sand.u32 $0x1, s0;
	s6 =	smul.u32 $0x9C00, s11;
	s12 =	sadd.s32 $0x42600, s1  }
0x7: {  	s13 =	sadd.s32 $0x56000, s1;
	p1 =	sne.s32 s11, $0xF;
	p2 =	seq.s32 s11, $0xF  }
0x8: {  	s3 =	sshll.u32 s0, $0x4;
	s8 =	ssub.s32 $0x2, s0;
	p0 =	seq.s32 s0, $0x1  }
0x9: {  	s4 =	sor.u32 s11, s3;
	s3 =	simm.s32 $0x0;
	s7 =	sshrl.u32 s6, $0x3  }
0xa: {  	s9 =	sshrl.u32 s8, $0x1;
	s21 =	sadd.s32 s6, s2;
	s6 =	sadd.s32 $0x9C000, s2  }
0xb: {  	s5 =	smul.u32 $0x4E2, s4;
	[smem:$0x7FF] =	sst s3;
	s4 =	sadd.s32 $0x1B200, s1  }
0xc: {  	s24 =	sadd.s32 s12, s7;
	_ =	strace $0x8000004A;
	[dreg:$0x3] =	wrdreg s12  }
0xd: {  	s10 =	sadd.s32 s7, s1;
	s8 =	ssub.s32 s8, s9;
	[dreg:$0xb] =	wrdreg s24  }
0xe: {  	s9 =	sshll.u32 s11, $0x6;
	s25 =	sadd.s32 s13, s7;
	[dreg:$0x4] =	wrdreg s13  }
0xf: {  	s18 =	sshrl.u32 s21, $0x3;
	s0 =	sshrl.u32 @!p1 s6, $0x3;
	[dreg:$0xc] =	wrdreg s25  }
0x10: {  	s21 =	simm.s32 $0x50;
	s22 =	sadd.s32 $0x2EC00, s10;
	[dreg:$0x9] =	wrdreg s6  }
0x11: {  	s23 =	sor.u32 $0x1C05, s9;
	s26 =	smax.u32 s8, $0x1;
	[dreg:$0xe] =	wrdreg s0  }
0x12: {  	s25 =	simm.s32 $0x7620;
	s0 =	simm.s32 $0x6;
	s24 =	simm.s32 $0x11620  }
0x13: {  	s6 =	simm.s32 $0xB220;
	s12 =	simm.s32 $0xDA20;
	[dreg:$0x7] =	wrdreg s22  }
.Ltmp0:
0x14: {  	s5 =	sadd.s32 s5, s1;
	[dreg:$0x8] =	wrdreg s23;
	(pc) =	sbr.rel .LBB2_1-.Ltmp0, $4  }
0x15: {  	s1 =	sadd.s32 $0x42400, s1;
	[dreg:$0xd] =	wrdreg s26;
	s22 =	simm.s32 $0x4E20  }
0x16: {  	s23 =	simm.s32 $0x6220;
	s20 =	sadd.s32 $0x11400, s5;
	[dreg:$0xa] =	wrdreg s1  }
0x17: {  	s26 =	simm.s32 $0x9E20;
	s5 =	sadd.s32 $0x7600, s5;
	[dreg:$0x5] =	wrdreg s20  }
0x18: {  	s1 =	simm.s32 $0xC620;
	[dreg:$0x6] =	wrdreg s5;
	s5 =	simm.s32 $0x12A20  }
.LBB2_14:
0x19: {  	s10 =	rddreg [dreg:$0x9]  }
0x1a: {  	s8 =	sadd.s32 $0x13800, s8;
	s10 =	sshrl.u32 s10, $0x3  }
0x1b: {  	[hbm:s8], [sflag:s7] =	dma.local [spmem:s10], $0x80  }
0x1c: {  	_ =	swait.ge [sflag:s0], $0x80  }
0x1d: {  	[sflag:s0] =	ssyncset.done $0x0  }
0x1e: {  	[sflag:s0] =	ssyncadd.s32 $0xFFFFFF80  }
.LBB2_15:
0x1f: {  	s17 =	sadd.s32 $0x1, s17;
	s7 =	rddreg [dreg:$0xd]  }
0x20: {  	p3 =	sne.s32 s17, s7  }
.Ltmp1:
0x21: {  	_ = 	snop;
	(pc) =	sbr.rel @!p3 .LBB2_16-.Ltmp1, $1  }
0x22: {  	_ =	sdelay $0x3  }
.LBB2_1:
0x23: {  	s7 =	rddreg [dreg:$0x5]  }
0x24: {  	s10 =	rddreg [dreg:$0x6]  }
0x25: {  	s11 =	rddreg [dreg:$0x7]  }
0x26: {  	[tilespmem:s3], [sflag:$0x5] =	stream.linear.gather [hbm4b:s7+s3], $0x2710, $0x38;
	[tilespmem:$0x1DA60] =	vst v63  }
0x27: {  	s8 =	simm.s32 $0x2710;
	s13 =	rddreg [dreg:$0x8]  }
0x28: {  	[tilespmem:s8], [sflag:$0x5] =	stream.linear.gather [hbm4b:s10+s3], $0x2710, $0x38;
	[tilespmem:$0x1DA60] =	vst v63  }
0x29: {  	[spmem:s18], [sflag:s13] =	dma.local [hbm:s11], $0x1380  }
0x2a: {  	_ =	swait.ge [sflag:s19], $0x2710  }
0x2b: {  	[sflag:s19] =	ssyncset.done $0x0  }
0x2c: {  	[sflag:s19] =	ssyncadd.s32 $0xFFFFD8F0  }
0x2d: {  	_ =	swait.ge [sflag:s19], $0x2710  }
0x2e: {  	[sflag:s19] =	ssyncset.done $0x0  }
0x2f: {  	[sflag:s19] =	ssyncadd.s32 $0xFFFFD8F0  }
0x30: {  	_ =	swait.ge [sflag:s19], $0x1380  }
0x31: {  	[sflag:s19] =	ssyncset.done $0x0;
	s8 =	rddreg [dreg:$0xa]  }
0x32: {  	s7 =	simm.s32 @!p1 $0x1FC6;
	s10 =	rddreg [dreg:$0xe];
	[sflag:s19] =	ssyncadd.s32 $0xFFFFEC80  }
0x33: {  	[spmem:s10], [sflag:s7] =	dma.local @!p1 [hbm:s8], $0x80  }
0x34: {  	s7 =	simm.s32 @!p1 $0x6  }
0x35: {  	_ =	swait.ge @!p1 [sflag:s7], $0x80  }
0x36: {  	[sflag:s7] =	ssyncset.done @!p1 $0x0  }
0x37: {  	[sflag:s7] =	ssyncadd.s32 @!p1 $0xFFFFFF80  }
0x38: {  	[bflag:$0x0] =	sbarrier.arrive $0xFFFF  }
0x39: {  	[tilespmem:s22], [sflag:$0x1] =	stream.indirect.gather [hbm4b:s4+s21], $0x40, s3, s21, $0xb8;
	[tilespmem:$0x1DA60] =	vst v63  }
0x3a: {  	_ = 	snop  }
0x3b: {  	[tilespmem:s23], [sflag:$0x1] =	stream.indirect.gather [hbm4b:s4+s21], $0x40, s21, s21, $0xb8;
	[tilespmem:$0x1DA60] =	vst v63  }
.Ltmp2:
0x3c: {  	_ = 	snop;
	(pc) =	sbr.rel .LBB2_2-.Ltmp2, $4  }
0x3d: {  	s16 =	simm.s32 $0xA0  }
0x3e: {  	[tilespmem:s25], [sflag:$0x1] =	stream.indirect.gather [hbm4b:s4+s21], $0x40, s16, s21, $0xb8;
	[tilespmem:$0x1DA60] =	vst v63  }
0x3f: {  	s20 =	simm.s32 $0xF0;
	s8 =	simm.s32 $0x0;
	s7 =	simm.s32 $0x0  }
0x40: {  	[tilespmem:s28], [sflag:$0x1] =	stream.indirect.gather [hbm4b:s4+s21], $0x40, s20, s21, $0xb8;
	[tilespmem:$0x1DA60] =	vst v63  }
.LBB2_7:
0x41: {  	s10 =	sshra.s32 s7, $0x2  }
0x42: {  	s11 =	sadd.s32 $0x2710, s10  }
0x43: {  	[spmem:s2] =	stream.indirect.scatter.add.f32 [tilespmem:s22], [sflag:$0x2], $0x40, s11, s21, $0xb8;
	[tilespmem:$0x1DA60] =	vst v63  }
0x44: {  	s16 =	sadd.s32 $0x2760, s10  }
0x45: {  	[spmem:s2] =	stream.indirect.scatter.add.f32 [tilespmem:s23], [sflag:$0x2], $0x40, s16, s21, $0xb8;
	[tilespmem:$0x1DA60] =	vst v63  }
0x46: {  	s20 =	sadd.s32 $0x27B0, s10  }
0x47: {  	[spmem:s2] =	stream.indirect.scatter.add.f32 [tilespmem:s25], [sflag:$0x2], $0x40, s20, s21, $0xb8;
	[tilespmem:$0x1DA60] =	vst v63  }
0x48: {  	s10 =	sadd.s32 $0x2800, s10  }
0x49: {  	[spmem:s2] =	stream.indirect.scatter.add.f32 [tilespmem:s28], [sflag:$0x2], $0x40, s10, s21, $0xb8;
	[tilespmem:$0x1DA60] =	vst v63  }
.LBB2_10:
0x4a: {  	s7 =	sadd.s32 $0x500, s7  }
0x4b: {  	p3 =	sne.s32 s7, $0x9B00  }
.Ltmp3:
0x4c: {  	_ = 	snop;
	(pc) =	sbr.rel @!p3 .LBB2_11-.Ltmp3, $2  }
0x4d: {  	_ =	sdelay $0x2  }
0x4e: {  	s8 =	sadd.s32 $0x1, s8  }
.LBB2_2:
0x4f: {  	s10 =	smul.u32 $0xAB, s8;
	_ =	sdelay $0x1  }
0x50: {  	s11 =	sadd.s32 $0xAB, s10  }
0x51: {  	s11 =	sshrl.u32 s11, $0x9  }
0x52: {  	s11 =	sand.u32 $0x7F, s11  }
0x53: {  	s11 =	smul.u32 $0x3, s11;
	_ =	sdelay $0x1  }
0x54: {  	s11 =	ssub.s32 s8, s11  }
0x55: {  	p3 =	slt.u32 s8, $0x2;
	s11 =	sadd.s32 $0x1, s11  }
0x56: {  	s13 =	sand.u32 @!p3 $0xFF, s11  }
0x57: {  	p4 =	seq.s32 @!p3 s13, $0x0  }
0x58: {  	p3 =	por p3, !p4  }
0x59: {  	p4 =	slt.u32 @p3 s8, $0x2  }
0x5a: {  	p5 =	por p4, !p3  }
0x5b: {  	s13 =	sand.u32 @!p5 $0xFF, s11  }
0x5c: {  	p5 =	seq.s32 @!p5 s13, $0x1  }
0x5d: {  	p4 =	por @p3 p4, !p5  }
0x5e: {  	_ =	swait.ge [sflag:s29], $0x1400;
	p4 =	por !p3, !p4  }
0x5f: {  	[sflag:s29] =	ssyncset.done $0x0;
	p5 =	slt.u32 @!p4 s8, $0x2  }
0x60: {  	[sflag:s29] =	ssyncadd.s32 $0xFFFFEC00;
	p6 =	por p5, p4  }
0x61: {  	_ =	swait.ge [sflag:s29], $0x1400;
	s13 =	sand.u32 @!p6 $0xFF, s11  }
0x62: {  	[sflag:s29] =	ssyncset.done $0x0;
	p6 =	sne.s32 @!p6 s13, $0x2  }
0x63: {  	[sflag:s29] =	ssyncadd.s32 $0xFFFFEC00;
	p5 =	por @!p4 p5, p6  }
0x64: {  	_ =	swait.ge [sflag:s29], $0x1400;
	p5 =	por p4, !p5  }
.Ltmp4:
0x65: {  	[sflag:s29] =	ssyncset.done $0x0;
	(pc) =	sbr.rel @!p5 .LBB2_4-.Ltmp4, $4  }
0x66: {  	[sflag:s29] =	ssyncadd.s32 $0xFFFFEC00  }
0x67: {  	_ =	swait.ge [sflag:s29], $0x1400  }
0x68: {  	[sflag:s29] =	ssyncset.done $0x0  }
0x69: {  	[sflag:s29] =	ssyncadd.s32 $0xFFFFEC00  }
0x6a: {  	s13 =	simm.s32 $0x2  }
0x6b: {  	s13 =	simm.s32 @p3 $0x3  }
0x6c: {  	s13 =	simm.s32 @!p4 $0x4  }
0x6d: {  	_ =	swait.ge [sflag:s13], $0x1400  }
0x6e: {  	[sflag:s13] =	ssyncset.done $0x0  }
0x6f: {  	[sflag:s13] =	ssyncadd.s32 $0xFFFFEC00  }
0x70: {  	_ =	swait.ge [sflag:s13], $0x1400  }
0x71: {  	[sflag:s13] =	ssyncset.done $0x0  }
0x72: {  	[sflag:s13] =	ssyncadd.s32 $0xFFFFEC00  }
0x73: {  	_ =	swait.ge [sflag:s13], $0x1400  }
0x74: {  	[sflag:s13] =	ssyncset.done $0x0  }
0x75: {  	[sflag:s13] =	ssyncadd.s32 $0xFFFFEC00  }
0x76: {  	_ =	swait.ge [sflag:s13], $0x1400  }
0x77: {  	[sflag:s13] =	ssyncset.done $0x0  }
0x78: {  	[sflag:s13] =	ssyncadd.s32 $0xFFFFEC00  }
.LBB2_4:
0x79: {  	p3 =	seq.s32 s7, $0x9600  }
.Ltmp5:
0x7a: {  	_ = 	snop;
	(pc) =	sbr.rel @p3 .LBB2_7-.Ltmp5, $1  }
0x7b: {  	_ =	sdelay $0x3  }
0x7c: {  	s11 =	sand.u32 $0xFF, s11;
	s10 =	sshrl.u32 s10, $0x9  }
0x7d: {  	s11 =	smul.u32 $0x14000, s11;
	s10 =	sand.u32 $0x7F, s10  }
0x7e: {  	s10 =	smul.u32 $0x3, s10  }
0x7f: {  	s13 =	sshrl.u32 s11, $0x2;
	s11 =	sshra.s32 s7, $0x2  }
0x80: {  	s16 =	sadd.s32 $0x4E20, s13;
	s20 =	sadd.s32 $0x140, s11;
	s10 =	ssub.s32 s8, s10  }
0x81: {  	[tilespmem:s16], [sflag:$0x1] =	stream.indirect.gather [hbm4b:s4+s21], $0x40, s20, s21, $0xb8;
	[tilespmem:$0x1DA60] =	vst v63  }
0x82: {  	s10 =	sand.u32 $0xFF, s10  }
0x83: {  	s16 =	sadd.s32 $0x6220, s13;
	s20 =	sadd.s32 $0x190, s11;
	p3 =	seq.s32 s10, $0x2  }
0x84: {  	[tilespmem:s16], [sflag:$0x1] =	stream.indirect.gather [hbm4b:s4+s21], $0x40, s20, s21, $0xb8;
	[tilespmem:$0x1DA60] =	vst v63  }
.Ltmp6:
0x85: {  	_ = 	snop;
	(pc) =	sbr.rel @p3 .LBB2_9-.Ltmp6, $4  }
0x86: {  	s16 =	sadd.s32 $0x7620, s13;
	s20 =	sadd.s32 $0x1E0, s11  }
0x87: {  	[tilespmem:s16], [sflag:$0x1] =	stream.indirect.gather [hbm4b:s4+s21], $0x40, s20, s21, $0xb8;
	[tilespmem:$0x1DA60] =	vst v63  }
0x88: {  	s13 =	sadd.s32 $0x8A20, s13;
	s20 =	sadd.s32 $0x230, s11  }
0x89: {  	[tilespmem:s13], [sflag:$0x1] =	stream.indirect.gather [hbm4b:s4+s21], $0x40, s20, s21, $0xb8;
	[tilespmem:$0x1DA60] =	vst v63  }
0x8a: {  	p3 =	seq.s32 s10, $0x1  }
.Ltmp7:
0x8b: {  	_ = 	snop;
	(pc) =	sbr.rel @!p3 .LBB2_7-.Ltmp7, $1  }
0x8c: {  	_ =	sdelay $0x3  }
0x8d: {  	s10 =	sadd.s32 $0x2710, s11  }
0x8e: {  	[spmem:s2] =	stream.indirect.scatter.add.f32 [tilespmem:s26], [sflag:$0x3], $0x40, s10, s21, $0xb8;
	[tilespmem:$0x1DA60] =	vst v63  }
0x8f: {  	s13 =	sadd.s32 $0x2760, s11  }
0x90: {  	[spmem:s2] =	stream.indirect.scatter.add.f32 [tilespmem:s6], [sflag:$0x3], $0x40, s13, s21, $0xb8;
	[tilespmem:$0x1DA60] =	vst v63  }
.Ltmp8:
0x91: {  	_ = 	snop;
	(pc) =	sbr.rel .LBB2_10-.Ltmp8, $4  }
0x92: {  	s16 =	sadd.s32 $0x27B0, s11  }
0x93: {  	[spmem:s2] =	stream.indirect.scatter.add.f32 [tilespmem:s1], [sflag:$0x3], $0x40, s16, s21, $0xb8;
	[tilespmem:$0x1DA60] =	vst v63  }
0x94: {  	s20 =	sadd.s32 $0x2800, s11  }
0x95: {  	[spmem:s2] =	stream.indirect.scatter.add.f32 [tilespmem:s12], [sflag:$0x3], $0x40, s20, s21, $0xb8;
	[tilespmem:$0x1DA60] =	vst v63  }
.LBB2_9:
0x96: {  	s10 =	sadd.s32 $0x2710, s11  }
0x97: {  	[spmem:s2] =	stream.indirect.scatter.add.f32 [tilespmem:s14], [sflag:$0x4], $0x40, s10, s21, $0xb8;
	[tilespmem:$0x1DA60] =	vst v63  }
0x98: {  	s13 =	sadd.s32 $0x2760, s11  }
0x99: {  	[spmem:s2] =	stream.indirect.scatter.add.f32 [tilespmem:s15], [sflag:$0x4], $0x40, s13, s21, $0xb8;
	[tilespmem:$0x1DA60] =	vst v63  }
.Ltmp9:
0x9a: {  	_ = 	snop;
	(pc) =	sbr.rel .LBB2_10-.Ltmp9, $4  }
0x9b: {  	s16 =	sadd.s32 $0x27B0, s11  }
0x9c: {  	[spmem:s2] =	stream.indirect.scatter.add.f32 [tilespmem:s24], [sflag:$0x4], $0x40, s16, s21, $0xb8;
	[tilespmem:$0x1DA60] =	vst v63  }
0x9d: {  	s20 =	sadd.s32 $0x2800, s11  }
0x9e: {  	[spmem:s2] =	stream.indirect.scatter.add.f32 [tilespmem:s5], [sflag:$0x4], $0x40, s20, s21, $0xb8;
	[tilespmem:$0x1DA60] =	vst v63  }
.LBB2_11:
0x9f: {  	_ =	swait.ge [sflag:s31], $0x1400  }
0xa0: {  	[sflag:s31] =	ssyncset.done $0x0  }
0xa1: {  	[sflag:s31] =	ssyncadd.s32 $0xFFFFEC00  }
0xa2: {  	_ =	swait.ge [sflag:s31], $0x1400  }
0xa3: {  	[sflag:s31] =	ssyncset.done $0x0  }
0xa4: {  	[sflag:s31] =	ssyncadd.s32 $0xFFFFEC00  }
0xa5: {  	_ =	swait.ge [sflag:s31], $0x1400  }
0xa6: {  	[sflag:s31] =	ssyncset.done $0x0  }
0xa7: {  	[sflag:s31] =	ssyncadd.s32 $0xFFFFEC00  }
0xa8: {  	_ =	swait.ge [sflag:s31], $0x1400  }
0xa9: {  	[sflag:s31] =	ssyncset.done $0x0  }
0xaa: {  	[sflag:s31] =	ssyncadd.s32 $0xFFFFEC00  }
0xab: {  	_ =	swait.ge [sflag:s30], $0x1400  }
0xac: {  	[sflag:s30] =	ssyncset.done $0x0  }
0xad: {  	[sflag:s30] =	ssyncadd.s32 $0xFFFFEC00  }
0xae: {  	_ =	swait.ge [sflag:s30], $0x1400  }
0xaf: {  	[sflag:s30] =	ssyncset.done $0x0  }
0xb0: {  	[sflag:s30] =	ssyncadd.s32 $0xFFFFEC00  }
0xb1: {  	_ =	swait.ge [sflag:s30], $0x1400  }
0xb2: {  	[sflag:s30] =	ssyncset.done $0x0  }
0xb3: {  	[sflag:s30] =	ssyncadd.s32 $0xFFFFEC00  }
0xb4: {  	_ =	swait.ge [sflag:s30], $0x1400  }
0xb5: {  	[sflag:s30] =	ssyncset.done $0x0  }
0xb6: {  	s7 =	simm.s32 $0x26C0;
	[sflag:s30] =	ssyncadd.s32 $0xFFFFEC00  }
0xb7: {  	[tilespmem:s22], [sflag:$0x6] =	stream.indirect.gather [hbm4b:s4+s21], $0x40, s7, s21, $0xb8;
	[tilespmem:$0x1DA60] =	vst v63  }
0xb8: {  	_ =	swait.ge [sflag:s0], $0x1400  }
0xb9: {  	[sflag:s0] =	ssyncset.done $0x0  }
0xba: {  	s20 =	simm.s32 $0x4DD0;
	[sflag:s0] =	ssyncadd.s32 $0xFFFFEC00  }
0xbb: {  	[spmem:s2] =	stream.indirect.scatter.add.f32 [tilespmem:s22], [sflag:$0x6], $0x40, s20, s21, $0xb8;
	[tilespmem:$0x1DA60] =	vst v63  }
.Ltmp10:
0xbc: {  	_ =	swait.ge [sflag:s0], $0x1400;
	(pc) =	sbr.rel @!p0 .LBB2_12-.Ltmp10, $4  }
0xbd: {  	[sflag:s0] =	ssyncset.done $0x0  }
0xbe: {  	[sflag:s0] =	ssyncadd.s32 $0xFFFFEC00  }
0xbf: {  	[bflag:$0x0] =	sbarrier.arrive $0xFFFF  }
0xc0: {  	s7 =	sor.u32 $0x1C06, s9  }
0xc1: {  	s7 =	sor.u32 $0x1C06, s9;
	s8 =	rddreg [dreg:$0xc]  }
0xc2: {  	[hbm:s8], [sflag:s7] =	dma.local [spmem:s18], $0x1380  }
.Ltmp11:
0xc3: {  	_ = 	snop;
	(pc) =	sbr.rel @p1 .LBB2_15-.Ltmp11, $4  }
.Ltmp12:
0xc4: {  	_ = 	snop;
	(pc) =	sbr.rel @!p1 .LBB2_14-.Ltmp12, $4  }
0xc5: {  	_ =	swait.ge [sflag:s0], $0x1380  }
0xc6: {  	[sflag:s0] =	ssyncset.done $0x0  }
0xc7: {  	s8 =	rddreg [dreg:$0x4];
	[sflag:s0] =	ssyncadd.s32 $0xFFFFEC80  }
0xc8: {  	_ = 	snop  }
.LBB2_12:
0xc9: {  	s8 =	rddreg [dreg:$0xb]  }
0xca: {  	[hbm:s8], [sflag:s7] =	dma.local [spmem:s18], $0x1380  }
.Ltmp13:
0xcb: {  	_ = 	snop;
	(pc) =	sbr.rel @p2 .LBB2_14-.Ltmp13, $4  }
.Ltmp14:
0xcc: {  	_ = 	snop;
	(pc) =	sbr.rel @!p2 .LBB2_15-.Ltmp14, $4  }
0xcd: {  	_ =	swait.ge [sflag:s0], $0x1380  }
0xce: {  	[sflag:s0] =	ssyncset.done $0x0  }
0xcf: {  	s8 =	rddreg [dreg:$0x3];
	[sflag:s0] =	ssyncadd.s32 $0xFFFFEC80  }
0xd0: {  	_ = 	snop  }
.LBB2_16:
0xd1: {  	_ =	sfence.sel $0x180000  }
0xd2: {  	[bflag:$0x0] =	sbarrier.arrive $0xFFFF  }
0xd3: {  	_ =	strace $0x9000004A  }
0xd4: {  	s0 =	stileid.u32;
	[bflag:$0x2] =	sbarrier.arrive $0xFFFF  }
0xd5: {  	p0 =	sne.s32 s0, $0x0;
	s0 =	rddreg [dreg:$0x2]  }
0xd6: {  	s0 =	sadd.s32 @!p0 $0x100000, s0  }
0xd7: {  	[sflag:s0] =	ssyncadd.tile.s32 @!p0 $0x1;
	_ =	shalt  }
.Lfunc_end2:
_tile_overlayer_lowered:
.L_overlay_start_2:
0xd8: {  	(tag) =	ssettag $0x2  }
0xd9: {  	s0 =	rddreg [dreg:$0x0];
	s2 =	stileid.u32  }
0xda: {  	s1 =	rddreg [dreg:$0x1];
	p0 =	sne.s32 s2, $0x0  }
0xdb: {  	s3 =	rddreg [dreg:$0x2];
	[bflag:$0x3] =	sbarrier.arrive $0xFFFF;
	s2 =	simm.s32 @!p0 $0x1C06  }
0xdc: {  	[timem:s3], [sflag:s2] =	dma.local @!p0 [hbm:s0], s1  }
0xdd: {  	s0 =	simm.s32 @!p0 $0x6  }
0xde: {  	_ =	swait.ge @!p0 [sflag:s0], s1  }
0xdf: {  	s1 =	ssub.s32 @!p0 $0x0, s1;
	[sflag:s0] =	ssyncset.done @!p0 $0x0  }
0xe0: {  	[sflag:s0] =	ssyncadd.s32 @!p0 s1  }
0xe1: {  	[bflag:$0x3] =	sbarrier.arrive $0xFFFF  }
0xe2: {  	_ =	shalt  }

// kernel: kernel.18.cloned.1.call-start
scs
__scs_entry_jumppad:
0x0: {  	(pc) =	sbr.rel $0x88, $3  }
0x1: {  	(tag) =	ssettag $0x0;
	lr =	simm.s32 $0x1  }
0x2: {  	[smem:$0x3F8E] =	sst lr;
	_ =	strace $0xD0000000  }
0x3: {  	_ = 	snop  }
0x4: {  	_ = 	snop  }
0x5: {  	_ = 	snop  }
0x6: {  	_ = 	snop  }
0x7: {  	_ = 	snop  }
__scs_overlays_trampoline_lowered:
0x8: {  	[smem:$0x3F9D] =	sst s0  }
0x9: {  	[smem:$0x3F9E] =	sst s1  }
0xa: {  	[smem:$0x3F9F] =	sst s2  }
0xb: {  	[smem:$0x3FA0] =	sst s3  }
0xc: {  	[smem:$0x3FA1] =	sst s4  }
0xd: {  	[smem:$0x3FA2] =	sst s5  }
0xe: {  	[smem:$0x3FA3] =	sst s6  }
0xf: {  	[smem:$0x3FA4] =	sst s7  }
0x10: {  	[smem:$0x3FA5] =	sst s8  }
0x11: {  	[smem:$0x3FA6] =	sst s9;
	s0 =	simm.s32 @!p0 $0x0  }
0x12: {  	s1 =	sld [smem:$0x3F8C];
	s0 =	simm.s32 @p0 $0x1  }
0x13: {  	[smem:$0x3FA7] =	sst s0;
	s0 =	simm.s32 @!p1 $0x0  }
0x14: {  	s2 =	sld [smem:$0x3F8B];
	s0 =	simm.s32 @p1 $0x1  }
0x15: {  	[smem:$0x3FA8] =	sst s0;
	s0 =	simm.s32 @!p2 $0x0  }
0x16: {  	s3 =	sld [smem:$0x3FDB];
	s0 =	simm.s32 @p2 $0x1  }
0x17: {  	s4 =	simm.s32 $0x1BF5;
	[smem:$0x3FAA] =	sst s0  }
0x18: {  	s0 =	sld [smem:$0x3F8D];
	_ =	swait.ge [sflag:s4], $0x0  }
0x19: {  	s7 =	sld [smem:$0x3F8E]  }
0x1a: {  	s8 =	sadd.s32 $0xFFFFE003, lr  }
0x1b: {  	s9 =	sadd.s32 $0xFFFFFEF7, lr;
	s5 =	simm.s32 $0xFFFFFFFF;
	p2 =	slt.u32 s8, $0xFFFFF086  }
0x1c: {  	p1 =	slt.u32 s9, $0xF7A;
	s5 =	simm.s32 @!p2 $0x0  }
0x1d: {  	s5 =	simm.s32 @p1 $0x1;
	p0 =	seq.s32 s7, s2  }
0x1e: {  	s7 =	smul.u32 @!p0 $0xF7A, s2;
	p2 =	seq.s32 @!p0 s5, $0x0  }
0x1f: {  	s9 =	smul.u32 $0xF7A, s1;
	s8 =	simm.s32 @!p0 $0x1BF5;
	p2 =	por !p2, p0  }
0x20: {  	[sflag:s8] =	ssyncset.s32 @!p0 $0xFFFFF086;
	s6 =	sadd.s32 @!p0 s3, s7;
	s7 =	simm.s32 @!p0 $0x108  }
0x21: {  	s3 =	sadd.s32 s3, s9;
	s6 =	sadd.s32 @!p0 $0x88, s6;
	s7 =	simm.s32 @p2 $0x1082  }
0x22: {  	[simem:s7], [sflag:s8] =	dma.local @!p0 [hbm:s6], $0xF7A  }
0x23: {  	s9 =	sor.u32 $0xD0000000, s2;
	s6 =	simm.s32 $0x108;
	_ =	swait.ge @!p0 [sflag:s8], $0x0  }
0x24: {  	s3 =	sadd.s32 $0x88, s3;
	s6 =	simm.s32 @!p1 $0x1082;
	[sflag:s4] =	ssyncset.s32 $0xFFFFF086  }
0x25: {  	[simem:s6], [sflag:s4] =	dma.local [hbm:s3], $0xF7A  }
0x26: {  	[smem:$0x3F8E] =	sst s1;
	(tag) =	ssettag s2;
	_ =	strace s9  }
0x27: {  	s1 =	sld [smem:$0x3F9E]  }
0x28: {  	s2 =	sld [smem:$0x3F9F]  }
0x29: {  	s4 =	sld [smem:$0x3FA1]  }
0x2a: {  	p0 =	seq.s32 s5, $0x0;
	s5 =	sld [smem:$0x3FA2]  }
0x2b: {  	s6 =	sld [smem:$0x3FA3]  }
0x2c: {  	s7 =	sld [smem:$0x3FA4]  }
0x2d: {  	s3 =	simm.s32 $0x108;
	s8 =	sld [smem:$0x3FA5]  }
0x2e: {  	s3 =	simm.s32 @!p0 $0x1082;
	s9 =	sld [smem:$0x3FA6]  }
0x2f: {  	lr =	sadd.s32 s0, s3;
	s0 =	sld [smem:$0x3F9D]  }
0x30: {  	s3 =	sld [smem:$0x3FA0]  }
0x31: {  	[smem:$0x3FA9] =	sst s10  }
0x32: {  	s10 =	sld [smem:$0x3FA7];
	_ =	sdelay $0x3  }
0x33: {  	p0 =	seq.s32 s10, $0x1;
	s10 =	sld [smem:$0x3FA9];
	_ =	sdelay $0x3  }
0x34: {  	[smem:$0x3FA9] =	sst s10  }
0x35: {  	s10 =	sld [smem:$0x3FA8];
	_ =	sdelay $0x3  }
0x36: {  	p1 =	seq.s32 s10, $0x1;
	s10 =	sld [smem:$0x3FA9];
	_ =	sdelay $0x3  }
0x37: {  	[smem:$0x3FA9] =	sst s10  }
0x38: {  	s10 =	sld [smem:$0x3FAA]  }
0x39: {  	_ = 	snop;
	(pc) =	sbr.ind lr, $3  }
0x3a: {  	_ = 	snop  }
0x3b: {  	_ = 	snop  }
0x3c: {  	p2 =	seq.s32 s10, $0x1;
	s10 =	sld [smem:$0x3FA9]  }
0x3d: {  	_ =	shalt  }
0x3e: {  	_ =	shalt  }
0x3f: {  	_ =	shalt  }
0x40: {  	_ =	shalt  }
0x41: {  	_ =	shalt  }
0x42: {  	_ =	shalt  }
0x43: {  	_ =	shalt  }
0x44: {  	_ =	shalt  }
0x45: {  	_ =	shalt  }
0x46: {  	_ =	shalt  }
0x47: {  	_ =	shalt  }
0x48: {  	_ =	shalt  }
0x49: {  	_ =	shalt  }
0x4a: {  	_ =	shalt  }
0x4b: {  	_ =	shalt  }
0x4c: {  	_ =	shalt  }
0x4d: {  	_ =	shalt  }
0x4e: {  	_ =	shalt  }
0x4f: {  	_ =	shalt  }
0x50: {  	_ =	shalt  }
0x51: {  	_ =	shalt  }
0x52: {  	_ =	shalt  }
0x53: {  	_ =	shalt  }
0x54: {  	_ =	shalt  }
0x55: {  	_ =	shalt  }
0x56: {  	_ =	shalt  }
0x57: {  	_ =	shalt  }
0x58: {  	_ =	shalt  }
0x59: {  	_ =	shalt  }
0x5a: {  	_ =	shalt  }
0x5b: {  	_ =	shalt  }
0x5c: {  	_ =	shalt  }
0x5d: {  	_ =	shalt  }
0x5e: {  	_ =	shalt  }
0x5f: {  	_ =	shalt  }
0x60: {  	_ =	shalt  }
0x61: {  	_ =	shalt  }
0x62: {  	_ =	shalt  }
0x63: {  	_ =	shalt  }
0x64: {  	_ =	shalt  }
0x65: {  	_ =	shalt  }
0x66: {  	_ =	shalt  }
0x67: {  	_ =	shalt  }
0x68: {  	_ =	shalt  }
0x69: {  	_ =	shalt  }
0x6a: {  	_ =	shalt  }
0x6b: {  	_ =	shalt  }
0x6c: {  	_ =	shalt  }
0x6d: {  	_ =	shalt  }
0x6e: {  	_ =	shalt  }
0x6f: {  	_ =	shalt  }
0x70: {  	_ =	shalt  }
0x71: {  	_ =	shalt  }
0x72: {  	_ =	shalt  }
0x73: {  	_ =	shalt  }
0x74: {  	_ =	shalt  }
0x75: {  	_ =	shalt  }
0x76: {  	_ =	shalt  }
0x77: {  	_ =	shalt  }
0x78: {  	_ =	shalt  }
0x79: {  	_ =	shalt  }
0x7a: {  	_ =	shalt  }
0x7b: {  	_ =	shalt  }
0x7c: {  	_ =	shalt  }
0x7d: {  	_ =	shalt  }
0x7e: {  	_ =	shalt  }
0x7f: {  	_ =	shalt  }
0x80: {  	_ =	shalt  }
0x81: {  	_ =	shalt  }
0x82: {  	_ =	shalt  }
0x83: {  	_ =	shalt  }
0x84: {  	_ =	shalt  }
0x85: {  	_ =	shalt  }
0x86: {  	_ =	shalt  }
0x87: {  	_ =	shalt  }
.Lfunc_end0:
.L_simem_size_0:
called_computation.2_lowered:
.L_overlay_start_0:
0x88: {  	s2 =	sld [smem:$0x3FD9]  }
0x89: {  	s3 =	sld [smem:$0x3FFE];
	_ =	sdelay $0x1  }
0x8a: {  	s1 =	srdreg.scid  }
0x8b: {  	s0 =	sand.u32 $0x1, s1  }
0x8c: {  	s16 =	sshll.u32 s0, $0xA;
	s2 =	sadd.s32 s3, s2  }
0x8d: {  	s2 =	sadd.s32 s2, s16  }
0x8e: {  	[smem:$0x3FB5] =	sst s2  }
0x8f: {  	_ = 	snop  }
0x90: {  	(tm) =	ssettm $0x1  }
0x91: {  	s17 =	sld [smem:$0x3FFB];
	_ =	sdelay $0x3  }
0x92: {  	_ =	strace s17  }
0x93: {  	s2 =	sld [smem:$0x3FFC];
	_ =	sdelay $0x3  }
0x94: {  	_ =	strace s2  }
0x95: {  	s2 =	sld [smem:$0x3FFD];
	_ =	sdelay $0x3  }
0x96: {  	_ =	strace s2  }
0x97: {  	_ =	strace $0x8FFFFFFF  }
0x98: {  	s18 =	sld [smem:$0x3FDB];
	_ =	sdelay $0x1  }
0x99: {  	s19 =	simm.s32 $_scs_section_size  }
0x9a: {  	s4 =	simm.s32 $_size__tile_overlayer_lowered;
	s5 =	simm.s32 $_tile_overlayer_lowered  }
0x9b: {  	s22 =	simm.s32 $0x1BFF;
	s21 =	sshll.u32 s5, $0x1;
	s2 =	sadd.s32 s19, s18  }
0x9c: {  	s6 =	simm.s32 $0x0;
	s20 =	sshll.u32 s4, $0x1;
	s4 =	sadd.s32 s21, s2  }
0x9d: {  	[timem:s6], [sflag:s22] =	dma.local [hbm:s4], s20  }
0x9e: {  	_ =	swait.ge [sflag:s22], s20  }
0x9f: {  	s3 =	ssub.s32 $0x0, s20;
	[sflag:s22] =	ssyncset.done $0x0  }
0xa0: {  	[sflag:s22] =	ssyncadd.s32 s3;
	_ =	sdelay $0x1  }
0xa1: {  	s23 =	simm.s32 $0x1B8B  }
0xa2: {  	_ =	swait.ge [sflag:s23], $0x1  }
0xa3: {  	[sflag:s23] =	ssyncset.done $0x0  }
0xa4: {  	s25 =	simm.s32 $0x1B8E;
	s24 =	sld [smem:$0x3FFE];
	[sflag:s23] =	ssyncadd.s32 $0xFFFFFFFF  }
0xa5: {  	s26 =	simm.s32 $execute0_lowered;
	[smem:$0x3FD2] =	sst s25  }
0xa6: {  	s4 =	sshll.u32 s26, $0x1;
	_ =	strace $0x8000004C;
	[dreg:$0x1] =	wrdreg $0xFFFFFFFF  }
0xa7: {  	s28 =	simm.s32 $_size_execute0_lowered;
	s2 =	sadd.s32 s2, s4;
	[dreg:$0x0] =	wrdreg $0x0  }
0xa8: {  	s4 =	sshll.u32 s28, $0x1;
	[dreg:$0x2] =	wrdreg s2  }
0xa9: {  	[dreg:$0x3] =	wrdreg s4  }
0xaa: {  	[dreg:$0x4] =	wrdreg $0xC0  }
0xab: {  	_ =	task [dreg:s6], $0x5FFFF  }
0xac: {  	[dreg:$0x1] =	wrdreg $0xFFFFFFFF  }
0xad: {  	[dreg:$0x0] =	wrdreg $0x60  }
0xae: {  	[dreg:$0x2] =	wrdreg s24  }
0xaf: {  	[dreg:$0x3] =	wrdreg $0x13E200  }
0xb0: {  	[dreg:$0x4] =	wrdreg $0x9  }
0xb1: {  	_ =	task.clear_ibuf [dreg:s6], $0x5FFFF;
	_ =	strace $0x9000004C  }
0xb2: {  	s29 =	simm.s32 $0x9;
	_ =	strace $0x8000004E  }
0xb3: {  	_ =	swait.ge [sflag:s29], $0x1  }
0xb4: {  	[sflag:s29] =	ssyncadd.s32 $0xFFFFFFFF  }
0xb5: {  	_ =	strace $0x9000004E  }
0xb6: {  	_ =	sfence  }
0xb7: {  	s30 =	sld [smem:$0x0];
	_ =	sdelay $0x2  }
0xb8: {  	s31 =	sshll.u32 s1, $0xD;
	s1 =	sshrl.u32 s1, $0x2  }
0xb9: {  	s3 =	sand.u32 $0x4000, s31;
	s1 =	sadd.s32 s1, s30  }
0xba: {  	s0 =	sor.u32 s3, s0;
	s1 =	sshll.u32 s1, $0x11  }
0xbb: {  	s0 =	sor.u32 s1, s0  }
0xbc: {  	s0 =	sadd.s32 $0x8F2B, s0  }
0xbd: {  	[sflag:s0] =	ssyncadd.remote.s32 $0x1  }
0xbe: {  	_ =	sfence.sel $0xFFFF  }
0xbf: {  	[dreg:$0x0] =	wrdreg $0xFFFFFFFF;
	(pc) =	sbr.abs _section_cstart, $3  }
0xc0: {  	[dreg:$0x1] =	wrdreg $0xFFFFFFFF  }
0xc1: {  	_ =	task.clear_ibuf [dreg:s6], $0x2FFFF;
	_ =	strace $0x9FFFFFFF  }
0xc2: {  	(tm) =	ssettm $0x7FFFFFFF  }
0xc3: {  	_ =	shalt  }
tec
execute0_lowered:
.L_overlay_start_1:
0x0: {  	(tag) =	ssettag $0x1  }
0x1: {  	s0 =	srdreg.scid  }
0x2: {  	s1 =	rddreg [dreg:$0x0];
	s11 =	stileid.u32  }
0x3: {  	s2 =	rddreg [dreg:$0x1];
	s19 =	simm.s32 $0x5;
	s28 =	simm.s32 $0x8A20  }
0x4: {  	s29 =	simm.s32 $0x1;
	s30 =	simm.s32 $0x2;
	s31 =	simm.s32 $0x4  }
0x5: {  	s14 =	simm.s32 $0xEE20;
	s15 =	simm.s32 $0x10220;
	s17 =	simm.s32 $0x0  }
0x6: {  	s0 =	sand.u32 $0x1, s0;
	s6 =	smul.u32 $0x9C00, s11;
	s12 =	sadd.s32 $0x42600, s1  }
0x7: {  	s13 =	sadd.s32 $0x56000, s1;
	p1 =	sne.s32 s11, $0xF;
	p2 =	seq.s32 s11, $0xF  }
0x8: {  	s3 =	sshll.u32 s0, $0x4;
	s8 =	ssub.s32 $0x2, s0;
	p0 =	seq.s32 s0, $0x1  }
0x9: {  	s4 =	sor.u32 s11, s3;
	s3 =	simm.s32 $0x0;
	s7 =	sshrl.u32 s6, $0x3  }
0xa: {  	s9 =	sshrl.u32 s8, $0x1;
	s21 =	sadd.s32 s6, s2;
	s6 =	sadd.s32 $0x9C000, s2  }
0xb: {  	s5 =	smul.u32 $0x4E2, s4;
	[smem:$0x7FF] =	sst s3;
	s4 =	sadd.s32 $0x1B200, s1  }
0xc: {  	s24 =	sadd.s32 s12, s7;
	_ =	strace $0x8000004D;
	[dreg:$0x3] =	wrdreg s12  }
0xd: {  	s10 =	sadd.s32 s7, s1;
	s8 =	ssub.s32 s8, s9;
	[dreg:$0xb] =	wrdreg s24  }
0xe: {  	s9 =	sshll.u32 s11, $0x6;
	s25 =	sadd.s32 s13, s7;
	[dreg:$0x4] =	wrdreg s13  }
0xf: {  	s18 =	sshrl.u32 s21, $0x3;
	s0 =	sshrl.u32 @!p1 s6, $0x3;
	[dreg:$0xc] =	wrdreg s25  }
0x10: {  	s21 =	simm.s32 $0x50;
	s22 =	sadd.s32 $0x2EC00, s10;
	[dreg:$0x9] =	wrdreg s6  }
0x11: {  	s23 =	sor.u32 $0x1C05, s9;
	s26 =	smax.u32 s8, $0x1;
	[dreg:$0xe] =	wrdreg s0  }
0x12: {  	s25 =	simm.s32 $0x7620;
	s0 =	simm.s32 $0x6;
	s24 =	simm.s32 $0x11620  }
0x13: {  	s6 =	simm.s32 $0xB220;
	s12 =	simm.s32 $0xDA20;
	[dreg:$0x7] =	wrdreg s22  }
.Ltmp0:
0x14: {  	s5 =	sadd.s32 s5, s1;
	[dreg:$0x8] =	wrdreg s23;
	(pc) =	sbr.rel .LBB2_1-.Ltmp0, $4  }
0x15: {  	s1 =	sadd.s32 $0x42400, s1;
	[dreg:$0xd] =	wrdreg s26;
	s22 =	simm.s32 $0x4E20  }
0x16: {  	s23 =	simm.s32 $0x6220;
	s20 =	sadd.s32 $0x11400, s5;
	[dreg:$0xa] =	wrdreg s1  }
0x17: {  	s26 =	simm.s32 $0x9E20;
	s5 =	sadd.s32 $0x7600, s5;
	[dreg:$0x5] =	wrdreg s20  }
0x18: {  	s1 =	simm.s32 $0xC620;
	[dreg:$0x6] =	wrdreg s5;
	s5 =	simm.s32 $0x12A20  }
.LBB2_14:
0x19: {  	s10 =	rddreg [dreg:$0x9]  }
0x1a: {  	s8 =	sadd.s32 $0x13800, s8;
	s10 =	sshrl.u32 s10, $0x3  }
0x1b: {  	[hbm:s8], [sflag:s7] =	dma.local [spmem:s10], $0x80  }
0x1c: {  	_ =	swait.ge [sflag:s0], $0x80  }
0x1d: {  	[sflag:s0] =	ssyncset.done $0x0  }
0x1e: {  	[sflag:s0] =	ssyncadd.s32 $0xFFFFFF80  }
.LBB2_15:
0x1f: {  	s17 =	sadd.s32 $0x1, s17;
	s7 =	rddreg [dreg:$0xd]  }
0x20: {  	p3 =	sne.s32 s17, s7  }
.Ltmp1:
0x21: {  	_ = 	snop;
	(pc) =	sbr.rel @!p3 .LBB2_16-.Ltmp1, $1  }
0x22: {  	_ =	sdelay $0x3  }
.LBB2_1:
0x23: {  	s7 =	rddreg [dreg:$0x5]  }
0x24: {  	s10 =	rddreg [dreg:$0x6]  }
0x25: {  	s11 =	rddreg [dreg:$0x7]  }
0x26: {  	[tilespmem:s3], [sflag:$0x5] =	stream.linear.gather [hbm4b:s7+s3], $0x2710, $0x38;
	[tilespmem:$0x1DA60] =	vst v63  }
0x27: {  	s8 =	simm.s32 $0x2710;
	s13 =	rddreg [dreg:$0x8]  }
0x28: {  	[tilespmem:s8], [sflag:$0x5] =	stream.linear.gather [hbm4b:s10+s3], $0x2710, $0x38;
	[tilespmem:$0x1DA60] =	vst v63  }
0x29: {  	[spmem:s18], [sflag:s13] =	dma.local [hbm:s11], $0x1380  }
0x2a: {  	_ =	swait.ge [sflag:s19], $0x2710  }
0x2b: {  	[sflag:s19] =	ssyncset.done $0x0  }
0x2c: {  	[sflag:s19] =	ssyncadd.s32 $0xFFFFD8F0  }
0x2d: {  	_ =	swait.ge [sflag:s19], $0x2710  }
0x2e: {  	[sflag:s19] =	ssyncset.done $0x0  }
0x2f: {  	[sflag:s19] =	ssyncadd.s32 $0xFFFFD8F0  }
0x30: {  	_ =	swait.ge [sflag:s19], $0x1380  }
0x31: {  	[sflag:s19] =	ssyncset.done $0x0;
	s8 =	rddreg [dreg:$0xa]  }
0x32: {  	s7 =	simm.s32 @!p1 $0x1FC6;
	s10 =	rddreg [dreg:$0xe];
	[sflag:s19] =	ssyncadd.s32 $0xFFFFEC80  }
0x33: {  	[spmem:s10], [sflag:s7] =	dma.local @!p1 [hbm:s8], $0x80  }
0x34: {  	s7 =	simm.s32 @!p1 $0x6  }
0x35: {  	_ =	swait.ge @!p1 [sflag:s7], $0x80  }
0x36: {  	[sflag:s7] =	ssyncset.done @!p1 $0x0  }
0x37: {  	[sflag:s7] =	ssyncadd.s32 @!p1 $0xFFFFFF80  }
0x38: {  	[bflag:$0x0] =	sbarrier.arrive $0xFFFF  }
0x39: {  	[tilespmem:s22], [sflag:$0x1] =	stream.indirect.gather [hbm4b:s4+s21], $0x40, s3, s21, $0xb8;
	[tilespmem:$0x1DA60] =	vst v63  }
0x3a: {  	_ = 	snop  }
0x3b: {  	[tilespmem:s23], [sflag:$0x1] =	stream.indirect.gather [hbm4b:s4+s21], $0x40, s21, s21, $0xb8;
	[tilespmem:$0x1DA60] =	vst v63  }
.Ltmp2:
0x3c: {  	_ = 	snop;
	(pc) =	sbr.rel .LBB2_2-.Ltmp2, $4  }
0x3d: {  	s16 =	simm.s32 $0xA0  }
0x3e: {  	[tilespmem:s25], [sflag:$0x1] =	stream.indirect.gather [hbm4b:s4+s21], $0x40, s16, s21, $0xb8;
	[tilespmem:$0x1DA60] =	vst v63  }
0x3f: {  	s20 =	simm.s32 $0xF0;
	s8 =	simm.s32 $0x0;
	s7 =	simm.s32 $0x0  }
0x40: {  	[tilespmem:s28], [sflag:$0x1] =	stream.indirect.gather [hbm4b:s4+s21], $0x40, s20, s21, $0xb8;
	[tilespmem:$0x1DA60] =	vst v63  }
.LBB2_7:
0x41: {  	s10 =	sshra.s32 s7, $0x2  }
0x42: {  	s11 =	sadd.s32 $0x2710, s10  }
0x43: {  	[spmem:s2] =	stream.indirect.scatter.add.f32 [tilespmem:s22], [sflag:$0x2], $0x40, s11, s21, $0xb8;
	[tilespmem:$0x1DA60] =	vst v63  }
0x44: {  	s16 =	sadd.s32 $0x2760, s10  }
0x45: {  	[spmem:s2] =	stream.indirect.scatter.add.f32 [tilespmem:s23], [sflag:$0x2], $0x40, s16, s21, $0xb8;
	[tilespmem:$0x1DA60] =	vst v63  }
0x46: {  	s20 =	sadd.s32 $0x27B0, s10  }
0x47: {  	[spmem:s2] =	stream.indirect.scatter.add.f32 [tilespmem:s25], [sflag:$0x2], $0x40, s20, s21, $0xb8;
	[tilespmem:$0x1DA60] =	vst v63  }
0x48: {  	s10 =	sadd.s32 $0x2800, s10  }
0x49: {  	[spmem:s2] =	stream.indirect.scatter.add.f32 [tilespmem:s28], [sflag:$0x2], $0x40, s10, s21, $0xb8;
	[tilespmem:$0x1DA60] =	vst v63  }
.LBB2_10:
0x4a: {  	s7 =	sadd.s32 $0x500, s7  }
0x4b: {  	p3 =	sne.s32 s7, $0x9B00  }
.Ltmp3:
0x4c: {  	_ = 	snop;
	(pc) =	sbr.rel @!p3 .LBB2_11-.Ltmp3, $2  }
0x4d: {  	_ =	sdelay $0x2  }
0x4e: {  	s8 =	sadd.s32 $0x1, s8  }
.LBB2_2:
0x4f: {  	s10 =	smul.u32 $0xAB, s8;
	_ =	sdelay $0x1  }
0x50: {  	s11 =	sadd.s32 $0xAB, s10  }
0x51: {  	s11 =	sshrl.u32 s11, $0x9  }
0x52: {  	s11 =	sand.u32 $0x7F, s11  }
0x53: {  	s11 =	smul.u32 $0x3, s11;
	_ =	sdelay $0x1  }
0x54: {  	s11 =	ssub.s32 s8, s11  }
0x55: {  	p3 =	slt.u32 s8, $0x2;
	s11 =	sadd.s32 $0x1, s11  }
0x56: {  	s13 =	sand.u32 @!p3 $0xFF, s11  }
0x57: {  	p4 =	seq.s32 @!p3 s13, $0x0  }
0x58: {  	p3 =	por p3, !p4  }
0x59: {  	p4 =	slt.u32 @p3 s8, $0x2  }
0x5a: {  	p5 =	por p4, !p3  }
0x5b: {  	s13 =	sand.u32 @!p5 $0xFF, s11  }
0x5c: {  	p5 =	seq.s32 @!p5 s13, $0x1  }
0x5d: {  	p4 =	por @p3 p4, !p5  }
0x5e: {  	_ =	swait.ge [sflag:s29], $0x1400;
	p4 =	por !p3, !p4  }
0x5f: {  	[sflag:s29] =	ssyncset.done $0x0;
	p5 =	slt.u32 @!p4 s8, $0x2  }
0x60: {  	[sflag:s29] =	ssyncadd.s32 $0xFFFFEC00;
	p6 =	por p5, p4  }
0x61: {  	_ =	swait.ge [sflag:s29], $0x1400;
	s13 =	sand.u32 @!p6 $0xFF, s11  }
0x62: {  	[sflag:s29] =	ssyncset.done $0x0;
	p6 =	sne.s32 @!p6 s13, $0x2  }
0x63: {  	[sflag:s29] =	ssyncadd.s32 $0xFFFFEC00;
	p5 =	por @!p4 p5, p6  }
0x64: {  	_ =	swait.ge [sflag:s29], $0x1400;
	p5 =	por p4, !p5  }
.Ltmp4:
0x65: {  	[sflag:s29] =	ssyncset.done $0x0;
	(pc) =	sbr.rel @!p5 .LBB2_4-.Ltmp4, $4  }
0x66: {  	[sflag:s29] =	ssyncadd.s32 $0xFFFFEC00  }
0x67: {  	_ =	swait.ge [sflag:s29], $0x1400  }
0x68: {  	[sflag:s29] =	ssyncset.done $0x0  }
0x69: {  	[sflag:s29] =	ssyncadd.s32 $0xFFFFEC00  }
0x6a: {  	s13 =	simm.s32 $0x2  }
0x6b: {  	s13 =	simm.s32 @p3 $0x3  }
0x6c: {  	s13 =	simm.s32 @!p4 $0x4  }
0x6d: {  	_ =	swait.ge [sflag:s13], $0x1400  }
0x6e: {  	[sflag:s13] =	ssyncset.done $0x0  }
0x6f: {  	[sflag:s13] =	ssyncadd.s32 $0xFFFFEC00  }
0x70: {  	_ =	swait.ge [sflag:s13], $0x1400  }
0x71: {  	[sflag:s13] =	ssyncset.done $0x0  }
0x72: {  	[sflag:s13] =	ssyncadd.s32 $0xFFFFEC00  }
0x73: {  	_ =	swait.ge [sflag:s13], $0x1400  }
0x74: {  	[sflag:s13] =	ssyncset.done $0x0  }
0x75: {  	[sflag:s13] =	ssyncadd.s32 $0xFFFFEC00  }
0x76: {  	_ =	swait.ge [sflag:s13], $0x1400  }
0x77: {  	[sflag:s13] =	ssyncset.done $0x0  }
0x78: {  	[sflag:s13] =	ssyncadd.s32 $0xFFFFEC00  }
.LBB2_4:
0x79: {  	p3 =	seq.s32 s7, $0x9600  }
.Ltmp5:
0x7a: {  	_ = 	snop;
	(pc) =	sbr.rel @p3 .LBB2_7-.Ltmp5, $1  }
0x7b: {  	_ =	sdelay $0x3  }
0x7c: {  	s11 =	sand.u32 $0xFF, s11;
	s10 =	sshrl.u32 s10, $0x9  }
0x7d: {  	s11 =	smul.u32 $0x14000, s11;
	s10 =	sand.u32 $0x7F, s10  }
0x7e: {  	s10 =	smul.u32 $0x3, s10  }
0x7f: {  	s13 =	sshrl.u32 s11, $0x2;
	s11 =	sshra.s32 s7, $0x2  }
0x80: {  	s16 =	sadd.s32 $0x4E20, s13;
	s20 =	sadd.s32 $0x140, s11;
	s10 =	ssub.s32 s8, s10  }
0x81: {  	[tilespmem:s16], [sflag:$0x1] =	stream.indirect.gather [hbm4b:s4+s21], $0x40, s20, s21, $0xb8;
	[tilespmem:$0x1DA60] =	vst v63  }
0x82: {  	s10 =	sand.u32 $0xFF, s10  }
0x83: {  	s16 =	sadd.s32 $0x6220, s13;
	s20 =	sadd.s32 $0x190, s11;
	p3 =	seq.s32 s10, $0x2  }
0x84: {  	[tilespmem:s16], [sflag:$0x1] =	stream.indirect.gather [hbm4b:s4+s21], $0x40, s20, s21, $0xb8;
	[tilespmem:$0x1DA60] =	vst v63  }
.Ltmp6:
0x85: {  	_ = 	snop;
	(pc) =	sbr.rel @p3 .LBB2_9-.Ltmp6, $4  }
0x86: {  	s16 =	sadd.s32 $0x7620, s13;
	s20 =	sadd.s32 $0x1E0, s11  }
0x87: {  	[tilespmem:s16], [sflag:$0x1] =	stream.indirect.gather [hbm4b:s4+s21], $0x40, s20, s21, $0xb8;
	[tilespmem:$0x1DA60] =	vst v63  }
0x88: {  	s13 =	sadd.s32 $0x8A20, s13;
	s20 =	sadd.s32 $0x230, s11  }
0x89: {  	[tilespmem:s13], [sflag:$0x1] =	stream.indirect.gather [hbm4b:s4+s21], $0x40, s20, s21, $0xb8;
	[tilespmem:$0x1DA60] =	vst v63  }
0x8a: {  	p3 =	seq.s32 s10, $0x1  }
.Ltmp7:
0x8b: {  	_ = 	snop;
	(pc) =	sbr.rel @!p3 .LBB2_7-.Ltmp7, $1  }
0x8c: {  	_ =	sdelay $0x3  }
0x8d: {  	s10 =	sadd.s32 $0x2710, s11  }
0x8e: {  	[spmem:s2] =	stream.indirect.scatter.add.f32 [tilespmem:s26], [sflag:$0x3], $0x40, s10, s21, $0xb8;
	[tilespmem:$0x1DA60] =	vst v63  }
0x8f: {  	s13 =	sadd.s32 $0x2760, s11  }
0x90: {  	[spmem:s2] =	stream.indirect.scatter.add.f32 [tilespmem:s6], [sflag:$0x3], $0x40, s13, s21, $0xb8;
	[tilespmem:$0x1DA60] =	vst v63  }
.Ltmp8:
0x91: {  	_ = 	snop;
	(pc) =	sbr.rel .LBB2_10-.Ltmp8, $4  }
0x92: {  	s16 =	sadd.s32 $0x27B0, s11  }
0x93: {  	[spmem:s2] =	stream.indirect.scatter.add.f32 [tilespmem:s1], [sflag:$0x3], $0x40, s16, s21, $0xb8;
	[tilespmem:$0x1DA60] =	vst v63  }
0x94: {  	s20 =	sadd.s32 $0x2800, s11  }
0x95: {  	[spmem:s2] =	stream.indirect.scatter.add.f32 [tilespmem:s12], [sflag:$0x3], $0x40, s20, s21, $0xb8;
	[tilespmem:$0x1DA60] =	vst v63  }
.LBB2_9:
0x96: {  	s10 =	sadd.s32 $0x2710, s11  }
0x97: {  	[spmem:s2] =	stream.indirect.scatter.add.f32 [tilespmem:s14], [sflag:$0x4], $0x40, s10, s21, $0xb8;
	[tilespmem:$0x1DA60] =	vst v63  }
0x98: {  	s13 =	sadd.s32 $0x2760, s11  }
0x99: {  	[spmem:s2] =	stream.indirect.scatter.add.f32 [tilespmem:s15], [sflag:$0x4], $0x40, s13, s21, $0xb8;
	[tilespmem:$0x1DA60] =	vst v63  }
.Ltmp9:
0x9a: {  	_ = 	snop;
	(pc) =	sbr.rel .LBB2_10-.Ltmp9, $4  }
0x9b: {  	s16 =	sadd.s32 $0x27B0, s11  }
0x9c: {  	[spmem:s2] =	stream.indirect.scatter.add.f32 [tilespmem:s24], [sflag:$0x4], $0x40, s16, s21, $0xb8;
	[tilespmem:$0x1DA60] =	vst v63  }
0x9d: {  	s20 =	sadd.s32 $0x2800, s11  }
0x9e: {  	[spmem:s2] =	stream.indirect.scatter.add.f32 [tilespmem:s5], [sflag:$0x4], $0x40, s20, s21, $0xb8;
	[tilespmem:$0x1DA60] =	vst v63  }
.LBB2_11:
0x9f: {  	_ =	swait.ge [sflag:s31], $0x1400  }
0xa0: {  	[sflag:s31] =	ssyncset.done $0x0  }
0xa1: {  	[sflag:s31] =	ssyncadd.s32 $0xFFFFEC00  }
0xa2: {  	_ =	swait.ge [sflag:s31], $0x1400  }
0xa3: {  	[sflag:s31] =	ssyncset.done $0x0  }
0xa4: {  	[sflag:s31] =	ssyncadd.s32 $0xFFFFEC00  }
0xa5: {  	_ =	swait.ge [sflag:s31], $0x1400  }
0xa6: {  	[sflag:s31] =	ssyncset.done $0x0  }
0xa7: {  	[sflag:s31] =	ssyncadd.s32 $0xFFFFEC00  }
0xa8: {  	_ =	swait.ge [sflag:s31], $0x1400  }
0xa9: {  	[sflag:s31] =	ssyncset.done $0x0  }
0xaa: {  	[sflag:s31] =	ssyncadd.s32 $0xFFFFEC00  }
0xab: {  	_ =	swait.ge [sflag:s30], $0x1400  }
0xac: {  	[sflag:s30] =	ssyncset.done $0x0  }
0xad: {  	[sflag:s30] =	ssyncadd.s32 $0xFFFFEC00  }
0xae: {  	_ =	swait.ge [sflag:s30], $0x1400  }
0xaf: {  	[sflag:s30] =	ssyncset.done $0x0  }
0xb0: {  	[sflag:s30] =	ssyncadd.s32 $0xFFFFEC00  }
0xb1: {  	_ =	swait.ge [sflag:s30], $0x1400  }
0xb2: {  	[sflag:s30] =	ssyncset.done $0x0  }
0xb3: {  	[sflag:s30] =	ssyncadd.s32 $0xFFFFEC00  }
0xb4: {  	_ =	swait.ge [sflag:s30], $0x1400  }
0xb5: {  	[sflag:s30] =	ssyncset.done $0x0  }
0xb6: {  	s7 =	simm.s32 $0x26C0;
	[sflag:s30] =	ssyncadd.s32 $0xFFFFEC00  }
0xb7: {  	[tilespmem:s22], [sflag:$0x6] =	stream.indirect.gather [hbm4b:s4+s21], $0x40, s7, s21, $0xb8;
	[tilespmem:$0x1DA60] =	vst v63  }
0xb8: {  	_ =	swait.ge [sflag:s0], $0x1400  }
0xb9: {  	[sflag:s0] =	ssyncset.done $0x0  }
0xba: {  	s20 =	simm.s32 $0x4DD0;
	[sflag:s0] =	ssyncadd.s32 $0xFFFFEC00  }
0xbb: {  	[spmem:s2] =	stream.indirect.scatter.add.f32 [tilespmem:s22], [sflag:$0x6], $0x40, s20, s21, $0xb8;
	[tilespmem:$0x1DA60] =	vst v63  }
.Ltmp10:
0xbc: {  	_ =	swait.ge [sflag:s0], $0x1400;
	(pc) =	sbr.rel @!p0 .LBB2_12-.Ltmp10, $4  }
0xbd: {  	[sflag:s0] =	ssyncset.done $0x0  }
0xbe: {  	[sflag:s0] =	ssyncadd.s32 $0xFFFFEC00  }
0xbf: {  	[bflag:$0x0] =	sbarrier.arrive $0xFFFF  }
0xc0: {  	s7 =	sor.u32 $0x1C06, s9  }
0xc1: {  	s7 =	sor.u32 $0x1C06, s9;
	s8 =	rddreg [dreg:$0xc]  }
0xc2: {  	[hbm:s8], [sflag:s7] =	dma.local [spmem:s18], $0x1380  }
.Ltmp11:
0xc3: {  	_ = 	snop;
	(pc) =	sbr.rel @p1 .LBB2_15-.Ltmp11, $4  }
.Ltmp12:
0xc4: {  	_ = 	snop;
	(pc) =	sbr.rel @!p1 .LBB2_14-.Ltmp12, $4  }
0xc5: {  	_ =	swait.ge [sflag:s0], $0x1380  }
0xc6: {  	[sflag:s0] =	ssyncset.done $0x0  }
0xc7: {  	s8 =	rddreg [dreg:$0x4];
	[sflag:s0] =	ssyncadd.s32 $0xFFFFEC80  }
0xc8: {  	_ = 	snop  }
.LBB2_12:
0xc9: {  	s8 =	rddreg [dreg:$0xb]  }
0xca: {  	[hbm:s8], [sflag:s7] =	dma.local [spmem:s18], $0x1380  }
.Ltmp13:
0xcb: {  	_ = 	snop;
	(pc) =	sbr.rel @p2 .LBB2_14-.Ltmp13, $4  }
.Ltmp14:
0xcc: {  	_ = 	snop;
	(pc) =	sbr.rel @!p2 .LBB2_15-.Ltmp14, $4  }
0xcd: {  	_ =	swait.ge [sflag:s0], $0x1380  }
0xce: {  	[sflag:s0] =	ssyncset.done $0x0  }
0xcf: {  	s8 =	rddreg [dreg:$0x3];
	[sflag:s0] =	ssyncadd.s32 $0xFFFFEC80  }
0xd0: {  	_ = 	snop  }
.LBB2_16:
0xd1: {  	_ =	sfence.sel $0x180000  }
0xd2: {  	[bflag:$0x0] =	sbarrier.arrive $0xFFFF  }
0xd3: {  	_ =	strace $0x9000004D  }
0xd4: {  	s0 =	stileid.u32;
	[bflag:$0x2] =	sbarrier.arrive $0xFFFF  }
0xd5: {  	p0 =	sne.s32 s0, $0x0;
	s0 =	rddreg [dreg:$0x2]  }
0xd6: {  	s0 =	sadd.s32 @!p0 $0x100000, s0  }
0xd7: {  	[sflag:s0] =	ssyncadd.tile.s32 @!p0 $0x1;
	_ =	shalt  }
.Lfunc_end2:
_tile_overlayer_lowered:
.L_overlay_start_2:
0xd8: {  	(tag) =	ssettag $0x2  }
0xd9: {  	s0 =	rddreg [dreg:$0x0];
	s2 =	stileid.u32  }
0xda: {  	s1 =	rddreg [dreg:$0x1];
	p0 =	sne.s32 s2, $0x0  }
0xdb: {  	s3 =	rddreg [dreg:$0x2];
	[bflag:$0x3] =	sbarrier.arrive $0xFFFF;
	s2 =	simm.s32 @!p0 $0x1C06  }
0xdc: {  	[timem:s3], [sflag:s2] =	dma.local @!p0 [hbm:s0], s1  }
0xdd: {  	s0 =	simm.s32 @!p0 $0x6  }
0xde: {  	_ =	swait.ge @!p0 [sflag:s0], s1  }
0xdf: {  	s1 =	ssub.s32 @!p0 $0x0, s1;
	[sflag:s0] =	ssyncset.done @!p0 $0x0  }
0xe0: {  	[sflag:s0] =	ssyncadd.s32 @!p0 s1  }
0xe1: {  	[bflag:$0x3] =	sbarrier.arrive $0xFFFF  }
0xe2: {  	_ =	shalt  }

// kernel: kernel.21.cloned.1.call-start
scs
__scs_entry_jumppad:
0x0: {  	(pc) =	sbr.rel $0x88, $3  }
0x1: {  	(tag) =	ssettag $0x0;
	lr =	simm.s32 $0x1  }
0x2: {  	[smem:$0x3F8E] =	sst lr;
	_ =	strace $0xD0000000  }
0x3: {  	_ = 	snop  }
0x4: {  	_ = 	snop  }
0x5: {  	_ = 	snop  }
0x6: {  	_ = 	snop  }
0x7: {  	_ = 	snop  }
__scs_overlays_trampoline_lowered:
0x8: {  	[smem:$0x3F9D] =	sst s0  }
0x9: {  	[smem:$0x3F9E] =	sst s1  }
0xa: {  	[smem:$0x3F9F] =	sst s2  }
0xb: {  	[smem:$0x3FA0] =	sst s3  }
0xc: {  	[smem:$0x3FA1] =	sst s4  }
0xd: {  	[smem:$0x3FA2] =	sst s5  }
0xe: {  	[smem:$0x3FA3] =	sst s6  }
0xf: {  	[smem:$0x3FA4] =	sst s7  }
0x10: {  	[smem:$0x3FA5] =	sst s8  }
0x11: {  	[smem:$0x3FA6] =	sst s9;
	s0 =	simm.s32 @!p0 $0x0  }
0x12: {  	s1 =	sld [smem:$0x3F8C];
	s0 =	simm.s32 @p0 $0x1  }
0x13: {  	[smem:$0x3FA7] =	sst s0;
	s0 =	simm.s32 @!p1 $0x0  }
0x14: {  	s2 =	sld [smem:$0x3F8B];
	s0 =	simm.s32 @p1 $0x1  }
0x15: {  	[smem:$0x3FA8] =	sst s0;
	s0 =	simm.s32 @!p2 $0x0  }
0x16: {  	s3 =	sld [smem:$0x3FDB];
	s0 =	simm.s32 @p2 $0x1  }
0x17: {  	s4 =	simm.s32 $0x1BF5;
	[smem:$0x3FAA] =	sst s0  }
0x18: {  	s0 =	sld [smem:$0x3F8D];
	_ =	swait.ge [sflag:s4], $0x0  }
0x19: {  	s7 =	sld [smem:$0x3F8E]  }
0x1a: {  	s8 =	sadd.s32 $0xFFFFE003, lr  }
0x1b: {  	s9 =	sadd.s32 $0xFFFFFEF7, lr;
	s5 =	simm.s32 $0xFFFFFFFF;
	p2 =	slt.u32 s8, $0xFFFFF086  }
0x1c: {  	p1 =	slt.u32 s9, $0xF7A;
	s5 =	simm.s32 @!p2 $0x0  }
0x1d: {  	s5 =	simm.s32 @p1 $0x1;
	p0 =	seq.s32 s7, s2  }
0x1e: {  	s7 =	smul.u32 @!p0 $0xF7A, s2;
	p2 =	seq.s32 @!p0 s5, $0x0  }
0x1f: {  	s9 =	smul.u32 $0xF7A, s1;
	s8 =	simm.s32 @!p0 $0x1BF5;
	p2 =	por !p2, p0  }
0x20: {  	[sflag:s8] =	ssyncset.s32 @!p0 $0xFFFFF086;
	s6 =	sadd.s32 @!p0 s3, s7;
	s7 =	simm.s32 @!p0 $0x108  }
0x21: {  	s3 =	sadd.s32 s3, s9;
	s6 =	sadd.s32 @!p0 $0x88, s6;
	s7 =	simm.s32 @p2 $0x1082  }
0x22: {  	[simem:s7], [sflag:s8] =	dma.local @!p0 [hbm:s6], $0xF7A  }
0x23: {  	s9 =	sor.u32 $0xD0000000, s2;
	s6 =	simm.s32 $0x108;
	_ =	swait.ge @!p0 [sflag:s8], $0x0  }
0x24: {  	s3 =	sadd.s32 $0x88, s3;
	s6 =	simm.s32 @!p1 $0x1082;
	[sflag:s4] =	ssyncset.s32 $0xFFFFF086  }
0x25: {  	[simem:s6], [sflag:s4] =	dma.local [hbm:s3], $0xF7A  }
0x26: {  	[smem:$0x3F8E] =	sst s1;
	(tag) =	ssettag s2;
	_ =	strace s9  }
0x27: {  	s1 =	sld [smem:$0x3F9E]  }
0x28: {  	s2 =	sld [smem:$0x3F9F]  }
0x29: {  	s4 =	sld [smem:$0x3FA1]  }
0x2a: {  	p0 =	seq.s32 s5, $0x0;
	s5 =	sld [smem:$0x3FA2]  }
0x2b: {  	s6 =	sld [smem:$0x3FA3]  }
0x2c: {  	s7 =	sld [smem:$0x3FA4]  }
0x2d: {  	s3 =	simm.s32 $0x108;
	s8 =	sld [smem:$0x3FA5]  }
0x2e: {  	s3 =	simm.s32 @!p0 $0x1082;
	s9 =	sld [smem:$0x3FA6]  }
0x2f: {  	lr =	sadd.s32 s0, s3;
	s0 =	sld [smem:$0x3F9D]  }
0x30: {  	s3 =	sld [smem:$0x3FA0]  }
0x31: {  	[smem:$0x3FA9] =	sst s10  }
0x32: {  	s10 =	sld [smem:$0x3FA7];
	_ =	sdelay $0x3  }
0x33: {  	p0 =	seq.s32 s10, $0x1;
	s10 =	sld [smem:$0x3FA9];
	_ =	sdelay $0x3  }
0x34: {  	[smem:$0x3FA9] =	sst s10  }
0x35: {  	s10 =	sld [smem:$0x3FA8];
	_ =	sdelay $0x3  }
0x36: {  	p1 =	seq.s32 s10, $0x1;
	s10 =	sld [smem:$0x3FA9];
	_ =	sdelay $0x3  }
0x37: {  	[smem:$0x3FA9] =	sst s10  }
0x38: {  	s10 =	sld [smem:$0x3FAA]  }
0x39: {  	_ = 	snop;
	(pc) =	sbr.ind lr, $3  }
0x3a: {  	_ = 	snop  }
0x3b: {  	_ = 	snop  }
0x3c: {  	p2 =	seq.s32 s10, $0x1;
	s10 =	sld [smem:$0x3FA9]  }
0x3d: {  	_ =	shalt  }
0x3e: {  	_ =	shalt  }
0x3f: {  	_ =	shalt  }
0x40: {  	_ =	shalt  }
0x41: {  	_ =	shalt  }
0x42: {  	_ =	shalt  }
0x43: {  	_ =	shalt  }
0x44: {  	_ =	shalt  }
0x45: {  	_ =	shalt  }
0x46: {  	_ =	shalt  }
0x47: {  	_ =	shalt  }
0x48: {  	_ =	shalt  }
0x49: {  	_ =	shalt  }
0x4a: {  	_ =	shalt  }
0x4b: {  	_ =	shalt  }
0x4c: {  	_ =	shalt  }
0x4d: {  	_ =	shalt  }
0x4e: {  	_ =	shalt  }
0x4f: {  	_ =	shalt  }
0x50: {  	_ =	shalt  }
0x51: {  	_ =	shalt  }
0x52: {  	_ =	shalt  }
0x53: {  	_ =	shalt  }
0x54: {  	_ =	shalt  }
0x55: {  	_ =	shalt  }
0x56: {  	_ =	shalt  }
0x57: {  	_ =	shalt  }
0x58: {  	_ =	shalt  }
0x59: {  	_ =	shalt  }
0x5a: {  	_ =	shalt  }
0x5b: {  	_ =	shalt  }
0x5c: {  	_ =	shalt  }
0x5d: {  	_ =	shalt  }
0x5e: {  	_ =	shalt  }
0x5f: {  	_ =	shalt  }
0x60: {  	_ =	shalt  }
0x61: {  	_ =	shalt  }
0x62: {  	_ =	shalt  }
0x63: {  	_ =	shalt  }
0x64: {  	_ =	shalt  }
0x65: {  	_ =	shalt  }
0x66: {  	_ =	shalt  }
0x67: {  	_ =	shalt  }
0x68: {  	_ =	shalt  }
0x69: {  	_ =	shalt  }
0x6a: {  	_ =	shalt  }
0x6b: {  	_ =	shalt  }
0x6c: {  	_ =	shalt  }
0x6d: {  	_ =	shalt  }
0x6e: {  	_ =	shalt  }
0x6f: {  	_ =	shalt  }
0x70: {  	_ =	shalt  }
0x71: {  	_ =	shalt  }
0x72: {  	_ =	shalt  }
0x73: {  	_ =	shalt  }
0x74: {  	_ =	shalt  }
0x75: {  	_ =	shalt  }
0x76: {  	_ =	shalt  }
0x77: {  	_ =	shalt  }
0x78: {  	_ =	shalt  }
0x79: {  	_ =	shalt  }
0x7a: {  	_ =	shalt  }
0x7b: {  	_ =	shalt  }
0x7c: {  	_ =	shalt  }
0x7d: {  	_ =	shalt  }
0x7e: {  	_ =	shalt  }
0x7f: {  	_ =	shalt  }
0x80: {  	_ =	shalt  }
0x81: {  	_ =	shalt  }
0x82: {  	_ =	shalt  }
0x83: {  	_ =	shalt  }
0x84: {  	_ =	shalt  }
0x85: {  	_ =	shalt  }
0x86: {  	_ =	shalt  }
0x87: {  	_ =	shalt  }
.Lfunc_end0:
.L_simem_size_0:
called_computation.3_lowered:
.L_overlay_start_0:
0x88: {  	s2 =	sld [smem:$0x3FD9]  }
0x89: {  	s3 =	sld [smem:$0x3FFE];
	_ =	sdelay $0x1  }
0x8a: {  	s1 =	srdreg.scid  }
0x8b: {  	s0 =	sand.u32 $0x1, s1  }
0x8c: {  	s16 =	sshll.u32 s0, $0xA;
	s2 =	sadd.s32 s3, s2  }
0x8d: {  	s2 =	sadd.s32 s2, s16  }
0x8e: {  	[smem:$0x3FB5] =	sst s2  }
0x8f: {  	_ = 	snop  }
0x90: {  	(tm) =	ssettm $0x1  }
0x91: {  	s17 =	sld [smem:$0x3FFB];
	_ =	sdelay $0x3  }
0x92: {  	_ =	strace s17  }
0x93: {  	s2 =	sld [smem:$0x3FFC];
	_ =	sdelay $0x3  }
0x94: {  	_ =	strace s2  }
0x95: {  	s2 =	sld [smem:$0x3FFD];
	_ =	sdelay $0x3  }
0x96: {  	_ =	strace s2  }
0x97: {  	_ =	strace $0x8FFFFFFF  }
0x98: {  	s18 =	sld [smem:$0x3FDB];
	_ =	sdelay $0x1  }
0x99: {  	s19 =	simm.s32 $_scs_section_size  }
0x9a: {  	s4 =	simm.s32 $_size__tile_overlayer_lowered;
	s5 =	simm.s32 $_tile_overlayer_lowered  }
0x9b: {  	s22 =	simm.s32 $0x1BFF;
	s21 =	sshll.u32 s5, $0x1;
	s2 =	sadd.s32 s19, s18  }
0x9c: {  	s6 =	simm.s32 $0x0;
	s20 =	sshll.u32 s4, $0x1;
	s4 =	sadd.s32 s21, s2  }
0x9d: {  	[timem:s6], [sflag:s22] =	dma.local [hbm:s4], s20  }
0x9e: {  	_ =	swait.ge [sflag:s22], s20  }
0x9f: {  	s3 =	ssub.s32 $0x0, s20;
	[sflag:s22] =	ssyncset.done $0x0  }
0xa0: {  	[sflag:s22] =	ssyncadd.s32 s3;
	_ =	sdelay $0x1  }
0xa1: {  	s23 =	simm.s32 $0x1B8B  }
0xa2: {  	_ =	swait.ge [sflag:s23], $0x1  }
0xa3: {  	[sflag:s23] =	ssyncset.done $0x0  }
0xa4: {  	s25 =	simm.s32 $0x1B8E;
	s24 =	sld [smem:$0x3FFE];
	[sflag:s23] =	ssyncadd.s32 $0xFFFFFFFF  }
0xa5: {  	s26 =	simm.s32 $execute0_lowered;
	[smem:$0x3FD2] =	sst s25  }
0xa6: {  	s4 =	sshll.u32 s26, $0x1;
	_ =	strace $0x8000004F;
	[dreg:$0x1] =	wrdreg $0xFFFFFFFF  }
0xa7: {  	s28 =	simm.s32 $_size_execute0_lowered;
	s2 =	sadd.s32 s2, s4;
	[dreg:$0x0] =	wrdreg $0x0  }
0xa8: {  	s4 =	sshll.u32 s28, $0x1;
	[dreg:$0x2] =	wrdreg s2  }
0xa9: {  	[dreg:$0x3] =	wrdreg s4  }
0xaa: {  	[dreg:$0x4] =	wrdreg $0xC0  }
0xab: {  	_ =	task [dreg:s6], $0x5FFFF  }
0xac: {  	[dreg:$0x1] =	wrdreg $0xFFFFFFFF  }
0xad: {  	[dreg:$0x0] =	wrdreg $0x60  }
0xae: {  	[dreg:$0x2] =	wrdreg s24  }
0xaf: {  	[dreg:$0x3] =	wrdreg $0x13E200  }
0xb0: {  	[dreg:$0x4] =	wrdreg $0x9  }
0xb1: {  	_ =	task.clear_ibuf [dreg:s6], $0x5FFFF;
	_ =	strace $0x9000004F  }
0xb2: {  	s29 =	simm.s32 $0x9;
	_ =	strace $0x80000051  }
0xb3: {  	_ =	swait.ge [sflag:s29], $0x1  }
0xb4: {  	[sflag:s29] =	ssyncadd.s32 $0xFFFFFFFF  }
0xb5: {  	_ =	strace $0x90000051  }
0xb6: {  	_ =	sfence  }
0xb7: {  	s30 =	sld [smem:$0x0];
	_ =	sdelay $0x2  }
0xb8: {  	s31 =	sshll.u32 s1, $0xD;
	s1 =	sshrl.u32 s1, $0x2  }
0xb9: {  	s3 =	sand.u32 $0x4000, s31;
	s1 =	sadd.s32 s1, s30  }
0xba: {  	s0 =	sor.u32 s3, s0;
	s1 =	sshll.u32 s1, $0x11  }
0xbb: {  	s0 =	sor.u32 s1, s0  }
0xbc: {  	s0 =	sadd.s32 $0x8F2B, s0  }
0xbd: {  	[sflag:s0] =	ssyncadd.remote.s32 $0x1  }
0xbe: {  	_ =	sfence.sel $0xFFFF  }
0xbf: {  	[dreg:$0x0] =	wrdreg $0xFFFFFFFF;
	(pc) =	sbr.abs _section_cstart, $3  }
0xc0: {  	[dreg:$0x1] =	wrdreg $0xFFFFFFFF  }
0xc1: {  	_ =	task.clear_ibuf [dreg:s6], $0x2FFFF;
	_ =	strace $0x9FFFFFFF  }
0xc2: {  	(tm) =	ssettm $0x7FFFFFFF  }
0xc3: {  	_ =	shalt  }
tec
execute0_lowered:
.L_overlay_start_1:
0x0: {  	(tag) =	ssettag $0x1  }
0x1: {  	s0 =	srdreg.scid  }
0x2: {  	s1 =	rddreg [dreg:$0x0];
	s11 =	stileid.u32  }
0x3: {  	s2 =	rddreg [dreg:$0x1];
	s19 =	simm.s32 $0x5;
	s28 =	simm.s32 $0x8A20  }
0x4: {  	s29 =	simm.s32 $0x1;
	s30 =	simm.s32 $0x2;
	s31 =	simm.s32 $0x4  }
0x5: {  	s14 =	simm.s32 $0xEE20;
	s15 =	simm.s32 $0x10220;
	s17 =	simm.s32 $0x0  }
0x6: {  	s0 =	sand.u32 $0x1, s0;
	s6 =	smul.u32 $0x9C00, s11;
	s12 =	sadd.s32 $0x42600, s1  }
0x7: {  	s13 =	sadd.s32 $0x56000, s1;
	p1 =	sne.s32 s11, $0xF;
	p2 =	seq.s32 s11, $0xF  }
0x8: {  	s3 =	sshll.u32 s0, $0x4;
	s8 =	ssub.s32 $0x2, s0;
	p0 =	seq.s32 s0, $0x1  }
0x9: {  	s4 =	sor.u32 s11, s3;
	s3 =	simm.s32 $0x0;
	s7 =	sshrl.u32 s6, $0x3  }
0xa: {  	s9 =	sshrl.u32 s8, $0x1;
	s21 =	sadd.s32 s6, s2;
	s6 =	sadd.s32 $0x9C000, s2  }
0xb: {  	s5 =	smul.u32 $0x4E2, s4;
	[smem:$0x7FF] =	sst s3;
	s4 =	sadd.s32 $0x1B200, s1  }
0xc: {  	s24 =	sadd.s32 s12, s7;
	_ =	strace $0x80000050;
	[dreg:$0x3] =	wrdreg s12  }
0xd: {  	s10 =	sadd.s32 s7, s1;
	s8 =	ssub.s32 s8, s9;
	[dreg:$0xb] =	wrdreg s24  }
0xe: {  	s9 =	sshll.u32 s11, $0x6;
	s25 =	sadd.s32 s13, s7;
	[dreg:$0x4] =	wrdreg s13  }
0xf: {  	s18 =	sshrl.u32 s21, $0x3;
	s0 =	sshrl.u32 @!p1 s6, $0x3;
	[dreg:$0xc] =	wrdreg s25  }
0x10: {  	s21 =	simm.s32 $0x50;
	s22 =	sadd.s32 $0x2EC00, s10;
	[dreg:$0x9] =	wrdreg s6  }
0x11: {  	s23 =	sor.u32 $0x1C05, s9;
	s26 =	smax.u32 s8, $0x1;
	[dreg:$0xe] =	wrdreg s0  }
0x12: {  	s25 =	simm.s32 $0x7620;
	s0 =	simm.s32 $0x6;
	s24 =	simm.s32 $0x11620  }
0x13: {  	s6 =	simm.s32 $0xB220;
	s12 =	simm.s32 $0xDA20;
	[dreg:$0x7] =	wrdreg s22  }
.Ltmp0:
0x14: {  	s5 =	sadd.s32 s5, s1;
	[dreg:$0x8] =	wrdreg s23;
	(pc) =	sbr.rel .LBB2_1-.Ltmp0, $4  }
0x15: {  	s1 =	sadd.s32 $0x42400, s1;
	[dreg:$0xd] =	wrdreg s26;
	s22 =	simm.s32 $0x4E20  }
0x16: {  	s23 =	simm.s32 $0x6220;
	s20 =	sadd.s32 $0x11400, s5;
	[dreg:$0xa] =	wrdreg s1  }
0x17: {  	s26 =	simm.s32 $0x9E20;
	s5 =	sadd.s32 $0x7600, s5;
	[dreg:$0x5] =	wrdreg s20  }
0x18: {  	s1 =	simm.s32 $0xC620;
	[dreg:$0x6] =	wrdreg s5;
	s5 =	simm.s32 $0x12A20  }
.LBB2_14:
0x19: {  	s10 =	rddreg [dreg:$0x9]  }
0x1a: {  	s8 =	sadd.s32 $0x13800, s8;
	s10 =	sshrl.u32 s10, $0x3  }
0x1b: {  	[hbm:s8], [sflag:s7] =	dma.local [spmem:s10], $0x80  }
0x1c: {  	_ =	swait.ge [sflag:s0], $0x80  }
0x1d: {  	[sflag:s0] =	ssyncset.done $0x0  }
0x1e: {  	[sflag:s0] =	ssyncadd.s32 $0xFFFFFF80  }
.LBB2_15:
0x1f: {  	s17 =	sadd.s32 $0x1, s17;
	s7 =	rddreg [dreg:$0xd]  }
0x20: {  	p3 =	sne.s32 s17, s7  }
.Ltmp1:
0x21: {  	_ = 	snop;
	(pc) =	sbr.rel @!p3 .LBB2_16-.Ltmp1, $1  }
0x22: {  	_ =	sdelay $0x3  }
.LBB2_1:
0x23: {  	s7 =	rddreg [dreg:$0x5]  }
0x24: {  	s10 =	rddreg [dreg:$0x6]  }
0x25: {  	s11 =	rddreg [dreg:$0x7]  }
0x26: {  	[tilespmem:s3], [sflag:$0x5] =	stream.linear.gather [hbm4b:s7+s3], $0x2710, $0x38;
	[tilespmem:$0x1DA60] =	vst v63  }
0x27: {  	s8 =	simm.s32 $0x2710;
	s13 =	rddreg [dreg:$0x8]  }
0x28: {  	[tilespmem:s8], [sflag:$0x5] =	stream.linear.gather [hbm4b:s10+s3], $0x2710, $0x38;
	[tilespmem:$0x1DA60] =	vst v63  }
0x29: {  	[spmem:s18], [sflag:s13] =	dma.local [hbm:s11], $0x1380  }
0x2a: {  	_ =	swait.ge [sflag:s19], $0x2710  }
0x2b: {  	[sflag:s19] =	ssyncset.done $0x0  }
0x2c: {  	[sflag:s19] =	ssyncadd.s32 $0xFFFFD8F0  }
0x2d: {  	_ =	swait.ge [sflag:s19], $0x2710  }
0x2e: {  	[sflag:s19] =	ssyncset.done $0x0  }
0x2f: {  	[sflag:s19] =	ssyncadd.s32 $0xFFFFD8F0  }
0x30: {  	_ =	swait.ge [sflag:s19], $0x1380  }
0x31: {  	[sflag:s19] =	ssyncset.done $0x0;
	s8 =	rddreg [dreg:$0xa]  }
0x32: {  	s7 =	simm.s32 @!p1 $0x1FC6;
	s10 =	rddreg [dreg:$0xe];
	[sflag:s19] =	ssyncadd.s32 $0xFFFFEC80  }
0x33: {  	[spmem:s10], [sflag:s7] =	dma.local @!p1 [hbm:s8], $0x80  }
0x34: {  	s7 =	simm.s32 @!p1 $0x6  }
0x35: {  	_ =	swait.ge @!p1 [sflag:s7], $0x80  }
0x36: {  	[sflag:s7] =	ssyncset.done @!p1 $0x0  }
0x37: {  	[sflag:s7] =	ssyncadd.s32 @!p1 $0xFFFFFF80  }
0x38: {  	[bflag:$0x0] =	sbarrier.arrive $0xFFFF  }
0x39: {  	[tilespmem:s22], [sflag:$0x1] =	stream.indirect.gather [hbm4b:s4+s21], $0x40, s3, s21, $0xb8;
	[tilespmem:$0x1DA60] =	vst v63  }
0x3a: {  	_ = 	snop  }
0x3b: {  	[tilespmem:s23], [sflag:$0x1] =	stream.indirect.gather [hbm4b:s4+s21], $0x40, s21, s21, $0xb8;
	[tilespmem:$0x1DA60] =	vst v63  }
.Ltmp2:
0x3c: {  	_ = 	snop;
	(pc) =	sbr.rel .LBB2_2-.Ltmp2, $4  }
0x3d: {  	s16 =	simm.s32 $0xA0  }
0x3e: {  	[tilespmem:s25], [sflag:$0x1] =	stream.indirect.gather [hbm4b:s4+s21], $0x40, s16, s21, $0xb8;
	[tilespmem:$0x1DA60] =	vst v63  }
0x3f: {  	s20 =	simm.s32 $0xF0;
	s8 =	simm.s32 $0x0;
	s7 =	simm.s32 $0x0  }
0x40: {  	[tilespmem:s28], [sflag:$0x1] =	stream.indirect.gather [hbm4b:s4+s21], $0x40, s20, s21, $0xb8;
	[tilespmem:$0x1DA60] =	vst v63  }
.LBB2_7:
0x41: {  	s10 =	sshra.s32 s7, $0x2  }
0x42: {  	s11 =	sadd.s32 $0x2710, s10  }
0x43: {  	[spmem:s2] =	stream.indirect.scatter.add.f32 [tilespmem:s22], [sflag:$0x2], $0x40, s11, s21, $0xb8;
	[tilespmem:$0x1DA60] =	vst v63  }
0x44: {  	s16 =	sadd.s32 $0x2760, s10  }
0x45: {  	[spmem:s2] =	stream.indirect.scatter.add.f32 [tilespmem:s23], [sflag:$0x2], $0x40, s16, s21, $0xb8;
	[tilespmem:$0x1DA60] =	vst v63  }
0x46: {  	s20 =	sadd.s32 $0x27B0, s10  }
0x47: {  	[spmem:s2] =	stream.indirect.scatter.add.f32 [tilespmem:s25], [sflag:$0x2], $0x40, s20, s21, $0xb8;
	[tilespmem:$0x1DA60] =	vst v63  }
0x48: {  	s10 =	sadd.s32 $0x2800, s10  }
0x49: {  	[spmem:s2] =	stream.indirect.scatter.add.f32 [tilespmem:s28], [sflag:$0x2], $0x40, s10, s21, $0xb8;
	[tilespmem:$0x1DA60] =	vst v63  }
.LBB2_10:
0x4a: {  	s7 =	sadd.s32 $0x500, s7  }
0x4b: {  	p3 =	sne.s32 s7, $0x9B00  }
.Ltmp3:
0x4c: {  	_ = 	snop;
	(pc) =	sbr.rel @!p3 .LBB2_11-.Ltmp3, $2  }
0x4d: {  	_ =	sdelay $0x2  }
0x4e: {  	s8 =	sadd.s32 $0x1, s8  }
.LBB2_2:
0x4f: {  	s10 =	smul.u32 $0xAB, s8;
	_ =	sdelay $0x1  }
0x50: {  	s11 =	sadd.s32 $0xAB, s10  }
0x51: {  	s11 =	sshrl.u32 s11, $0x9  }
0x52: {  	s11 =	sand.u32 $0x7F, s11  }
0x53: {  	s11 =	smul.u32 $0x3, s11;
	_ =	sdelay $0x1  }
0x54: {  	s11 =	ssub.s32 s8, s11  }
0x55: {  	p3 =	slt.u32 s8, $0x2;
	s11 =	sadd.s32 $0x1, s11  }
0x56: {  	s13 =	sand.u32 @!p3 $0xFF, s11  }
0x57: {  	p4 =	seq.s32 @!p3 s13, $0x0  }
0x58: {  	p3 =	por p3, !p4  }
0x59: {  	p4 =	slt.u32 @p3 s8, $0x2  }
0x5a: {  	p5 =	por p4, !p3  }
0x5b: {  	s13 =	sand.u32 @!p5 $0xFF, s11  }
0x5c: {  	p5 =	seq.s32 @!p5 s13, $0x1  }
0x5d: {  	p4 =	por @p3 p4, !p5  }
0x5e: {  	_ =	swait.ge [sflag:s29], $0x1400;
	p4 =	por !p3, !p4  }
0x5f: {  	[sflag:s29] =	ssyncset.done $0x0;
	p5 =	slt.u32 @!p4 s8, $0x2  }
0x60: {  	[sflag:s29] =	ssyncadd.s32 $0xFFFFEC00;
	p6 =	por p5, p4  }
0x61: {  	_ =	swait.ge [sflag:s29], $0x1400;
	s13 =	sand.u32 @!p6 $0xFF, s11  }
0x62: {  	[sflag:s29] =	ssyncset.done $0x0;
	p6 =	sne.s32 @!p6 s13, $0x2  }
0x63: {  	[sflag:s29] =	ssyncadd.s32 $0xFFFFEC00;
	p5 =	por @!p4 p5, p6  }
0x64: {  	_ =	swait.ge [sflag:s29], $0x1400;
	p5 =	por p4, !p5  }
.Ltmp4:
0x65: {  	[sflag:s29] =	ssyncset.done $0x0;
	(pc) =	sbr.rel @!p5 .LBB2_4-.Ltmp4, $4  }
0x66: {  	[sflag:s29] =	ssyncadd.s32 $0xFFFFEC00  }
0x67: {  	_ =	swait.ge [sflag:s29], $0x1400  }
0x68: {  	[sflag:s29] =	ssyncset.done $0x0  }
0x69: {  	[sflag:s29] =	ssyncadd.s32 $0xFFFFEC00  }
0x6a: {  	s13 =	simm.s32 $0x2  }
0x6b: {  	s13 =	simm.s32 @p3 $0x3  }
0x6c: {  	s13 =	simm.s32 @!p4 $0x4  }
0x6d: {  	_ =	swait.ge [sflag:s13], $0x1400  }
0x6e: {  	[sflag:s13] =	ssyncset.done $0x0  }
0x6f: {  	[sflag:s13] =	ssyncadd.s32 $0xFFFFEC00  }
0x70: {  	_ =	swait.ge [sflag:s13], $0x1400  }
0x71: {  	[sflag:s13] =	ssyncset.done $0x0  }
0x72: {  	[sflag:s13] =	ssyncadd.s32 $0xFFFFEC00  }
0x73: {  	_ =	swait.ge [sflag:s13], $0x1400  }
0x74: {  	[sflag:s13] =	ssyncset.done $0x0  }
0x75: {  	[sflag:s13] =	ssyncadd.s32 $0xFFFFEC00  }
0x76: {  	_ =	swait.ge [sflag:s13], $0x1400  }
0x77: {  	[sflag:s13] =	ssyncset.done $0x0  }
0x78: {  	[sflag:s13] =	ssyncadd.s32 $0xFFFFEC00  }
.LBB2_4:
0x79: {  	p3 =	seq.s32 s7, $0x9600  }
.Ltmp5:
0x7a: {  	_ = 	snop;
	(pc) =	sbr.rel @p3 .LBB2_7-.Ltmp5, $1  }
0x7b: {  	_ =	sdelay $0x3  }
0x7c: {  	s11 =	sand.u32 $0xFF, s11;
	s10 =	sshrl.u32 s10, $0x9  }
0x7d: {  	s11 =	smul.u32 $0x14000, s11;
	s10 =	sand.u32 $0x7F, s10  }
0x7e: {  	s10 =	smul.u32 $0x3, s10  }
0x7f: {  	s13 =	sshrl.u32 s11, $0x2;
	s11 =	sshra.s32 s7, $0x2  }
0x80: {  	s16 =	sadd.s32 $0x4E20, s13;
	s20 =	sadd.s32 $0x140, s11;
	s10 =	ssub.s32 s8, s10  }
0x81: {  	[tilespmem:s16], [sflag:$0x1] =	stream.indirect.gather [hbm4b:s4+s21], $0x40, s20, s21, $0xb8;
	[tilespmem:$0x1DA60] =	vst v63  }
0x82: {  	s10 =	sand.u32 $0xFF, s10  }
0x83: {  	s16 =	sadd.s32 $0x6220, s13;
	s20 =	sadd.s32 $0x190, s11;
	p3 =	seq.s32 s10, $0x2  }
0x84: {  	[tilespmem:s16], [sflag:$0x1] =	stream.indirect.gather [hbm4b:s4+s21], $0x40, s20, s21, $0xb8;
	[tilespmem:$0x1DA60] =	vst v63  }
.Ltmp6:
0x85: {  	_ = 	snop;
	(pc) =	sbr.rel @p3 .LBB2_9-.Ltmp6, $4  }
0x86: {  	s16 =	sadd.s32 $0x7620, s13;
	s20 =	sadd.s32 $0x1E0, s11  }
0x87: {  	[tilespmem:s16], [sflag:$0x1] =	stream.indirect.gather [hbm4b:s4+s21], $0x40, s20, s21, $0xb8;
	[tilespmem:$0x1DA60] =	vst v63  }
0x88: {  	s13 =	sadd.s32 $0x8A20, s13;
	s20 =	sadd.s32 $0x230, s11  }
0x89: {  	[tilespmem:s13], [sflag:$0x1] =	stream.indirect.gather [hbm4b:s4+s21], $0x40, s20, s21, $0xb8;
	[tilespmem:$0x1DA60] =	vst v63  }
0x8a: {  	p3 =	seq.s32 s10, $0x1  }
.Ltmp7:
0x8b: {  	_ = 	snop;
	(pc) =	sbr.rel @!p3 .LBB2_7-.Ltmp7, $1  }
0x8c: {  	_ =	sdelay $0x3  }
0x8d: {  	s10 =	sadd.s32 $0x2710, s11  }
0x8e: {  	[spmem:s2] =	stream.indirect.scatter.add.f32 [tilespmem:s26], [sflag:$0x3], $0x40, s10, s21, $0xb8;
	[tilespmem:$0x1DA60] =	vst v63  }
0x8f: {  	s13 =	sadd.s32 $0x2760, s11  }
0x90: {  	[spmem:s2] =	stream.indirect.scatter.add.f32 [tilespmem:s6], [sflag:$0x3], $0x40, s13, s21, $0xb8;
	[tilespmem:$0x1DA60] =	vst v63  }
.Ltmp8:
0x91: {  	_ = 	snop;
	(pc) =	sbr.rel .LBB2_10-.Ltmp8, $4  }
0x92: {  	s16 =	sadd.s32 $0x27B0, s11  }
0x93: {  	[spmem:s2] =	stream.indirect.scatter.add.f32 [tilespmem:s1], [sflag:$0x3], $0x40, s16, s21, $0xb8;
	[tilespmem:$0x1DA60] =	vst v63  }
0x94: {  	s20 =	sadd.s32 $0x2800, s11  }
0x95: {  	[spmem:s2] =	stream.indirect.scatter.add.f32 [tilespmem:s12], [sflag:$0x3], $0x40, s20, s21, $0xb8;
	[tilespmem:$0x1DA60] =	vst v63  }
.LBB2_9:
0x96: {  	s10 =	sadd.s32 $0x2710, s11  }
0x97: {  	[spmem:s2] =	stream.indirect.scatter.add.f32 [tilespmem:s14], [sflag:$0x4], $0x40, s10, s21, $0xb8;
	[tilespmem:$0x1DA60] =	vst v63  }
0x98: {  	s13 =	sadd.s32 $0x2760, s11  }
0x99: {  	[spmem:s2] =	stream.indirect.scatter.add.f32 [tilespmem:s15], [sflag:$0x4], $0x40, s13, s21, $0xb8;
	[tilespmem:$0x1DA60] =	vst v63  }
.Ltmp9:
0x9a: {  	_ = 	snop;
	(pc) =	sbr.rel .LBB2_10-.Ltmp9, $4  }
0x9b: {  	s16 =	sadd.s32 $0x27B0, s11  }
0x9c: {  	[spmem:s2] =	stream.indirect.scatter.add.f32 [tilespmem:s24], [sflag:$0x4], $0x40, s16, s21, $0xb8;
	[tilespmem:$0x1DA60] =	vst v63  }
0x9d: {  	s20 =	sadd.s32 $0x2800, s11  }
0x9e: {  	[spmem:s2] =	stream.indirect.scatter.add.f32 [tilespmem:s5], [sflag:$0x4], $0x40, s20, s21, $0xb8;
	[tilespmem:$0x1DA60] =	vst v63  }
.LBB2_11:
0x9f: {  	_ =	swait.ge [sflag:s31], $0x1400  }
0xa0: {  	[sflag:s31] =	ssyncset.done $0x0  }
0xa1: {  	[sflag:s31] =	ssyncadd.s32 $0xFFFFEC00  }
0xa2: {  	_ =	swait.ge [sflag:s31], $0x1400  }
0xa3: {  	[sflag:s31] =	ssyncset.done $0x0  }
0xa4: {  	[sflag:s31] =	ssyncadd.s32 $0xFFFFEC00  }
0xa5: {  	_ =	swait.ge [sflag:s31], $0x1400  }
0xa6: {  	[sflag:s31] =	ssyncset.done $0x0  }
0xa7: {  	[sflag:s31] =	ssyncadd.s32 $0xFFFFEC00  }
0xa8: {  	_ =	swait.ge [sflag:s31], $0x1400  }
0xa9: {  	[sflag:s31] =	ssyncset.done $0x0  }
0xaa: {  	[sflag:s31] =	ssyncadd.s32 $0xFFFFEC00  }
0xab: {  	_ =	swait.ge [sflag:s30], $0x1400  }
0xac: {  	[sflag:s30] =	ssyncset.done $0x0  }
0xad: {  	[sflag:s30] =	ssyncadd.s32 $0xFFFFEC00  }
0xae: {  	_ =	swait.ge [sflag:s30], $0x1400  }
0xaf: {  	[sflag:s30] =	ssyncset.done $0x0  }
0xb0: {  	[sflag:s30] =	ssyncadd.s32 $0xFFFFEC00  }
0xb1: {  	_ =	swait.ge [sflag:s30], $0x1400  }
0xb2: {  	[sflag:s30] =	ssyncset.done $0x0  }
0xb3: {  	[sflag:s30] =	ssyncadd.s32 $0xFFFFEC00  }
0xb4: {  	_ =	swait.ge [sflag:s30], $0x1400  }
0xb5: {  	[sflag:s30] =	ssyncset.done $0x0  }
0xb6: {  	s7 =	simm.s32 $0x26C0;
	[sflag:s30] =	ssyncadd.s32 $0xFFFFEC00  }
0xb7: {  	[tilespmem:s22], [sflag:$0x6] =	stream.indirect.gather [hbm4b:s4+s21], $0x40, s7, s21, $0xb8;
	[tilespmem:$0x1DA60] =	vst v63  }
0xb8: {  	_ =	swait.ge [sflag:s0], $0x1400  }
0xb9: {  	[sflag:s0] =	ssyncset.done $0x0  }
0xba: {  	s20 =	simm.s32 $0x4DD0;
	[sflag:s0] =	ssyncadd.s32 $0xFFFFEC00  }
0xbb: {  	[spmem:s2] =	stream.indirect.scatter.add.f32 [tilespmem:s22], [sflag:$0x6], $0x40, s20, s21, $0xb8;
	[tilespmem:$0x1DA60] =	vst v63  }
.Ltmp10:
0xbc: {  	_ =	swait.ge [sflag:s0], $0x1400;
	(pc) =	sbr.rel @!p0 .LBB2_12-.Ltmp10, $4  }
0xbd: {  	[sflag:s0] =	ssyncset.done $0x0  }
0xbe: {  	[sflag:s0] =	ssyncadd.s32 $0xFFFFEC00  }
0xbf: {  	[bflag:$0x0] =	sbarrier.arrive $0xFFFF  }
0xc0: {  	s7 =	sor.u32 $0x1C06, s9  }
0xc1: {  	s7 =	sor.u32 $0x1C06, s9;
	s8 =	rddreg [dreg:$0xc]  }
0xc2: {  	[hbm:s8], [sflag:s7] =	dma.local [spmem:s18], $0x1380  }
.Ltmp11:
0xc3: {  	_ = 	snop;
	(pc) =	sbr.rel @p1 .LBB2_15-.Ltmp11, $4  }
.Ltmp12:
0xc4: {  	_ = 	snop;
	(pc) =	sbr.rel @!p1 .LBB2_14-.Ltmp12, $4  }
0xc5: {  	_ =	swait.ge [sflag:s0], $0x1380  }
0xc6: {  	[sflag:s0] =	ssyncset.done $0x0  }
0xc7: {  	s8 =	rddreg [dreg:$0x4];
	[sflag:s0] =	ssyncadd.s32 $0xFFFFEC80  }
0xc8: {  	_ = 	snop  }
.LBB2_12:
0xc9: {  	s8 =	rddreg [dreg:$0xb]  }
0xca: {  	[hbm:s8], [sflag:s7] =	dma.local [spmem:s18], $0x1380  }
.Ltmp13:
0xcb: {  	_ = 	snop;
	(pc) =	sbr.rel @p2 .LBB2_14-.Ltmp13, $4  }
.Ltmp14:
0xcc: {  	_ = 	snop;
	(pc) =	sbr.rel @!p2 .LBB2_15-.Ltmp14, $4  }
0xcd: {  	_ =	swait.ge [sflag:s0], $0x1380  }
0xce: {  	[sflag:s0] =	ssyncset.done $0x0  }
0xcf: {  	s8 =	rddreg [dreg:$0x3];
	[sflag:s0] =	ssyncadd.s32 $0xFFFFEC80  }
0xd0: {  	_ = 	snop  }
.LBB2_16:
0xd1: {  	_ =	sfence.sel $0x180000  }
0xd2: {  	[bflag:$0x0] =	sbarrier.arrive $0xFFFF  }
0xd3: {  	_ =	strace $0x90000050  }
0xd4: {  	s0 =	stileid.u32;
	[bflag:$0x2] =	sbarrier.arrive $0xFFFF  }
0xd5: {  	p0 =	sne.s32 s0, $0x0;
	s0 =	rddreg [dreg:$0x2]  }
0xd6: {  	s0 =	sadd.s32 @!p0 $0x100000, s0  }
0xd7: {  	[sflag:s0] =	ssyncadd.tile.s32 @!p0 $0x1;
	_ =	shalt  }
.Lfunc_end2:
_tile_overlayer_lowered:
.L_overlay_start_2:
0xd8: {  	(tag) =	ssettag $0x2  }
0xd9: {  	s0 =	rddreg [dreg:$0x0];
	s2 =	stileid.u32  }
0xda: {  	s1 =	rddreg [dreg:$0x1];
	p0 =	sne.s32 s2, $0x0  }
0xdb: {  	s3 =	rddreg [dreg:$0x2];
	[bflag:$0x3] =	sbarrier.arrive $0xFFFF;
	s2 =	simm.s32 @!p0 $0x1C06  }
0xdc: {  	[timem:s3], [sflag:s2] =	dma.local @!p0 [hbm:s0], s1  }
0xdd: {  	s0 =	simm.s32 @!p0 $0x6  }
0xde: {  	_ =	swait.ge @!p0 [sflag:s0], s1  }
0xdf: {  	s1 =	ssub.s32 @!p0 $0x0, s1;
	[sflag:s0] =	ssyncset.done @!p0 $0x0  }
0xe0: {  	[sflag:s0] =	ssyncadd.s32 @!p0 s1  }
0xe1: {  	[bflag:$0x3] =	sbarrier.arrive $0xFFFF  }
0xe2: {  	_ =	shalt  }

</sc_bundles>
